<compile_context>
chip_gen: v7x
topology: tpu7x:2x2x1
jax: 0.10.2.dev20260603
libtpu: 0.0.44.dev20260713+nightly
codegen_flags: <defaults>
</compile_context>

<pallas_src>
import functools

import jax
import jax.numpy as jnp
import numpy as np
from jax import lax
from jax.experimental import pallas as pl
from jax.experimental.pallas import tpu as pltpu
from jax.experimental.pallas import tpu_sc as plsc

_VOCAB = 100000
_MAX_LEN = 2048
_D = 768
_B = 4

_NC = 2
_NS = 16
_NW = _NC * _NS
_P = _MAX_LEN // _NW


def _pos_encoding_np(max_len: int, d_model: int) -> np.ndarray:
    pos = np.arange(max_len, dtype=np.float32)[:, None]
    two_i = np.arange(0, d_model, 2, dtype=np.float32)
    ang = pos / (np.float32(10000.0) ** (two_i / np.float32(d_model)))
    enc = np.zeros((max_len, d_model), dtype=np.float32)
    enc[:, 0::2] = np.sin(ang)
    enc[:, 1::2] = np.cos(ang)
    return enc


_ENC = _pos_encoding_np(_MAX_LEN, _D)

import ml_dtypes

_ENC_BF = (_ENC.reshape(_MAX_LEN, _D // 32, 2, 16)
           .transpose(0, 1, 3, 2)
           .reshape(_MAX_LEN, _D)
           .astype(ml_dtypes.bfloat16))
_ENC_I32 = np.ascontiguousarray(_ENC_BF).view(np.int32).reshape(-1)
_DH = _D // 2


_S = 8
_NG = _P // _S
_NRING = 4
_AHEAD = 3


def _sc_body(x_hbm, table_hbm, enc_hbm, out_hbm, idx_v,
             encb, rows, idx_sem, enc_sem, gsem, ssem):
    c = lax.axis_index("c")
    s = lax.axis_index("s")
    w = s * _NC + c

    idescs = [pltpu.async_copy(x_hbm.at[b, pl.ds(w * _P, _P)],
                               idx_v.at[b], idx_sem) for b in range(_B)]
    edesc = pltpu.async_copy(
        enc_hbm.at[pl.ds(w * _P * _DH, _P * _DH)], encb, enc_sem)
    for d in idescs:
        d.wait()

    def gather_descs(q, grp):
        return [pltpu.make_async_copy(
            table_hbm.at[idx_v.at[b, pl.ds(q * _S, _S)]],
            rows.at[grp, b], gsem.at[grp]) for b in range(_B)]

    def store_descs(q, grp):
        return [pltpu.make_async_copy(
            rows.at[grp, b],
            out_hbm.at[pl.ds(b * _MAX_LEN + w * _P + q * _S, _S)],
            ssem.at[grp]) for b in range(_B)]

    for q in range(_AHEAD):
        for d in gather_descs(q, q % _NRING):
            d.start()
    edesc.wait()

    @pl.loop(0, _NG)
    def _group(q):
        grp = lax.rem(q, _NRING)
        for d in gather_descs(q, grp):
            d.wait()

        @pl.loop(0, _S)
        def _row_add(r):
            for cc in range(_D // 32):
                pair = encb[pl.ds(pl.multiple_of(
                    q * _S * _DH + r * _DH + cc * 16, 16), 16)]
                va = lax.bitcast_convert_type(pair << 16, jnp.float32)
                vb = lax.bitcast_convert_type(pair & jnp.int32(-65536), jnp.float32)
                for b in range(_B):
                    plsc.addupdate(rows.at[grp, b, r, pl.ds(cc * 32, 16)], va)
                    plsc.addupdate(
                        rows.at[grp, b, r, pl.ds(cc * 32 + 16, 16)], vb)

        @pl.when(q + _AHEAD < _NG)
        def _fire_ahead():
            qf = q + _AHEAD
            gf = lax.rem(qf, _NRING)

            @pl.when(qf >= _NRING)
            def _drain_store():
                for d in store_descs(qf - _NRING, gf):
                    d.wait()

            for d in gather_descs(qf, gf):
                d.start()

        for d in store_descs(q, grp):
            d.start()

    for q in range(_NG - _NRING, _NG):
        for d in store_descs(q, q % _NRING):
            d.wait()


@functools.partial(jax.jit, static_argnames=())
def kernel(x, table):
    x32 = x.astype(jnp.int32)
    enc = jnp.asarray(_ENC_I32)
    mesh = plsc.VectorSubcoreMesh(core_axis_name="c", subcore_axis_name="s")
    out = pl.kernel(
        _sc_body,
        out_type=jax.ShapeDtypeStruct((_B * _MAX_LEN, _D), jnp.float32),
        mesh=mesh,
        scratch_types=[
            pltpu.VMEM((_B, _P), jnp.int32),
            pltpu.VMEM((_P * _DH,), jnp.int32),
            pltpu.VMEM((_NRING, _B, _S, _D), jnp.float32),
            pltpu.SemaphoreType.DMA,
            pltpu.SemaphoreType.DMA,
            pltpu.SemaphoreType.DMA((_NRING,)),
            pltpu.SemaphoreType.DMA((_NRING,)),
        ],
    )(x32, table, enc)
    return out.reshape(_B, _MAX_LEN, _D)

# --- scband reference (transcript-rebuilt; emitter-appended) ---
"""Pipeline reference for scband-transformer-embedding-53541062312119 (READ-ONLY COPY).

The authoritative reference and input builder live on the scoring server;
editing this copy changes nothing except your own understanding.
"""

import jax, jax.numpy as jnp
import numpy as np

VOCAB = 100000
MAX_LEN = 2048
D_MODEL = 768


def _pos_encoding(max_len, d_model):
    pos = jnp.arange(0, max_len, dtype=jnp.float32)[:, None]
    _2i = jnp.arange(0, d_model, 2, dtype=jnp.float32)
    enc = jnp.zeros((max_len, d_model), dtype=jnp.float32)
    angles = pos / (10000.0 ** (_2i / d_model))
    enc = enc.at[:, 0::2].set(jnp.sin(angles))
    enc = enc.at[:, 1::2].set(jnp.cos(angles))
    return enc


def setup_inputs(seed: int = 0) -> dict:
    key = jax.random.key(seed)
    k_x, k_tab = jax.random.split(key)
    x = jax.random.randint(k_x, (4, 2048), 0, VOCAB, dtype=jnp.int64 if jax.config.jax_enable_x64 else jnp.int32)
    table = jax.random.normal(k_tab, (VOCAB, D_MODEL), dtype=jnp.float32)
    # padding_idx=1: that embedding row is zeros
    table = table.at[1].set(0.0)
    return {"x": x, "table": table}


def reference(x, table):
    # TokenEmbedding: gather rows from embedding table
    tok_emb = jnp.take(table, x, axis=0)  # [B, S, D]
    # PositionEmbedding: fixed sinusoidal buffer sliced to seq_len
    seq_len = x.shape[1]
    enc = _pos_encoding(MAX_LEN, D_MODEL)
    pos_emb = enc[:seq_len, :]  # [S, D], broadcasts over batch
    # Dropout is identity in inference/deterministic mode
    return tok_emb + pos_emb[None, :, :]

if __name__ == "__main__":
    import jax
    _d = setup_inputs()
    print(jax.jit(kernel)(*tuple(_d.values())))

</pallas_src>

<mosaic_0001>
#map = affine_map<(d0, d1) -> (0, 0)>
#map1 = affine_map<(d0, d1) -> (0)>
module attributes {stable_mosaic.version = 14 : i64} {
  func.func @_sc_body(%arg0: i32, %arg1: i32, %arg2: memref<4x2048xi32, #tpu.memory_space<hbm>>, %arg3: memref<100000x768xf32, #tpu.memory_space<hbm>>, %arg4: memref<786432xi32, #tpu.memory_space<hbm>>, %arg5: memref<8192x768xf32, #tpu.memory_space<hbm>>, %arg6: memref<4x64xi32, #tpu.memory_space<vmem>>, %arg7: memref<24576xi32, #tpu.memory_space<vmem>>, %arg8: memref<4x4x8x768xf32, #tpu.memory_space<vmem>>, %arg9: memref<!tpu.dma_semaphore, #tpu.memory_space<semaphore_mem>>, %arg10: memref<!tpu.dma_semaphore, #tpu.memory_space<semaphore_mem>>, %arg11: memref<4x!tpu.dma_semaphore, #tpu.memory_space<semaphore_mem>>, %arg12: memref<4x!tpu.dma_semaphore, #tpu.memory_space<semaphore_mem>>) attributes {dimension_semantics = [#tpu.dimension_semantics<core_parallel>, #tpu.dimension_semantics<subcore_parallel>], iteration_bounds = array<i64: 2, 16>, scalar_prefetch = 0 : i64, scratch_operands = 7 : i64, tpu.core_type = #tpu.core_type<sc_vector_subcore>, window_params = [{transform_indices = #map}, {transform_indices = #map}, {transform_indices = #map1}, {transform_indices = #map}]} {
    %mul3A = arith.constant 2 : i32
    %mul3A_0 = arith.muli %arg1, %mul3A : i32
    %add3A = arith.addi %mul3A_0, %arg0 : i32
    %mul3A_1 = arith.constant 64 : i32
    %mul3A_2 = arith.muli %add3A, %mul3A_1 : i32
    %dma_start3A = arith.constant 0 : i32
    %dma_start3A_3 = arith.constant 0 : i32
    %dma_start3A_4 = arith.constant 0 : i32
    %dma_start3A_5 = tpu.memref_slice %arg6[%dma_start3A_3, %dma_start3A_4] : memref<4x64xi32, #tpu.memory_space<vmem>> -> memref<1x64xi32, #tpu.memory_space<vmem>>
    %dma_start3A_6 = tpu.memref_squeeze %dma_start3A_5 : memref<1x64xi32, #tpu.memory_space<vmem>> -> memref<64xi32, #tpu.memory_space<vmem>>
    %dma_start3A_7 = tpu.memref_slice %arg2[%dma_start3A, %mul3A_2] : memref<4x2048xi32, #tpu.memory_space<hbm>> -> memref<1x64xi32, #tpu.memory_space<hbm>>
    %dma_start3A_8 = tpu.memref_squeeze %dma_start3A_7 : memref<1x64xi32, #tpu.memory_space<hbm>> -> memref<64xi32, #tpu.memory_space<hbm>>
    %dma_start3A_9 = arith.constant 0 : i32
    %dma_start3A_10 = tpu.memref_slice %arg6[%dma_start3A_3, %dma_start3A_9] : memref<4x64xi32, #tpu.memory_space<vmem>> -> memref<1x64xi32, #tpu.memory_space<vmem>>
    %dma_start3A_11 = tpu.memref_squeeze %dma_start3A_10 : memref<1x64xi32, #tpu.memory_space<vmem>> -> memref<64xi32, #tpu.memory_space<vmem>>
    %dma_start3A_12 = tpu.memref_slice %arg2[%dma_start3A, %mul3A_2] : memref<4x2048xi32, #tpu.memory_space<hbm>> -> memref<1x64xi32, #tpu.memory_space<hbm>>
    %dma_start3A_13 = tpu.memref_squeeze %dma_start3A_12 : memref<1x64xi32, #tpu.memory_space<hbm>> -> memref<64xi32, #tpu.memory_space<hbm>>
    tpu.enqueue_dma source(%dma_start3A_13 : memref<64xi32, #tpu.memory_space<hbm>>) target(%dma_start3A_11 : memref<64xi32, #tpu.memory_space<vmem>>) target_semaphore(%arg9 : memref<!tpu.dma_semaphore, #tpu.memory_space<semaphore_mem>>)
    %mul3A_14 = arith.constant 64 : i32
    %mul3A_15 = arith.muli %add3A, %mul3A_14 : i32
    %dma_start3A_16 = arith.constant 1 : i32
    %dma_start3A_17 = arith.constant 1 : i32
    %dma_start3A_18 = arith.constant 0 : i32
    %dma_start3A_19 = tpu.memref_slice %arg6[%dma_start3A_17, %dma_start3A_18] : memref<4x64xi32, #tpu.memory_space<vmem>> -> memref<1x64xi32, #tpu.memory_space<vmem>>
    %dma_start3A_20 = tpu.memref_squeeze %dma_start3A_19 : memref<1x64xi32, #tpu.memory_space<vmem>> -> memref<64xi32, #tpu.memory_space<vmem>>
    %dma_start3A_21 = tpu.memref_slice %arg2[%dma_start3A_16, %mul3A_15] : memref<4x2048xi32, #tpu.memory_space<hbm>> -> memref<1x64xi32, #tpu.memory_space<hbm>>
    %dma_start3A_22 = tpu.memref_squeeze %dma_start3A_21 : memref<1x64xi32, #tpu.memory_space<hbm>> -> memref<64xi32, #tpu.memory_space<hbm>>
    %dma_start3A_23 = arith.constant 0 : i32
    %dma_start3A_24 = tpu.memref_slice %arg6[%dma_start3A_17, %dma_start3A_23] : memref<4x64xi32, #tpu.memory_space<vmem>> -> memref<1x64xi32, #tpu.memory_space<vmem>>
    %dma_start3A_25 = tpu.memref_squeeze %dma_start3A_24 : memref<1x64xi32, #tpu.memory_space<vmem>> -> memref<64xi32, #tpu.memory_space<vmem>>
    %dma_start3A_26 = tpu.memref_slice %arg2[%dma_start3A_16, %mul3A_15] : memref<4x2048xi32, #tpu.memory_space<hbm>> -> memref<1x64xi32, #tpu.memory_space<hbm>>
    %dma_start3A_27 = tpu.memref_squeeze %dma_start3A_26 : memref<1x64xi32, #tpu.memory_space<hbm>> -> memref<64xi32, #tpu.memory_space<hbm>>
    tpu.enqueue_dma source(%dma_start3A_27 : memref<64xi32, #tpu.memory_space<hbm>>) target(%dma_start3A_25 : memref<64xi32, #tpu.memory_space<vmem>>) target_semaphore(%arg9 : memref<!tpu.dma_semaphore, #tpu.memory_space<semaphore_mem>>)
    %mul3A_28 = arith.constant 64 : i32
    %mul3A_29 = arith.muli %add3A, %mul3A_28 : i32
    %dma_start3A_30 = arith.constant 2 : i32
    %dma_start3A_31 = arith.constant 2 : i32
    %dma_start3A_32 = arith.constant 0 : i32
    %dma_start3A_33 = tpu.memref_slice %arg6[%dma_start3A_31, %dma_start3A_32] : memref<4x64xi32, #tpu.memory_space<vmem>> -> memref<1x64xi32, #tpu.memory_space<vmem>>
    %dma_start3A_34 = tpu.memref_squeeze %dma_start3A_33 : memref<1x64xi32, #tpu.memory_space<vmem>> -> memref<64xi32, #tpu.memory_space<vmem>>
    %dma_start3A_35 = tpu.memref_slice %arg2[%dma_start3A_30, %mul3A_29] : memref<4x2048xi32, #tpu.memory_space<hbm>> -> memref<1x64xi32, #tpu.memory_space<hbm>>
    %dma_start3A_36 = tpu.memref_squeeze %dma_start3A_35 : memref<1x64xi32, #tpu.memory_space<hbm>> -> memref<64xi32, #tpu.memory_space<hbm>>
    %dma_start3A_37 = arith.constant 0 : i32
    %dma_start3A_38 = tpu.memref_slice %arg6[%dma_start3A_31, %dma_start3A_37] : memref<4x64xi32, #tpu.memory_space<vmem>> -> memref<1x64xi32, #tpu.memory_space<vmem>>
    %dma_start3A_39 = tpu.memref_squeeze %dma_start3A_38 : memref<1x64xi32, #tpu.memory_space<vmem>> -> memref<64xi32, #tpu.memory_space<vmem>>
    %dma_start3A_40 = tpu.memref_slice %arg2[%dma_start3A_30, %mul3A_29] : memref<4x2048xi32, #tpu.memory_space<hbm>> -> memref<1x64xi32, #tpu.memory_space<hbm>>
    %dma_start3A_41 = tpu.memref_squeeze %dma_start3A_40 : memref<1x64xi32, #tpu.memory_space<hbm>> -> memref<64xi32, #tpu.memory_space<hbm>>
    tpu.enqueue_dma source(%dma_start3A_41 : memref<64xi32, #tpu.memory_space<hbm>>) target(%dma_start3A_39 : memref<64xi32, #tpu.memory_space<vmem>>) target_semaphore(%arg9 : memref<!tpu.dma_semaphore, #tpu.memory_space<semaphore_mem>>)
    %mul3A_42 = arith.constant 64 : i32
    %mul3A_43 = arith.muli %add3A, %mul3A_42 : i32
    %dma_start3A_44 = arith.constant 3 : i32
    %dma_start3A_45 = arith.constant 3 : i32
    %dma_start3A_46 = arith.constant 0 : i32
    %dma_start3A_47 = tpu.memref_slice %arg6[%dma_start3A_45, %dma_start3A_46] : memref<4x64xi32, #tpu.memory_space<vmem>> -> memref<1x64xi32, #tpu.memory_space<vmem>>
    %dma_start3A_48 = tpu.memref_squeeze %dma_start3A_47 : memref<1x64xi32, #tpu.memory_space<vmem>> -> memref<64xi32, #tpu.memory_space<vmem>>
    %dma_start3A_49 = tpu.memref_slice %arg2[%dma_start3A_44, %mul3A_43] : memref<4x2048xi32, #tpu.memory_space<hbm>> -> memref<1x64xi32, #tpu.memory_space<hbm>>
    %dma_start3A_50 = tpu.memref_squeeze %dma_start3A_49 : memref<1x64xi32, #tpu.memory_space<hbm>> -> memref<64xi32, #tpu.memory_space<hbm>>
    %dma_start3A_51 = arith.constant 0 : i32
    %dma_start3A_52 = tpu.memref_slice %arg6[%dma_start3A_45, %dma_start3A_51] : memref<4x64xi32, #tpu.memory_space<vmem>> -> memref<1x64xi32, #tpu.memory_space<vmem>>
    %dma_start3A_53 = tpu.memref_squeeze %dma_start3A_52 : memref<1x64xi32, #tpu.memory_space<vmem>> -> memref<64xi32, #tpu.memory_space<vmem>>
    %dma_start3A_54 = tpu.memref_slice %arg2[%dma_start3A_44, %mul3A_43] : memref<4x2048xi32, #tpu.memory_space<hbm>> -> memref<1x64xi32, #tpu.memory_space<hbm>>
    %dma_start3A_55 = tpu.memref_squeeze %dma_start3A_54 : memref<1x64xi32, #tpu.memory_space<hbm>> -> memref<64xi32, #tpu.memory_space<hbm>>
    tpu.enqueue_dma source(%dma_start3A_55 : memref<64xi32, #tpu.memory_space<hbm>>) target(%dma_start3A_53 : memref<64xi32, #tpu.memory_space<vmem>>) target_semaphore(%arg9 : memref<!tpu.dma_semaphore, #tpu.memory_space<semaphore_mem>>)
    %mul3A_56 = arith.constant 64 : i32
    %mul3A_57 = arith.muli %add3A, %mul3A_56 : i32
    %mul3A_58 = arith.constant 384 : i32
    %mul3A_59 = arith.muli %mul3A_57, %mul3A_58 : i32
    %dma_start3A_60 = tpu.memref_slice %arg4[%mul3A_59] : memref<786432xi32, #tpu.memory_space<hbm>> -> memref<24576xi32, #tpu.memory_space<hbm>>
    %dma_start3A_61 = tpu.memref_slice %arg4[%mul3A_59] : memref<786432xi32, #tpu.memory_space<hbm>> -> memref<24576xi32, #tpu.memory_space<hbm>>
    tpu.enqueue_dma source(%dma_start3A_61 : memref<24576xi32, #tpu.memory_space<hbm>>) target(%arg7 : memref<24576xi32, #tpu.memory_space<vmem>>) target_semaphore(%arg10 : memref<!tpu.dma_semaphore, #tpu.memory_space<semaphore_mem>>)
    %dma_wait3A = arith.constant 0 : i32
    %dma_wait3A_62 = arith.constant 0 : i32
    %dma_wait3A_63 = arith.constant 0 : i32
    %dma_wait3A_64 = tpu.memref_slice %arg6[%dma_wait3A_62, %dma_wait3A_63] : memref<4x64xi32, #tpu.memory_space<vmem>> -> memref<1x64xi32, #tpu.memory_space<vmem>>
    %dma_wait3A_65 = tpu.memref_squeeze %dma_wait3A_64 : memref<1x64xi32, #tpu.memory_space<vmem>> -> memref<64xi32, #tpu.memory_space<vmem>>
    %dma_wait3A_66 = tpu.memref_slice %arg2[%dma_wait3A, %mul3A_2] : memref<4x2048xi32, #tpu.memory_space<hbm>> -> memref<1x64xi32, #tpu.memory_space<hbm>>
    %dma_wait3A_67 = tpu.memref_squeeze %dma_wait3A_66 : memref<1x64xi32, #tpu.memory_space<hbm>> -> memref<64xi32, #tpu.memory_space<hbm>>
    %dma_wait3A_68 = arith.constant 0 : i32
    %dma_wait3A_69 = tpu.memref_slice %arg6[%dma_wait3A_62, %dma_wait3A_68] : memref<4x64xi32, #tpu.memory_space<vmem>> -> memref<1x64xi32, #tpu.memory_space<vmem>>
    %dma_wait3A_70 = tpu.memref_squeeze %dma_wait3A_69 : memref<1x64xi32, #tpu.memory_space<vmem>> -> memref<64xi32, #tpu.memory_space<vmem>>
    %dma_wait3A_71 = tpu.memref_slice %arg2[%dma_wait3A, %mul3A_2] : memref<4x2048xi32, #tpu.memory_space<hbm>> -> memref<1x64xi32, #tpu.memory_space<hbm>>
    %dma_wait3A_72 = tpu.memref_squeeze %dma_wait3A_71 : memref<1x64xi32, #tpu.memory_space<hbm>> -> memref<64xi32, #tpu.memory_space<hbm>>
    tpu.wait_dma2 semaphore(%arg9 : memref<!tpu.dma_semaphore, #tpu.memory_space<semaphore_mem>>) src(%dma_wait3A_72 : memref<64xi32, #tpu.memory_space<hbm>>) dst(%dma_wait3A_70 : memref<64xi32, #tpu.memory_space<vmem>>)
    %dma_wait3A_73 = arith.constant 1 : i32
    %dma_wait3A_74 = arith.constant 1 : i32
    %dma_wait3A_75 = arith.constant 0 : i32
    %dma_wait3A_76 = tpu.memref_slice %arg6[%dma_wait3A_74, %dma_wait3A_75] : memref<4x64xi32, #tpu.memory_space<vmem>> -> memref<1x64xi32, #tpu.memory_space<vmem>>
    %dma_wait3A_77 = tpu.memref_squeeze %dma_wait3A_76 : memref<1x64xi32, #tpu.memory_space<vmem>> -> memref<64xi32, #tpu.memory_space<vmem>>
    %dma_wait3A_78 = tpu.memref_slice %arg2[%dma_wait3A_73, %mul3A_15] : memref<4x2048xi32, #tpu.memory_space<hbm>> -> memref<1x64xi32, #tpu.memory_space<hbm>>
    %dma_wait3A_79 = tpu.memref_squeeze %dma_wait3A_78 : memref<1x64xi32, #tpu.memory_space<hbm>> -> memref<64xi32, #tpu.memory_space<hbm>>
    %dma_wait3A_80 = arith.constant 0 : i32
    %dma_wait3A_81 = tpu.memref_slice %arg6[%dma_wait3A_74, %dma_wait3A_80] : memref<4x64xi32, #tpu.memory_space<vmem>> -> memref<1x64xi32, #tpu.memory_space<vmem>>
    %dma_wait3A_82 = tpu.memref_squeeze %dma_wait3A_81 : memref<1x64xi32, #tpu.memory_space<vmem>> -> memref<64xi32, #tpu.memory_space<vmem>>
    %dma_wait3A_83 = tpu.memref_slice %arg2[%dma_wait3A_73, %mul3A_15] : memref<4x2048xi32, #tpu.memory_space<hbm>> -> memref<1x64xi32, #tpu.memory_space<hbm>>
    %dma_wait3A_84 = tpu.memref_squeeze %dma_wait3A_83 : memref<1x64xi32, #tpu.memory_space<hbm>> -> memref<64xi32, #tpu.memory_space<hbm>>
    tpu.wait_dma2 semaphore(%arg9 : memref<!tpu.dma_semaphore, #tpu.memory_space<semaphore_mem>>) src(%dma_wait3A_84 : memref<64xi32, #tpu.memory_space<hbm>>) dst(%dma_wait3A_82 : memref<64xi32, #tpu.memory_space<vmem>>)
    %dma_wait3A_85 = arith.constant 2 : i32
    %dma_wait3A_86 = arith.constant 2 : i32
    %dma_wait3A_87 = arith.constant 0 : i32
    %dma_wait3A_88 = tpu.memref_slice %arg6[%dma_wait3A_86, %dma_wait3A_87] : memref<4x64xi32, #tpu.memory_space<vmem>> -> memref<1x64xi32, #tpu.memory_space<vmem>>
    %dma_wait3A_89 = tpu.memref_squeeze %dma_wait3A_88 : memref<1x64xi32, #tpu.memory_space<vmem>> -> memref<64xi32, #tpu.memory_space<vmem>>
    %dma_wait3A_90 = tpu.memref_slice %arg2[%dma_wait3A_85, %mul3A_29] : memref<4x2048xi32, #tpu.memory_space<hbm>> -> memref<1x64xi32, #tpu.memory_space<hbm>>
    %dma_wait3A_91 = tpu.memref_squeeze %dma_wait3A_90 : memref<1x64xi32, #tpu.memory_space<hbm>> -> memref<64xi32, #tpu.memory_space<hbm>>
    %dma_wait3A_92 = arith.constant 0 : i32
    %dma_wait3A_93 = tpu.memref_slice %arg6[%dma_wait3A_86, %dma_wait3A_92] : memref<4x64xi32, #tpu.memory_space<vmem>> -> memref<1x64xi32, #tpu.memory_space<vmem>>
    %dma_wait3A_94 = tpu.memref_squeeze %dma_wait3A_93 : memref<1x64xi32, #tpu.memory_space<vmem>> -> memref<64xi32, #tpu.memory_space<vmem>>
    %dma_wait3A_95 = tpu.memref_slice %arg2[%dma_wait3A_85, %mul3A_29] : memref<4x2048xi32, #tpu.memory_space<hbm>> -> memref<1x64xi32, #tpu.memory_space<hbm>>
    %dma_wait3A_96 = tpu.memref_squeeze %dma_wait3A_95 : memref<1x64xi32, #tpu.memory_space<hbm>> -> memref<64xi32, #tpu.memory_space<hbm>>
    tpu.wait_dma2 semaphore(%arg9 : memref<!tpu.dma_semaphore, #tpu.memory_space<semaphore_mem>>) src(%dma_wait3A_96 : memref<64xi32, #tpu.memory_space<hbm>>) dst(%dma_wait3A_94 : memref<64xi32, #tpu.memory_space<vmem>>)
    %dma_wait3A_97 = arith.constant 3 : i32
    %dma_wait3A_98 = arith.constant 3 : i32
    %dma_wait3A_99 = arith.constant 0 : i32
    %dma_wait3A_100 = tpu.memref_slice %arg6[%dma_wait3A_98, %dma_wait3A_99] : memref<4x64xi32, #tpu.memory_space<vmem>> -> memref<1x64xi32, #tpu.memory_space<vmem>>
    %dma_wait3A_101 = tpu.memref_squeeze %dma_wait3A_100 : memref<1x64xi32, #tpu.memory_space<vmem>> -> memref<64xi32, #tpu.memory_space<vmem>>
    %dma_wait3A_102 = tpu.memref_slice %arg2[%dma_wait3A_97, %mul3A_43] : memref<4x2048xi32, #tpu.memory_space<hbm>> -> memref<1x64xi32, #tpu.memory_space<hbm>>
    %dma_wait3A_103 = tpu.memref_squeeze %dma_wait3A_102 : memref<1x64xi32, #tpu.memory_space<hbm>> -> memref<64xi32, #tpu.memory_space<hbm>>
    %dma_wait3A_104 = arith.constant 0 : i32
    %dma_wait3A_105 = tpu.memref_slice %arg6[%dma_wait3A_98, %dma_wait3A_104] : memref<4x64xi32, #tpu.memory_space<vmem>> -> memref<1x64xi32, #tpu.memory_space<vmem>>
    %dma_wait3A_106 = tpu.memref_squeeze %dma_wait3A_105 : memref<1x64xi32, #tpu.memory_space<vmem>> -> memref<64xi32, #tpu.memory_space<vmem>>
    %dma_wait3A_107 = tpu.memref_slice %arg2[%dma_wait3A_97, %mul3A_43] : memref<4x2048xi32, #tpu.memory_space<hbm>> -> memref<1x64xi32, #tpu.memory_space<hbm>>
    %dma_wait3A_108 = tpu.memref_squeeze %dma_wait3A_107 : memref<1x64xi32, #tpu.memory_space<hbm>> -> memref<64xi32, #tpu.memory_space<hbm>>
    tpu.wait_dma2 semaphore(%arg9 : memref<!tpu.dma_semaphore, #tpu.memory_space<semaphore_mem>>) src(%dma_wait3A_108 : memref<64xi32, #tpu.memory_space<hbm>>) dst(%dma_wait3A_106 : memref<64xi32, #tpu.memory_space<vmem>>)
    %dma_start3A_109 = arith.constant 0 : i32
    %dma_start3A_110 = arith.constant 0 : i32
    %dma_start3A_111 = arith.constant 0 : i32
    %dma_start3A_112 = arith.constant 0 : i32
    %dma_start3A_113 = arith.constant 0 : i32
    %dma_start3A_114 = arith.constant 0 : i32
    %dma_start3A_115 = tpu.memref_slice %arg8[%dma_start3A_110, %dma_start3A_111, %dma_start3A_113, %dma_start3A_114] : memref<4x4x8x768xf32, #tpu.memory_space<vmem>> -> memref<1x1x8x768xf32, #tpu.memory_space<vmem>>
    %dma_start3A_116 = tpu.memref_squeeze %dma_start3A_115 : memref<1x1x8x768xf32, #tpu.memory_space<vmem>> -> memref<8x768xf32, #tpu.memory_space<vmem>>
    %dma_start3A_117 = arith.constant 0 : i32
    %dma_start3A_118 = tpu.memref_slice %arg6[%dma_start3A_109, %dma_start3A_117] : memref<4x64xi32, #tpu.memory_space<vmem>> -> memref<1x8xi32, #tpu.memory_space<vmem>>
    %dma_start3A_119 = tpu.memref_squeeze %dma_start3A_118 : memref<1x8xi32, #tpu.memory_space<vmem>> -> memref<8xi32, #tpu.memory_space<vmem>>
    %dma_start3A_120 = arith.constant 0 : i32
    %dma_start3A_121 = arith.constant 0 : i32
    %dma_start3A_122 = tpu.memref_slice %arg3[%dma_start3A_120, %dma_start3A_121] : memref<100000x768xf32, #tpu.memory_space<hbm>> -> memref<100000x768xf32, #tpu.memory_space<hbm>>
    %dma_start3A_123 = tpu.memref_slice %arg11[%dma_start3A_112] : memref<4x!tpu.dma_semaphore, #tpu.memory_space<semaphore_mem>> -> memref<1x!tpu.dma_semaphore, #tpu.memory_space<semaphore_mem>>
    %dma_start3A_124 = tpu.memref_squeeze %dma_start3A_123 : memref<1x!tpu.dma_semaphore, #tpu.memory_space<semaphore_mem>> -> memref<!tpu.dma_semaphore, #tpu.memory_space<semaphore_mem>>
    tpu.enqueue_indirect_dma source(%dma_start3A_122 : memref<100000x768xf32, #tpu.memory_space<hbm>>) target(%dma_start3A_116 : memref<8x768xf32, #tpu.memory_space<vmem>>) offsets(%dma_start3A_119 : memref<8xi32, #tpu.memory_space<vmem>>) semaphore(%dma_start3A_124 : memref<!tpu.dma_semaphore, #tpu.memory_space<semaphore_mem>>)
    %dma_start3A_125 = arith.constant 1 : i32
    %dma_start3A_126 = arith.constant 0 : i32
    %dma_start3A_127 = arith.constant 1 : i32
    %dma_start3A_128 = arith.constant 0 : i32
    %dma_start3A_129 = arith.constant 0 : i32
    %dma_start3A_130 = arith.constant 0 : i32
    %dma_start3A_131 = tpu.memref_slice %arg8[%dma_start3A_126, %dma_start3A_127, %dma_start3A_129, %dma_start3A_130] : memref<4x4x8x768xf32, #tpu.memory_space<vmem>> -> memref<1x1x8x768xf32, #tpu.memory_space<vmem>>
    %dma_start3A_132 = tpu.memref_squeeze %dma_start3A_131 : memref<1x1x8x768xf32, #tpu.memory_space<vmem>> -> memref<8x768xf32, #tpu.memory_space<vmem>>
    %dma_start3A_133 = arith.constant 0 : i32
    %dma_start3A_134 = tpu.memref_slice %arg6[%dma_start3A_125, %dma_start3A_133] : memref<4x64xi32, #tpu.memory_space<vmem>> -> memref<1x8xi32, #tpu.memory_space<vmem>>
    %dma_start3A_135 = tpu.memref_squeeze %dma_start3A_134 : memref<1x8xi32, #tpu.memory_space<vmem>> -> memref<8xi32, #tpu.memory_space<vmem>>
    %dma_start3A_136 = arith.constant 0 : i32
    %dma_start3A_137 = arith.constant 0 : i32
    %dma_start3A_138 = tpu.memref_slice %arg3[%dma_start3A_136, %dma_start3A_137] : memref<100000x768xf32, #tpu.memory_space<hbm>> -> memref<100000x768xf32, #tpu.memory_space<hbm>>
    %dma_start3A_139 = tpu.memref_slice %arg11[%dma_start3A_128] : memref<4x!tpu.dma_semaphore, #tpu.memory_space<semaphore_mem>> -> memref<1x!tpu.dma_semaphore, #tpu.memory_space<semaphore_mem>>
    %dma_start3A_140 = tpu.memref_squeeze %dma_start3A_139 : memref<1x!tpu.dma_semaphore, #tpu.memory_space<semaphore_mem>> -> memref<!tpu.dma_semaphore, #tpu.memory_space<semaphore_mem>>
    tpu.enqueue_indirect_dma source(%dma_start3A_138 : memref<100000x768xf32, #tpu.memory_space<hbm>>) target(%dma_start3A_132 : memref<8x768xf32, #tpu.memory_space<vmem>>) offsets(%dma_start3A_135 : memref<8xi32, #tpu.memory_space<vmem>>) semaphore(%dma_start3A_140 : memref<!tpu.dma_semaphore, #tpu.memory_space<semaphore_mem>>)
    %dma_start3A_141 = arith.constant 2 : i32
    %dma_start3A_142 = arith.constant 0 : i32
    %dma_start3A_143 = arith.constant 2 : i32
    %dma_start3A_144 = arith.constant 0 : i32
    %dma_start3A_145 = arith.constant 0 : i32
    %dma_start3A_146 = arith.constant 0 : i32
    %dma_start3A_147 = tpu.memref_slice %arg8[%dma_start3A_142, %dma_start3A_143, %dma_start3A_145, %dma_start3A_146] : memref<4x4x8x768xf32, #tpu.memory_space<vmem>> -> memref<1x1x8x768xf32, #tpu.memory_space<vmem>>
    %dma_start3A_148 = tpu.memref_squeeze %dma_start3A_147 : memref<1x1x8x768xf32, #tpu.memory_space<vmem>> -> memref<8x768xf32, #tpu.memory_space<vmem>>
    %dma_start3A_149 = arith.constant 0 : i32
    %dma_start3A_150 = tpu.memref_slice %arg6[%dma_start3A_141, %dma_start3A_149] : memref<4x64xi32, #tpu.memory_space<vmem>> -> memref<1x8xi32, #tpu.memory_space<vmem>>
    %dma_start3A_151 = tpu.memref_squeeze %dma_start3A_150 : memref<1x8xi32, #tpu.memory_space<vmem>> -> memref<8xi32, #tpu.memory_space<vmem>>
    %dma_start3A_152 = arith.constant 0 : i32
    %dma_start3A_153 = arith.constant 0 : i32
    %dma_start3A_154 = tpu.memref_slice %arg3[%dma_start3A_152, %dma_start3A_153] : memref<100000x768xf32, #tpu.memory_space<hbm>> -> memref<100000x768xf32, #tpu.memory_space<hbm>>
    %dma_start3A_155 = tpu.memref_slice %arg11[%dma_start3A_144] : memref<4x!tpu.dma_semaphore, #tpu.memory_space<semaphore_mem>> -> memref<1x!tpu.dma_semaphore, #tpu.memory_space<semaphore_mem>>
    %dma_start3A_156 = tpu.memref_squeeze %dma_start3A_155 : memref<1x!tpu.dma_semaphore, #tpu.memory_space<semaphore_mem>> -> memref<!tpu.dma_semaphore, #tpu.memory_space<semaphore_mem>>
    tpu.enqueue_indirect_dma source(%dma_start3A_154 : memref<100000x768xf32, #tpu.memory_space<hbm>>) target(%dma_start3A_148 : memref<8x768xf32, #tpu.memory_space<vmem>>) offsets(%dma_start3A_151 : memref<8xi32, #tpu.memory_space<vmem>>) semaphore(%dma_start3A_156 : memref<!tpu.dma_semaphore, #tpu.memory_space<semaphore_mem>>)
    %dma_start3A_157 = arith.constant 3 : i32
    %dma_start3A_158 = arith.constant 0 : i32
    %dma_start3A_159 = arith.constant 3 : i32
    %dma_start3A_160 = arith.constant 0 : i32
    %dma_start3A_161 = arith.constant 0 : i32
    %dma_start3A_162 = arith.constant 0 : i32
    %dma_start3A_163 = tpu.memref_slice %arg8[%dma_start3A_158, %dma_start3A_159, %dma_start3A_161, %dma_start3A_162] : memref<4x4x8x768xf32, #tpu.memory_space<vmem>> -> memref<1x1x8x768xf32, #tpu.memory_space<vmem>>
    %dma_start3A_164 = tpu.memref_squeeze %dma_start3A_163 : memref<1x1x8x768xf32, #tpu.memory_space<vmem>> -> memref<8x768xf32, #tpu.memory_space<vmem>>
    %dma_start3A_165 = arith.constant 0 : i32
    %dma_start3A_166 = tpu.memref_slice %arg6[%dma_start3A_157, %dma_start3A_165] : memref<4x64xi32, #tpu.memory_space<vmem>> -> memref<1x8xi32, #tpu.memory_space<vmem>>
    %dma_start3A_167 = tpu.memref_squeeze %dma_start3A_166 : memref<1x8xi32, #tpu.memory_space<vmem>> -> memref<8xi32, #tpu.memory_space<vmem>>
    %dma_start3A_168 = arith.constant 0 : i32
    %dma_start3A_169 = arith.constant 0 : i32
    %dma_start3A_170 = tpu.memref_slice %arg3[%dma_start3A_168, %dma_start3A_169] : memref<100000x768xf32, #tpu.memory_space<hbm>> -> memref<100000x768xf32, #tpu.memory_space<hbm>>
    %dma_start3A_171 = tpu.memref_slice %arg11[%dma_start3A_160] : memref<4x!tpu.dma_semaphore, #tpu.memory_space<semaphore_mem>> -> memref<1x!tpu.dma_semaphore, #tpu.memory_space<semaphore_mem>>
    %dma_start3A_172 = tpu.memref_squeeze %dma_start3A_171 : memref<1x!tpu.dma_semaphore, #tpu.memory_space<semaphore_mem>> -> memref<!tpu.dma_semaphore, #tpu.memory_space<semaphore_mem>>
    tpu.enqueue_indirect_dma source(%dma_start3A_170 : memref<100000x768xf32, #tpu.memory_space<hbm>>) target(%dma_start3A_164 : memref<8x768xf32, #tpu.memory_space<vmem>>) offsets(%dma_start3A_167 : memref<8xi32, #tpu.memory_space<vmem>>) semaphore(%dma_start3A_172 : memref<!tpu.dma_semaphore, #tpu.memory_space<semaphore_mem>>)
    %dma_start3A_173 = arith.constant 0 : i32
    %dma_start3A_174 = arith.constant 1 : i32
    %dma_start3A_175 = arith.constant 0 : i32
    %dma_start3A_176 = arith.constant 1 : i32
    %dma_start3A_177 = arith.constant 0 : i32
    %dma_start3A_178 = arith.constant 0 : i32
    %dma_start3A_179 = tpu.memref_slice %arg8[%dma_start3A_174, %dma_start3A_175, %dma_start3A_177, %dma_start3A_178] : memref<4x4x8x768xf32, #tpu.memory_space<vmem>> -> memref<1x1x8x768xf32, #tpu.memory_space<vmem>>
    %dma_start3A_180 = tpu.memref_squeeze %dma_start3A_179 : memref<1x1x8x768xf32, #tpu.memory_space<vmem>> -> memref<8x768xf32, #tpu.memory_space<vmem>>
    %dma_start3A_181 = arith.constant 8 : i32
    %dma_start3A_182 = tpu.memref_slice %arg6[%dma_start3A_173, %dma_start3A_181] : memref<4x64xi32, #tpu.memory_space<vmem>> -> memref<1x8xi32, #tpu.memory_space<vmem>>
    %dma_start3A_183 = tpu.memref_squeeze %dma_start3A_182 : memref<1x8xi32, #tpu.memory_space<vmem>> -> memref<8xi32, #tpu.memory_space<vmem>>
    %dma_start3A_184 = arith.constant 0 : i32
    %dma_start3A_185 = arith.constant 0 : i32
    %dma_start3A_186 = tpu.memref_slice %arg3[%dma_start3A_184, %dma_start3A_185] : memref<100000x768xf32, #tpu.memory_space<hbm>> -> memref<100000x768xf32, #tpu.memory_space<hbm>>
    %dma_start3A_187 = tpu.memref_slice %arg11[%dma_start3A_176] : memref<4x!tpu.dma_semaphore, #tpu.memory_space<semaphore_mem>> -> memref<1x!tpu.dma_semaphore, #tpu.memory_space<semaphore_mem>>
    %dma_start3A_188 = tpu.memref_squeeze %dma_start3A_187 : memref<1x!tpu.dma_semaphore, #tpu.memory_space<semaphore_mem>> -> memref<!tpu.dma_semaphore, #tpu.memory_space<semaphore_mem>>
    tpu.enqueue_indirect_dma source(%dma_start3A_186 : memref<100000x768xf32, #tpu.memory_space<hbm>>) target(%dma_start3A_180 : memref<8x768xf32, #tpu.memory_space<vmem>>) offsets(%dma_start3A_183 : memref<8xi32, #tpu.memory_space<vmem>>) semaphore(%dma_start3A_188 : memref<!tpu.dma_semaphore, #tpu.memory_space<semaphore_mem>>)
    %dma_start3A_189 = arith.constant 1 : i32
    %dma_start3A_190 = arith.constant 1 : i32
    %dma_start3A_191 = arith.constant 1 : i32
    %dma_start3A_192 = arith.constant 1 : i32
    %dma_start3A_193 = arith.constant 0 : i32
    %dma_start3A_194 = arith.constant 0 : i32
    %dma_start3A_195 = tpu.memref_slice %arg8[%dma_start3A_190, %dma_start3A_191, %dma_start3A_193, %dma_start3A_194] : memref<4x4x8x768xf32, #tpu.memory_space<vmem>> -> memref<1x1x8x768xf32, #tpu.memory_space<vmem>>
    %dma_start3A_196 = tpu.memref_squeeze %dma_start3A_195 : memref<1x1x8x768xf32, #tpu.memory_space<vmem>> -> memref<8x768xf32, #tpu.memory_space<vmem>>
    %dma_start3A_197 = arith.constant 8 : i32
    %dma_start3A_198 = tpu.memref_slice %arg6[%dma_start3A_189, %dma_start3A_197] : memref<4x64xi32, #tpu.memory_space<vmem>> -> memref<1x8xi32, #tpu.memory_space<vmem>>
    %dma_start3A_199 = tpu.memref_squeeze %dma_start3A_198 : memref<1x8xi32, #tpu.memory_space<vmem>> -> memref<8xi32, #tpu.memory_space<vmem>>
    %dma_start3A_200 = arith.constant 0 : i32
    %dma_start3A_201 = arith.constant 0 : i32
    %dma_start3A_202 = tpu.memref_slice %arg3[%dma_start3A_200, %dma_start3A_201] : memref<100000x768xf32, #tpu.memory_space<hbm>> -> memref<100000x768xf32, #tpu.memory_space<hbm>>
    %dma_start3A_203 = tpu.memref_slice %arg11[%dma_start3A_192] : memref<4x!tpu.dma_semaphore, #tpu.memory_space<semaphore_mem>> -> memref<1x!tpu.dma_semaphore, #tpu.memory_space<semaphore_mem>>
    %dma_start3A_204 = tpu.memref_squeeze %dma_start3A_203 : memref<1x!tpu.dma_semaphore, #tpu.memory_space<semaphore_mem>> -> memref<!tpu.dma_semaphore, #tpu.memory_space<semaphore_mem>>
    tpu.enqueue_indirect_dma source(%dma_start3A_202 : memref<100000x768xf32, #tpu.memory_space<hbm>>) target(%dma_start3A_196 : memref<8x768xf32, #tpu.memory_space<vmem>>) offsets(%dma_start3A_199 : memref<8xi32, #tpu.memory_space<vmem>>) semaphore(%dma_start3A_204 : memref<!tpu.dma_semaphore, #tpu.memory_space<semaphore_mem>>)
    %dma_start3A_205 = arith.constant 2 : i32
    %dma_start3A_206 = arith.constant 1 : i32
    %dma_start3A_207 = arith.constant 2 : i32
    %dma_start3A_208 = arith.constant 1 : i32
    %dma_start3A_209 = arith.constant 0 : i32
    %dma_start3A_210 = arith.constant 0 : i32
    %dma_start3A_211 = tpu.memref_slice %arg8[%dma_start3A_206, %dma_start3A_207, %dma_start3A_209, %dma_start3A_210] : memref<4x4x8x768xf32, #tpu.memory_space<vmem>> -> memref<1x1x8x768xf32, #tpu.memory_space<vmem>>
    %dma_start3A_212 = tpu.memref_squeeze %dma_start3A_211 : memref<1x1x8x768xf32, #tpu.memory_space<vmem>> -> memref<8x768xf32, #tpu.memory_space<vmem>>
    %dma_start3A_213 = arith.constant 8 : i32
    %dma_start3A_214 = tpu.memref_slice %arg6[%dma_start3A_205, %dma_start3A_213] : memref<4x64xi32, #tpu.memory_space<vmem>> -> memref<1x8xi32, #tpu.memory_space<vmem>>
    %dma_start3A_215 = tpu.memref_squeeze %dma_start3A_214 : memref<1x8xi32, #tpu.memory_space<vmem>> -> memref<8xi32, #tpu.memory_space<vmem>>
    %dma_start3A_216 = arith.constant 0 : i32
    %dma_start3A_217 = arith.constant 0 : i32
    %dma_start3A_218 = tpu.memref_slice %arg3[%dma_start3A_216, %dma_start3A_217] : memref<100000x768xf32, #tpu.memory_space<hbm>> -> memref<100000x768xf32, #tpu.memory_space<hbm>>
    %dma_start3A_219 = tpu.memref_slice %arg11[%dma_start3A_208] : memref<4x!tpu.dma_semaphore, #tpu.memory_space<semaphore_mem>> -> memref<1x!tpu.dma_semaphore, #tpu.memory_space<semaphore_mem>>
    %dma_start3A_220 = tpu.memref_squeeze %dma_start3A_219 : memref<1x!tpu.dma_semaphore, #tpu.memory_space<semaphore_mem>> -> memref<!tpu.dma_semaphore, #tpu.memory_space<semaphore_mem>>
    tpu.enqueue_indirect_dma source(%dma_start3A_218 : memref<100000x768xf32, #tpu.memory_space<hbm>>) target(%dma_start3A_212 : memref<8x768xf32, #tpu.memory_space<vmem>>) offsets(%dma_start3A_215 : memref<8xi32, #tpu.memory_space<vmem>>) semaphore(%dma_start3A_220 : memref<!tpu.dma_semaphore, #tpu.memory_space<semaphore_mem>>)
    %dma_start3A_221 = arith.constant 3 : i32
    %dma_start3A_222 = arith.constant 1 : i32
    %dma_start3A_223 = arith.constant 3 : i32
    %dma_start3A_224 = arith.constant 1 : i32
    %dma_start3A_225 = arith.constant 0 : i32
    %dma_start3A_226 = arith.constant 0 : i32
    %dma_start3A_227 = tpu.memref_slice %arg8[%dma_start3A_222, %dma_start3A_223, %dma_start3A_225, %dma_start3A_226] : memref<4x4x8x768xf32, #tpu.memory_space<vmem>> -> memref<1x1x8x768xf32, #tpu.memory_space<vmem>>
    %dma_start3A_228 = tpu.memref_squeeze %dma_start3A_227 : memref<1x1x8x768xf32, #tpu.memory_space<vmem>> -> memref<8x768xf32, #tpu.memory_space<vmem>>
    %dma_start3A_229 = arith.constant 8 : i32
    %dma_start3A_230 = tpu.memref_slice %arg6[%dma_start3A_221, %dma_start3A_229] : memref<4x64xi32, #tpu.memory_space<vmem>> -> memref<1x8xi32, #tpu.memory_space<vmem>>
    %dma_start3A_231 = tpu.memref_squeeze %dma_start3A_230 : memref<1x8xi32, #tpu.memory_space<vmem>> -> memref<8xi32, #tpu.memory_space<vmem>>
    %dma_start3A_232 = arith.constant 0 : i32
    %dma_start3A_233 = arith.constant 0 : i32
    %dma_start3A_234 = tpu.memref_slice %arg3[%dma_start3A_232, %dma_start3A_233] : memref<100000x768xf32, #tpu.memory_space<hbm>> -> memref<100000x768xf32, #tpu.memory_space<hbm>>
    %dma_start3A_235 = tpu.memref_slice %arg11[%dma_start3A_224] : memref<4x!tpu.dma_semaphore, #tpu.memory_space<semaphore_mem>> -> memref<1x!tpu.dma_semaphore, #tpu.memory_space<semaphore_mem>>
    %dma_start3A_236 = tpu.memref_squeeze %dma_start3A_235 : memref<1x!tpu.dma_semaphore, #tpu.memory_space<semaphore_mem>> -> memref<!tpu.dma_semaphore, #tpu.memory_space<semaphore_mem>>
    tpu.enqueue_indirect_dma source(%dma_start3A_234 : memref<100000x768xf32, #tpu.memory_space<hbm>>) target(%dma_start3A_228 : memref<8x768xf32, #tpu.memory_space<vmem>>) offsets(%dma_start3A_231 : memref<8xi32, #tpu.memory_space<vmem>>) semaphore(%dma_start3A_236 : memref<!tpu.dma_semaphore, #tpu.memory_space<semaphore_mem>>)
    %dma_start3A_237 = arith.constant 0 : i32
    %dma_start3A_238 = arith.constant 2 : i32
    %dma_start3A_239 = arith.constant 0 : i32
    %dma_start3A_240 = arith.constant 2 : i32
    %dma_start3A_241 = arith.constant 0 : i32
    %dma_start3A_242 = arith.constant 0 : i32
    %dma_start3A_243 = tpu.memref_slice %arg8[%dma_start3A_238, %dma_start3A_239, %dma_start3A_241, %dma_start3A_242] : memref<4x4x8x768xf32, #tpu.memory_space<vmem>> -> memref<1x1x8x768xf32, #tpu.memory_space<vmem>>
    %dma_start3A_244 = tpu.memref_squeeze %dma_start3A_243 : memref<1x1x8x768xf32, #tpu.memory_space<vmem>> -> memref<8x768xf32, #tpu.memory_space<vmem>>
    %dma_start3A_245 = arith.constant 16 : i32
    %dma_start3A_246 = tpu.memref_slice %arg6[%dma_start3A_237, %dma_start3A_245] : memref<4x64xi32, #tpu.memory_space<vmem>> -> memref<1x8xi32, #tpu.memory_space<vmem>>
    %dma_start3A_247 = tpu.memref_squeeze %dma_start3A_246 : memref<1x8xi32, #tpu.memory_space<vmem>> -> memref<8xi32, #tpu.memory_space<vmem>>
    %dma_start3A_248 = arith.constant 0 : i32
    %dma_start3A_249 = arith.constant 0 : i32
    %dma_start3A_250 = tpu.memref_slice %arg3[%dma_start3A_248, %dma_start3A_249] : memref<100000x768xf32, #tpu.memory_space<hbm>> -> memref<100000x768xf32, #tpu.memory_space<hbm>>
    %dma_start3A_251 = tpu.memref_slice %arg11[%dma_start3A_240] : memref<4x!tpu.dma_semaphore, #tpu.memory_space<semaphore_mem>> -> memref<1x!tpu.dma_semaphore, #tpu.memory_space<semaphore_mem>>
    %dma_start3A_252 = tpu.memref_squeeze %dma_start3A_251 : memref<1x!tpu.dma_semaphore, #tpu.memory_space<semaphore_mem>> -> memref<!tpu.dma_semaphore, #tpu.memory_space<semaphore_mem>>
    tpu.enqueue_indirect_dma source(%dma_start3A_250 : memref<100000x768xf32, #tpu.memory_space<hbm>>) target(%dma_start3A_244 : memref<8x768xf32, #tpu.memory_space<vmem>>) offsets(%dma_start3A_247 : memref<8xi32, #tpu.memory_space<vmem>>) semaphore(%dma_start3A_252 : memref<!tpu.dma_semaphore, #tpu.memory_space<semaphore_mem>>)
    %dma_start3A_253 = arith.constant 1 : i32
    %dma_start3A_254 = arith.constant 2 : i32
    %dma_start3A_255 = arith.constant 1 : i32
    %dma_start3A_256 = arith.constant 2 : i32
    %dma_start3A_257 = arith.constant 0 : i32
    %dma_start3A_258 = arith.constant 0 : i32
    %dma_start3A_259 = tpu.memref_slice %arg8[%dma_start3A_254, %dma_start3A_255, %dma_start3A_257, %dma_start3A_258] : memref<4x4x8x768xf32, #tpu.memory_space<vmem>> -> memref<1x1x8x768xf32, #tpu.memory_space<vmem>>
    %dma_start3A_260 = tpu.memref_squeeze %dma_start3A_259 : memref<1x1x8x768xf32, #tpu.memory_space<vmem>> -> memref<8x768xf32, #tpu.memory_space<vmem>>
    %dma_start3A_261 = arith.constant 16 : i32
    %dma_start3A_262 = tpu.memref_slice %arg6[%dma_start3A_253, %dma_start3A_261] : memref<4x64xi32, #tpu.memory_space<vmem>> -> memref<1x8xi32, #tpu.memory_space<vmem>>
    %dma_start3A_263 = tpu.memref_squeeze %dma_start3A_262 : memref<1x8xi32, #tpu.memory_space<vmem>> -> memref<8xi32, #tpu.memory_space<vmem>>
    %dma_start3A_264 = arith.constant 0 : i32
    %dma_start3A_265 = arith.constant 0 : i32
    %dma_start3A_266 = tpu.memref_slice %arg3[%dma_start3A_264, %dma_start3A_265] : memref<100000x768xf32, #tpu.memory_space<hbm>> -> memref<100000x768xf32, #tpu.memory_space<hbm>>
    %dma_start3A_267 = tpu.memref_slice %arg11[%dma_start3A_256] : memref<4x!tpu.dma_semaphore, #tpu.memory_space<semaphore_mem>> -> memref<1x!tpu.dma_semaphore, #tpu.memory_space<semaphore_mem>>
    %dma_start3A_268 = tpu.memref_squeeze %dma_start3A_267 : memref<1x!tpu.dma_semaphore, #tpu.memory_space<semaphore_mem>> -> memref<!tpu.dma_semaphore, #tpu.memory_space<semaphore_mem>>
    tpu.enqueue_indirect_dma source(%dma_start3A_266 : memref<100000x768xf32, #tpu.memory_space<hbm>>) target(%dma_start3A_260 : memref<8x768xf32, #tpu.memory_space<vmem>>) offsets(%dma_start3A_263 : memref<8xi32, #tpu.memory_space<vmem>>) semaphore(%dma_start3A_268 : memref<!tpu.dma_semaphore, #tpu.memory_space<semaphore_mem>>)
    %dma_start3A_269 = arith.constant 2 : i32
    %dma_start3A_270 = arith.constant 2 : i32
    %dma_start3A_271 = arith.constant 2 : i32
    %dma_start3A_272 = arith.constant 2 : i32
    %dma_start3A_273 = arith.constant 0 : i32
    %dma_start3A_274 = arith.constant 0 : i32
    %dma_start3A_275 = tpu.memref_slice %arg8[%dma_start3A_270, %dma_start3A_271, %dma_start3A_273, %dma_start3A_274] : memref<4x4x8x768xf32, #tpu.memory_space<vmem>> -> memref<1x1x8x768xf32, #tpu.memory_space<vmem>>
    %dma_start3A_276 = tpu.memref_squeeze %dma_start3A_275 : memref<1x1x8x768xf32, #tpu.memory_space<vmem>> -> memref<8x768xf32, #tpu.memory_space<vmem>>
    %dma_start3A_277 = arith.constant 16 : i32
    %dma_start3A_278 = tpu.memref_slice %arg6[%dma_start3A_269, %dma_start3A_277] : memref<4x64xi32, #tpu.memory_space<vmem>> -> memref<1x8xi32, #tpu.memory_space<vmem>>
    %dma_start3A_279 = tpu.memref_squeeze %dma_start3A_278 : memref<1x8xi32, #tpu.memory_space<vmem>> -> memref<8xi32, #tpu.memory_space<vmem>>
    %dma_start3A_280 = arith.constant 0 : i32
    %dma_start3A_281 = arith.constant 0 : i32
    %dma_start3A_282 = tpu.memref_slice %arg3[%dma_start3A_280, %dma_start3A_281] : memref<100000x768xf32, #tpu.memory_space<hbm>> -> memref<100000x768xf32, #tpu.memory_space<hbm>>
    %dma_start3A_283 = tpu.memref_slice %arg11[%dma_start3A_272] : memref<4x!tpu.dma_semaphore, #tpu.memory_space<semaphore_mem>> -> memref<1x!tpu.dma_semaphore, #tpu.memory_space<semaphore_mem>>
    %dma_start3A_284 = tpu.memref_squeeze %dma_start3A_283 : memref<1x!tpu.dma_semaphore, #tpu.memory_space<semaphore_mem>> -> memref<!tpu.dma_semaphore, #tpu.memory_space<semaphore_mem>>
    tpu.enqueue_indirect_dma source(%dma_start3A_282 : memref<100000x768xf32, #tpu.memory_space<hbm>>) target(%dma_start3A_276 : memref<8x768xf32, #tpu.memory_space<vmem>>) offsets(%dma_start3A_279 : memref<8xi32, #tpu.memory_space<vmem>>) semaphore(%dma_start3A_284 : memref<!tpu.dma_semaphore, #tpu.memory_space<semaphore_mem>>)
    %dma_start3A_285 = arith.constant 3 : i32
    %dma_start3A_286 = arith.constant 2 : i32
    %dma_start3A_287 = arith.constant 3 : i32
    %dma_start3A_288 = arith.constant 2 : i32
    %dma_start3A_289 = arith.constant 0 : i32
    %dma_start3A_290 = arith.constant 0 : i32
    %dma_start3A_291 = tpu.memref_slice %arg8[%dma_start3A_286, %dma_start3A_287, %dma_start3A_289, %dma_start3A_290] : memref<4x4x8x768xf32, #tpu.memory_space<vmem>> -> memref<1x1x8x768xf32, #tpu.memory_space<vmem>>
    %dma_start3A_292 = tpu.memref_squeeze %dma_start3A_291 : memref<1x1x8x768xf32, #tpu.memory_space<vmem>> -> memref<8x768xf32, #tpu.memory_space<vmem>>
    %dma_start3A_293 = arith.constant 16 : i32
    %dma_start3A_294 = tpu.memref_slice %arg6[%dma_start3A_285, %dma_start3A_293] : memref<4x64xi32, #tpu.memory_space<vmem>> -> memref<1x8xi32, #tpu.memory_space<vmem>>
    %dma_start3A_295 = tpu.memref_squeeze %dma_start3A_294 : memref<1x8xi32, #tpu.memory_space<vmem>> -> memref<8xi32, #tpu.memory_space<vmem>>
    %dma_start3A_296 = arith.constant 0 : i32
    %dma_start3A_297 = arith.constant 0 : i32
    %dma_start3A_298 = tpu.memref_slice %arg3[%dma_start3A_296, %dma_start3A_297] : memref<100000x768xf32, #tpu.memory_space<hbm>> -> memref<100000x768xf32, #tpu.memory_space<hbm>>
    %dma_start3A_299 = tpu.memref_slice %arg11[%dma_start3A_288] : memref<4x!tpu.dma_semaphore, #tpu.memory_space<semaphore_mem>> -> memref<1x!tpu.dma_semaphore, #tpu.memory_space<semaphore_mem>>
    %dma_start3A_300 = tpu.memref_squeeze %dma_start3A_299 : memref<1x!tpu.dma_semaphore, #tpu.memory_space<semaphore_mem>> -> memref<!tpu.dma_semaphore, #tpu.memory_space<semaphore_mem>>
    tpu.enqueue_indirect_dma source(%dma_start3A_298 : memref<100000x768xf32, #tpu.memory_space<hbm>>) target(%dma_start3A_292 : memref<8x768xf32, #tpu.memory_space<vmem>>) offsets(%dma_start3A_295 : memref<8xi32, #tpu.memory_space<vmem>>) semaphore(%dma_start3A_300 : memref<!tpu.dma_semaphore, #tpu.memory_space<semaphore_mem>>)
    %dma_wait3A_301 = tpu.memref_slice %arg4[%mul3A_59] : memref<786432xi32, #tpu.memory_space<hbm>> -> memref<24576xi32, #tpu.memory_space<hbm>>
    %dma_wait3A_302 = tpu.memref_slice %arg4[%mul3A_59] : memref<786432xi32, #tpu.memory_space<hbm>> -> memref<24576xi32, #tpu.memory_space<hbm>>
    tpu.wait_dma2 semaphore(%arg10 : memref<!tpu.dma_semaphore, #tpu.memory_space<semaphore_mem>>) src(%dma_wait3A_302 : memref<24576xi32, #tpu.memory_space<hbm>>) dst(%arg7 : memref<24576xi32, #tpu.memory_space<vmem>>)
    %scan3A = arith.constant 0 : i32
    %scan3A_303 = arith.constant 8 : i32
    %scan3A_304 = arith.addi %scan3A, %scan3A_303 : i32
    %scan3A_305 = arith.constant 1 : i32
    scf.for %scan3A_675 = %scan3A to %scan3A_304 step %scan3A_305  : i32 {
      %mul3A_676 = arith.constant 1 : i32
      %mul3A_677 = arith.muli %scan3A_675, %mul3A_676 : i32
      %add3A_678 = arith.constant 0 : i32
      %add3A_679 = arith.addi %add3A_678, %mul3A_677 : i32
      %rem3A = arith.constant 4 : i32
      %rem3A_680 = arith.remsi %add3A_679, %rem3A : i32
      %mul3A_681 = arith.constant 8 : i32
      %mul3A_682 = arith.muli %add3A_679, %mul3A_681 : i32
      %mul3A_683 = arith.constant 8 : i32
      %mul3A_684 = arith.muli %add3A_679, %mul3A_683 : i32
      %mul3A_685 = arith.constant 8 : i32
      %mul3A_686 = arith.muli %add3A_679, %mul3A_685 : i32
      %mul3A_687 = arith.constant 8 : i32
      %mul3A_688 = arith.muli %add3A_679, %mul3A_687 : i32
      %dma_wait3A_689 = arith.constant 0 : i32
      %dma_wait3A_690 = arith.constant 0 : i32
      %dma_wait3A_691 = arith.constant 0 : i32
      %dma_wait3A_692 = arith.constant 0 : i32
      %dma_wait3A_693 = tpu.memref_slice %arg8[%rem3A_680, %dma_wait3A_690, %dma_wait3A_691, %dma_wait3A_692] : memref<4x4x8x768xf32, #tpu.memory_space<vmem>> -> memref<1x1x8x768xf32, #tpu.memory_space<vmem>>
      %dma_wait3A_694 = tpu.memref_squeeze %dma_wait3A_693 : memref<1x1x8x768xf32, #tpu.memory_space<vmem>> -> memref<8x768xf32, #tpu.memory_space<vmem>>
      %dma_wait3A_695 = tpu.memref_slice %arg6[%dma_wait3A_689, %mul3A_682] : memref<4x64xi32, #tpu.memory_space<vmem>> -> memref<1x8xi32, #tpu.memory_space<vmem>>
      %dma_wait3A_696 = tpu.memref_squeeze %dma_wait3A_695 : memref<1x8xi32, #tpu.memory_space<vmem>> -> memref<8xi32, #tpu.memory_space<vmem>>
      %dma_wait3A_697 = arith.constant 0 : i32
      %dma_wait3A_698 = arith.constant 0 : i32
      %dma_wait3A_699 = tpu.memref_slice %arg3[%dma_wait3A_697, %dma_wait3A_698] : memref<100000x768xf32, #tpu.memory_space<hbm>> -> memref<100000x768xf32, #tpu.memory_space<hbm>>
      %dma_wait3A_700 = tpu.memref_slice %arg11[%rem3A_680] : memref<4x!tpu.dma_semaphore, #tpu.memory_space<semaphore_mem>> -> memref<1x!tpu.dma_semaphore, #tpu.memory_space<semaphore_mem>>
      %dma_wait3A_701 = tpu.memref_squeeze %dma_wait3A_700 : memref<1x!tpu.dma_semaphore, #tpu.memory_space<semaphore_mem>> -> memref<!tpu.dma_semaphore, #tpu.memory_space<semaphore_mem>>
      tpu.wait_indirect_dma semaphore(%dma_wait3A_701 : memref<!tpu.dma_semaphore, #tpu.memory_space<semaphore_mem>>) src(%dma_wait3A_699 : memref<100000x768xf32, #tpu.memory_space<hbm>>) dst(%dma_wait3A_694 : memref<8x768xf32, #tpu.memory_space<vmem>>)
      %dma_wait3A_702 = arith.constant 1 : i32
      %dma_wait3A_703 = arith.constant 1 : i32
      %dma_wait3A_704 = arith.constant 0 : i32
      %dma_wait3A_705 = arith.constant 0 : i32
      %dma_wait3A_706 = tpu.memref_slice %arg8[%rem3A_680, %dma_wait3A_703, %dma_wait3A_704, %dma_wait3A_705] : memref<4x4x8x768xf32, #tpu.memory_space<vmem>> -> memref<1x1x8x768xf32, #tpu.memory_space<vmem>>
      %dma_wait3A_707 = tpu.memref_squeeze %dma_wait3A_706 : memref<1x1x8x768xf32, #tpu.memory_space<vmem>> -> memref<8x768xf32, #tpu.memory_space<vmem>>
      %dma_wait3A_708 = tpu.memref_slice %arg6[%dma_wait3A_702, %mul3A_684] : memref<4x64xi32, #tpu.memory_space<vmem>> -> memref<1x8xi32, #tpu.memory_space<vmem>>
      %dma_wait3A_709 = tpu.memref_squeeze %dma_wait3A_708 : memref<1x8xi32, #tpu.memory_space<vmem>> -> memref<8xi32, #tpu.memory_space<vmem>>
      %dma_wait3A_710 = arith.constant 0 : i32
      %dma_wait3A_711 = arith.constant 0 : i32
      %dma_wait3A_712 = tpu.memref_slice %arg3[%dma_wait3A_710, %dma_wait3A_711] : memref<100000x768xf32, #tpu.memory_space<hbm>> -> memref<100000x768xf32, #tpu.memory_space<hbm>>
      %dma_wait3A_713 = tpu.memref_slice %arg11[%rem3A_680] : memref<4x!tpu.dma_semaphore, #tpu.memory_space<semaphore_mem>> -> memref<1x!tpu.dma_semaphore, #tpu.memory_space<semaphore_mem>>
      %dma_wait3A_714 = tpu.memref_squeeze %dma_wait3A_713 : memref<1x!tpu.dma_semaphore, #tpu.memory_space<semaphore_mem>> -> memref<!tpu.dma_semaphore, #tpu.memory_space<semaphore_mem>>
      tpu.wait_indirect_dma semaphore(%dma_wait3A_714 : memref<!tpu.dma_semaphore, #tpu.memory_space<semaphore_mem>>) src(%dma_wait3A_712 : memref<100000x768xf32, #tpu.memory_space<hbm>>) dst(%dma_wait3A_707 : memref<8x768xf32, #tpu.memory_space<vmem>>)
      %dma_wait3A_715 = arith.constant 2 : i32
      %dma_wait3A_716 = arith.constant 2 : i32
      %dma_wait3A_717 = arith.constant 0 : i32
      %dma_wait3A_718 = arith.constant 0 : i32
      %dma_wait3A_719 = tpu.memref_slice %arg8[%rem3A_680, %dma_wait3A_716, %dma_wait3A_717, %dma_wait3A_718] : memref<4x4x8x768xf32, #tpu.memory_space<vmem>> -> memref<1x1x8x768xf32, #tpu.memory_space<vmem>>
      %dma_wait3A_720 = tpu.memref_squeeze %dma_wait3A_719 : memref<1x1x8x768xf32, #tpu.memory_space<vmem>> -> memref<8x768xf32, #tpu.memory_space<vmem>>
      %dma_wait3A_721 = tpu.memref_slice %arg6[%dma_wait3A_715, %mul3A_686] : memref<4x64xi32, #tpu.memory_space<vmem>> -> memref<1x8xi32, #tpu.memory_space<vmem>>
      %dma_wait3A_722 = tpu.memref_squeeze %dma_wait3A_721 : memref<1x8xi32, #tpu.memory_space<vmem>> -> memref<8xi32, #tpu.memory_space<vmem>>
      %dma_wait3A_723 = arith.constant 0 : i32
      %dma_wait3A_724 = arith.constant 0 : i32
      %dma_wait3A_725 = tpu.memref_slice %arg3[%dma_wait3A_723, %dma_wait3A_724] : memref<100000x768xf32, #tpu.memory_space<hbm>> -> memref<100000x768xf32, #tpu.memory_space<hbm>>
      %dma_wait3A_726 = tpu.memref_slice %arg11[%rem3A_680] : memref<4x!tpu.dma_semaphore, #tpu.memory_space<semaphore_mem>> -> memref<1x!tpu.dma_semaphore, #tpu.memory_space<semaphore_mem>>
      %dma_wait3A_727 = tpu.memref_squeeze %dma_wait3A_726 : memref<1x!tpu.dma_semaphore, #tpu.memory_space<semaphore_mem>> -> memref<!tpu.dma_semaphore, #tpu.memory_space<semaphore_mem>>
      tpu.wait_indirect_dma semaphore(%dma_wait3A_727 : memref<!tpu.dma_semaphore, #tpu.memory_space<semaphore_mem>>) src(%dma_wait3A_725 : memref<100000x768xf32, #tpu.memory_space<hbm>>) dst(%dma_wait3A_720 : memref<8x768xf32, #tpu.memory_space<vmem>>)
      %dma_wait3A_728 = arith.constant 3 : i32
      %dma_wait3A_729 = arith.constant 3 : i32
      %dma_wait3A_730 = arith.constant 0 : i32
      %dma_wait3A_731 = arith.constant 0 : i32
      %dma_wait3A_732 = tpu.memref_slice %arg8[%rem3A_680, %dma_wait3A_729, %dma_wait3A_730, %dma_wait3A_731] : memref<4x4x8x768xf32, #tpu.memory_space<vmem>> -> memref<1x1x8x768xf32, #tpu.memory_space<vmem>>
      %dma_wait3A_733 = tpu.memref_squeeze %dma_wait3A_732 : memref<1x1x8x768xf32, #tpu.memory_space<vmem>> -> memref<8x768xf32, #tpu.memory_space<vmem>>
      %dma_wait3A_734 = tpu.memref_slice %arg6[%dma_wait3A_728, %mul3A_688] : memref<4x64xi32, #tpu.memory_space<vmem>> -> memref<1x8xi32, #tpu.memory_space<vmem>>
      %dma_wait3A_735 = tpu.memref_squeeze %dma_wait3A_734 : memref<1x8xi32, #tpu.memory_space<vmem>> -> memref<8xi32, #tpu.memory_space<vmem>>
      %dma_wait3A_736 = arith.constant 0 : i32
      %dma_wait3A_737 = arith.constant 0 : i32
      %dma_wait3A_738 = tpu.memref_slice %arg3[%dma_wait3A_736, %dma_wait3A_737] : memref<100000x768xf32, #tpu.memory_space<hbm>> -> memref<100000x768xf32, #tpu.memory_space<hbm>>
      %dma_wait3A_739 = tpu.memref_slice %arg11[%rem3A_680] : memref<4x!tpu.dma_semaphore, #tpu.memory_space<semaphore_mem>> -> memref<1x!tpu.dma_semaphore, #tpu.memory_space<semaphore_mem>>
      %dma_wait3A_740 = tpu.memref_squeeze %dma_wait3A_739 : memref<1x!tpu.dma_semaphore, #tpu.memory_space<semaphore_mem>> -> memref<!tpu.dma_semaphore, #tpu.memory_space<semaphore_mem>>
      tpu.wait_indirect_dma semaphore(%dma_wait3A_740 : memref<!tpu.dma_semaphore, #tpu.memory_space<semaphore_mem>>) src(%dma_wait3A_738 : memref<100000x768xf32, #tpu.memory_space<hbm>>) dst(%dma_wait3A_733 : memref<8x768xf32, #tpu.memory_space<vmem>>)
      %scan3A_741 = arith.constant 0 : i32
      %scan3A_742 = arith.constant 8 : i32
      %scan3A_743 = arith.addi %scan3A_741, %scan3A_742 : i32
      %scan3A_744 = arith.constant 1 : i32
      scf.for %scan3A_838 = %scan3A_741 to %scan3A_743 step %scan3A_744  : i32 {
        %mul3A_839 = arith.constant 1 : i32
        %mul3A_840 = arith.muli %scan3A_838, %mul3A_839 : i32
        %add3A_841 = arith.constant 0 : i32
        %add3A_842 = arith.addi %add3A_841, %mul3A_840 : i32
        %mul3A_843 = arith.constant 8 : i32
        %mul3A_844 = arith.muli %add3A_679, %mul3A_843 : i32
        %mul3A_845 = arith.constant 384 : i32
        %mul3A_846 = arith.muli %mul3A_844, %mul3A_845 : i32
        %mul3A_847 = arith.constant 384 : i32
        %mul3A_848 = arith.muli %add3A_842, %mul3A_847 : i32
        %add3A_849 = arith.addi %mul3A_846, %mul3A_848 : i32
        %add3A_850 = arith.constant 0 : i32
        %add3A_851 = arith.addi %add3A_849, %add3A_850 : i32
        %multiple_of3A = tpu.assume_multiple %add3A_851, 16 : i32
        %get3A = arith.index_cast %multiple_of3A : i32 to index
        %get3A_852 = tpu.vector_load %arg7[%get3A] {strides = array<i32>} : memref<24576xi32, #tpu.memory_space<vmem>>, vector<16xi32>,
        %get3A_853 = vector.shape_cast %get3A_852 : vector<16xi32> to vector<16xi32>
        %shift_left3A = arith.constant 16 : i32
        %shift_left3A_854 = vector.broadcast %shift_left3A : i32 to vector<16xi32>
        %shift_left3A_855 = arith.shli %get3A_853, %shift_left3A_854 : vector<16xi32>
        %bitcast_convert_type3A = tpu.bitcast %shift_left3A_855 : vector<16xi32> -> vector<16xf32>
        %and3A = arith.constant -65536 : i32
        %and3A_856 = vector.broadcast %and3A : i32 to vector<16xi32>
        %and3A_857 = arith.andi %get3A_853, %and3A_856 : vector<16xi32>
        %bitcast_convert_type3A_858 = tpu.bitcast %and3A_857 : vector<16xi32> -> vector<16xf32>
        %swap3A = arith.constant 0 : i32
        %swap3A_859 = arith.index_cast %rem3A_680 : i32 to index
        %swap3A_860 = arith.index_cast %swap3A : i32 to index
        %swap3A_861 = arith.index_cast %add3A_842 : i32 to index
        %swap3A_862 = arith.constant 0 : index
        %swap3A_863 = tpu.vector_load %arg8[%swap3A_859, %swap3A_860, %swap3A_861, %swap3A_862] {strides = array<i32>} : memref<4x4x8x768xf32, #tpu.memory_space<vmem>>, vector<1x1x1x16xf32>,
        %swap3A_864 = vector.shape_cast %swap3A_863 : vector<1x1x1x16xf32> to vector<16xf32>
        %swap3A_865 = vector.shape_cast %bitcast_convert_type3A : vector<16xf32> to vector<1x1x1x16xf32>
        tpu.vector_store %arg8[%swap3A_859, %swap3A_860, %swap3A_861, %swap3A_862], %swap3A_865 {add = true, strides = array<i32>} : memref<4x4x8x768xf32, #tpu.memory_space<vmem>>, vector<1x1x1x16xf32>,
        %swap3A_866 = arith.constant 0 : i32
        %swap3A_867 = arith.index_cast %rem3A_680 : i32 to index
        %swap3A_868 = arith.index_cast %swap3A_866 : i32 to index
        %swap3A_869 = arith.index_cast %add3A_842 : i32 to index
        %swap3A_870 = arith.constant 16 : index
        %swap3A_871 = tpu.vector_load %arg8[%swap3A_867, %swap3A_868, %swap3A_869, %swap3A_870] {strides = array<i32>} : memref<4x4x8x768xf32, #tpu.memory_space<vmem>>, vector<1x1x1x16xf32>,
        %swap3A_872 = vector.shape_cast %swap3A_871 : vector<1x1x1x16xf32> to vector<16xf32>
        %swap3A_873 = vector.shape_cast %bitcast_convert_type3A_858 : vector<16xf32> to vector<1x1x1x16xf32>
        tpu.vector_store %arg8[%swap3A_867, %swap3A_868, %swap3A_869, %swap3A_870], %swap3A_873 {add = true, strides = array<i32>} : memref<4x4x8x768xf32, #tpu.memory_space<vmem>>, vector<1x1x1x16xf32>,
        %swap3A_874 = arith.constant 1 : i32
        %swap3A_875 = arith.index_cast %rem3A_680 : i32 to index
        %swap3A_876 = arith.index_cast %swap3A_874 : i32 to index
        %swap3A_877 = arith.index_cast %add3A_842 : i32 to index
        %swap3A_878 = arith.constant 0 : index
        %swap3A_879 = tpu.vector_load %arg8[%swap3A_875, %swap3A_876, %swap3A_877, %swap3A_878] {strides = array<i32>} : memref<4x4x8x768xf32, #tpu.memory_space<vmem>>, vector<1x1x1x16xf32>,
        %swap3A_880 = vector.shape_cast %swap3A_879 : vector<1x1x1x16xf32> to vector<16xf32>
        %swap3A_881 = vector.shape_cast %bitcast_convert_type3A : vector<16xf32> to vector<1x1x1x16xf32>
        tpu.vector_store %arg8[%swap3A_875, %swap3A_876, %swap3A_877, %swap3A_878], %swap3A_881 {add = true, strides = array<i32>} : memref<4x4x8x768xf32, #tpu.memory_space<vmem>>, vector<1x1x1x16xf32>,
        %swap3A_882 = arith.constant 1 : i32
        %swap3A_883 = arith.index_cast %rem3A_680 : i32 to index
        %swap3A_884 = arith.index_cast %swap3A_882 : i32 to index
        %swap3A_885 = arith.index_cast %add3A_842 : i32 to index
        %swap3A_886 = arith.constant 16 : index
        %swap3A_887 = tpu.vector_load %arg8[%swap3A_883, %swap3A_884, %swap3A_885, %swap3A_886] {strides = array<i32>} : memref<4x4x8x768xf32, #tpu.memory_space<vmem>>, vector<1x1x1x16xf32>,
        %swap3A_888 = vector.shape_cast %swap3A_887 : vector<1x1x1x16xf32> to vector<16xf32>
        %swap3A_889 = vector.shape_cast %bitcast_convert_type3A_858 : vector<16xf32> to vector<1x1x1x16xf32>
        tpu.vector_store %arg8[%swap3A_883, %swap3A_884, %swap3A_885, %swap3A_886], %swap3A_889 {add = true, strides = array<i32>} : memref<4x4x8x768xf32, #tpu.memory_space<vmem>>, vector<1x1x1x16xf32>,
        %swap3A_890 = arith.constant 2 : i32
        %swap3A_891 = arith.index_cast %rem3A_680 : i32 to index
        %swap3A_892 = arith.index_cast %swap3A_890 : i32 to index
        %swap3A_893 = arith.index_cast %add3A_842 : i32 to index
        %swap3A_894 = arith.constant 0 : index
        %swap3A_895 = tpu.vector_load %arg8[%swap3A_891, %swap3A_892, %swap3A_893, %swap3A_894] {strides = array<i32>} : memref<4x4x8x768xf32, #tpu.memory_space<vmem>>, vector<1x1x1x16xf32>,
        %swap3A_896 = vector.shape_cast %swap3A_895 : vector<1x1x1x16xf32> to vector<16xf32>
        %swap3A_897 = vector.shape_cast %bitcast_convert_type3A : vector<16xf32> to vector<1x1x1x16xf32>
        tpu.vector_store %arg8[%swap3A_891, %swap3A_892, %swap3A_893, %swap3A_894], %swap3A_897 {add = true, strides = array<i32>} : memref<4x4x8x768xf32, #tpu.memory_space<vmem>>, vector<1x1x1x16xf32>,
        %swap3A_898 = arith.constant 2 : i32
        %swap3A_899 = arith.index_cast %rem3A_680 : i32 to index
        %swap3A_900 = arith.index_cast %swap3A_898 : i32 to index
        %swap3A_901 = arith.index_cast %add3A_842 : i32 to index
        %swap3A_902 = arith.constant 16 : index
        %swap3A_903 = tpu.vector_load %arg8[%swap3A_899, %swap3A_900, %swap3A_901, %swap3A_902] {strides = array<i32>} : memref<4x4x8x768xf32, #tpu.memory_space<vmem>>, vector<1x1x1x16xf32>,
        %swap3A_904 = vector.shape_cast %swap3A_903 : vector<1x1x1x16xf32> to vector<16xf32>
        %swap3A_905 = vector.shape_cast %bitcast_convert_type3A_858 : vector<16xf32> to vector<1x1x1x16xf32>
        tpu.vector_store %arg8[%swap3A_899, %swap3A_900, %swap3A_901, %swap3A_902], %swap3A_905 {add = true, strides = array<i32>} : memref<4x4x8x768xf32, #tpu.memory_space<vmem>>, vector<1x1x1x16xf32>,
        %swap3A_906 = arith.constant 3 : i32
        %swap3A_907 = arith.index_cast %rem3A_680 : i32 to index
        %swap3A_908 = arith.index_cast %swap3A_906 : i32 to index
        %swap3A_909 = arith.index_cast %add3A_842 : i32 to index
        %swap3A_910 = arith.constant 0 : index
        %swap3A_911 = tpu.vector_load %arg8[%swap3A_907, %swap3A_908, %swap3A_909, %swap3A_910] {strides = array<i32>} : memref<4x4x8x768xf32, #tpu.memory_space<vmem>>, vector<1x1x1x16xf32>,
        %swap3A_912 = vector.shape_cast %swap3A_911 : vector<1x1x1x16xf32> to vector<16xf32>
        %swap3A_913 = vector.shape_cast %bitcast_convert_type3A : vector<16xf32> to vector<1x1x1x16xf32>
        tpu.vector_store %arg8[%swap3A_907, %swap3A_908, %swap3A_909, %swap3A_910], %swap3A_913 {add = true, strides = array<i32>} : memref<4x4x8x768xf32, #tpu.memory_space<vmem>>, vector<1x1x1x16xf32>,
        %swap3A_914 = arith.constant 3 : i32
        %swap3A_915 = arith.index_cast %rem3A_680 : i32 to index
        %swap3A_916 = arith.index_cast %swap3A_914 : i32 to index
        %swap3A_917 = arith.index_cast %add3A_842 : i32 to index
        %swap3A_918 = arith.constant 16 : index
        %swap3A_919 = tpu.vector_load %arg8[%swap3A_915, %swap3A_916, %swap3A_917, %swap3A_918] {strides = array<i32>} : memref<4x4x8x768xf32, #tpu.memory_space<vmem>>, vector<1x1x1x16xf32>,
        %swap3A_920 = vector.shape_cast %swap3A_919 : vector<1x1x1x16xf32> to vector<16xf32>
        %swap3A_921 = vector.shape_cast %bitcast_convert_type3A_858 : vector<16xf32> to vector<1x1x1x16xf32>
        tpu.vector_store %arg8[%swap3A_915, %swap3A_916, %swap3A_917, %swap3A_918], %swap3A_921 {add = true, strides = array<i32>} : memref<4x4x8x768xf32, #tpu.memory_space<vmem>>, vector<1x1x1x16xf32>,
        %mul3A_922 = arith.constant 8 : i32
        %mul3A_923 = arith.muli %add3A_679, %mul3A_922 : i32
        %mul3A_924 = arith.constant 384 : i32
        %mul3A_925 = arith.muli %mul3A_923, %mul3A_924 : i32
        %mul3A_926 = arith.constant 384 : i32
        %mul3A_927 = arith.muli %add3A_842, %mul3A_926 : i32
        %add3A_928 = arith.addi %mul3A_925, %mul3A_927 : i32
        %add3A_929 = arith.constant 16 : i32
        %add3A_930 = arith.addi %add3A_928, %add3A_929 : i32
        %multiple_of3A_931 = tpu.assume_multiple %add3A_930, 16 : i32
        %get3A_932 = arith.index_cast %multiple_of3A_931 : i32 to index
        %get3A_933 = tpu.vector_load %arg7[%get3A_932] {strides = array<i32>} : memref<24576xi32, #tpu.memory_space<vmem>>, vector<16xi32>,
        %get3A_934 = vector.shape_cast %get3A_933 : vector<16xi32> to vector<16xi32>
        %shift_left3A_935 = arith.constant 16 : i32
        %shift_left3A_936 = vector.broadcast %shift_left3A_935 : i32 to vector<16xi32>
        %shift_left3A_937 = arith.shli %get3A_934, %shift_left3A_936 : vector<16xi32>
        %bitcast_convert_type3A_938 = tpu.bitcast %shift_left3A_937 : vector<16xi32> -> vector<16xf32>
        %and3A_939 = arith.constant -65536 : i32
        %and3A_940 = vector.broadcast %and3A_939 : i32 to vector<16xi32>
        %and3A_941 = arith.andi %get3A_934, %and3A_940 : vector<16xi32>
        %bitcast_convert_type3A_942 = tpu.bitcast %and3A_941 : vector<16xi32> -> vector<16xf32>
        %swap3A_943 = arith.constant 0 : i32
        %swap3A_944 = arith.index_cast %rem3A_680 : i32 to index
        %swap3A_945 = arith.index_cast %swap3A_943 : i32 to index
        %swap3A_946 = arith.index_cast %add3A_842 : i32 to index
        %swap3A_947 = arith.constant 32 : index
        %swap3A_948 = tpu.vector_load %arg8[%swap3A_944, %swap3A_945, %swap3A_946, %swap3A_947] {strides = array<i32>} : memref<4x4x8x768xf32, #tpu.memory_space<vmem>>, vector<1x1x1x16xf32>,
        %swap3A_949 = vector.shape_cast %swap3A_948 : vector<1x1x1x16xf32> to vector<16xf32>
        %swap3A_950 = vector.shape_cast %bitcast_convert_type3A_938 : vector<16xf32> to vector<1x1x1x16xf32>
        tpu.vector_store %arg8[%swap3A_944, %swap3A_945, %swap3A_946, %swap3A_947], %swap3A_950 {add = true, strides = array<i32>} : memref<4x4x8x768xf32, #tpu.memory_space<vmem>>, vector<1x1x1x16xf32>,
        %swap3A_951 = arith.constant 0 : i32
        %swap3A_952 = arith.index_cast %rem3A_680 : i32 to index
        %swap3A_953 = arith.index_cast %swap3A_951 : i32 to index
        %swap3A_954 = arith.index_cast %add3A_842 : i32 to index
        %swap3A_955 = arith.constant 48 : index
        %swap3A_956 = tpu.vector_load %arg8[%swap3A_952, %swap3A_953, %swap3A_954, %swap3A_955] {strides = array<i32>} : memref<4x4x8x768xf32, #tpu.memory_space<vmem>>, vector<1x1x1x16xf32>,
        %swap3A_957 = vector.shape_cast %swap3A_956 : vector<1x1x1x16xf32> to vector<16xf32>
        %swap3A_958 = vector.shape_cast %bitcast_convert_type3A_942 : vector<16xf32> to vector<1x1x1x16xf32>
        tpu.vector_store %arg8[%swap3A_952, %swap3A_953, %swap3A_954, %swap3A_955], %swap3A_958 {add = true, strides = array<i32>} : memref<4x4x8x768xf32, #tpu.memory_space<vmem>>, vector<1x1x1x16xf32>,
        %swap3A_959 = arith.constant 1 : i32
        %swap3A_960 = arith.index_cast %rem3A_680 : i32 to index
        %swap3A_961 = arith.index_cast %swap3A_959 : i32 to index
        %swap3A_962 = arith.index_cast %add3A_842 : i32 to index
        %swap3A_963 = arith.constant 32 : index
        %swap3A_964 = tpu.vector_load %arg8[%swap3A_960, %swap3A_961, %swap3A_962, %swap3A_963] {strides = array<i32>} : memref<4x4x8x768xf32, #tpu.memory_space<vmem>>, vector<1x1x1x16xf32>,
        %swap3A_965 = vector.shape_cast %swap3A_964 : vector<1x1x1x16xf32> to vector<16xf32>
        %swap3A_966 = vector.shape_cast %bitcast_convert_type3A_938 : vector<16xf32> to vector<1x1x1x16xf32>
        tpu.vector_store %arg8[%swap3A_960, %swap3A_961, %swap3A_962, %swap3A_963], %swap3A_966 {add = true, strides = array<i32>} : memref<4x4x8x768xf32, #tpu.memory_space<vmem>>, vector<1x1x1x16xf32>,
        %swap3A_967 = arith.constant 1 : i32
        %swap3A_968 = arith.index_cast %rem3A_680 : i32 to index
        %swap3A_969 = arith.index_cast %swap3A_967 : i32 to index
        %swap3A_970 = arith.index_cast %add3A_842 : i32 to index
        %swap3A_971 = arith.constant 48 : index
        %swap3A_972 = tpu.vector_load %arg8[%swap3A_968, %swap3A_969, %swap3A_970, %swap3A_971] {strides = array<i32>} : memref<4x4x8x768xf32, #tpu.memory_space<vmem>>, vector<1x1x1x16xf32>,
        %swap3A_973 = vector.shape_cast %swap3A_972 : vector<1x1x1x16xf32> to vector<16xf32>
        %swap3A_974 = vector.shape_cast %bitcast_convert_type3A_942 : vector<16xf32> to vector<1x1x1x16xf32>
        tpu.vector_store %arg8[%swap3A_968, %swap3A_969, %swap3A_970, %swap3A_971], %swap3A_974 {add = true, strides = array<i32>} : memref<4x4x8x768xf32, #tpu.memory_space<vmem>>, vector<1x1x1x16xf32>,
        %swap3A_975 = arith.constant 2 : i32
        %swap3A_976 = arith.index_cast %rem3A_680 : i32 to index
        %swap3A_977 = arith.index_cast %swap3A_975 : i32 to index
        %swap3A_978 = arith.index_cast %add3A_842 : i32 to index
        %swap3A_979 = arith.constant 32 : index
        %swap3A_980 = tpu.vector_load %arg8[%swap3A_976, %swap3A_977, %swap3A_978, %swap3A_979] {strides = array<i32>} : memref<4x4x8x768xf32, #tpu.memory_space<vmem>>, vector<1x1x1x16xf32>,
        %swap3A_981 = vector.shape_cast %swap3A_980 : vector<1x1x1x16xf32> to vector<16xf32>
        %swap3A_982 = vector.shape_cast %bitcast_convert_type3A_938 : vector<16xf32> to vector<1x1x1x16xf32>
        tpu.vector_store %arg8[%swap3A_976, %swap3A_977, %swap3A_978, %swap3A_979], %swap3A_982 {add = true, strides = array<i32>} : memref<4x4x8x768xf32, #tpu.memory_space<vmem>>, vector<1x1x1x16xf32>,
        %swap3A_983 = arith.constant 2 : i32
        %swap3A_984 = arith.index_cast %rem3A_680 : i32 to index
        %swap3A_985 = arith.index_cast %swap3A_983 : i32 to index
        %swap3A_986 = arith.index_cast %add3A_842 : i32 to index
        %swap3A_987 = arith.constant 48 : index
        %swap3A_988 = tpu.vector_load %arg8[%swap3A_984, %swap3A_985, %swap3A_986, %swap3A_987] {strides = array<i32>} : memref<4x4x8x768xf32, #tpu.memory_space<vmem>>, vector<1x1x1x16xf32>,
        %swap3A_989 = vector.shape_cast %swap3A_988 : vector<1x1x1x16xf32> to vector<16xf32>
        %swap3A_990 = vector.shape_cast %bitcast_convert_type3A_942 : vector<16xf32> to vector<1x1x1x16xf32>
        tpu.vector_store %arg8[%swap3A_984, %swap3A_985, %swap3A_986, %swap3A_987], %swap3A_990 {add = true, strides = array<i32>} : memref<4x4x8x768xf32, #tpu.memory_space<vmem>>, vector<1x1x1x16xf32>,
        %swap3A_991 = arith.constant 3 : i32
        %swap3A_992 = arith.index_cast %rem3A_680 : i32 to index
        %swap3A_993 = arith.index_cast %swap3A_991 : i32 to index
        %swap3A_994 = arith.index_cast %add3A_842 : i32 to index
        %swap3A_995 = arith.constant 32 : index
        %swap3A_996 = tpu.vector_load %arg8[%swap3A_992, %swap3A_993, %swap3A_994, %swap3A_995] {strides = array<i32>} : memref<4x4x8x768xf32, #tpu.memory_space<vmem>>, vector<1x1x1x16xf32>,
        %swap3A_997 = vector.shape_cast %swap3A_996 : vector<1x1x1x16xf32> to vector<16xf32>
        %swap3A_998 = vector.shape_cast %bitcast_convert_type3A_938 : vector<16xf32> to vector<1x1x1x16xf32>
        tpu.vector_store %arg8[%swap3A_992, %swap3A_993, %swap3A_994, %swap3A_995], %swap3A_998 {add = true, strides = array<i32>} : memref<4x4x8x768xf32, #tpu.memory_space<vmem>>, vector<1x1x1x16xf32>,
        %swap3A_999 = arith.constant 3 : i32
        %swap3A_1000 = arith.index_cast %rem3A_680 : i32 to index
        %swap3A_1001 = arith.index_cast %swap3A_999 : i32 to index
        %swap3A_1002 = arith.index_cast %add3A_842 : i32 to index
        %swap3A_1003 = arith.constant 48 : index
        %swap3A_1004 = tpu.vector_load %arg8[%swap3A_1000, %swap3A_1001, %swap3A_1002, %swap3A_1003] {strides = array<i32>} : memref<4x4x8x768xf32, #tpu.memory_space<vmem>>, vector<1x1x1x16xf32>,
        %swap3A_1005 = vector.shape_cast %swap3A_1004 : vector<1x1x1x16xf32> to vector<16xf32>
        %swap3A_1006 = vector.shape_cast %bitcast_convert_type3A_942 : vector<16xf32> to vector<1x1x1x16xf32>
        tpu.vector_store %arg8[%swap3A_1000, %swap3A_1001, %swap3A_1002, %swap3A_1003], %swap3A_1006 {add = true, strides = array<i32>} : memref<4x4x8x768xf32, #tpu.memory_space<vmem>>, vector<1x1x1x16xf32>,
        %mul3A_1007 = arith.constant 8 : i32
        %mul3A_1008 = arith.muli %add3A_679, %mul3A_1007 : i32
        %mul3A_1009 = arith.constant 384 : i32
        %mul3A_1010 = arith.muli %mul3A_1008, %mul3A_1009 : i32
        %mul3A_1011 = arith.constant 384 : i32
        %mul3A_1012 = arith.muli %add3A_842, %mul3A_1011 : i32
        %add3A_1013 = arith.addi %mul3A_1010, %mul3A_1012 : i32
        %add3A_1014 = arith.constant 32 : i32
        %add3A_1015 = arith.addi %add3A_1013, %add3A_1014 : i32
        %multiple_of3A_1016 = tpu.assume_multiple %add3A_1015, 16 : i32
        %get3A_1017 = arith.index_cast %multiple_of3A_1016 : i32 to index
        %get3A_1018 = tpu.vector_load %arg7[%get3A_1017] {strides = array<i32>} : memref<24576xi32, #tpu.memory_space<vmem>>, vector<16xi32>,
        %get3A_1019 = vector.shape_cast %get3A_1018 : vector<16xi32> to vector<16xi32>
        %shift_left3A_1020 = arith.constant 16 : i32
        %shift_left3A_1021 = vector.broadcast %shift_left3A_1020 : i32 to vector<16xi32>
        %shift_left3A_1022 = arith.shli %get3A_1019, %shift_left3A_1021 : vector<16xi32>
        %bitcast_convert_type3A_1023 = tpu.bitcast %shift_left3A_1022 : vector<16xi32> -> vector<16xf32>
        %and3A_1024 = arith.constant -65536 : i32
        %and3A_1025 = vector.broadcast %and3A_1024 : i32 to vector<16xi32>
        %and3A_1026 = arith.andi %get3A_1019, %and3A_1025 : vector<16xi32>
        %bitcast_convert_type3A_1027 = tpu.bitcast %and3A_1026 : vector<16xi32> -> vector<16xf32>
        %swap3A_1028 = arith.constant 0 : i32
        %swap3A_1029 = arith.index_cast %rem3A_680 : i32 to index
        %swap3A_1030 = arith.index_cast %swap3A_1028 : i32 to index
        %swap3A_1031 = arith.index_cast %add3A_842 : i32 to index
        %swap3A_1032 = arith.constant 64 : index
        %swap3A_1033 = tpu.vector_load %arg8[%swap3A_1029, %swap3A_1030, %swap3A_1031, %swap3A_1032] {strides = array<i32>} : memref<4x4x8x768xf32, #tpu.memory_space<vmem>>, vector<1x1x1x16xf32>,
        %swap3A_1034 = vector.shape_cast %swap3A_1033 : vector<1x1x1x16xf32> to vector<16xf32>
        %swap3A_1035 = vector.shape_cast %bitcast_convert_type3A_1023 : vector<16xf32> to vector<1x1x1x16xf32>
        tpu.vector_store %arg8[%swap3A_1029, %swap3A_1030, %swap3A_1031, %swap3A_1032], %swap3A_1035 {add = true, strides = array<i32>} : memref<4x4x8x768xf32, #tpu.memory_space<vmem>>, vector<1x1x1x16xf32>,
        %swap3A_1036 = arith.constant 0 : i32
        %swap3A_1037 = arith.index_cast %rem3A_680 : i32 to index
        %swap3A_1038 = arith.index_cast %swap3A_1036 : i32 to index
        %swap3A_1039 = arith.index_cast %add3A_842 : i32 to index
        %swap3A_1040 = arith.constant 80 : index
        %swap3A_1041 = tpu.vector_load %arg8[%swap3A_1037, %swap3A_1038, %swap3A_1039, %swap3A_1040] {strides = array<i32>} : memref<4x4x8x768xf32, #tpu.memory_space<vmem>>, vector<1x1x1x16xf32>,
        %swap3A_1042 = vector.shape_cast %swap3A_1041 : vector<1x1x1x16xf32> to vector<16xf32>
        %swap3A_1043 = vector.shape_cast %bitcast_convert_type3A_1027 : vector<16xf32> to vector<1x1x1x16xf32>
        tpu.vector_store %arg8[%swap3A_1037, %swap3A_1038, %swap3A_1039, %swap3A_1040], %swap3A_1043 {add = true, strides = array<i32>} : memref<4x4x8x768xf32, #tpu.memory_space<vmem>>, vector<1x1x1x16xf32>,
        %swap3A_1044 = arith.constant 1 : i32
        %swap3A_1045 = arith.index_cast %rem3A_680 : i32 to index
        %swap3A_1046 = arith.index_cast %swap3A_1044 : i32 to index
        %swap3A_1047 = arith.index_cast %add3A_842 : i32 to index
        %swap3A_1048 = arith.constant 64 : index
        %swap3A_1049 = tpu.vector_load %arg8[%swap3A_1045, %swap3A_1046, %swap3A_1047, %swap3A_1048] {strides = array<i32>} : memref<4x4x8x768xf32, #tpu.memory_space<vmem>>, vector<1x1x1x16xf32>,
        %swap3A_1050 = vector.shape_cast %swap3A_1049 : vector<1x1x1x16xf32> to vector<16xf32>
        %swap3A_1051 = vector.shape_cast %bitcast_convert_type3A_1023 : vector<16xf32> to vector<1x1x1x16xf32>
        tpu.vector_store %arg8[%swap3A_1045, %swap3A_1046, %swap3A_1047, %swap3A_1048], %swap3A_1051 {add = true, strides = array<i32>} : memref<4x4x8x768xf32, #tpu.memory_space<vmem>>, vector<1x1x1x16xf32>,
        %swap3A_1052 = arith.constant 1 : i32
        %swap3A_1053 = arith.index_cast %rem3A_680 : i32 to index
        %swap3A_1054 = arith.index_cast %swap3A_1052 : i32 to index
        %swap3A_1055 = arith.index_cast %add3A_842 : i32 to index
        %swap3A_1056 = arith.constant 80 : index
        %swap3A_1057 = tpu.vector_load %arg8[%swap3A_1053, %swap3A_1054, %swap3A_1055, %swap3A_1056] {strides = array<i32>} : memref<4x4x8x768xf32, #tpu.memory_space<vmem>>, vector<1x1x1x16xf32>,
        %swap3A_1058 = vector.shape_cast %swap3A_1057 : vector<1x1x1x16xf32> to vector<16xf32>
        %swap3A_1059 = vector.shape_cast %bitcast_convert_type3A_1027 : vector<16xf32> to vector<1x1x1x16xf32>
        tpu.vector_store %arg8[%swap3A_1053, %swap3A_1054, %swap3A_1055, %swap3A_1056], %swap3A_1059 {add = true, strides = array<i32>} : memref<4x4x8x768xf32, #tpu.memory_space<vmem>>, vector<1x1x1x16xf32>,
        %swap3A_1060 = arith.constant 2 : i32
        %swap3A_1061 = arith.index_cast %rem3A_680 : i32 to index
        %swap3A_1062 = arith.index_cast %swap3A_1060 : i32 to index
        %swap3A_1063 = arith.index_cast %add3A_842 : i32 to index
        %swap3A_1064 = arith.constant 64 : index
        %swap3A_1065 = tpu.vector_load %arg8[%swap3A_1061, %swap3A_1062, %swap3A_1063, %swap3A_1064] {strides = array<i32>} : memref<4x4x8x768xf32, #tpu.memory_space<vmem>>, vector<1x1x1x16xf32>,
        %swap3A_1066 = vector.shape_cast %swap3A_1065 : vector<1x1x1x16xf32> to vector<16xf32>
        %swap3A_1067 = vector.shape_cast %bitcast_convert_type3A_1023 : vector<16xf32> to vector<1x1x1x16xf32>
        tpu.vector_store %arg8[%swap3A_1061, %swap3A_1062, %swap3A_1063, %swap3A_1064], %swap3A_1067 {add = true, strides = array<i32>} : memref<4x4x8x768xf32, #tpu.memory_space<vmem>>, vector<1x1x1x16xf32>,
        %swap3A_1068 = arith.constant 2 : i32
        %swap3A_1069 = arith.index_cast %rem3A_680 : i32 to index
        %swap3A_1070 = arith.index_cast %swap3A_1068 : i32 to index
        %swap3A_1071 = arith.index_cast %add3A_842 : i32 to index
        %swap3A_1072 = arith.constant 80 : index
        %swap3A_1073 = tpu.vector_load %arg8[%swap3A_1069, %swap3A_1070, %swap3A_1071, %swap3A_1072] {strides = array<i32>} : memref<4x4x8x768xf32, #tpu.memory_space<vmem>>, vector<1x1x1x16xf32>,
        %swap3A_1074 = vector.shape_cast %swap3A_1073 : vector<1x1x1x16xf32> to vector<16xf32>
        %swap3A_1075 = vector.shape_cast %bitcast_convert_type3A_1027 : vector<16xf32> to vector<1x1x1x16xf32>
        tpu.vector_store %arg8[%swap3A_1069, %swap3A_1070, %swap3A_1071, %swap3A_1072], %swap3A_1075 {add = true, strides = array<i32>} : memref<4x4x8x768xf32, #tpu.memory_space<vmem>>, vector<1x1x1x16xf32>,
        %swap3A_1076 = arith.constant 3 : i32
        %swap3A_1077 = arith.index_cast %rem3A_680 : i32 to index
        %swap3A_1078 = arith.index_cast %swap3A_1076 : i32 to index
        %swap3A_1079 = arith.index_cast %add3A_842 : i32 to index
        %swap3A_1080 = arith.constant 64 : index
        %swap3A_1081 = tpu.vector_load %arg8[%swap3A_1077, %swap3A_1078, %swap3A_1079, %swap3A_1080] {strides = array<i32>} : memref<4x4x8x768xf32, #tpu.memory_space<vmem>>, vector<1x1x1x16xf32>,
        %swap3A_1082 = vector.shape_cast %swap3A_1081 : vector<1x1x1x16xf32> to vector<16xf32>
        %swap3A_1083 = vector.shape_cast %bitcast_convert_type3A_1023 : vector<16xf32> to vector<1x1x1x16xf32>
        tpu.vector_store %arg8[%swap3A_1077, %swap3A_1078, %swap3A_1079, %swap3A_1080], %swap3A_1083 {add = true, strides = array<i32>} : memref<4x4x8x768xf32, #tpu.memory_space<vmem>>, vector<1x1x1x16xf32>,
        %swap3A_1084 = arith.constant 3 : i32
        %swap3A_1085 = arith.index_cast %rem3A_680 : i32 to index
        %swap3A_1086 = arith.index_cast %swap3A_1084 : i32 to index
        %swap3A_1087 = arith.index_cast %add3A_842 : i32 to index
        %swap3A_1088 = arith.constant 80 : index
        %swap3A_1089 = tpu.vector_load %arg8[%swap3A_1085, %swap3A_1086, %swap3A_1087, %swap3A_1088] {strides = array<i32>} : memref<4x4x8x768xf32, #tpu.memory_space<vmem>>, vector<1x1x1x16xf32>,
        %swap3A_1090 = vector.shape_cast %swap3A_1089 : vector<1x1x1x16xf32> to vector<16xf32>
        %swap3A_1091 = vector.shape_cast %bitcast_convert_type3A_1027 : vector<16xf32> to vector<1x1x1x16xf32>
        tpu.vector_store %arg8[%swap3A_1085, %swap3A_1086, %swap3A_1087, %swap3A_1088], %swap3A_1091 {add = true, strides = array<i32>} : memref<4x4x8x768xf32, #tpu.memory_space<vmem>>, vector<1x1x1x16xf32>,
        %mul3A_1092 = arith.constant 8 : i32
        %mul3A_1093 = arith.muli %add3A_679, %mul3A_1092 : i32
        %mul3A_1094 = arith.constant 384 : i32
        %mul3A_1095 = arith.muli %mul3A_1093, %mul3A_1094 : i32
        %mul3A_1096 = arith.constant 384 : i32
        %mul3A_1097 = arith.muli %add3A_842, %mul3A_1096 : i32
        %add3A_1098 = arith.addi %mul3A_1095, %mul3A_1097 : i32
        %add3A_1099 = arith.constant 48 : i32
        %add3A_1100 = arith.addi %add3A_1098, %add3A_1099 : i32
        %multiple_of3A_1101 = tpu.assume_multiple %add3A_1100, 16 : i32
        %get3A_1102 = arith.index_cast %multiple_of3A_1101 : i32 to index
        %get3A_1103 = tpu.vector_load %arg7[%get3A_1102] {strides = array<i32>} : memref<24576xi32, #tpu.memory_space<vmem>>, vector<16xi32>,
        %get3A_1104 = vector.shape_cast %get3A_1103 : vector<16xi32> to vector<16xi32>
        %shift_left3A_1105 = arith.constant 16 : i32
        %shift_left3A_1106 = vector.broadcast %shift_left3A_1105 : i32 to vector<16xi32>
        %shift_left3A_1107 = arith.shli %get3A_1104, %shift_left3A_1106 : vector<16xi32>
        %bitcast_convert_type3A_1108 = tpu.bitcast %shift_left3A_1107 : vector<16xi32> -> vector<16xf32>
        %and3A_1109 = arith.constant -65536 : i32
        %and3A_1110 = vector.broadcast %and3A_1109 : i32 to vector<16xi32>
        %and3A_1111 = arith.andi %get3A_1104, %and3A_1110 : vector<16xi32>
        %bitcast_convert_type3A_1112 = tpu.bitcast %and3A_1111 : vector<16xi32> -> vector<16xf32>
        %swap3A_1113 = arith.constant 0 : i32
        %swap3A_1114 = arith.index_cast %rem3A_680 : i32 to index
        %swap3A_1115 = arith.index_cast %swap3A_1113 : i32 to index
        %swap3A_1116 = arith.index_cast %add3A_842 : i32 to index
        %swap3A_1117 = arith.constant 96 : index
        %swap3A_1118 = tpu.vector_load %arg8[%swap3A_1114, %swap3A_1115, %swap3A_1116, %swap3A_1117] {strides = array<i32>} : memref<4x4x8x768xf32, #tpu.memory_space<vmem>>, vector<1x1x1x16xf32>,
        %swap3A_1119 = vector.shape_cast %swap3A_1118 : vector<1x1x1x16xf32> to vector<16xf32>
        %swap3A_1120 = vector.shape_cast %bitcast_convert_type3A_1108 : vector<16xf32> to vector<1x1x1x16xf32>
        tpu.vector_store %arg8[%swap3A_1114, %swap3A_1115, %swap3A_1116, %swap3A_1117], %swap3A_1120 {add = true, strides = array<i32>} : memref<4x4x8x768xf32, #tpu.memory_space<vmem>>, vector<1x1x1x16xf32>,
        %swap3A_1121 = arith.constant 0 : i32
        %swap3A_1122 = arith.index_cast %rem3A_680 : i32 to index
        %swap3A_1123 = arith.index_cast %swap3A_1121 : i32 to index
        %swap3A_1124 = arith.index_cast %add3A_842 : i32 to index
        %swap3A_1125 = arith.constant 112 : index
        %swap3A_1126 = tpu.vector_load %arg8[%swap3A_1122, %swap3A_1123, %swap3A_1124, %swap3A_1125] {strides = array<i32>} : memref<4x4x8x768xf32, #tpu.memory_space<vmem>>, vector<1x1x1x16xf32>,
        %swap3A_1127 = vector.shape_cast %swap3A_1126 : vector<1x1x1x16xf32> to vector<16xf32>
        %swap3A_1128 = vector.shape_cast %bitcast_convert_type3A_1112 : vector<16xf32> to vector<1x1x1x16xf32>
        tpu.vector_store %arg8[%swap3A_1122, %swap3A_1123, %swap3A_1124, %swap3A_1125], %swap3A_1128 {add = true, strides = array<i32>} : memref<4x4x8x768xf32, #tpu.memory_space<vmem>>, vector<1x1x1x16xf32>,
        %swap3A_1129 = arith.constant 1 : i32
        %swap3A_1130 = arith.index_cast %rem3A_680 : i32 to index
        %swap3A_1131 = arith.index_cast %swap3A_1129 : i32 to index
        %swap3A_1132 = arith.index_cast %add3A_842 : i32 to index
        %swap3A_1133 = arith.constant 96 : index
        %swap3A_1134 = tpu.vector_load %arg8[%swap3A_1130, %swap3A_1131, %swap3A_1132, %swap3A_1133] {strides = array<i32>} : memref<4x4x8x768xf32, #tpu.memory_space<vmem>>, vector<1x1x1x16xf32>,
        %swap3A_1135 = vector.shape_cast %swap3A_1134 : vector<1x1x1x16xf32> to vector<16xf32>
        %swap3A_1136 = vector.shape_cast %bitcast_convert_type3A_1108 : vector<16xf32> to vector<1x1x1x16xf32>
        tpu.vector_store %arg8[%swap3A_1130, %swap3A_1131, %swap3A_1132, %swap3A_1133], %swap3A_1136 {add = true, strides = array<i32>} : memref<4x4x8x768xf32, #tpu.memory_space<vmem>>, vector<1x1x1x16xf32>,
        %swap3A_1137 = arith.constant 1 : i32
        %swap3A_1138 = arith.index_cast %rem3A_680 : i32 to index
        %swap3A_1139 = arith.index_cast %swap3A_1137 : i32 to index
        %swap3A_1140 = arith.index_cast %add3A_842 : i32 to index
        %swap3A_1141 = arith.constant 112 : index
        %swap3A_1142 = tpu.vector_load %arg8[%swap3A_1138, %swap3A_1139, %swap3A_1140, %swap3A_1141] {strides = array<i32>} : memref<4x4x8x768xf32, #tpu.memory_space<vmem>>, vector<1x1x1x16xf32>,
        %swap3A_1143 = vector.shape_cast %swap3A_1142 : vector<1x1x1x16xf32> to vector<16xf32>
        %swap3A_1144 = vector.shape_cast %bitcast_convert_type3A_1112 : vector<16xf32> to vector<1x1x1x16xf32>
        tpu.vector_store %arg8[%swap3A_1138, %swap3A_1139, %swap3A_1140, %swap3A_1141], %swap3A_1144 {add = true, strides = array<i32>} : memref<4x4x8x768xf32, #tpu.memory_space<vmem>>, vector<1x1x1x16xf32>,
        %swap3A_1145 = arith.constant 2 : i32
        %swap3A_1146 = arith.index_cast %rem3A_680 : i32 to index
        %swap3A_1147 = arith.index_cast %swap3A_1145 : i32 to index
        %swap3A_1148 = arith.index_cast %add3A_842 : i32 to index
        %swap3A_1149 = arith.constant 96 : index
        %swap3A_1150 = tpu.vector_load %arg8[%swap3A_1146, %swap3A_1147, %swap3A_1148, %swap3A_1149] {strides = array<i32>} : memref<4x4x8x768xf32, #tpu.memory_space<vmem>>, vector<1x1x1x16xf32>,
        %swap3A_1151 = vector.shape_cast %swap3A_1150 : vector<1x1x1x16xf32> to vector<16xf32>
        %swap3A_1152 = vector.shape_cast %bitcast_convert_type3A_1108 : vector<16xf32> to vector<1x1x1x16xf32>
        tpu.vector_store %arg8[%swap3A_1146, %swap3A_1147, %swap3A_1148, %swap3A_1149], %swap3A_1152 {add = true, strides = array<i32>} : memref<4x4x8x768xf32, #tpu.memory_space<vmem>>, vector<1x1x1x16xf32>,
        %swap3A_1153 = arith.constant 2 : i32
        %swap3A_1154 = arith.index_cast %rem3A_680 : i32 to index
        %swap3A_1155 = arith.index_cast %swap3A_1153 : i32 to index
        %swap3A_1156 = arith.index_cast %add3A_842 : i32 to index
        %swap3A_1157 = arith.constant 112 : index
        %swap3A_1158 = tpu.vector_load %arg8[%swap3A_1154, %swap3A_1155, %swap3A_1156, %swap3A_1157] {strides = array<i32>} : memref<4x4x8x768xf32, #tpu.memory_space<vmem>>, vector<1x1x1x16xf32>,
        %swap3A_1159 = vector.shape_cast %swap3A_1158 : vector<1x1x1x16xf32> to vector<16xf32>
        %swap3A_1160 = vector.shape_cast %bitcast_convert_type3A_1112 : vector<16xf32> to vector<1x1x1x16xf32>
        tpu.vector_store %arg8[%swap3A_1154, %swap3A_1155, %swap3A_1156, %swap3A_1157], %swap3A_1160 {add = true, strides = array<i32>} : memref<4x4x8x768xf32, #tpu.memory_space<vmem>>, vector<1x1x1x16xf32>,
        %swap3A_1161 = arith.constant 3 : i32
        %swap3A_1162 = arith.index_cast %rem3A_680 : i32 to index
        %swap3A_1163 = arith.index_cast %swap3A_1161 : i32 to index
        %swap3A_1164 = arith.index_cast %add3A_842 : i32 to index
        %swap3A_1165 = arith.constant 96 : index
        %swap3A_1166 = tpu.vector_load %arg8[%swap3A_1162, %swap3A_1163, %swap3A_1164, %swap3A_1165] {strides = array<i32>} : memref<4x4x8x768xf32, #tpu.memory_space<vmem>>, vector<1x1x1x16xf32>,
        %swap3A_1167 = vector.shape_cast %swap3A_1166 : vector<1x1x1x16xf32> to vector<16xf32>
        %swap3A_1168 = vector.shape_cast %bitcast_convert_type3A_1108 : vector<16xf32> to vector<1x1x1x16xf32>
        tpu.vector_store %arg8[%swap3A_1162, %swap3A_1163, %swap3A_1164, %swap3A_1165], %swap3A_1168 {add = true, strides = array<i32>} : memref<4x4x8x768xf32, #tpu.memory_space<vmem>>, vector<1x1x1x16xf32>,
        %swap3A_1169 = arith.constant 3 : i32
        %swap3A_1170 = arith.index_cast %rem3A_680 : i32 to index
        %swap3A_1171 = arith.index_cast %swap3A_1169 : i32 to index
        %swap3A_1172 = arith.index_cast %add3A_842 : i32 to index
        %swap3A_1173 = arith.constant 112 : index
        %swap3A_1174 = tpu.vector_load %arg8[%swap3A_1170, %swap3A_1171, %swap3A_1172, %swap3A_1173] {strides = array<i32>} : memref<4x4x8x768xf32, #tpu.memory_space<vmem>>, vector<1x1x1x16xf32>,
        %swap3A_1175 = vector.shape_cast %swap3A_1174 : vector<1x1x1x16xf32> to vector<16xf32>
        %swap3A_1176 = vector.shape_cast %bitcast_convert_type3A_1112 : vector<16xf32> to vector<1x1x1x16xf32>
        tpu.vector_store %arg8[%swap3A_1170, %swap3A_1171, %swap3A_1172, %swap3A_1173], %swap3A_1176 {add = true, strides = array<i32>} : memref<4x4x8x768xf32, #tpu.memory_space<vmem>>, vector<1x1x1x16xf32>,
        %mul3A_1177 = arith.constant 8 : i32
        %mul3A_1178 = arith.muli %add3A_679, %mul3A_1177 : i32
        %mul3A_1179 = arith.constant 384 : i32
        %mul3A_1180 = arith.muli %mul3A_1178, %mul3A_1179 : i32
        %mul3A_1181 = arith.constant 384 : i32
        %mul3A_1182 = arith.muli %add3A_842, %mul3A_1181 : i32
        %add3A_1183 = arith.addi %mul3A_1180, %mul3A_1182 : i32
        %add3A_1184 = arith.constant 64 : i32
        %add3A_1185 = arith.addi %add3A_1183, %add3A_1184 : i32
        %multiple_of3A_1186 = tpu.assume_multiple %add3A_1185, 16 : i32
        %get3A_1187 = arith.index_cast %multiple_of3A_1186 : i32 to index
        %get3A_1188 = tpu.vector_load %arg7[%get3A_1187] {strides = array<i32>} : memref<24576xi32, #tpu.memory_space<vmem>>, vector<16xi32>,
        %get3A_1189 = vector.shape_cast %get3A_1188 : vector<16xi32> to vector<16xi32>
        %shift_left3A_1190 = arith.constant 16 : i32
        %shift_left3A_1191 = vector.broadcast %shift_left3A_1190 : i32 to vector<16xi32>
        %shift_left3A_1192 = arith.shli %get3A_1189, %shift_left3A_1191 : vector<16xi32>
        %bitcast_convert_type3A_1193 = tpu.bitcast %shift_left3A_1192 : vector<16xi32> -> vector<16xf32>
        %and3A_1194 = arith.constant -65536 : i32
        %and3A_1195 = vector.broadcast %and3A_1194 : i32 to vector<16xi32>
        %and3A_1196 = arith.andi %get3A_1189, %and3A_1195 : vector<16xi32>
        %bitcast_convert_type3A_1197 = tpu.bitcast %and3A_1196 : vector<16xi32> -> vector<16xf32>
        %swap3A_1198 = arith.constant 0 : i32
        %swap3A_1199 = arith.index_cast %rem3A_680 : i32 to index
        %swap3A_1200 = arith.index_cast %swap3A_1198 : i32 to index
        %swap3A_1201 = arith.index_cast %add3A_842 : i32 to index
        %swap3A_1202 = arith.constant 128 : index
        %swap3A_1203 = tpu.vector_load %arg8[%swap3A_1199, %swap3A_1200, %swap3A_1201, %swap3A_1202] {strides = array<i32>} : memref<4x4x8x768xf32, #tpu.memory_space<vmem>>, vector<1x1x1x16xf32>,
        %swap3A_1204 = vector.shape_cast %swap3A_1203 : vector<1x1x1x16xf32> to vector<16xf32>
        %swap3A_1205 = vector.shape_cast %bitcast_convert_type3A_1193 : vector<16xf32> to vector<1x1x1x16xf32>
        tpu.vector_store %arg8[%swap3A_1199, %swap3A_1200, %swap3A_1201, %swap3A_1202], %swap3A_1205 {add = true, strides = array<i32>} : memref<4x4x8x768xf32, #tpu.memory_space<vmem>>, vector<1x1x1x16xf32>,
        %swap3A_1206 = arith.constant 0 : i32
        %swap3A_1207 = arith.index_cast %rem3A_680 : i32 to index
        %swap3A_1208 = arith.index_cast %swap3A_1206 : i32 to index
        %swap3A_1209 = arith.index_cast %add3A_842 : i32 to index
        %swap3A_1210 = arith.constant 144 : index
        %swap3A_1211 = tpu.vector_load %arg8[%swap3A_1207, %swap3A_1208, %swap3A_1209, %swap3A_1210] {strides = array<i32>} : memref<4x4x8x768xf32, #tpu.memory_space<vmem>>, vector<1x1x1x16xf32>,
        %swap3A_1212 = vector.shape_cast %swap3A_1211 : vector<1x1x1x16xf32> to vector<16xf32>
        %swap3A_1213 = vector.shape_cast %bitcast_convert_type3A_1197 : vector<16xf32> to vector<1x1x1x16xf32>
        tpu.vector_store %arg8[%swap3A_1207, %swap3A_1208, %swap3A_1209, %swap3A_1210], %swap3A_1213 {add = true, strides = array<i32>} : memref<4x4x8x768xf32, #tpu.memory_space<vmem>>, vector<1x1x1x16xf32>,
        %swap3A_1214 = arith.constant 1 : i32
        %swap3A_1215 = arith.index_cast %rem3A_680 : i32 to index
        %swap3A_1216 = arith.index_cast %swap3A_1214 : i32 to index
        %swap3A_1217 = arith.index_cast %add3A_842 : i32 to index
        %swap3A_1218 = arith.constant 128 : index
        %swap3A_1219 = tpu.vector_load %arg8[%swap3A_1215, %swap3A_1216, %swap3A_1217, %swap3A_1218] {strides = array<i32>} : memref<4x4x8x768xf32, #tpu.memory_space<vmem>>, vector<1x1x1x16xf32>,
        %swap3A_1220 = vector.shape_cast %swap3A_1219 : vector<1x1x1x16xf32> to vector<16xf32>
        %swap3A_1221 = vector.shape_cast %bitcast_convert_type3A_1193 : vector<16xf32> to vector<1x1x1x16xf32>
        tpu.vector_store %arg8[%swap3A_1215, %swap3A_1216, %swap3A_1217, %swap3A_1218], %swap3A_1221 {add = true, strides = array<i32>} : memref<4x4x8x768xf32, #tpu.memory_space<vmem>>, vector<1x1x1x16xf32>,
        %swap3A_1222 = arith.constant 1 : i32
        %swap3A_1223 = arith.index_cast %rem3A_680 : i32 to index
        %swap3A_1224 = arith.index_cast %swap3A_1222 : i32 to index
        %swap3A_1225 = arith.index_cast %add3A_842 : i32 to index
        %swap3A_1226 = arith.constant 144 : index
        %swap3A_1227 = tpu.vector_load %arg8[%swap3A_1223, %swap3A_1224, %swap3A_1225, %swap3A_1226] {strides = array<i32>} : memref<4x4x8x768xf32, #tpu.memory_space<vmem>>, vector<1x1x1x16xf32>,
        %swap3A_1228 = vector.shape_cast %swap3A_1227 : vector<1x1x1x16xf32> to vector<16xf32>
        %swap3A_1229 = vector.shape_cast %bitcast_convert_type3A_1197 : vector<16xf32> to vector<1x1x1x16xf32>
        tpu.vector_store %arg8[%swap3A_1223, %swap3A_1224, %swap3A_1225, %swap3A_1226], %swap3A_1229 {add = true, strides = array<i32>} : memref<4x4x8x768xf32, #tpu.memory_space<vmem>>, vector<1x1x1x16xf32>,
        %swap3A_1230 = arith.constant 2 : i32
        %swap3A_1231 = arith.index_cast %rem3A_680 : i32 to index
        %swap3A_1232 = arith.index_cast %swap3A_1230 : i32 to index
        %swap3A_1233 = arith.index_cast %add3A_842 : i32 to index
        %swap3A_1234 = arith.constant 128 : index
        %swap3A_1235 = tpu.vector_load %arg8[%swap3A_1231, %swap3A_1232, %swap3A_1233, %swap3A_1234] {strides = array<i32>} : memref<4x4x8x768xf32, #tpu.memory_space<vmem>>, vector<1x1x1x16xf32>,
        %swap3A_1236 = vector.shape_cast %swap3A_1235 : vector<1x1x1x16xf32> to vector<16xf32>
        %swap3A_1237 = vector.shape_cast %bitcast_convert_type3A_1193 : vector<16xf32> to vector<1x1x1x16xf32>
        tpu.vector_store %arg8[%swap3A_1231, %swap3A_1232, %swap3A_1233, %swap3A_1234], %swap3A_1237 {add = true, strides = array<i32>} : memref<4x4x8x768xf32, #tpu.memory_space<vmem>>, vector<1x1x1x16xf32>,
        %swap3A_1238 = arith.constant 2 : i32
        %swap3A_1239 = arith.index_cast %rem3A_680 : i32 to index
        %swap3A_1240 = arith.index_cast %swap3A_1238 : i32 to index
        %swap3A_1241 = arith.index_cast %add3A_842 : i32 to index
        %swap3A_1242 = arith.constant 144 : index
        %swap3A_1243 = tpu.vector_load %arg8[%swap3A_1239, %swap3A_1240, %swap3A_1241, %swap3A_1242] {strides = array<i32>} : memref<4x4x8x768xf32, #tpu.memory_space<vmem>>, vector<1x1x1x16xf32>,
        %swap3A_1244 = vector.shape_cast %swap3A_1243 : vector<1x1x1x16xf32> to vector<16xf32>
        %swap3A_1245 = vector.shape_cast %bitcast_convert_type3A_1197 : vector<16xf32> to vector<1x1x1x16xf32>
        tpu.vector_store %arg8[%swap3A_1239, %swap3A_1240, %swap3A_1241, %swap3A_1242], %swap3A_1245 {add = true, strides = array<i32>} : memref<4x4x8x768xf32, #tpu.memory_space<vmem>>, vector<1x1x1x16xf32>,
        %swap3A_1246 = arith.constant 3 : i32
        %swap3A_1247 = arith.index_cast %rem3A_680 : i32 to index
        %swap3A_1248 = arith.index_cast %swap3A_1246 : i32 to index
        %swap3A_1249 = arith.index_cast %add3A_842 : i32 to index
        %swap3A_1250 = arith.constant 128 : index
        %swap3A_1251 = tpu.vector_load %arg8[%swap3A_1247, %swap3A_1248, %swap3A_1249, %swap3A_1250] {strides = array<i32>} : memref<4x4x8x768xf32, #tpu.memory_space<vmem>>, vector<1x1x1x16xf32>,
        %swap3A_1252 = vector.shape_cast %swap3A_1251 : vector<1x1x1x16xf32> to vector<16xf32>
        %swap3A_1253 = vector.shape_cast %bitcast_convert_type3A_1193 : vector<16xf32> to vector<1x1x1x16xf32>
        tpu.vector_store %arg8[%swap3A_1247, %swap3A_1248, %swap3A_1249, %swap3A_1250], %swap3A_1253 {add = true, strides = array<i32>} : memref<4x4x8x768xf32, #tpu.memory_space<vmem>>, vector<1x1x1x16xf32>,
        %swap3A_1254 = arith.constant 3 : i32
        %swap3A_1255 = arith.index_cast %rem3A_680 : i32 to index
        %swap3A_1256 = arith.index_cast %swap3A_1254 : i32 to index
        %swap3A_1257 = arith.index_cast %add3A_842 : i32 to index
        %swap3A_1258 = arith.constant 144 : index
        %swap3A_1259 = tpu.vector_load %arg8[%swap3A_1255, %swap3A_1256, %swap3A_1257, %swap3A_1258] {strides = array<i32>} : memref<4x4x8x768xf32, #tpu.memory_space<vmem>>, vector<1x1x1x16xf32>,
        %swap3A_1260 = vector.shape_cast %swap3A_1259 : vector<1x1x1x16xf32> to vector<16xf32>
        %swap3A_1261 = vector.shape_cast %bitcast_convert_type3A_1197 : vector<16xf32> to vector<1x1x1x16xf32>
        tpu.vector_store %arg8[%swap3A_1255, %swap3A_1256, %swap3A_1257, %swap3A_1258], %swap3A_1261 {add = true, strides = array<i32>} : memref<4x4x8x768xf32, #tpu.memory_space<vmem>>, vector<1x1x1x16xf32>,
        %mul3A_1262 = arith.constant 8 : i32
        %mul3A_1263 = arith.muli %add3A_679, %mul3A_1262 : i32
        %mul3A_1264 = arith.constant 384 : i32
        %mul3A_1265 = arith.muli %mul3A_1263, %mul3A_1264 : i32
        %mul3A_1266 = arith.constant 384 : i32
        %mul3A_1267 = arith.muli %add3A_842, %mul3A_1266 : i32
        %add3A_1268 = arith.addi %mul3A_1265, %mul3A_1267 : i32
        %add3A_1269 = arith.constant 80 : i32
        %add3A_1270 = arith.addi %add3A_1268, %add3A_1269 : i32
        %multiple_of3A_1271 = tpu.assume_multiple %add3A_1270, 16 : i32
        %get3A_1272 = arith.index_cast %multiple_of3A_1271 : i32 to index
        %get3A_1273 = tpu.vector_load %arg7[%get3A_1272] {strides = array<i32>} : memref<24576xi32, #tpu.memory_space<vmem>>, vector<16xi32>,
        %get3A_1274 = vector.shape_cast %get3A_1273 : vector<16xi32> to vector<16xi32>
        %shift_left3A_1275 = arith.constant 16 : i32
        %shift_left3A_1276 = vector.broadcast %shift_left3A_1275 : i32 to vector<16xi32>
        %shift_left3A_1277 = arith.shli %get3A_1274, %shift_left3A_1276 : vector<16xi32>
        %bitcast_convert_type3A_1278 = tpu.bitcast %shift_left3A_1277 : vector<16xi32> -> vector<16xf32>
        %and3A_1279 = arith.constant -65536 : i32
        %and3A_1280 = vector.broadcast %and3A_1279 : i32 to vector<16xi32>
        %and3A_1281 = arith.andi %get3A_1274, %and3A_1280 : vector<16xi32>
        %bitcast_convert_type3A_1282 = tpu.bitcast %and3A_1281 : vector<16xi32> -> vector<16xf32>
        %swap3A_1283 = arith.constant 0 : i32
        %swap3A_1284 = arith.index_cast %rem3A_680 : i32 to index
        %swap3A_1285 = arith.index_cast %swap3A_1283 : i32 to index
        %swap3A_1286 = arith.index_cast %add3A_842 : i32 to index
        %swap3A_1287 = arith.constant 160 : index
        %swap3A_1288 = tpu.vector_load %arg8[%swap3A_1284, %swap3A_1285, %swap3A_1286, %swap3A_1287] {strides = array<i32>} : memref<4x4x8x768xf32, #tpu.memory_space<vmem>>, vector<1x1x1x16xf32>,
        %swap3A_1289 = vector.shape_cast %swap3A_1288 : vector<1x1x1x16xf32> to vector<16xf32>
        %swap3A_1290 = vector.shape_cast %bitcast_convert_type3A_1278 : vector<16xf32> to vector<1x1x1x16xf32>
        tpu.vector_store %arg8[%swap3A_1284, %swap3A_1285, %swap3A_1286, %swap3A_1287], %swap3A_1290 {add = true, strides = array<i32>} : memref<4x4x8x768xf32, #tpu.memory_space<vmem>>, vector<1x1x1x16xf32>,
        %swap3A_1291 = arith.constant 0 : i32
        %swap3A_1292 = arith.index_cast %rem3A_680 : i32 to index
        %swap3A_1293 = arith.index_cast %swap3A_1291 : i32 to index
        %swap3A_1294 = arith.index_cast %add3A_842 : i32 to index
        %swap3A_1295 = arith.constant 176 : index
        %swap3A_1296 = tpu.vector_load %arg8[%swap3A_1292, %swap3A_1293, %swap3A_1294, %swap3A_1295] {strides = array<i32>} : memref<4x4x8x768xf32, #tpu.memory_space<vmem>>, vector<1x1x1x16xf32>,
        %swap3A_1297 = vector.shape_cast %swap3A_1296 : vector<1x1x1x16xf32> to vector<16xf32>
        %swap3A_1298 = vector.shape_cast %bitcast_convert_type3A_1282 : vector<16xf32> to vector<1x1x1x16xf32>
        tpu.vector_store %arg8[%swap3A_1292, %swap3A_1293, %swap3A_1294, %swap3A_1295], %swap3A_1298 {add = true, strides = array<i32>} : memref<4x4x8x768xf32, #tpu.memory_space<vmem>>, vector<1x1x1x16xf32>,
        %swap3A_1299 = arith.constant 1 : i32
        %swap3A_1300 = arith.index_cast %rem3A_680 : i32 to index
        %swap3A_1301 = arith.index_cast %swap3A_1299 : i32 to index
        %swap3A_1302 = arith.index_cast %add3A_842 : i32 to index
        %swap3A_1303 = arith.constant 160 : index
        %swap3A_1304 = tpu.vector_load %arg8[%swap3A_1300, %swap3A_1301, %swap3A_1302, %swap3A_1303] {strides = array<i32>} : memref<4x4x8x768xf32, #tpu.memory_space<vmem>>, vector<1x1x1x16xf32>,
        %swap3A_1305 = vector.shape_cast %swap3A_1304 : vector<1x1x1x16xf32> to vector<16xf32>
        %swap3A_1306 = vector.shape_cast %bitcast_convert_type3A_1278 : vector<16xf32> to vector<1x1x1x16xf32>
        tpu.vector_store %arg8[%swap3A_1300, %swap3A_1301, %swap3A_1302, %swap3A_1303], %swap3A_1306 {add = true, strides = array<i32>} : memref<4x4x8x768xf32, #tpu.memory_space<vmem>>, vector<1x1x1x16xf32>,
        %swap3A_1307 = arith.constant 1 : i32
        %swap3A_1308 = arith.index_cast %rem3A_680 : i32 to index
        %swap3A_1309 = arith.index_cast %swap3A_1307 : i32 to index
        %swap3A_1310 = arith.index_cast %add3A_842 : i32 to index
        %swap3A_1311 = arith.constant 176 : index
        %swap3A_1312 = tpu.vector_load %arg8[%swap3A_1308, %swap3A_1309, %swap3A_1310, %swap3A_1311] {strides = array<i32>} : memref<4x4x8x768xf32, #tpu.memory_space<vmem>>, vector<1x1x1x16xf32>,
        %swap3A_1313 = vector.shape_cast %swap3A_1312 : vector<1x1x1x16xf32> to vector<16xf32>
        %swap3A_1314 = vector.shape_cast %bitcast_convert_type3A_1282 : vector<16xf32> to vector<1x1x1x16xf32>
        tpu.vector_store %arg8[%swap3A_1308, %swap3A_1309, %swap3A_1310, %swap3A_1311], %swap3A_1314 {add = true, strides = array<i32>} : memref<4x4x8x768xf32, #tpu.memory_space<vmem>>, vector<1x1x1x16xf32>,
        %swap3A_1315 = arith.constant 2 : i32
        %swap3A_1316 = arith.index_cast %rem3A_680 : i32 to index
        %swap3A_1317 = arith.index_cast %swap3A_1315 : i32 to index
        %swap3A_1318 = arith.index_cast %add3A_842 : i32 to index
        %swap3A_1319 = arith.constant 160 : index
        %swap3A_1320 = tpu.vector_load %arg8[%swap3A_1316, %swap3A_1317, %swap3A_1318, %swap3A_1319] {strides = array<i32>} : memref<4x4x8x768xf32, #tpu.memory_space<vmem>>, vector<1x1x1x16xf32>,
        %swap3A_1321 = vector.shape_cast %swap3A_1320 : vector<1x1x1x16xf32> to vector<16xf32>
        %swap3A_1322 = vector.shape_cast %bitcast_convert_type3A_1278 : vector<16xf32> to vector<1x1x1x16xf32>
        tpu.vector_store %arg8[%swap3A_1316, %swap3A_1317, %swap3A_1318, %swap3A_1319], %swap3A_1322 {add = true, strides = array<i32>} : memref<4x4x8x768xf32, #tpu.memory_space<vmem>>, vector<1x1x1x16xf32>,
        %swap3A_1323 = arith.constant 2 : i32
        %swap3A_1324 = arith.index_cast %rem3A_680 : i32 to index
        %swap3A_1325 = arith.index_cast %swap3A_1323 : i32 to index
        %swap3A_1326 = arith.index_cast %add3A_842 : i32 to index
        %swap3A_1327 = arith.constant 176 : index
        %swap3A_1328 = tpu.vector_load %arg8[%swap3A_1324, %swap3A_1325, %swap3A_1326, %swap3A_1327] {strides = array<i32>} : memref<4x4x8x768xf32, #tpu.memory_space<vmem>>, vector<1x1x1x16xf32>,
        %swap3A_1329 = vector.shape_cast %swap3A_1328 : vector<1x1x1x16xf32> to vector<16xf32>
        %swap3A_1330 = vector.shape_cast %bitcast_convert_type3A_1282 : vector<16xf32> to vector<1x1x1x16xf32>
        tpu.vector_store %arg8[%swap3A_1324, %swap3A_1325, %swap3A_1326, %swap3A_1327], %swap3A_1330 {add = true, strides = array<i32>} : memref<4x4x8x768xf32, #tpu.memory_space<vmem>>, vector<1x1x1x16xf32>,
        %swap3A_1331 = arith.constant 3 : i32
        %swap3A_1332 = arith.index_cast %rem3A_680 : i32 to index
        %swap3A_1333 = arith.index_cast %swap3A_1331 : i32 to index
        %swap3A_1334 = arith.index_cast %add3A_842 : i32 to index
        %swap3A_1335 = arith.constant 160 : index
        %swap3A_1336 = tpu.vector_load %arg8[%swap3A_1332, %swap3A_1333, %swap3A_1334, %swap3A_1335] {strides = array<i32>} : memref<4x4x8x768xf32, #tpu.memory_space<vmem>>, vector<1x1x1x16xf32>,
        %swap3A_1337 = vector.shape_cast %swap3A_1336 : vector<1x1x1x16xf32> to vector<16xf32>
        %swap3A_1338 = vector.shape_cast %bitcast_convert_type3A_1278 : vector<16xf32> to vector<1x1x1x16xf32>
        tpu.vector_store %arg8[%swap3A_1332, %swap3A_1333, %swap3A_1334, %swap3A_1335], %swap3A_1338 {add = true, strides = array<i32>} : memref<4x4x8x768xf32, #tpu.memory_space<vmem>>, vector<1x1x1x16xf32>,
        %swap3A_1339 = arith.constant 3 : i32
        %swap3A_1340 = arith.index_cast %rem3A_680 : i32 to index
        %swap3A_1341 = arith.index_cast %swap3A_1339 : i32 to index
        %swap3A_1342 = arith.index_cast %add3A_842 : i32 to index
        %swap3A_1343 = arith.constant 176 : index
        %swap3A_1344 = tpu.vector_load %arg8[%swap3A_1340, %swap3A_1341, %swap3A_1342, %swap3A_1343] {strides = array<i32>} : memref<4x4x8x768xf32, #tpu.memory_space<vmem>>, vector<1x1x1x16xf32>,
        %swap3A_1345 = vector.shape_cast %swap3A_1344 : vector<1x1x1x16xf32> to vector<16xf32>
        %swap3A_1346 = vector.shape_cast %bitcast_convert_type3A_1282 : vector<16xf32> to vector<1x1x1x16xf32>
        tpu.vector_store %arg8[%swap3A_1340, %swap3A_1341, %swap3A_1342, %swap3A_1343], %swap3A_1346 {add = true, strides = array<i32>} : memref<4x4x8x768xf32, #tpu.memory_space<vmem>>, vector<1x1x1x16xf32>,
        %mul3A_1347 = arith.constant 8 : i32
        %mul3A_1348 = arith.muli %add3A_679, %mul3A_1347 : i32
        %mul3A_1349 = arith.constant 384 : i32
        %mul3A_1350 = arith.muli %mul3A_1348, %mul3A_1349 : i32
        %mul3A_1351 = arith.constant 384 : i32
        %mul3A_1352 = arith.muli %add3A_842, %mul3A_1351 : i32
        %add3A_1353 = arith.addi %mul3A_1350, %mul3A_1352 : i32
        %add3A_1354 = arith.constant 96 : i32
        %add3A_1355 = arith.addi %add3A_1353, %add3A_1354 : i32
        %multiple_of3A_1356 = tpu.assume_multiple %add3A_1355, 16 : i32
        %get3A_1357 = arith.index_cast %multiple_of3A_1356 : i32 to index
        %get3A_1358 = tpu.vector_load %arg7[%get3A_1357] {strides = array<i32>} : memref<24576xi32, #tpu.memory_space<vmem>>, vector<16xi32>,
        %get3A_1359 = vector.shape_cast %get3A_1358 : vector<16xi32> to vector<16xi32>
        %shift_left3A_1360 = arith.constant 16 : i32
        %shift_left3A_1361 = vector.broadcast %shift_left3A_1360 : i32 to vector<16xi32>
        %shift_left3A_1362 = arith.shli %get3A_1359, %shift_left3A_1361 : vector<16xi32>
        %bitcast_convert_type3A_1363 = tpu.bitcast %shift_left3A_1362 : vector<16xi32> -> vector<16xf32>
        %and3A_1364 = arith.constant -65536 : i32
        %and3A_1365 = vector.broadcast %and3A_1364 : i32 to vector<16xi32>
        %and3A_1366 = arith.andi %get3A_1359, %and3A_1365 : vector<16xi32>
        %bitcast_convert_type3A_1367 = tpu.bitcast %and3A_1366 : vector<16xi32> -> vector<16xf32>
        %swap3A_1368 = arith.constant 0 : i32
        %swap3A_1369 = arith.index_cast %rem3A_680 : i32 to index
        %swap3A_1370 = arith.index_cast %swap3A_1368 : i32 to index
        %swap3A_1371 = arith.index_cast %add3A_842 : i32 to index
        %swap3A_1372 = arith.constant 192 : index
        %swap3A_1373 = tpu.vector_load %arg8[%swap3A_1369, %swap3A_1370, %swap3A_1371, %swap3A_1372] {strides = array<i32>} : memref<4x4x8x768xf32, #tpu.memory_space<vmem>>, vector<1x1x1x16xf32>,
        %swap3A_1374 = vector.shape_cast %swap3A_1373 : vector<1x1x1x16xf32> to vector<16xf32>
        %swap3A_1375 = vector.shape_cast %bitcast_convert_type3A_1363 : vector<16xf32> to vector<1x1x1x16xf32>
        tpu.vector_store %arg8[%swap3A_1369, %swap3A_1370, %swap3A_1371, %swap3A_1372], %swap3A_1375 {add = true, strides = array<i32>} : memref<4x4x8x768xf32, #tpu.memory_space<vmem>>, vector<1x1x1x16xf32>,
        %swap3A_1376 = arith.constant 0 : i32
        %swap3A_1377 = arith.index_cast %rem3A_680 : i32 to index
        %swap3A_1378 = arith.index_cast %swap3A_1376 : i32 to index
        %swap3A_1379 = arith.index_cast %add3A_842 : i32 to index
        %swap3A_1380 = arith.constant 208 : index
        %swap3A_1381 = tpu.vector_load %arg8[%swap3A_1377, %swap3A_1378, %swap3A_1379, %swap3A_1380] {strides = array<i32>} : memref<4x4x8x768xf32, #tpu.memory_space<vmem>>, vector<1x1x1x16xf32>,
        %swap3A_1382 = vector.shape_cast %swap3A_1381 : vector<1x1x1x16xf32> to vector<16xf32>
        %swap3A_1383 = vector.shape_cast %bitcast_convert_type3A_1367 : vector<16xf32> to vector<1x1x1x16xf32>
        tpu.vector_store %arg8[%swap3A_1377, %swap3A_1378, %swap3A_1379, %swap3A_1380], %swap3A_1383 {add = true, strides = array<i32>} : memref<4x4x8x768xf32, #tpu.memory_space<vmem>>, vector<1x1x1x16xf32>,
        %swap3A_1384 = arith.constant 1 : i32
        %swap3A_1385 = arith.index_cast %rem3A_680 : i32 to index
        %swap3A_1386 = arith.index_cast %swap3A_1384 : i32 to index
        %swap3A_1387 = arith.index_cast %add3A_842 : i32 to index
        %swap3A_1388 = arith.constant 192 : index
        %swap3A_1389 = tpu.vector_load %arg8[%swap3A_1385, %swap3A_1386, %swap3A_1387, %swap3A_1388] {strides = array<i32>} : memref<4x4x8x768xf32, #tpu.memory_space<vmem>>, vector<1x1x1x16xf32>,
        %swap3A_1390 = vector.shape_cast %swap3A_1389 : vector<1x1x1x16xf32> to vector<16xf32>
        %swap3A_1391 = vector.shape_cast %bitcast_convert_type3A_1363 : vector<16xf32> to vector<1x1x1x16xf32>
        tpu.vector_store %arg8[%swap3A_1385, %swap3A_1386, %swap3A_1387, %swap3A_1388], %swap3A_1391 {add = true, strides = array<i32>} : memref<4x4x8x768xf32, #tpu.memory_space<vmem>>, vector<1x1x1x16xf32>,
        %swap3A_1392 = arith.constant 1 : i32
        %swap3A_1393 = arith.index_cast %rem3A_680 : i32 to index
        %swap3A_1394 = arith.index_cast %swap3A_1392 : i32 to index
        %swap3A_1395 = arith.index_cast %add3A_842 : i32 to index
        %swap3A_1396 = arith.constant 208 : index
        %swap3A_1397 = tpu.vector_load %arg8[%swap3A_1393, %swap3A_1394, %swap3A_1395, %swap3A_1396] {strides = array<i32>} : memref<4x4x8x768xf32, #tpu.memory_space<vmem>>, vector<1x1x1x16xf32>,
        %swap3A_1398 = vector.shape_cast %swap3A_1397 : vector<1x1x1x16xf32> to vector<16xf32>
        %swap3A_1399 = vector.shape_cast %bitcast_convert_type3A_1367 : vector<16xf32> to vector<1x1x1x16xf32>
        tpu.vector_store %arg8[%swap3A_1393, %swap3A_1394, %swap3A_1395, %swap3A_1396], %swap3A_1399 {add = true, strides = array<i32>} : memref<4x4x8x768xf32, #tpu.memory_space<vmem>>, vector<1x1x1x16xf32>,
        %swap3A_1400 = arith.constant 2 : i32
        %swap3A_1401 = arith.index_cast %rem3A_680 : i32 to index
        %swap3A_1402 = arith.index_cast %swap3A_1400 : i32 to index
        %swap3A_1403 = arith.index_cast %add3A_842 : i32 to index
        %swap3A_1404 = arith.constant 192 : index
        %swap3A_1405 = tpu.vector_load %arg8[%swap3A_1401, %swap3A_1402, %swap3A_1403, %swap3A_1404] {strides = array<i32>} : memref<4x4x8x768xf32, #tpu.memory_space<vmem>>, vector<1x1x1x16xf32>,
        %swap3A_1406 = vector.shape_cast %swap3A_1405 : vector<1x1x1x16xf32> to vector<16xf32>
        %swap3A_1407 = vector.shape_cast %bitcast_convert_type3A_1363 : vector<16xf32> to vector<1x1x1x16xf32>
        tpu.vector_store %arg8[%swap3A_1401, %swap3A_1402, %swap3A_1403, %swap3A_1404], %swap3A_1407 {add = true, strides = array<i32>} : memref<4x4x8x768xf32, #tpu.memory_space<vmem>>, vector<1x1x1x16xf32>,
        %swap3A_1408 = arith.constant 2 : i32
        %swap3A_1409 = arith.index_cast %rem3A_680 : i32 to index
        %swap3A_1410 = arith.index_cast %swap3A_1408 : i32 to index
        %swap3A_1411 = arith.index_cast %add3A_842 : i32 to index
        %swap3A_1412 = arith.constant 208 : index
        %swap3A_1413 = tpu.vector_load %arg8[%swap3A_1409, %swap3A_1410, %swap3A_1411, %swap3A_1412] {strides = array<i32>} : memref<4x4x8x768xf32, #tpu.memory_space<vmem>>, vector<1x1x1x16xf32>,
        %swap3A_1414 = vector.shape_cast %swap3A_1413 : vector<1x1x1x16xf32> to vector<16xf32>
        %swap3A_1415 = vector.shape_cast %bitcast_convert_type3A_1367 : vector<16xf32> to vector<1x1x1x16xf32>
        tpu.vector_store %arg8[%swap3A_1409, %swap3A_1410, %swap3A_1411, %swap3A_1412], %swap3A_1415 {add = true, strides = array<i32>} : memref<4x4x8x768xf32, #tpu.memory_space<vmem>>, vector<1x1x1x16xf32>,
        %swap3A_1416 = arith.constant 3 : i32
        %swap3A_1417 = arith.index_cast %rem3A_680 : i32 to index
        %swap3A_1418 = arith.index_cast %swap3A_1416 : i32 to index
        %swap3A_1419 = arith.index_cast %add3A_842 : i32 to index
        %swap3A_1420 = arith.constant 192 : index
        %swap3A_1421 = tpu.vector_load %arg8[%swap3A_1417, %swap3A_1418, %swap3A_1419, %swap3A_1420] {strides = array<i32>} : memref<4x4x8x768xf32, #tpu.memory_space<vmem>>, vector<1x1x1x16xf32>,
        %swap3A_1422 = vector.shape_cast %swap3A_1421 : vector<1x1x1x16xf32> to vector<16xf32>
        %swap3A_1423 = vector.shape_cast %bitcast_convert_type3A_1363 : vector<16xf32> to vector<1x1x1x16xf32>
        tpu.vector_store %arg8[%swap3A_1417, %swap3A_1418, %swap3A_1419, %swap3A_1420], %swap3A_1423 {add = true, strides = array<i32>} : memref<4x4x8x768xf32, #tpu.memory_space<vmem>>, vector<1x1x1x16xf32>,
        %swap3A_1424 = arith.constant 3 : i32
        %swap3A_1425 = arith.index_cast %rem3A_680 : i32 to index
        %swap3A_1426 = arith.index_cast %swap3A_1424 : i32 to index
        %swap3A_1427 = arith.index_cast %add3A_842 : i32 to index
        %swap3A_1428 = arith.constant 208 : index
        %swap3A_1429 = tpu.vector_load %arg8[%swap3A_1425, %swap3A_1426, %swap3A_1427, %swap3A_1428] {strides = array<i32>} : memref<4x4x8x768xf32, #tpu.memory_space<vmem>>, vector<1x1x1x16xf32>,
        %swap3A_1430 = vector.shape_cast %swap3A_1429 : vector<1x1x1x16xf32> to vector<16xf32>
        %swap3A_1431 = vector.shape_cast %bitcast_convert_type3A_1367 : vector<16xf32> to vector<1x1x1x16xf32>
        tpu.vector_store %arg8[%swap3A_1425, %swap3A_1426, %swap3A_1427, %swap3A_1428], %swap3A_1431 {add = true, strides = array<i32>} : memref<4x4x8x768xf32, #tpu.memory_space<vmem>>, vector<1x1x1x16xf32>,
        %mul3A_1432 = arith.constant 8 : i32
        %mul3A_1433 = arith.muli %add3A_679, %mul3A_1432 : i32
        %mul3A_1434 = arith.constant 384 : i32
        %mul3A_1435 = arith.muli %mul3A_1433, %mul3A_1434 : i32
        %mul3A_1436 = arith.constant 384 : i32
        %mul3A_1437 = arith.muli %add3A_842, %mul3A_1436 : i32
        %add3A_1438 = arith.addi %mul3A_1435, %mul3A_1437 : i32
        %add3A_1439 = arith.constant 112 : i32
        %add3A_1440 = arith.addi %add3A_1438, %add3A_1439 : i32
        %multiple_of3A_1441 = tpu.assume_multiple %add3A_1440, 16 : i32
        %get3A_1442 = arith.index_cast %multiple_of3A_1441 : i32 to index
        %get3A_1443 = tpu.vector_load %arg7[%get3A_1442] {strides = array<i32>} : memref<24576xi32, #tpu.memory_space<vmem>>, vector<16xi32>,
        %get3A_1444 = vector.shape_cast %get3A_1443 : vector<16xi32> to vector<16xi32>
        %shift_left3A_1445 = arith.constant 16 : i32
        %shift_left3A_1446 = vector.broadcast %shift_left3A_1445 : i32 to vector<16xi32>
        %shift_left3A_1447 = arith.shli %get3A_1444, %shift_left3A_1446 : vector<16xi32>
        %bitcast_convert_type3A_1448 = tpu.bitcast %shift_left3A_1447 : vector<16xi32> -> vector<16xf32>
        %and3A_1449 = arith.constant -65536 : i32
        %and3A_1450 = vector.broadcast %and3A_1449 : i32 to vector<16xi32>
        %and3A_1451 = arith.andi %get3A_1444, %and3A_1450 : vector<16xi32>
        %bitcast_convert_type3A_1452 = tpu.bitcast %and3A_1451 : vector<16xi32> -> vector<16xf32>
        %swap3A_1453 = arith.constant 0 : i32
        %swap3A_1454 = arith.index_cast %rem3A_680 : i32 to index
        %swap3A_1455 = arith.index_cast %swap3A_1453 : i32 to index
        %swap3A_1456 = arith.index_cast %add3A_842 : i32 to index
        %swap3A_1457 = arith.constant 224 : index
        %swap3A_1458 = tpu.vector_load %arg8[%swap3A_1454, %swap3A_1455, %swap3A_1456, %swap3A_1457] {strides = array<i32>} : memref<4x4x8x768xf32, #tpu.memory_space<vmem>>, vector<1x1x1x16xf32>,
        %swap3A_1459 = vector.shape_cast %swap3A_1458 : vector<1x1x1x16xf32> to vector<16xf32>
        %swap3A_1460 = vector.shape_cast %bitcast_convert_type3A_1448 : vector<16xf32> to vector<1x1x1x16xf32>
        tpu.vector_store %arg8[%swap3A_1454, %swap3A_1455, %swap3A_1456, %swap3A_1457], %swap3A_1460 {add = true, strides = array<i32>} : memref<4x4x8x768xf32, #tpu.memory_space<vmem>>, vector<1x1x1x16xf32>,
        %swap3A_1461 = arith.constant 0 : i32
        %swap3A_1462 = arith.index_cast %rem3A_680 : i32 to index
        %swap3A_1463 = arith.index_cast %swap3A_1461 : i32 to index
        %swap3A_1464 = arith.index_cast %add3A_842 : i32 to index
        %swap3A_1465 = arith.constant 240 : index
        %swap3A_1466 = tpu.vector_load %arg8[%swap3A_1462, %swap3A_1463, %swap3A_1464, %swap3A_1465] {strides = array<i32>} : memref<4x4x8x768xf32, #tpu.memory_space<vmem>>, vector<1x1x1x16xf32>,
        %swap3A_1467 = vector.shape_cast %swap3A_1466 : vector<1x1x1x16xf32> to vector<16xf32>
        %swap3A_1468 = vector.shape_cast %bitcast_convert_type3A_1452 : vector<16xf32> to vector<1x1x1x16xf32>
        tpu.vector_store %arg8[%swap3A_1462, %swap3A_1463, %swap3A_1464, %swap3A_1465], %swap3A_1468 {add = true, strides = array<i32>} : memref<4x4x8x768xf32, #tpu.memory_space<vmem>>, vector<1x1x1x16xf32>,
        %swap3A_1469 = arith.constant 1 : i32
        %swap3A_1470 = arith.index_cast %rem3A_680 : i32 to index
        %swap3A_1471 = arith.index_cast %swap3A_1469 : i32 to index
        %swap3A_1472 = arith.index_cast %add3A_842 : i32 to index
        %swap3A_1473 = arith.constant 224 : index
        %swap3A_1474 = tpu.vector_load %arg8[%swap3A_1470, %swap3A_1471, %swap3A_1472, %swap3A_1473] {strides = array<i32>} : memref<4x4x8x768xf32, #tpu.memory_space<vmem>>, vector<1x1x1x16xf32>,
        %swap3A_1475 = vector.shape_cast %swap3A_1474 : vector<1x1x1x16xf32> to vector<16xf32>
        %swap3A_1476 = vector.shape_cast %bitcast_convert_type3A_1448 : vector<16xf32> to vector<1x1x1x16xf32>
        tpu.vector_store %arg8[%swap3A_1470, %swap3A_1471, %swap3A_1472, %swap3A_1473], %swap3A_1476 {add = true, strides = array<i32>} : memref<4x4x8x768xf32, #tpu.memory_space<vmem>>, vector<1x1x1x16xf32>,
        %swap3A_1477 = arith.constant 1 : i32
        %swap3A_1478 = arith.index_cast %rem3A_680 : i32 to index
        %swap3A_1479 = arith.index_cast %swap3A_1477 : i32 to index
        %swap3A_1480 = arith.index_cast %add3A_842 : i32 to index
        %swap3A_1481 = arith.constant 240 : index
        %swap3A_1482 = tpu.vector_load %arg8[%swap3A_1478, %swap3A_1479, %swap3A_1480, %swap3A_1481] {strides = array<i32>} : memref<4x4x8x768xf32, #tpu.memory_space<vmem>>, vector<1x1x1x16xf32>,
        %swap3A_1483 = vector.shape_cast %swap3A_1482 : vector<1x1x1x16xf32> to vector<16xf32>
        %swap3A_1484 = vector.shape_cast %bitcast_convert_type3A_1452 : vector<16xf32> to vector<1x1x1x16xf32>
        tpu.vector_store %arg8[%swap3A_1478, %swap3A_1479, %swap3A_1480, %swap3A_1481], %swap3A_1484 {add = true, strides = array<i32>} : memref<4x4x8x768xf32, #tpu.memory_space<vmem>>, vector<1x1x1x16xf32>,
        %swap3A_1485 = arith.constant 2 : i32
        %swap3A_1486 = arith.index_cast %rem3A_680 : i32 to index
        %swap3A_1487 = arith.index_cast %swap3A_1485 : i32 to index
        %swap3A_1488 = arith.index_cast %add3A_842 : i32 to index
        %swap3A_1489 = arith.constant 224 : index
        %swap3A_1490 = tpu.vector_load %arg8[%swap3A_1486, %swap3A_1487, %swap3A_1488, %swap3A_1489] {strides = array<i32>} : memref<4x4x8x768xf32, #tpu.memory_space<vmem>>, vector<1x1x1x16xf32>,
        %swap3A_1491 = vector.shape_cast %swap3A_1490 : vector<1x1x1x16xf32> to vector<16xf32>
        %swap3A_1492 = vector.shape_cast %bitcast_convert_type3A_1448 : vector<16xf32> to vector<1x1x1x16xf32>
        tpu.vector_store %arg8[%swap3A_1486, %swap3A_1487, %swap3A_1488, %swap3A_1489], %swap3A_1492 {add = true, strides = array<i32>} : memref<4x4x8x768xf32, #tpu.memory_space<vmem>>, vector<1x1x1x16xf32>,
        %swap3A_1493 = arith.constant 2 : i32
        %swap3A_1494 = arith.index_cast %rem3A_680 : i32 to index
        %swap3A_1495 = arith.index_cast %swap3A_1493 : i32 to index
        %swap3A_1496 = arith.index_cast %add3A_842 : i32 to index
        %swap3A_1497 = arith.constant 240 : index
        %swap3A_1498 = tpu.vector_load %arg8[%swap3A_1494, %swap3A_1495, %swap3A_1496, %swap3A_1497] {strides = array<i32>} : memref<4x4x8x768xf32, #tpu.memory_space<vmem>>, vector<1x1x1x16xf32>,
        %swap3A_1499 = vector.shape_cast %swap3A_1498 : vector<1x1x1x16xf32> to vector<16xf32>
        %swap3A_1500 = vector.shape_cast %bitcast_convert_type3A_1452 : vector<16xf32> to vector<1x1x1x16xf32>
        tpu.vector_store %arg8[%swap3A_1494, %swap3A_1495, %swap3A_1496, %swap3A_1497], %swap3A_1500 {add = true, strides = array<i32>} : memref<4x4x8x768xf32, #tpu.memory_space<vmem>>, vector<1x1x1x16xf32>,
        %swap3A_1501 = arith.constant 3 : i32
        %swap3A_1502 = arith.index_cast %rem3A_680 : i32 to index
        %swap3A_1503 = arith.index_cast %swap3A_1501 : i32 to index
        %swap3A_1504 = arith.index_cast %add3A_842 : i32 to index
        %swap3A_1505 = arith.constant 224 : index
        %swap3A_1506 = tpu.vector_load %arg8[%swap3A_1502, %swap3A_1503, %swap3A_1504, %swap3A_1505] {strides = array<i32>} : memref<4x4x8x768xf32, #tpu.memory_space<vmem>>, vector<1x1x1x16xf32>,
        %swap3A_1507 = vector.shape_cast %swap3A_1506 : vector<1x1x1x16xf32> to vector<16xf32>
        %swap3A_1508 = vector.shape_cast %bitcast_convert_type3A_1448 : vector<16xf32> to vector<1x1x1x16xf32>
        tpu.vector_store %arg8[%swap3A_1502, %swap3A_1503, %swap3A_1504, %swap3A_1505], %swap3A_1508 {add = true, strides = array<i32>} : memref<4x4x8x768xf32, #tpu.memory_space<vmem>>, vector<1x1x1x16xf32>,
        %swap3A_1509 = arith.constant 3 : i32
        %swap3A_1510 = arith.index_cast %rem3A_680 : i32 to index
        %swap3A_1511 = arith.index_cast %swap3A_1509 : i32 to index
        %swap3A_1512 = arith.index_cast %add3A_842 : i32 to index
        %swap3A_1513 = arith.constant 240 : index
        %swap3A_1514 = tpu.vector_load %arg8[%swap3A_1510, %swap3A_1511, %swap3A_1512, %swap3A_1513] {strides = array<i32>} : memref<4x4x8x768xf32, #tpu.memory_space<vmem>>, vector<1x1x1x16xf32>,
        %swap3A_1515 = vector.shape_cast %swap3A_1514 : vector<1x1x1x16xf32> to vector<16xf32>
        %swap3A_1516 = vector.shape_cast %bitcast_convert_type3A_1452 : vector<16xf32> to vector<1x1x1x16xf32>
        tpu.vector_store %arg8[%swap3A_1510, %swap3A_1511, %swap3A_1512, %swap3A_1513], %swap3A_1516 {add = true, strides = array<i32>} : memref<4x4x8x768xf32, #tpu.memory_space<vmem>>, vector<1x1x1x16xf32>,
        %mul3A_1517 = arith.constant 8 : i32
        %mul3A_1518 = arith.muli %add3A_679, %mul3A_1517 : i32
        %mul3A_1519 = arith.constant 384 : i32
        %mul3A_1520 = arith.muli %mul3A_1518, %mul3A_1519 : i32
        %mul3A_1521 = arith.constant 384 : i32
        %mul3A_1522 = arith.muli %add3A_842, %mul3A_1521 : i32
        %add3A_1523 = arith.addi %mul3A_1520, %mul3A_1522 : i32
        %add3A_1524 = arith.constant 128 : i32
        %add3A_1525 = arith.addi %add3A_1523, %add3A_1524 : i32
        %multiple_of3A_1526 = tpu.assume_multiple %add3A_1525, 16 : i32
        %get3A_1527 = arith.index_cast %multiple_of3A_1526 : i32 to index
        %get3A_1528 = tpu.vector_load %arg7[%get3A_1527] {strides = array<i32>} : memref<24576xi32, #tpu.memory_space<vmem>>, vector<16xi32>,
        %get3A_1529 = vector.shape_cast %get3A_1528 : vector<16xi32> to vector<16xi32>
        %shift_left3A_1530 = arith.constant 16 : i32
        %shift_left3A_1531 = vector.broadcast %shift_left3A_1530 : i32 to vector<16xi32>
        %shift_left3A_1532 = arith.shli %get3A_1529, %shift_left3A_1531 : vector<16xi32>
        %bitcast_convert_type3A_1533 = tpu.bitcast %shift_left3A_1532 : vector<16xi32> -> vector<16xf32>
        %and3A_1534 = arith.constant -65536 : i32
        %and3A_1535 = vector.broadcast %and3A_1534 : i32 to vector<16xi32>
        %and3A_1536 = arith.andi %get3A_1529, %and3A_1535 : vector<16xi32>
        %bitcast_convert_type3A_1537 = tpu.bitcast %and3A_1536 : vector<16xi32> -> vector<16xf32>
        %swap3A_1538 = arith.constant 0 : i32
        %swap3A_1539 = arith.index_cast %rem3A_680 : i32 to index
        %swap3A_1540 = arith.index_cast %swap3A_1538 : i32 to index
        %swap3A_1541 = arith.index_cast %add3A_842 : i32 to index
        %swap3A_1542 = arith.constant 256 : index
        %swap3A_1543 = tpu.vector_load %arg8[%swap3A_1539, %swap3A_1540, %swap3A_1541, %swap3A_1542] {strides = array<i32>} : memref<4x4x8x768xf32, #tpu.memory_space<vmem>>, vector<1x1x1x16xf32>,
        %swap3A_1544 = vector.shape_cast %swap3A_1543 : vector<1x1x1x16xf32> to vector<16xf32>
        %swap3A_1545 = vector.shape_cast %bitcast_convert_type3A_1533 : vector<16xf32> to vector<1x1x1x16xf32>
        tpu.vector_store %arg8[%swap3A_1539, %swap3A_1540, %swap3A_1541, %swap3A_1542], %swap3A_1545 {add = true, strides = array<i32>} : memref<4x4x8x768xf32, #tpu.memory_space<vmem>>, vector<1x1x1x16xf32>,
        %swap3A_1546 = arith.constant 0 : i32
        %swap3A_1547 = arith.index_cast %rem3A_680 : i32 to index
        %swap3A_1548 = arith.index_cast %swap3A_1546 : i32 to index
        %swap3A_1549 = arith.index_cast %add3A_842 : i32 to index
        %swap3A_1550 = arith.constant 272 : index
        %swap3A_1551 = tpu.vector_load %arg8[%swap3A_1547, %swap3A_1548, %swap3A_1549, %swap3A_1550] {strides = array<i32>} : memref<4x4x8x768xf32, #tpu.memory_space<vmem>>, vector<1x1x1x16xf32>,
        %swap3A_1552 = vector.shape_cast %swap3A_1551 : vector<1x1x1x16xf32> to vector<16xf32>
        %swap3A_1553 = vector.shape_cast %bitcast_convert_type3A_1537 : vector<16xf32> to vector<1x1x1x16xf32>
        tpu.vector_store %arg8[%swap3A_1547, %swap3A_1548, %swap3A_1549, %swap3A_1550], %swap3A_1553 {add = true, strides = array<i32>} : memref<4x4x8x768xf32, #tpu.memory_space<vmem>>, vector<1x1x1x16xf32>,
        %swap3A_1554 = arith.constant 1 : i32
        %swap3A_1555 = arith.index_cast %rem3A_680 : i32 to index
        %swap3A_1556 = arith.index_cast %swap3A_1554 : i32 to index
        %swap3A_1557 = arith.index_cast %add3A_842 : i32 to index
        %swap3A_1558 = arith.constant 256 : index
        %swap3A_1559 = tpu.vector_load %arg8[%swap3A_1555, %swap3A_1556, %swap3A_1557, %swap3A_1558] {strides = array<i32>} : memref<4x4x8x768xf32, #tpu.memory_space<vmem>>, vector<1x1x1x16xf32>,
        %swap3A_1560 = vector.shape_cast %swap3A_1559 : vector<1x1x1x16xf32> to vector<16xf32>
        %swap3A_1561 = vector.shape_cast %bitcast_convert_type3A_1533 : vector<16xf32> to vector<1x1x1x16xf32>
        tpu.vector_store %arg8[%swap3A_1555, %swap3A_1556, %swap3A_1557, %swap3A_1558], %swap3A_1561 {add = true, strides = array<i32>} : memref<4x4x8x768xf32, #tpu.memory_space<vmem>>, vector<1x1x1x16xf32>,
        %swap3A_1562 = arith.constant 1 : i32
        %swap3A_1563 = arith.index_cast %rem3A_680 : i32 to index
        %swap3A_1564 = arith.index_cast %swap3A_1562 : i32 to index
        %swap3A_1565 = arith.index_cast %add3A_842 : i32 to index
        %swap3A_1566 = arith.constant 272 : index
        %swap3A_1567 = tpu.vector_load %arg8[%swap3A_1563, %swap3A_1564, %swap3A_1565, %swap3A_1566] {strides = array<i32>} : memref<4x4x8x768xf32, #tpu.memory_space<vmem>>, vector<1x1x1x16xf32>,
        %swap3A_1568 = vector.shape_cast %swap3A_1567 : vector<1x1x1x16xf32> to vector<16xf32>
        %swap3A_1569 = vector.shape_cast %bitcast_convert_type3A_1537 : vector<16xf32> to vector<1x1x1x16xf32>
        tpu.vector_store %arg8[%swap3A_1563, %swap3A_1564, %swap3A_1565, %swap3A_1566], %swap3A_1569 {add = true, strides = array<i32>} : memref<4x4x8x768xf32, #tpu.memory_space<vmem>>, vector<1x1x1x16xf32>,
        %swap3A_1570 = arith.constant 2 : i32
        %swap3A_1571 = arith.index_cast %rem3A_680 : i32 to index
        %swap3A_1572 = arith.index_cast %swap3A_1570 : i32 to index
        %swap3A_1573 = arith.index_cast %add3A_842 : i32 to index
        %swap3A_1574 = arith.constant 256 : index
        %swap3A_1575 = tpu.vector_load %arg8[%swap3A_1571, %swap3A_1572, %swap3A_1573, %swap3A_1574] {strides = array<i32>} : memref<4x4x8x768xf32, #tpu.memory_space<vmem>>, vector<1x1x1x16xf32>,
        %swap3A_1576 = vector.shape_cast %swap3A_1575 : vector<1x1x1x16xf32> to vector<16xf32>
        %swap3A_1577 = vector.shape_cast %bitcast_convert_type3A_1533 : vector<16xf32> to vector<1x1x1x16xf32>
        tpu.vector_store %arg8[%swap3A_1571, %swap3A_1572, %swap3A_1573, %swap3A_1574], %swap3A_1577 {add = true, strides = array<i32>} : memref<4x4x8x768xf32, #tpu.memory_space<vmem>>, vector<1x1x1x16xf32>,
        %swap3A_1578 = arith.constant 2 : i32
        %swap3A_1579 = arith.index_cast %rem3A_680 : i32 to index
        %swap3A_1580 = arith.index_cast %swap3A_1578 : i32 to index
        %swap3A_1581 = arith.index_cast %add3A_842 : i32 to index
        %swap3A_1582 = arith.constant 272 : index
        %swap3A_1583 = tpu.vector_load %arg8[%swap3A_1579, %swap3A_1580, %swap3A_1581, %swap3A_1582] {strides = array<i32>} : memref<4x4x8x768xf32, #tpu.memory_space<vmem>>, vector<1x1x1x16xf32>,
        %swap3A_1584 = vector.shape_cast %swap3A_1583 : vector<1x1x1x16xf32> to vector<16xf32>
        %swap3A_1585 = vector.shape_cast %bitcast_convert_type3A_1537 : vector<16xf32> to vector<1x1x1x16xf32>
        tpu.vector_store %arg8[%swap3A_1579, %swap3A_1580, %swap3A_1581, %swap3A_1582], %swap3A_1585 {add = true, strides = array<i32>} : memref<4x4x8x768xf32, #tpu.memory_space<vmem>>, vector<1x1x1x16xf32>,
        %swap3A_1586 = arith.constant 3 : i32
        %swap3A_1587 = arith.index_cast %rem3A_680 : i32 to index
        %swap3A_1588 = arith.index_cast %swap3A_1586 : i32 to index
        %swap3A_1589 = arith.index_cast %add3A_842 : i32 to index
        %swap3A_1590 = arith.constant 256 : index
        %swap3A_1591 = tpu.vector_load %arg8[%swap3A_1587, %swap3A_1588, %swap3A_1589, %swap3A_1590] {strides = array<i32>} : memref<4x4x8x768xf32, #tpu.memory_space<vmem>>, vector<1x1x1x16xf32>,
        %swap3A_1592 = vector.shape_cast %swap3A_1591 : vector<1x1x1x16xf32> to vector<16xf32>
        %swap3A_1593 = vector.shape_cast %bitcast_convert_type3A_1533 : vector<16xf32> to vector<1x1x1x16xf32>
        tpu.vector_store %arg8[%swap3A_1587, %swap3A_1588, %swap3A_1589, %swap3A_1590], %swap3A_1593 {add = true, strides = array<i32>} : memref<4x4x8x768xf32, #tpu.memory_space<vmem>>, vector<1x1x1x16xf32>,
        %swap3A_1594 = arith.constant 3 : i32
        %swap3A_1595 = arith.index_cast %rem3A_680 : i32 to index
        %swap3A_1596 = arith.index_cast %swap3A_1594 : i32 to index
        %swap3A_1597 = arith.index_cast %add3A_842 : i32 to index
        %swap3A_1598 = arith.constant 272 : index
        %swap3A_1599 = tpu.vector_load %arg8[%swap3A_1595, %swap3A_1596, %swap3A_1597, %swap3A_1598] {strides = array<i32>} : memref<4x4x8x768xf32, #tpu.memory_space<vmem>>, vector<1x1x1x16xf32>,
        %swap3A_1600 = vector.shape_cast %swap3A_1599 : vector<1x1x1x16xf32> to vector<16xf32>
        %swap3A_1601 = vector.shape_cast %bitcast_convert_type3A_1537 : vector<16xf32> to vector<1x1x1x16xf32>
        tpu.vector_store %arg8[%swap3A_1595, %swap3A_1596, %swap3A_1597, %swap3A_1598], %swap3A_1601 {add = true, strides = array<i32>} : memref<4x4x8x768xf32, #tpu.memory_space<vmem>>, vector<1x1x1x16xf32>,
        %mul3A_1602 = arith.constant 8 : i32
        %mul3A_1603 = arith.muli %add3A_679, %mul3A_1602 : i32
        %mul3A_1604 = arith.constant 384 : i32
        %mul3A_1605 = arith.muli %mul3A_1603, %mul3A_1604 : i32
        %mul3A_1606 = arith.constant 384 : i32
        %mul3A_1607 = arith.muli %add3A_842, %mul3A_1606 : i32
        %add3A_1608 = arith.addi %mul3A_1605, %mul3A_1607 : i32
        %add3A_1609 = arith.constant 144 : i32
        %add3A_1610 = arith.addi %add3A_1608, %add3A_1609 : i32
        %multiple_of3A_1611 = tpu.assume_multiple %add3A_1610, 16 : i32
        %get3A_1612 = arith.index_cast %multiple_of3A_1611 : i32 to index
        %get3A_1613 = tpu.vector_load %arg7[%get3A_1612] {strides = array<i32>} : memref<24576xi32, #tpu.memory_space<vmem>>, vector<16xi32>,
        %get3A_1614 = vector.shape_cast %get3A_1613 : vector<16xi32> to vector<16xi32>
        %shift_left3A_1615 = arith.constant 16 : i32
        %shift_left3A_1616 = vector.broadcast %shift_left3A_1615 : i32 to vector<16xi32>
        %shift_left3A_1617 = arith.shli %get3A_1614, %shift_left3A_1616 : vector<16xi32>
        %bitcast_convert_type3A_1618 = tpu.bitcast %shift_left3A_1617 : vector<16xi32> -> vector<16xf32>
        %and3A_1619 = arith.constant -65536 : i32
        %and3A_1620 = vector.broadcast %and3A_1619 : i32 to vector<16xi32>
        %and3A_1621 = arith.andi %get3A_1614, %and3A_1620 : vector<16xi32>
        %bitcast_convert_type3A_1622 = tpu.bitcast %and3A_1621 : vector<16xi32> -> vector<16xf32>
        %swap3A_1623 = arith.constant 0 : i32
        %swap3A_1624 = arith.index_cast %rem3A_680 : i32 to index
        %swap3A_1625 = arith.index_cast %swap3A_1623 : i32 to index
        %swap3A_1626 = arith.index_cast %add3A_842 : i32 to index
        %swap3A_1627 = arith.constant 288 : index
        %swap3A_1628 = tpu.vector_load %arg8[%swap3A_1624, %swap3A_1625, %swap3A_1626, %swap3A_1627] {strides = array<i32>} : memref<4x4x8x768xf32, #tpu.memory_space<vmem>>, vector<1x1x1x16xf32>,
        %swap3A_1629 = vector.shape_cast %swap3A_1628 : vector<1x1x1x16xf32> to vector<16xf32>
        %swap3A_1630 = vector.shape_cast %bitcast_convert_type3A_1618 : vector<16xf32> to vector<1x1x1x16xf32>
        tpu.vector_store %arg8[%swap3A_1624, %swap3A_1625, %swap3A_1626, %swap3A_1627], %swap3A_1630 {add = true, strides = array<i32>} : memref<4x4x8x768xf32, #tpu.memory_space<vmem>>, vector<1x1x1x16xf32>,
        %swap3A_1631 = arith.constant 0 : i32
        %swap3A_1632 = arith.index_cast %rem3A_680 : i32 to index
        %swap3A_1633 = arith.index_cast %swap3A_1631 : i32 to index
        %swap3A_1634 = arith.index_cast %add3A_842 : i32 to index
        %swap3A_1635 = arith.constant 304 : index
        %swap3A_1636 = tpu.vector_load %arg8[%swap3A_1632, %swap3A_1633, %swap3A_1634, %swap3A_1635] {strides = array<i32>} : memref<4x4x8x768xf32, #tpu.memory_space<vmem>>, vector<1x1x1x16xf32>,
        %swap3A_1637 = vector.shape_cast %swap3A_1636 : vector<1x1x1x16xf32> to vector<16xf32>
        %swap3A_1638 = vector.shape_cast %bitcast_convert_type3A_1622 : vector<16xf32> to vector<1x1x1x16xf32>
        tpu.vector_store %arg8[%swap3A_1632, %swap3A_1633, %swap3A_1634, %swap3A_1635], %swap3A_1638 {add = true, strides = array<i32>} : memref<4x4x8x768xf32, #tpu.memory_space<vmem>>, vector<1x1x1x16xf32>,
        %swap3A_1639 = arith.constant 1 : i32
        %swap3A_1640 = arith.index_cast %rem3A_680 : i32 to index
        %swap3A_1641 = arith.index_cast %swap3A_1639 : i32 to index
        %swap3A_1642 = arith.index_cast %add3A_842 : i32 to index
        %swap3A_1643 = arith.constant 288 : index
        %swap3A_1644 = tpu.vector_load %arg8[%swap3A_1640, %swap3A_1641, %swap3A_1642, %swap3A_1643] {strides = array<i32>} : memref<4x4x8x768xf32, #tpu.memory_space<vmem>>, vector<1x1x1x16xf32>,
        %swap3A_1645 = vector.shape_cast %swap3A_1644 : vector<1x1x1x16xf32> to vector<16xf32>
        %swap3A_1646 = vector.shape_cast %bitcast_convert_type3A_1618 : vector<16xf32> to vector<1x1x1x16xf32>
        tpu.vector_store %arg8[%swap3A_1640, %swap3A_1641, %swap3A_1642, %swap3A_1643], %swap3A_1646 {add = true, strides = array<i32>} : memref<4x4x8x768xf32, #tpu.memory_space<vmem>>, vector<1x1x1x16xf32>,
        %swap3A_1647 = arith.constant 1 : i32
        %swap3A_1648 = arith.index_cast %rem3A_680 : i32 to index
        %swap3A_1649 = arith.index_cast %swap3A_1647 : i32 to index
        %swap3A_1650 = arith.index_cast %add3A_842 : i32 to index
        %swap3A_1651 = arith.constant 304 : index
        %swap3A_1652 = tpu.vector_load %arg8[%swap3A_1648, %swap3A_1649, %swap3A_1650, %swap3A_1651] {strides = array<i32>} : memref<4x4x8x768xf32, #tpu.memory_space<vmem>>, vector<1x1x1x16xf32>,
        %swap3A_1653 = vector.shape_cast %swap3A_1652 : vector<1x1x1x16xf32> to vector<16xf32>
        %swap3A_1654 = vector.shape_cast %bitcast_convert_type3A_1622 : vector<16xf32> to vector<1x1x1x16xf32>
        tpu.vector_store %arg8[%swap3A_1648, %swap3A_1649, %swap3A_1650, %swap3A_1651], %swap3A_1654 {add = true, strides = array<i32>} : memref<4x4x8x768xf32, #tpu.memory_space<vmem>>, vector<1x1x1x16xf32>,
        %swap3A_1655 = arith.constant 2 : i32
        %swap3A_1656 = arith.index_cast %rem3A_680 : i32 to index
        %swap3A_1657 = arith.index_cast %swap3A_1655 : i32 to index
        %swap3A_1658 = arith.index_cast %add3A_842 : i32 to index
        %swap3A_1659 = arith.constant 288 : index
        %swap3A_1660 = tpu.vector_load %arg8[%swap3A_1656, %swap3A_1657, %swap3A_1658, %swap3A_1659] {strides = array<i32>} : memref<4x4x8x768xf32, #tpu.memory_space<vmem>>, vector<1x1x1x16xf32>,
        %swap3A_1661 = vector.shape_cast %swap3A_1660 : vector<1x1x1x16xf32> to vector<16xf32>
        %swap3A_1662 = vector.shape_cast %bitcast_convert_type3A_1618 : vector<16xf32> to vector<1x1x1x16xf32>
        tpu.vector_store %arg8[%swap3A_1656, %swap3A_1657, %swap3A_1658, %swap3A_1659], %swap3A_1662 {add = true, strides = array<i32>} : memref<4x4x8x768xf32, #tpu.memory_space<vmem>>, vector<1x1x1x16xf32>,
        %swap3A_1663 = arith.constant 2 : i32
        %swap3A_1664 = arith.index_cast %rem3A_680 : i32 to index
        %swap3A_1665 = arith.index_cast %swap3A_1663 : i32 to index
        %swap3A_1666 = arith.index_cast %add3A_842 : i32 to index
        %swap3A_1667 = arith.constant 304 : index
        %swap3A_1668 = tpu.vector_load %arg8[%swap3A_1664, %swap3A_1665, %swap3A_1666, %swap3A_1667] {strides = array<i32>} : memref<4x4x8x768xf32, #tpu.memory_space<vmem>>, vector<1x1x1x16xf32>,
        %swap3A_1669 = vector.shape_cast %swap3A_1668 : vector<1x1x1x16xf32> to vector<16xf32>
        %swap3A_1670 = vector.shape_cast %bitcast_convert_type3A_1622 : vector<16xf32> to vector<1x1x1x16xf32>
        tpu.vector_store %arg8[%swap3A_1664, %swap3A_1665, %swap3A_1666, %swap3A_1667], %swap3A_1670 {add = true, strides = array<i32>} : memref<4x4x8x768xf32, #tpu.memory_space<vmem>>, vector<1x1x1x16xf32>,
        %swap3A_1671 = arith.constant 3 : i32
        %swap3A_1672 = arith.index_cast %rem3A_680 : i32 to index
        %swap3A_1673 = arith.index_cast %swap3A_1671 : i32 to index
        %swap3A_1674 = arith.index_cast %add3A_842 : i32 to index
        %swap3A_1675 = arith.constant 288 : index
        %swap3A_1676 = tpu.vector_load %arg8[%swap3A_1672, %swap3A_1673, %swap3A_1674, %swap3A_1675] {strides = array<i32>} : memref<4x4x8x768xf32, #tpu.memory_space<vmem>>, vector<1x1x1x16xf32>,
        %swap3A_1677 = vector.shape_cast %swap3A_1676 : vector<1x1x1x16xf32> to vector<16xf32>
        %swap3A_1678 = vector.shape_cast %bitcast_convert_type3A_1618 : vector<16xf32> to vector<1x1x1x16xf32>
        tpu.vector_store %arg8[%swap3A_1672, %swap3A_1673, %swap3A_1674, %swap3A_1675], %swap3A_1678 {add = true, strides = array<i32>} : memref<4x4x8x768xf32, #tpu.memory_space<vmem>>, vector<1x1x1x16xf32>,
        %swap3A_1679 = arith.constant 3 : i32
        %swap3A_1680 = arith.index_cast %rem3A_680 : i32 to index
        %swap3A_1681 = arith.index_cast %swap3A_1679 : i32 to index
        %swap3A_1682 = arith.index_cast %add3A_842 : i32 to index
        %swap3A_1683 = arith.constant 304 : index
        %swap3A_1684 = tpu.vector_load %arg8[%swap3A_1680, %swap3A_1681, %swap3A_1682, %swap3A_1683] {strides = array<i32>} : memref<4x4x8x768xf32, #tpu.memory_space<vmem>>, vector<1x1x1x16xf32>,
        %swap3A_1685 = vector.shape_cast %swap3A_1684 : vector<1x1x1x16xf32> to vector<16xf32>
        %swap3A_1686 = vector.shape_cast %bitcast_convert_type3A_1622 : vector<16xf32> to vector<1x1x1x16xf32>
        tpu.vector_store %arg8[%swap3A_1680, %swap3A_1681, %swap3A_1682, %swap3A_1683], %swap3A_1686 {add = true, strides = array<i32>} : memref<4x4x8x768xf32, #tpu.memory_space<vmem>>, vector<1x1x1x16xf32>,
        %mul3A_1687 = arith.constant 8 : i32
        %mul3A_1688 = arith.muli %add3A_679, %mul3A_1687 : i32
        %mul3A_1689 = arith.constant 384 : i32
        %mul3A_1690 = arith.muli %mul3A_1688, %mul3A_1689 : i32
        %mul3A_1691 = arith.constant 384 : i32
        %mul3A_1692 = arith.muli %add3A_842, %mul3A_1691 : i32
        %add3A_1693 = arith.addi %mul3A_1690, %mul3A_1692 : i32
        %add3A_1694 = arith.constant 160 : i32
        %add3A_1695 = arith.addi %add3A_1693, %add3A_1694 : i32
        %multiple_of3A_1696 = tpu.assume_multiple %add3A_1695, 16 : i32
        %get3A_1697 = arith.index_cast %multiple_of3A_1696 : i32 to index
        %get3A_1698 = tpu.vector_load %arg7[%get3A_1697] {strides = array<i32>} : memref<24576xi32, #tpu.memory_space<vmem>>, vector<16xi32>,
        %get3A_1699 = vector.shape_cast %get3A_1698 : vector<16xi32> to vector<16xi32>
        %shift_left3A_1700 = arith.constant 16 : i32
        %shift_left3A_1701 = vector.broadcast %shift_left3A_1700 : i32 to vector<16xi32>
        %shift_left3A_1702 = arith.shli %get3A_1699, %shift_left3A_1701 : vector<16xi32>
        %bitcast_convert_type3A_1703 = tpu.bitcast %shift_left3A_1702 : vector<16xi32> -> vector<16xf32>
        %and3A_1704 = arith.constant -65536 : i32
        %and3A_1705 = vector.broadcast %and3A_1704 : i32 to vector<16xi32>
        %and3A_1706 = arith.andi %get3A_1699, %and3A_1705 : vector<16xi32>
        %bitcast_convert_type3A_1707 = tpu.bitcast %and3A_1706 : vector<16xi32> -> vector<16xf32>
        %swap3A_1708 = arith.constant 0 : i32
        %swap3A_1709 = arith.index_cast %rem3A_680 : i32 to index
        %swap3A_1710 = arith.index_cast %swap3A_1708 : i32 to index
        %swap3A_1711 = arith.index_cast %add3A_842 : i32 to index
        %swap3A_1712 = arith.constant 320 : index
        %swap3A_1713 = tpu.vector_load %arg8[%swap3A_1709, %swap3A_1710, %swap3A_1711, %swap3A_1712] {strides = array<i32>} : memref<4x4x8x768xf32, #tpu.memory_space<vmem>>, vector<1x1x1x16xf32>,
        %swap3A_1714 = vector.shape_cast %swap3A_1713 : vector<1x1x1x16xf32> to vector<16xf32>
        %swap3A_1715 = vector.shape_cast %bitcast_convert_type3A_1703 : vector<16xf32> to vector<1x1x1x16xf32>
        tpu.vector_store %arg8[%swap3A_1709, %swap3A_1710, %swap3A_1711, %swap3A_1712], %swap3A_1715 {add = true, strides = array<i32>} : memref<4x4x8x768xf32, #tpu.memory_space<vmem>>, vector<1x1x1x16xf32>,
        %swap3A_1716 = arith.constant 0 : i32
        %swap3A_1717 = arith.index_cast %rem3A_680 : i32 to index
        %swap3A_1718 = arith.index_cast %swap3A_1716 : i32 to index
        %swap3A_1719 = arith.index_cast %add3A_842 : i32 to index
        %swap3A_1720 = arith.constant 336 : index
        %swap3A_1721 = tpu.vector_load %arg8[%swap3A_1717, %swap3A_1718, %swap3A_1719, %swap3A_1720] {strides = array<i32>} : memref<4x4x8x768xf32, #tpu.memory_space<vmem>>, vector<1x1x1x16xf32>,
        %swap3A_1722 = vector.shape_cast %swap3A_1721 : vector<1x1x1x16xf32> to vector<16xf32>
        %swap3A_1723 = vector.shape_cast %bitcast_convert_type3A_1707 : vector<16xf32> to vector<1x1x1x16xf32>
        tpu.vector_store %arg8[%swap3A_1717, %swap3A_1718, %swap3A_1719, %swap3A_1720], %swap3A_1723 {add = true, strides = array<i32>} : memref<4x4x8x768xf32, #tpu.memory_space<vmem>>, vector<1x1x1x16xf32>,
        %swap3A_1724 = arith.constant 1 : i32
        %swap3A_1725 = arith.index_cast %rem3A_680 : i32 to index
        %swap3A_1726 = arith.index_cast %swap3A_1724 : i32 to index
        %swap3A_1727 = arith.index_cast %add3A_842 : i32 to index
        %swap3A_1728 = arith.constant 320 : index
        %swap3A_1729 = tpu.vector_load %arg8[%swap3A_1725, %swap3A_1726, %swap3A_1727, %swap3A_1728] {strides = array<i32>} : memref<4x4x8x768xf32, #tpu.memory_space<vmem>>, vector<1x1x1x16xf32>,
        %swap3A_1730 = vector.shape_cast %swap3A_1729 : vector<1x1x1x16xf32> to vector<16xf32>
        %swap3A_1731 = vector.shape_cast %bitcast_convert_type3A_1703 : vector<16xf32> to vector<1x1x1x16xf32>
        tpu.vector_store %arg8[%swap3A_1725, %swap3A_1726, %swap3A_1727, %swap3A_1728], %swap3A_1731 {add = true, strides = array<i32>} : memref<4x4x8x768xf32, #tpu.memory_space<vmem>>, vector<1x1x1x16xf32>,
        %swap3A_1732 = arith.constant 1 : i32
        %swap3A_1733 = arith.index_cast %rem3A_680 : i32 to index
        %swap3A_1734 = arith.index_cast %swap3A_1732 : i32 to index
        %swap3A_1735 = arith.index_cast %add3A_842 : i32 to index
        %swap3A_1736 = arith.constant 336 : index
        %swap3A_1737 = tpu.vector_load %arg8[%swap3A_1733, %swap3A_1734, %swap3A_1735, %swap3A_1736] {strides = array<i32>} : memref<4x4x8x768xf32, #tpu.memory_space<vmem>>, vector<1x1x1x16xf32>,
        %swap3A_1738 = vector.shape_cast %swap3A_1737 : vector<1x1x1x16xf32> to vector<16xf32>
        %swap3A_1739 = vector.shape_cast %bitcast_convert_type3A_1707 : vector<16xf32> to vector<1x1x1x16xf32>
        tpu.vector_store %arg8[%swap3A_1733, %swap3A_1734, %swap3A_1735, %swap3A_1736], %swap3A_1739 {add = true, strides = array<i32>} : memref<4x4x8x768xf32, #tpu.memory_space<vmem>>, vector<1x1x1x16xf32>,
        %swap3A_1740 = arith.constant 2 : i32
        %swap3A_1741 = arith.index_cast %rem3A_680 : i32 to index
        %swap3A_1742 = arith.index_cast %swap3A_1740 : i32 to index
        %swap3A_1743 = arith.index_cast %add3A_842 : i32 to index
        %swap3A_1744 = arith.constant 320 : index
        %swap3A_1745 = tpu.vector_load %arg8[%swap3A_1741, %swap3A_1742, %swap3A_1743, %swap3A_1744] {strides = array<i32>} : memref<4x4x8x768xf32, #tpu.memory_space<vmem>>, vector<1x1x1x16xf32>,
        %swap3A_1746 = vector.shape_cast %swap3A_1745 : vector<1x1x1x16xf32> to vector<16xf32>
        %swap3A_1747 = vector.shape_cast %bitcast_convert_type3A_1703 : vector<16xf32> to vector<1x1x1x16xf32>
        tpu.vector_store %arg8[%swap3A_1741, %swap3A_1742, %swap3A_1743, %swap3A_1744], %swap3A_1747 {add = true, strides = array<i32>} : memref<4x4x8x768xf32, #tpu.memory_space<vmem>>, vector<1x1x1x16xf32>,
        %swap3A_1748 = arith.constant 2 : i32
        %swap3A_1749 = arith.index_cast %rem3A_680 : i32 to index
        %swap3A_1750 = arith.index_cast %swap3A_1748 : i32 to index
        %swap3A_1751 = arith.index_cast %add3A_842 : i32 to index
        %swap3A_1752 = arith.constant 336 : index
        %swap3A_1753 = tpu.vector_load %arg8[%swap3A_1749, %swap3A_1750, %swap3A_1751, %swap3A_1752] {strides = array<i32>} : memref<4x4x8x768xf32, #tpu.memory_space<vmem>>, vector<1x1x1x16xf32>,
        %swap3A_1754 = vector.shape_cast %swap3A_1753 : vector<1x1x1x16xf32> to vector<16xf32>
        %swap3A_1755 = vector.shape_cast %bitcast_convert_type3A_1707 : vector<16xf32> to vector<1x1x1x16xf32>
        tpu.vector_store %arg8[%swap3A_1749, %swap3A_1750, %swap3A_1751, %swap3A_1752], %swap3A_1755 {add = true, strides = array<i32>} : memref<4x4x8x768xf32, #tpu.memory_space<vmem>>, vector<1x1x1x16xf32>,
        %swap3A_1756 = arith.constant 3 : i32
        %swap3A_1757 = arith.index_cast %rem3A_680 : i32 to index
        %swap3A_1758 = arith.index_cast %swap3A_1756 : i32 to index
        %swap3A_1759 = arith.index_cast %add3A_842 : i32 to index
        %swap3A_1760 = arith.constant 320 : index
        %swap3A_1761 = tpu.vector_load %arg8[%swap3A_1757, %swap3A_1758, %swap3A_1759, %swap3A_1760] {strides = array<i32>} : memref<4x4x8x768xf32, #tpu.memory_space<vmem>>, vector<1x1x1x16xf32>,
        %swap3A_1762 = vector.shape_cast %swap3A_1761 : vector<1x1x1x16xf32> to vector<16xf32>
        %swap3A_1763 = vector.shape_cast %bitcast_convert_type3A_1703 : vector<16xf32> to vector<1x1x1x16xf32>
        tpu.vector_store %arg8[%swap3A_1757, %swap3A_1758, %swap3A_1759, %swap3A_1760], %swap3A_1763 {add = true, strides = array<i32>} : memref<4x4x8x768xf32, #tpu.memory_space<vmem>>, vector<1x1x1x16xf32>,
        %swap3A_1764 = arith.constant 3 : i32
        %swap3A_1765 = arith.index_cast %rem3A_680 : i32 to index
        %swap3A_1766 = arith.index_cast %swap3A_1764 : i32 to index
        %swap3A_1767 = arith.index_cast %add3A_842 : i32 to index
        %swap3A_1768 = arith.constant 336 : index
        %swap3A_1769 = tpu.vector_load %arg8[%swap3A_1765, %swap3A_1766, %swap3A_1767, %swap3A_1768] {strides = array<i32>} : memref<4x4x8x768xf32, #tpu.memory_space<vmem>>, vector<1x1x1x16xf32>,
        %swap3A_1770 = vector.shape_cast %swap3A_1769 : vector<1x1x1x16xf32> to vector<16xf32>
        %swap3A_1771 = vector.shape_cast %bitcast_convert_type3A_1707 : vector<16xf32> to vector<1x1x1x16xf32>
        tpu.vector_store %arg8[%swap3A_1765, %swap3A_1766, %swap3A_1767, %swap3A_1768], %swap3A_1771 {add = true, strides = array<i32>} : memref<4x4x8x768xf32, #tpu.memory_space<vmem>>, vector<1x1x1x16xf32>,
        %mul3A_1772 = arith.constant 8 : i32
        %mul3A_1773 = arith.muli %add3A_679, %mul3A_1772 : i32
        %mul3A_1774 = arith.constant 384 : i32
        %mul3A_1775 = arith.muli %mul3A_1773, %mul3A_1774 : i32
        %mul3A_1776 = arith.constant 384 : i32
        %mul3A_1777 = arith.muli %add3A_842, %mul3A_1776 : i32
        %add3A_1778 = arith.addi %mul3A_1775, %mul3A_1777 : i32
        %add3A_1779 = arith.constant 176 : i32
        %add3A_1780 = arith.addi %add3A_1778, %add3A_1779 : i32
        %multiple_of3A_1781 = tpu.assume_multiple %add3A_1780, 16 : i32
        %get3A_1782 = arith.index_cast %multiple_of3A_1781 : i32 to index
        %get3A_1783 = tpu.vector_load %arg7[%get3A_1782] {strides = array<i32>} : memref<24576xi32, #tpu.memory_space<vmem>>, vector<16xi32>,
        %get3A_1784 = vector.shape_cast %get3A_1783 : vector<16xi32> to vector<16xi32>
        %shift_left3A_1785 = arith.constant 16 : i32
        %shift_left3A_1786 = vector.broadcast %shift_left3A_1785 : i32 to vector<16xi32>
        %shift_left3A_1787 = arith.shli %get3A_1784, %shift_left3A_1786 : vector<16xi32>
        %bitcast_convert_type3A_1788 = tpu.bitcast %shift_left3A_1787 : vector<16xi32> -> vector<16xf32>
        %and3A_1789 = arith.constant -65536 : i32
        %and3A_1790 = vector.broadcast %and3A_1789 : i32 to vector<16xi32>
        %and3A_1791 = arith.andi %get3A_1784, %and3A_1790 : vector<16xi32>
        %bitcast_convert_type3A_1792 = tpu.bitcast %and3A_1791 : vector<16xi32> -> vector<16xf32>
        %swap3A_1793 = arith.constant 0 : i32
        %swap3A_1794 = arith.index_cast %rem3A_680 : i32 to index
        %swap3A_1795 = arith.index_cast %swap3A_1793 : i32 to index
        %swap3A_1796 = arith.index_cast %add3A_842 : i32 to index
        %swap3A_1797 = arith.constant 352 : index
        %swap3A_1798 = tpu.vector_load %arg8[%swap3A_1794, %swap3A_1795, %swap3A_1796, %swap3A_1797] {strides = array<i32>} : memref<4x4x8x768xf32, #tpu.memory_space<vmem>>, vector<1x1x1x16xf32>,
        %swap3A_1799 = vector.shape_cast %swap3A_1798 : vector<1x1x1x16xf32> to vector<16xf32>
        %swap3A_1800 = vector.shape_cast %bitcast_convert_type3A_1788 : vector<16xf32> to vector<1x1x1x16xf32>
        tpu.vector_store %arg8[%swap3A_1794, %swap3A_1795, %swap3A_1796, %swap3A_1797], %swap3A_1800 {add = true, strides = array<i32>} : memref<4x4x8x768xf32, #tpu.memory_space<vmem>>, vector<1x1x1x16xf32>,
        %swap3A_1801 = arith.constant 0 : i32
        %swap3A_1802 = arith.index_cast %rem3A_680 : i32 to index
        %swap3A_1803 = arith.index_cast %swap3A_1801 : i32 to index
        %swap3A_1804 = arith.index_cast %add3A_842 : i32 to index
        %swap3A_1805 = arith.constant 368 : index
        %swap3A_1806 = tpu.vector_load %arg8[%swap3A_1802, %swap3A_1803, %swap3A_1804, %swap3A_1805] {strides = array<i32>} : memref<4x4x8x768xf32, #tpu.memory_space<vmem>>, vector<1x1x1x16xf32>,
        %swap3A_1807 = vector.shape_cast %swap3A_1806 : vector<1x1x1x16xf32> to vector<16xf32>
        %swap3A_1808 = vector.shape_cast %bitcast_convert_type3A_1792 : vector<16xf32> to vector<1x1x1x16xf32>
        tpu.vector_store %arg8[%swap3A_1802, %swap3A_1803, %swap3A_1804, %swap3A_1805], %swap3A_1808 {add = true, strides = array<i32>} : memref<4x4x8x768xf32, #tpu.memory_space<vmem>>, vector<1x1x1x16xf32>,
        %swap3A_1809 = arith.constant 1 : i32
        %swap3A_1810 = arith.index_cast %rem3A_680 : i32 to index
        %swap3A_1811 = arith.index_cast %swap3A_1809 : i32 to index
        %swap3A_1812 = arith.index_cast %add3A_842 : i32 to index
        %swap3A_1813 = arith.constant 352 : index
        %swap3A_1814 = tpu.vector_load %arg8[%swap3A_1810, %swap3A_1811, %swap3A_1812, %swap3A_1813] {strides = array<i32>} : memref<4x4x8x768xf32, #tpu.memory_space<vmem>>, vector<1x1x1x16xf32>,
        %swap3A_1815 = vector.shape_cast %swap3A_1814 : vector<1x1x1x16xf32> to vector<16xf32>
        %swap3A_1816 = vector.shape_cast %bitcast_convert_type3A_1788 : vector<16xf32> to vector<1x1x1x16xf32>
        tpu.vector_store %arg8[%swap3A_1810, %swap3A_1811, %swap3A_1812, %swap3A_1813], %swap3A_1816 {add = true, strides = array<i32>} : memref<4x4x8x768xf32, #tpu.memory_space<vmem>>, vector<1x1x1x16xf32>,
        %swap3A_1817 = arith.constant 1 : i32
        %swap3A_1818 = arith.index_cast %rem3A_680 : i32 to index
        %swap3A_1819 = arith.index_cast %swap3A_1817 : i32 to index
        %swap3A_1820 = arith.index_cast %add3A_842 : i32 to index
        %swap3A_1821 = arith.constant 368 : index
        %swap3A_1822 = tpu.vector_load %arg8[%swap3A_1818, %swap3A_1819, %swap3A_1820, %swap3A_1821] {strides = array<i32>} : memref<4x4x8x768xf32, #tpu.memory_space<vmem>>, vector<1x1x1x16xf32>,
        %swap3A_1823 = vector.shape_cast %swap3A_1822 : vector<1x1x1x16xf32> to vector<16xf32>
        %swap3A_1824 = vector.shape_cast %bitcast_convert_type3A_1792 : vector<16xf32> to vector<1x1x1x16xf32>
        tpu.vector_store %arg8[%swap3A_1818, %swap3A_1819, %swap3A_1820, %swap3A_1821], %swap3A_1824 {add = true, strides = array<i32>} : memref<4x4x8x768xf32, #tpu.memory_space<vmem>>, vector<1x1x1x16xf32>,
        %swap3A_1825 = arith.constant 2 : i32
        %swap3A_1826 = arith.index_cast %rem3A_680 : i32 to index
        %swap3A_1827 = arith.index_cast %swap3A_1825 : i32 to index
        %swap3A_1828 = arith.index_cast %add3A_842 : i32 to index
        %swap3A_1829 = arith.constant 352 : index
        %swap3A_1830 = tpu.vector_load %arg8[%swap3A_1826, %swap3A_1827, %swap3A_1828, %swap3A_1829] {strides = array<i32>} : memref<4x4x8x768xf32, #tpu.memory_space<vmem>>, vector<1x1x1x16xf32>,
        %swap3A_1831 = vector.shape_cast %swap3A_1830 : vector<1x1x1x16xf32> to vector<16xf32>
        %swap3A_1832 = vector.shape_cast %bitcast_convert_type3A_1788 : vector<16xf32> to vector<1x1x1x16xf32>
        tpu.vector_store %arg8[%swap3A_1826, %swap3A_1827, %swap3A_1828, %swap3A_1829], %swap3A_1832 {add = true, strides = array<i32>} : memref<4x4x8x768xf32, #tpu.memory_space<vmem>>, vector<1x1x1x16xf32>,
        %swap3A_1833 = arith.constant 2 : i32
        %swap3A_1834 = arith.index_cast %rem3A_680 : i32 to index
        %swap3A_1835 = arith.index_cast %swap3A_1833 : i32 to index
        %swap3A_1836 = arith.index_cast %add3A_842 : i32 to index
        %swap3A_1837 = arith.constant 368 : index
        %swap3A_1838 = tpu.vector_load %arg8[%swap3A_1834, %swap3A_1835, %swap3A_1836, %swap3A_1837] {strides = array<i32>} : memref<4x4x8x768xf32, #tpu.memory_space<vmem>>, vector<1x1x1x16xf32>,
        %swap3A_1839 = vector.shape_cast %swap3A_1838 : vector<1x1x1x16xf32> to vector<16xf32>
        %swap3A_1840 = vector.shape_cast %bitcast_convert_type3A_1792 : vector<16xf32> to vector<1x1x1x16xf32>
        tpu.vector_store %arg8[%swap3A_1834, %swap3A_1835, %swap3A_1836, %swap3A_1837], %swap3A_1840 {add = true, strides = array<i32>} : memref<4x4x8x768xf32, #tpu.memory_space<vmem>>, vector<1x1x1x16xf32>,
        %swap3A_1841 = arith.constant 3 : i32
        %swap3A_1842 = arith.index_cast %rem3A_680 : i32 to index
        %swap3A_1843 = arith.index_cast %swap3A_1841 : i32 to index
        %swap3A_1844 = arith.index_cast %add3A_842 : i32 to index
        %swap3A_1845 = arith.constant 352 : index
        %swap3A_1846 = tpu.vector_load %arg8[%swap3A_1842, %swap3A_1843, %swap3A_1844, %swap3A_1845] {strides = array<i32>} : memref<4x4x8x768xf32, #tpu.memory_space<vmem>>, vector<1x1x1x16xf32>,
        %swap3A_1847 = vector.shape_cast %swap3A_1846 : vector<1x1x1x16xf32> to vector<16xf32>
        %swap3A_1848 = vector.shape_cast %bitcast_convert_type3A_1788 : vector<16xf32> to vector<1x1x1x16xf32>
        tpu.vector_store %arg8[%swap3A_1842, %swap3A_1843, %swap3A_1844, %swap3A_1845], %swap3A_1848 {add = true, strides = array<i32>} : memref<4x4x8x768xf32, #tpu.memory_space<vmem>>, vector<1x1x1x16xf32>,
        %swap3A_1849 = arith.constant 3 : i32
        %swap3A_1850 = arith.index_cast %rem3A_680 : i32 to index
        %swap3A_1851 = arith.index_cast %swap3A_1849 : i32 to index
        %swap3A_1852 = arith.index_cast %add3A_842 : i32 to index
        %swap3A_1853 = arith.constant 368 : index
        %swap3A_1854 = tpu.vector_load %arg8[%swap3A_1850, %swap3A_1851, %swap3A_1852, %swap3A_1853] {strides = array<i32>} : memref<4x4x8x768xf32, #tpu.memory_space<vmem>>, vector<1x1x1x16xf32>,
        %swap3A_1855 = vector.shape_cast %swap3A_1854 : vector<1x1x1x16xf32> to vector<16xf32>
        %swap3A_1856 = vector.shape_cast %bitcast_convert_type3A_1792 : vector<16xf32> to vector<1x1x1x16xf32>
        tpu.vector_store %arg8[%swap3A_1850, %swap3A_1851, %swap3A_1852, %swap3A_1853], %swap3A_1856 {add = true, strides = array<i32>} : memref<4x4x8x768xf32, #tpu.memory_space<vmem>>, vector<1x1x1x16xf32>,
        %mul3A_1857 = arith.constant 8 : i32
        %mul3A_1858 = arith.muli %add3A_679, %mul3A_1857 : i32
        %mul3A_1859 = arith.constant 384 : i32
        %mul3A_1860 = arith.muli %mul3A_1858, %mul3A_1859 : i32
        %mul3A_1861 = arith.constant 384 : i32
        %mul3A_1862 = arith.muli %add3A_842, %mul3A_1861 : i32
        %add3A_1863 = arith.addi %mul3A_1860, %mul3A_1862 : i32
        %add3A_1864 = arith.constant 192 : i32
        %add3A_1865 = arith.addi %add3A_1863, %add3A_1864 : i32
        %multiple_of3A_1866 = tpu.assume_multiple %add3A_1865, 16 : i32
        %get3A_1867 = arith.index_cast %multiple_of3A_1866 : i32 to index
        %get3A_1868 = tpu.vector_load %arg7[%get3A_1867] {strides = array<i32>} : memref<24576xi32, #tpu.memory_space<vmem>>, vector<16xi32>,
        %get3A_1869 = vector.shape_cast %get3A_1868 : vector<16xi32> to vector<16xi32>
        %shift_left3A_1870 = arith.constant 16 : i32
        %shift_left3A_1871 = vector.broadcast %shift_left3A_1870 : i32 to vector<16xi32>
        %shift_left3A_1872 = arith.shli %get3A_1869, %shift_left3A_1871 : vector<16xi32>
        %bitcast_convert_type3A_1873 = tpu.bitcast %shift_left3A_1872 : vector<16xi32> -> vector<16xf32>
        %and3A_1874 = arith.constant -65536 : i32
        %and3A_1875 = vector.broadcast %and3A_1874 : i32 to vector<16xi32>
        %and3A_1876 = arith.andi %get3A_1869, %and3A_1875 : vector<16xi32>
        %bitcast_convert_type3A_1877 = tpu.bitcast %and3A_1876 : vector<16xi32> -> vector<16xf32>
        %swap3A_1878 = arith.constant 0 : i32
        %swap3A_1879 = arith.index_cast %rem3A_680 : i32 to index
        %swap3A_1880 = arith.index_cast %swap3A_1878 : i32 to index
        %swap3A_1881 = arith.index_cast %add3A_842 : i32 to index
        %swap3A_1882 = arith.constant 384 : index
        %swap3A_1883 = tpu.vector_load %arg8[%swap3A_1879, %swap3A_1880, %swap3A_1881, %swap3A_1882] {strides = array<i32>} : memref<4x4x8x768xf32, #tpu.memory_space<vmem>>, vector<1x1x1x16xf32>,
        %swap3A_1884 = vector.shape_cast %swap3A_1883 : vector<1x1x1x16xf32> to vector<16xf32>
        %swap3A_1885 = vector.shape_cast %bitcast_convert_type3A_1873 : vector<16xf32> to vector<1x1x1x16xf32>
        tpu.vector_store %arg8[%swap3A_1879, %swap3A_1880, %swap3A_1881, %swap3A_1882], %swap3A_1885 {add = true, strides = array<i32>} : memref<4x4x8x768xf32, #tpu.memory_space<vmem>>, vector<1x1x1x16xf32>,
        %swap3A_1886 = arith.constant 0 : i32
        %swap3A_1887 = arith.index_cast %rem3A_680 : i32 to index
        %swap3A_1888 = arith.index_cast %swap3A_1886 : i32 to index
        %swap3A_1889 = arith.index_cast %add3A_842 : i32 to index
        %swap3A_1890 = arith.constant 400 : index
        %swap3A_1891 = tpu.vector_load %arg8[%swap3A_1887, %swap3A_1888, %swap3A_1889, %swap3A_1890] {strides = array<i32>} : memref<4x4x8x768xf32, #tpu.memory_space<vmem>>, vector<1x1x1x16xf32>,
        %swap3A_1892 = vector.shape_cast %swap3A_1891 : vector<1x1x1x16xf32> to vector<16xf32>
        %swap3A_1893 = vector.shape_cast %bitcast_convert_type3A_1877 : vector<16xf32> to vector<1x1x1x16xf32>
        tpu.vector_store %arg8[%swap3A_1887, %swap3A_1888, %swap3A_1889, %swap3A_1890], %swap3A_1893 {add = true, strides = array<i32>} : memref<4x4x8x768xf32, #tpu.memory_space<vmem>>, vector<1x1x1x16xf32>,
        %swap3A_1894 = arith.constant 1 : i32
        %swap3A_1895 = arith.index_cast %rem3A_680 : i32 to index
        %swap3A_1896 = arith.index_cast %swap3A_1894 : i32 to index
        %swap3A_1897 = arith.index_cast %add3A_842 : i32 to index
        %swap3A_1898 = arith.constant 384 : index
        %swap3A_1899 = tpu.vector_load %arg8[%swap3A_1895, %swap3A_1896, %swap3A_1897, %swap3A_1898] {strides = array<i32>} : memref<4x4x8x768xf32, #tpu.memory_space<vmem>>, vector<1x1x1x16xf32>,
        %swap3A_1900 = vector.shape_cast %swap3A_1899 : vector<1x1x1x16xf32> to vector<16xf32>
        %swap3A_1901 = vector.shape_cast %bitcast_convert_type3A_1873 : vector<16xf32> to vector<1x1x1x16xf32>
        tpu.vector_store %arg8[%swap3A_1895, %swap3A_1896, %swap3A_1897, %swap3A_1898], %swap3A_1901 {add = true, strides = array<i32>} : memref<4x4x8x768xf32, #tpu.memory_space<vmem>>, vector<1x1x1x16xf32>,
        %swap3A_1902 = arith.constant 1 : i32
        %swap3A_1903 = arith.index_cast %rem3A_680 : i32 to index
        %swap3A_1904 = arith.index_cast %swap3A_1902 : i32 to index
        %swap3A_1905 = arith.index_cast %add3A_842 : i32 to index
        %swap3A_1906 = arith.constant 400 : index
        %swap3A_1907 = tpu.vector_load %arg8[%swap3A_1903, %swap3A_1904, %swap3A_1905, %swap3A_1906] {strides = array<i32>} : memref<4x4x8x768xf32, #tpu.memory_space<vmem>>, vector<1x1x1x16xf32>,
        %swap3A_1908 = vector.shape_cast %swap3A_1907 : vector<1x1x1x16xf32> to vector<16xf32>
        %swap3A_1909 = vector.shape_cast %bitcast_convert_type3A_1877 : vector<16xf32> to vector<1x1x1x16xf32>
        tpu.vector_store %arg8[%swap3A_1903, %swap3A_1904, %swap3A_1905, %swap3A_1906], %swap3A_1909 {add = true, strides = array<i32>} : memref<4x4x8x768xf32, #tpu.memory_space<vmem>>, vector<1x1x1x16xf32>,
        %swap3A_1910 = arith.constant 2 : i32
        %swap3A_1911 = arith.index_cast %rem3A_680 : i32 to index
        %swap3A_1912 = arith.index_cast %swap3A_1910 : i32 to index
        %swap3A_1913 = arith.index_cast %add3A_842 : i32 to index
        %swap3A_1914 = arith.constant 384 : index
        %swap3A_1915 = tpu.vector_load %arg8[%swap3A_1911, %swap3A_1912, %swap3A_1913, %swap3A_1914] {strides = array<i32>} : memref<4x4x8x768xf32, #tpu.memory_space<vmem>>, vector<1x1x1x16xf32>,
        %swap3A_1916 = vector.shape_cast %swap3A_1915 : vector<1x1x1x16xf32> to vector<16xf32>
        %swap3A_1917 = vector.shape_cast %bitcast_convert_type3A_1873 : vector<16xf32> to vector<1x1x1x16xf32>
        tpu.vector_store %arg8[%swap3A_1911, %swap3A_1912, %swap3A_1913, %swap3A_1914], %swap3A_1917 {add = true, strides = array<i32>} : memref<4x4x8x768xf32, #tpu.memory_space<vmem>>, vector<1x1x1x16xf32>,
        %swap3A_1918 = arith.constant 2 : i32
        %swap3A_1919 = arith.index_cast %rem3A_680 : i32 to index
        %swap3A_1920 = arith.index_cast %swap3A_1918 : i32 to index
        %swap3A_1921 = arith.index_cast %add3A_842 : i32 to index
        %swap3A_1922 = arith.constant 400 : index
        %swap3A_1923 = tpu.vector_load %arg8[%swap3A_1919, %swap3A_1920, %swap3A_1921, %swap3A_1922] {strides = array<i32>} : memref<4x4x8x768xf32, #tpu.memory_space<vmem>>, vector<1x1x1x16xf32>,
        %swap3A_1924 = vector.shape_cast %swap3A_1923 : vector<1x1x1x16xf32> to vector<16xf32>
        %swap3A_1925 = vector.shape_cast %bitcast_convert_type3A_1877 : vector<16xf32> to vector<1x1x1x16xf32>
        tpu.vector_store %arg8[%swap3A_1919, %swap3A_1920, %swap3A_1921, %swap3A_1922], %swap3A_1925 {add = true, strides = array<i32>} : memref<4x4x8x768xf32, #tpu.memory_space<vmem>>, vector<1x1x1x16xf32>,
        %swap3A_1926 = arith.constant 3 : i32
        %swap3A_1927 = arith.index_cast %rem3A_680 : i32 to index
        %swap3A_1928 = arith.index_cast %swap3A_1926 : i32 to index
        %swap3A_1929 = arith.index_cast %add3A_842 : i32 to index
        %swap3A_1930 = arith.constant 384 : index
        %swap3A_1931 = tpu.vector_load %arg8[%swap3A_1927, %swap3A_1928, %swap3A_1929, %swap3A_1930] {strides = array<i32>} : memref<4x4x8x768xf32, #tpu.memory_space<vmem>>, vector<1x1x1x16xf32>,
        %swap3A_1932 = vector.shape_cast %swap3A_1931 : vector<1x1x1x16xf32> to vector<16xf32>
        %swap3A_1933 = vector.shape_cast %bitcast_convert_type3A_1873 : vector<16xf32> to vector<1x1x1x16xf32>
        tpu.vector_store %arg8[%swap3A_1927, %swap3A_1928, %swap3A_1929, %swap3A_1930], %swap3A_1933 {add = true, strides = array<i32>} : memref<4x4x8x768xf32, #tpu.memory_space<vmem>>, vector<1x1x1x16xf32>,
        %swap3A_1934 = arith.constant 3 : i32
        %swap3A_1935 = arith.index_cast %rem3A_680 : i32 to index
        %swap3A_1936 = arith.index_cast %swap3A_1934 : i32 to index
        %swap3A_1937 = arith.index_cast %add3A_842 : i32 to index
        %swap3A_1938 = arith.constant 400 : index
        %swap3A_1939 = tpu.vector_load %arg8[%swap3A_1935, %swap3A_1936, %swap3A_1937, %swap3A_1938] {strides = array<i32>} : memref<4x4x8x768xf32, #tpu.memory_space<vmem>>, vector<1x1x1x16xf32>,
        %swap3A_1940 = vector.shape_cast %swap3A_1939 : vector<1x1x1x16xf32> to vector<16xf32>
        %swap3A_1941 = vector.shape_cast %bitcast_convert_type3A_1877 : vector<16xf32> to vector<1x1x1x16xf32>
        tpu.vector_store %arg8[%swap3A_1935, %swap3A_1936, %swap3A_1937, %swap3A_1938], %swap3A_1941 {add = true, strides = array<i32>} : memref<4x4x8x768xf32, #tpu.memory_space<vmem>>, vector<1x1x1x16xf32>,
        %mul3A_1942 = arith.constant 8 : i32
        %mul3A_1943 = arith.muli %add3A_679, %mul3A_1942 : i32
        %mul3A_1944 = arith.constant 384 : i32
        %mul3A_1945 = arith.muli %mul3A_1943, %mul3A_1944 : i32
        %mul3A_1946 = arith.constant 384 : i32
        %mul3A_1947 = arith.muli %add3A_842, %mul3A_1946 : i32
        %add3A_1948 = arith.addi %mul3A_1945, %mul3A_1947 : i32
        %add3A_1949 = arith.constant 208 : i32
        %add3A_1950 = arith.addi %add3A_1948, %add3A_1949 : i32
        %multiple_of3A_1951 = tpu.assume_multiple %add3A_1950, 16 : i32
        %get3A_1952 = arith.index_cast %multiple_of3A_1951 : i32 to index
        %get3A_1953 = tpu.vector_load %arg7[%get3A_1952] {strides = array<i32>} : memref<24576xi32, #tpu.memory_space<vmem>>, vector<16xi32>,
        %get3A_1954 = vector.shape_cast %get3A_1953 : vector<16xi32> to vector<16xi32>
        %shift_left3A_1955 = arith.constant 16 : i32
        %shift_left3A_1956 = vector.broadcast %shift_left3A_1955 : i32 to vector<16xi32>
        %shift_left3A_1957 = arith.shli %get3A_1954, %shift_left3A_1956 : vector<16xi32>
        %bitcast_convert_type3A_1958 = tpu.bitcast %shift_left3A_1957 : vector<16xi32> -> vector<16xf32>
        %and3A_1959 = arith.constant -65536 : i32
        %and3A_1960 = vector.broadcast %and3A_1959 : i32 to vector<16xi32>
        %and3A_1961 = arith.andi %get3A_1954, %and3A_1960 : vector<16xi32>
        %bitcast_convert_type3A_1962 = tpu.bitcast %and3A_1961 : vector<16xi32> -> vector<16xf32>
        %swap3A_1963 = arith.constant 0 : i32
        %swap3A_1964 = arith.index_cast %rem3A_680 : i32 to index
        %swap3A_1965 = arith.index_cast %swap3A_1963 : i32 to index
        %swap3A_1966 = arith.index_cast %add3A_842 : i32 to index
        %swap3A_1967 = arith.constant 416 : index
        %swap3A_1968 = tpu.vector_load %arg8[%swap3A_1964, %swap3A_1965, %swap3A_1966, %swap3A_1967] {strides = array<i32>} : memref<4x4x8x768xf32, #tpu.memory_space<vmem>>, vector<1x1x1x16xf32>,
        %swap3A_1969 = vector.shape_cast %swap3A_1968 : vector<1x1x1x16xf32> to vector<16xf32>
        %swap3A_1970 = vector.shape_cast %bitcast_convert_type3A_1958 : vector<16xf32> to vector<1x1x1x16xf32>
        tpu.vector_store %arg8[%swap3A_1964, %swap3A_1965, %swap3A_1966, %swap3A_1967], %swap3A_1970 {add = true, strides = array<i32>} : memref<4x4x8x768xf32, #tpu.memory_space<vmem>>, vector<1x1x1x16xf32>,
        %swap3A_1971 = arith.constant 0 : i32
        %swap3A_1972 = arith.index_cast %rem3A_680 : i32 to index
        %swap3A_1973 = arith.index_cast %swap3A_1971 : i32 to index
        %swap3A_1974 = arith.index_cast %add3A_842 : i32 to index
        %swap3A_1975 = arith.constant 432 : index
        %swap3A_1976 = tpu.vector_load %arg8[%swap3A_1972, %swap3A_1973, %swap3A_1974, %swap3A_1975] {strides = array<i32>} : memref<4x4x8x768xf32, #tpu.memory_space<vmem>>, vector<1x1x1x16xf32>,
        %swap3A_1977 = vector.shape_cast %swap3A_1976 : vector<1x1x1x16xf32> to vector<16xf32>
        %swap3A_1978 = vector.shape_cast %bitcast_convert_type3A_1962 : vector<16xf32> to vector<1x1x1x16xf32>
        tpu.vector_store %arg8[%swap3A_1972, %swap3A_1973, %swap3A_1974, %swap3A_1975], %swap3A_1978 {add = true, strides = array<i32>} : memref<4x4x8x768xf32, #tpu.memory_space<vmem>>, vector<1x1x1x16xf32>,
        %swap3A_1979 = arith.constant 1 : i32
        %swap3A_1980 = arith.index_cast %rem3A_680 : i32 to index
        %swap3A_1981 = arith.index_cast %swap3A_1979 : i32 to index
        %swap3A_1982 = arith.index_cast %add3A_842 : i32 to index
        %swap3A_1983 = arith.constant 416 : index
        %swap3A_1984 = tpu.vector_load %arg8[%swap3A_1980, %swap3A_1981, %swap3A_1982, %swap3A_1983] {strides = array<i32>} : memref<4x4x8x768xf32, #tpu.memory_space<vmem>>, vector<1x1x1x16xf32>,
        %swap3A_1985 = vector.shape_cast %swap3A_1984 : vector<1x1x1x16xf32> to vector<16xf32>
        %swap3A_1986 = vector.shape_cast %bitcast_convert_type3A_1958 : vector<16xf32> to vector<1x1x1x16xf32>
        tpu.vector_store %arg8[%swap3A_1980, %swap3A_1981, %swap3A_1982, %swap3A_1983], %swap3A_1986 {add = true, strides = array<i32>} : memref<4x4x8x768xf32, #tpu.memory_space<vmem>>, vector<1x1x1x16xf32>,
        %swap3A_1987 = arith.constant 1 : i32
        %swap3A_1988 = arith.index_cast %rem3A_680 : i32 to index
        %swap3A_1989 = arith.index_cast %swap3A_1987 : i32 to index
        %swap3A_1990 = arith.index_cast %add3A_842 : i32 to index
        %swap3A_1991 = arith.constant 432 : index
        %swap3A_1992 = tpu.vector_load %arg8[%swap3A_1988, %swap3A_1989, %swap3A_1990, %swap3A_1991] {strides = array<i32>} : memref<4x4x8x768xf32, #tpu.memory_space<vmem>>, vector<1x1x1x16xf32>,
        %swap3A_1993 = vector.shape_cast %swap3A_1992 : vector<1x1x1x16xf32> to vector<16xf32>
        %swap3A_1994 = vector.shape_cast %bitcast_convert_type3A_1962 : vector<16xf32> to vector<1x1x1x16xf32>
        tpu.vector_store %arg8[%swap3A_1988, %swap3A_1989, %swap3A_1990, %swap3A_1991], %swap3A_1994 {add = true, strides = array<i32>} : memref<4x4x8x768xf32, #tpu.memory_space<vmem>>, vector<1x1x1x16xf32>,
        %swap3A_1995 = arith.constant 2 : i32
        %swap3A_1996 = arith.index_cast %rem3A_680 : i32 to index
        %swap3A_1997 = arith.index_cast %swap3A_1995 : i32 to index
        %swap3A_1998 = arith.index_cast %add3A_842 : i32 to index
        %swap3A_1999 = arith.constant 416 : index
        %swap3A_2000 = tpu.vector_load %arg8[%swap3A_1996, %swap3A_1997, %swap3A_1998, %swap3A_1999] {strides = array<i32>} : memref<4x4x8x768xf32, #tpu.memory_space<vmem>>, vector<1x1x1x16xf32>,
        %swap3A_2001 = vector.shape_cast %swap3A_2000 : vector<1x1x1x16xf32> to vector<16xf32>
        %swap3A_2002 = vector.shape_cast %bitcast_convert_type3A_1958 : vector<16xf32> to vector<1x1x1x16xf32>
        tpu.vector_store %arg8[%swap3A_1996, %swap3A_1997, %swap3A_1998, %swap3A_1999], %swap3A_2002 {add = true, strides = array<i32>} : memref<4x4x8x768xf32, #tpu.memory_space<vmem>>, vector<1x1x1x16xf32>,
        %swap3A_2003 = arith.constant 2 : i32
        %swap3A_2004 = arith.index_cast %rem3A_680 : i32 to index
        %swap3A_2005 = arith.index_cast %swap3A_2003 : i32 to index
        %swap3A_2006 = arith.index_cast %add3A_842 : i32 to index
        %swap3A_2007 = arith.constant 432 : index
        %swap3A_2008 = tpu.vector_load %arg8[%swap3A_2004, %swap3A_2005, %swap3A_2006, %swap3A_2007] {strides = array<i32>} : memref<4x4x8x768xf32, #tpu.memory_space<vmem>>, vector<1x1x1x16xf32>,
        %swap3A_2009 = vector.shape_cast %swap3A_2008 : vector<1x1x1x16xf32> to vector<16xf32>
        %swap3A_2010 = vector.shape_cast %bitcast_convert_type3A_1962 : vector<16xf32> to vector<1x1x1x16xf32>
        tpu.vector_store %arg8[%swap3A_2004, %swap3A_2005, %swap3A_2006, %swap3A_2007], %swap3A_2010 {add = true, strides = array<i32>} : memref<4x4x8x768xf32, #tpu.memory_space<vmem>>, vector<1x1x1x16xf32>,
        %swap3A_2011 = arith.constant 3 : i32
        %swap3A_2012 = arith.index_cast %rem3A_680 : i32 to index
        %swap3A_2013 = arith.index_cast %swap3A_2011 : i32 to index
        %swap3A_2014 = arith.index_cast %add3A_842 : i32 to index
        %swap3A_2015 = arith.constant 416 : index
        %swap3A_2016 = tpu.vector_load %arg8[%swap3A_2012, %swap3A_2013, %swap3A_2014, %swap3A_2015] {strides = array<i32>} : memref<4x4x8x768xf32, #tpu.memory_space<vmem>>, vector<1x1x1x16xf32>,
        %swap3A_2017 = vector.shape_cast %swap3A_2016 : vector<1x1x1x16xf32> to vector<16xf32>
        %swap3A_2018 = vector.shape_cast %bitcast_convert_type3A_1958 : vector<16xf32> to vector<1x1x1x16xf32>
        tpu.vector_store %arg8[%swap3A_2012, %swap3A_2013, %swap3A_2014, %swap3A_2015], %swap3A_2018 {add = true, strides = array<i32>} : memref<4x4x8x768xf32, #tpu.memory_space<vmem>>, vector<1x1x1x16xf32>,
        %swap3A_2019 = arith.constant 3 : i32
        %swap3A_2020 = arith.index_cast %rem3A_680 : i32 to index
        %swap3A_2021 = arith.index_cast %swap3A_2019 : i32 to index
        %swap3A_2022 = arith.index_cast %add3A_842 : i32 to index
        %swap3A_2023 = arith.constant 432 : index
        %swap3A_2024 = tpu.vector_load %arg8[%swap3A_2020, %swap3A_2021, %swap3A_2022, %swap3A_2023] {strides = array<i32>} : memref<4x4x8x768xf32, #tpu.memory_space<vmem>>, vector<1x1x1x16xf32>,
        %swap3A_2025 = vector.shape_cast %swap3A_2024 : vector<1x1x1x16xf32> to vector<16xf32>
        %swap3A_2026 = vector.shape_cast %bitcast_convert_type3A_1962 : vector<16xf32> to vector<1x1x1x16xf32>
        tpu.vector_store %arg8[%swap3A_2020, %swap3A_2021, %swap3A_2022, %swap3A_2023], %swap3A_2026 {add = true, strides = array<i32>} : memref<4x4x8x768xf32, #tpu.memory_space<vmem>>, vector<1x1x1x16xf32>,
        %mul3A_2027 = arith.constant 8 : i32
        %mul3A_2028 = arith.muli %add3A_679, %mul3A_2027 : i32
        %mul3A_2029 = arith.constant 384 : i32
        %mul3A_2030 = arith.muli %mul3A_2028, %mul3A_2029 : i32
        %mul3A_2031 = arith.constant 384 : i32
        %mul3A_2032 = arith.muli %add3A_842, %mul3A_2031 : i32
        %add3A_2033 = arith.addi %mul3A_2030, %mul3A_2032 : i32
        %add3A_2034 = arith.constant 224 : i32
        %add3A_2035 = arith.addi %add3A_2033, %add3A_2034 : i32
        %multiple_of3A_2036 = tpu.assume_multiple %add3A_2035, 16 : i32
        %get3A_2037 = arith.index_cast %multiple_of3A_2036 : i32 to index
        %get3A_2038 = tpu.vector_load %arg7[%get3A_2037] {strides = array<i32>} : memref<24576xi32, #tpu.memory_space<vmem>>, vector<16xi32>,
        %get3A_2039 = vector.shape_cast %get3A_2038 : vector<16xi32> to vector<16xi32>
        %shift_left3A_2040 = arith.constant 16 : i32
        %shift_left3A_2041 = vector.broadcast %shift_left3A_2040 : i32 to vector<16xi32>
        %shift_left3A_2042 = arith.shli %get3A_2039, %shift_left3A_2041 : vector<16xi32>
        %bitcast_convert_type3A_2043 = tpu.bitcast %shift_left3A_2042 : vector<16xi32> -> vector<16xf32>
        %and3A_2044 = arith.constant -65536 : i32
        %and3A_2045 = vector.broadcast %and3A_2044 : i32 to vector<16xi32>
        %and3A_2046 = arith.andi %get3A_2039, %and3A_2045 : vector<16xi32>
        %bitcast_convert_type3A_2047 = tpu.bitcast %and3A_2046 : vector<16xi32> -> vector<16xf32>
        %swap3A_2048 = arith.constant 0 : i32
        %swap3A_2049 = arith.index_cast %rem3A_680 : i32 to index
        %swap3A_2050 = arith.index_cast %swap3A_2048 : i32 to index
        %swap3A_2051 = arith.index_cast %add3A_842 : i32 to index
        %swap3A_2052 = arith.constant 448 : index
        %swap3A_2053 = tpu.vector_load %arg8[%swap3A_2049, %swap3A_2050, %swap3A_2051, %swap3A_2052] {strides = array<i32>} : memref<4x4x8x768xf32, #tpu.memory_space<vmem>>, vector<1x1x1x16xf32>,
        %swap3A_2054 = vector.shape_cast %swap3A_2053 : vector<1x1x1x16xf32> to vector<16xf32>
        %swap3A_2055 = vector.shape_cast %bitcast_convert_type3A_2043 : vector<16xf32> to vector<1x1x1x16xf32>
        tpu.vector_store %arg8[%swap3A_2049, %swap3A_2050, %swap3A_2051, %swap3A_2052], %swap3A_2055 {add = true, strides = array<i32>} : memref<4x4x8x768xf32, #tpu.memory_space<vmem>>, vector<1x1x1x16xf32>,
        %swap3A_2056 = arith.constant 0 : i32
        %swap3A_2057 = arith.index_cast %rem3A_680 : i32 to index
        %swap3A_2058 = arith.index_cast %swap3A_2056 : i32 to index
        %swap3A_2059 = arith.index_cast %add3A_842 : i32 to index
        %swap3A_2060 = arith.constant 464 : index
        %swap3A_2061 = tpu.vector_load %arg8[%swap3A_2057, %swap3A_2058, %swap3A_2059, %swap3A_2060] {strides = array<i32>} : memref<4x4x8x768xf32, #tpu.memory_space<vmem>>, vector<1x1x1x16xf32>,
        %swap3A_2062 = vector.shape_cast %swap3A_2061 : vector<1x1x1x16xf32> to vector<16xf32>
        %swap3A_2063 = vector.shape_cast %bitcast_convert_type3A_2047 : vector<16xf32> to vector<1x1x1x16xf32>
        tpu.vector_store %arg8[%swap3A_2057, %swap3A_2058, %swap3A_2059, %swap3A_2060], %swap3A_2063 {add = true, strides = array<i32>} : memref<4x4x8x768xf32, #tpu.memory_space<vmem>>, vector<1x1x1x16xf32>,
        %swap3A_2064 = arith.constant 1 : i32
        %swap3A_2065 = arith.index_cast %rem3A_680 : i32 to index
        %swap3A_2066 = arith.index_cast %swap3A_2064 : i32 to index
        %swap3A_2067 = arith.index_cast %add3A_842 : i32 to index
        %swap3A_2068 = arith.constant 448 : index
        %swap3A_2069 = tpu.vector_load %arg8[%swap3A_2065, %swap3A_2066, %swap3A_2067, %swap3A_2068] {strides = array<i32>} : memref<4x4x8x768xf32, #tpu.memory_space<vmem>>, vector<1x1x1x16xf32>,
        %swap3A_2070 = vector.shape_cast %swap3A_2069 : vector<1x1x1x16xf32> to vector<16xf32>
        %swap3A_2071 = vector.shape_cast %bitcast_convert_type3A_2043 : vector<16xf32> to vector<1x1x1x16xf32>
        tpu.vector_store %arg8[%swap3A_2065, %swap3A_2066, %swap3A_2067, %swap3A_2068], %swap3A_2071 {add = true, strides = array<i32>} : memref<4x4x8x768xf32, #tpu.memory_space<vmem>>, vector<1x1x1x16xf32>,
        %swap3A_2072 = arith.constant 1 : i32
        %swap3A_2073 = arith.index_cast %rem3A_680 : i32 to index
        %swap3A_2074 = arith.index_cast %swap3A_2072 : i32 to index
        %swap3A_2075 = arith.index_cast %add3A_842 : i32 to index
        %swap3A_2076 = arith.constant 464 : index
        %swap3A_2077 = tpu.vector_load %arg8[%swap3A_2073, %swap3A_2074, %swap3A_2075, %swap3A_2076] {strides = array<i32>} : memref<4x4x8x768xf32, #tpu.memory_space<vmem>>, vector<1x1x1x16xf32>,
        %swap3A_2078 = vector.shape_cast %swap3A_2077 : vector<1x1x1x16xf32> to vector<16xf32>
        %swap3A_2079 = vector.shape_cast %bitcast_convert_type3A_2047 : vector<16xf32> to vector<1x1x1x16xf32>
        tpu.vector_store %arg8[%swap3A_2073, %swap3A_2074, %swap3A_2075, %swap3A_2076], %swap3A_2079 {add = true, strides = array<i32>} : memref<4x4x8x768xf32, #tpu.memory_space<vmem>>, vector<1x1x1x16xf32>,
        %swap3A_2080 = arith.constant 2 : i32
        %swap3A_2081 = arith.index_cast %rem3A_680 : i32 to index
        %swap3A_2082 = arith.index_cast %swap3A_2080 : i32 to index
        %swap3A_2083 = arith.index_cast %add3A_842 : i32 to index
        %swap3A_2084 = arith.constant 448 : index
        %swap3A_2085 = tpu.vector_load %arg8[%swap3A_2081, %swap3A_2082, %swap3A_2083, %swap3A_2084] {strides = array<i32>} : memref<4x4x8x768xf32, #tpu.memory_space<vmem>>, vector<1x1x1x16xf32>,
        %swap3A_2086 = vector.shape_cast %swap3A_2085 : vector<1x1x1x16xf32> to vector<16xf32>
        %swap3A_2087 = vector.shape_cast %bitcast_convert_type3A_2043 : vector<16xf32> to vector<1x1x1x16xf32>
        tpu.vector_store %arg8[%swap3A_2081, %swap3A_2082, %swap3A_2083, %swap3A_2084], %swap3A_2087 {add = true, strides = array<i32>} : memref<4x4x8x768xf32, #tpu.memory_space<vmem>>, vector<1x1x1x16xf32>,
        %swap3A_2088 = arith.constant 2 : i32
        %swap3A_2089 = arith.index_cast %rem3A_680 : i32 to index
        %swap3A_2090 = arith.index_cast %swap3A_2088 : i32 to index
        %swap3A_2091 = arith.index_cast %add3A_842 : i32 to index
        %swap3A_2092 = arith.constant 464 : index
        %swap3A_2093 = tpu.vector_load %arg8[%swap3A_2089, %swap3A_2090, %swap3A_2091, %swap3A_2092] {strides = array<i32>} : memref<4x4x8x768xf32, #tpu.memory_space<vmem>>, vector<1x1x1x16xf32>,
        %swap3A_2094 = vector.shape_cast %swap3A_2093 : vector<1x1x1x16xf32> to vector<16xf32>
        %swap3A_2095 = vector.shape_cast %bitcast_convert_type3A_2047 : vector<16xf32> to vector<1x1x1x16xf32>
        tpu.vector_store %arg8[%swap3A_2089, %swap3A_2090, %swap3A_2091, %swap3A_2092], %swap3A_2095 {add = true, strides = array<i32>} : memref<4x4x8x768xf32, #tpu.memory_space<vmem>>, vector<1x1x1x16xf32>,
        %swap3A_2096 = arith.constant 3 : i32
        %swap3A_2097 = arith.index_cast %rem3A_680 : i32 to index
        %swap3A_2098 = arith.index_cast %swap3A_2096 : i32 to index
        %swap3A_2099 = arith.index_cast %add3A_842 : i32 to index
        %swap3A_2100 = arith.constant 448 : index
        %swap3A_2101 = tpu.vector_load %arg8[%swap3A_2097, %swap3A_2098, %swap3A_2099, %swap3A_2100] {strides = array<i32>} : memref<4x4x8x768xf32, #tpu.memory_space<vmem>>, vector<1x1x1x16xf32>,
        %swap3A_2102 = vector.shape_cast %swap3A_2101 : vector<1x1x1x16xf32> to vector<16xf32>
        %swap3A_2103 = vector.shape_cast %bitcast_convert_type3A_2043 : vector<16xf32> to vector<1x1x1x16xf32>
        tpu.vector_store %arg8[%swap3A_2097, %swap3A_2098, %swap3A_2099, %swap3A_2100], %swap3A_2103 {add = true, strides = array<i32>} : memref<4x4x8x768xf32, #tpu.memory_space<vmem>>, vector<1x1x1x16xf32>,
        %swap3A_2104 = arith.constant 3 : i32
        %swap3A_2105 = arith.index_cast %rem3A_680 : i32 to index
        %swap3A_2106 = arith.index_cast %swap3A_2104 : i32 to index
        %swap3A_2107 = arith.index_cast %add3A_842 : i32 to index
        %swap3A_2108 = arith.constant 464 : index
        %swap3A_2109 = tpu.vector_load %arg8[%swap3A_2105, %swap3A_2106, %swap3A_2107, %swap3A_2108] {strides = array<i32>} : memref<4x4x8x768xf32, #tpu.memory_space<vmem>>, vector<1x1x1x16xf32>,
        %swap3A_2110 = vector.shape_cast %swap3A_2109 : vector<1x1x1x16xf32> to vector<16xf32>
        %swap3A_2111 = vector.shape_cast %bitcast_convert_type3A_2047 : vector<16xf32> to vector<1x1x1x16xf32>
        tpu.vector_store %arg8[%swap3A_2105, %swap3A_2106, %swap3A_2107, %swap3A_2108], %swap3A_2111 {add = true, strides = array<i32>} : memref<4x4x8x768xf32, #tpu.memory_space<vmem>>, vector<1x1x1x16xf32>,
        %mul3A_2112 = arith.constant 8 : i32
        %mul3A_2113 = arith.muli %add3A_679, %mul3A_2112 : i32
        %mul3A_2114 = arith.constant 384 : i32
        %mul3A_2115 = arith.muli %mul3A_2113, %mul3A_2114 : i32
        %mul3A_2116 = arith.constant 384 : i32
        %mul3A_2117 = arith.muli %add3A_842, %mul3A_2116 : i32
        %add3A_2118 = arith.addi %mul3A_2115, %mul3A_2117 : i32
        %add3A_2119 = arith.constant 240 : i32
        %add3A_2120 = arith.addi %add3A_2118, %add3A_2119 : i32
        %multiple_of3A_2121 = tpu.assume_multiple %add3A_2120, 16 : i32
        %get3A_2122 = arith.index_cast %multiple_of3A_2121 : i32 to index
        %get3A_2123 = tpu.vector_load %arg7[%get3A_2122] {strides = array<i32>} : memref<24576xi32, #tpu.memory_space<vmem>>, vector<16xi32>,
        %get3A_2124 = vector.shape_cast %get3A_2123 : vector<16xi32> to vector<16xi32>
        %shift_left3A_2125 = arith.constant 16 : i32
        %shift_left3A_2126 = vector.broadcast %shift_left3A_2125 : i32 to vector<16xi32>
        %shift_left3A_2127 = arith.shli %get3A_2124, %shift_left3A_2126 : vector<16xi32>
        %bitcast_convert_type3A_2128 = tpu.bitcast %shift_left3A_2127 : vector<16xi32> -> vector<16xf32>
        %and3A_2129 = arith.constant -65536 : i32
        %and3A_2130 = vector.broadcast %and3A_2129 : i32 to vector<16xi32>
        %and3A_2131 = arith.andi %get3A_2124, %and3A_2130 : vector<16xi32>
        %bitcast_convert_type3A_2132 = tpu.bitcast %and3A_2131 : vector<16xi32> -> vector<16xf32>
        %swap3A_2133 = arith.constant 0 : i32
        %swap3A_2134 = arith.index_cast %rem3A_680 : i32 to index
        %swap3A_2135 = arith.index_cast %swap3A_2133 : i32 to index
        %swap3A_2136 = arith.index_cast %add3A_842 : i32 to index
        %swap3A_2137 = arith.constant 480 : index
        %swap3A_2138 = tpu.vector_load %arg8[%swap3A_2134, %swap3A_2135, %swap3A_2136, %swap3A_2137] {strides = array<i32>} : memref<4x4x8x768xf32, #tpu.memory_space<vmem>>, vector<1x1x1x16xf32>,
        %swap3A_2139 = vector.shape_cast %swap3A_2138 : vector<1x1x1x16xf32> to vector<16xf32>
        %swap3A_2140 = vector.shape_cast %bitcast_convert_type3A_2128 : vector<16xf32> to vector<1x1x1x16xf32>
        tpu.vector_store %arg8[%swap3A_2134, %swap3A_2135, %swap3A_2136, %swap3A_2137], %swap3A_2140 {add = true, strides = array<i32>} : memref<4x4x8x768xf32, #tpu.memory_space<vmem>>, vector<1x1x1x16xf32>,
        %swap3A_2141 = arith.constant 0 : i32
        %swap3A_2142 = arith.index_cast %rem3A_680 : i32 to index
        %swap3A_2143 = arith.index_cast %swap3A_2141 : i32 to index
        %swap3A_2144 = arith.index_cast %add3A_842 : i32 to index
        %swap3A_2145 = arith.constant 496 : index
        %swap3A_2146 = tpu.vector_load %arg8[%swap3A_2142, %swap3A_2143, %swap3A_2144, %swap3A_2145] {strides = array<i32>} : memref<4x4x8x768xf32, #tpu.memory_space<vmem>>, vector<1x1x1x16xf32>,
        %swap3A_2147 = vector.shape_cast %swap3A_2146 : vector<1x1x1x16xf32> to vector<16xf32>
        %swap3A_2148 = vector.shape_cast %bitcast_convert_type3A_2132 : vector<16xf32> to vector<1x1x1x16xf32>
        tpu.vector_store %arg8[%swap3A_2142, %swap3A_2143, %swap3A_2144, %swap3A_2145], %swap3A_2148 {add = true, strides = array<i32>} : memref<4x4x8x768xf32, #tpu.memory_space<vmem>>, vector<1x1x1x16xf32>,
        %swap3A_2149 = arith.constant 1 : i32
        %swap3A_2150 = arith.index_cast %rem3A_680 : i32 to index
        %swap3A_2151 = arith.index_cast %swap3A_2149 : i32 to index
        %swap3A_2152 = arith.index_cast %add3A_842 : i32 to index
        %swap3A_2153 = arith.constant 480 : index
        %swap3A_2154 = tpu.vector_load %arg8[%swap3A_2150, %swap3A_2151, %swap3A_2152, %swap3A_2153] {strides = array<i32>} : memref<4x4x8x768xf32, #tpu.memory_space<vmem>>, vector<1x1x1x16xf32>,
        %swap3A_2155 = vector.shape_cast %swap3A_2154 : vector<1x1x1x16xf32> to vector<16xf32>
        %swap3A_2156 = vector.shape_cast %bitcast_convert_type3A_2128 : vector<16xf32> to vector<1x1x1x16xf32>
        tpu.vector_store %arg8[%swap3A_2150, %swap3A_2151, %swap3A_2152, %swap3A_2153], %swap3A_2156 {add = true, strides = array<i32>} : memref<4x4x8x768xf32, #tpu.memory_space<vmem>>, vector<1x1x1x16xf32>,
        %swap3A_2157 = arith.constant 1 : i32
        %swap3A_2158 = arith.index_cast %rem3A_680 : i32 to index
        %swap3A_2159 = arith.index_cast %swap3A_2157 : i32 to index
        %swap3A_2160 = arith.index_cast %add3A_842 : i32 to index
        %swap3A_2161 = arith.constant 496 : index
        %swap3A_2162 = tpu.vector_load %arg8[%swap3A_2158, %swap3A_2159, %swap3A_2160, %swap3A_2161] {strides = array<i32>} : memref<4x4x8x768xf32, #tpu.memory_space<vmem>>, vector<1x1x1x16xf32>,
        %swap3A_2163 = vector.shape_cast %swap3A_2162 : vector<1x1x1x16xf32> to vector<16xf32>
        %swap3A_2164 = vector.shape_cast %bitcast_convert_type3A_2132 : vector<16xf32> to vector<1x1x1x16xf32>
        tpu.vector_store %arg8[%swap3A_2158, %swap3A_2159, %swap3A_2160, %swap3A_2161], %swap3A_2164 {add = true, strides = array<i32>} : memref<4x4x8x768xf32, #tpu.memory_space<vmem>>, vector<1x1x1x16xf32>,
        %swap3A_2165 = arith.constant 2 : i32
        %swap3A_2166 = arith.index_cast %rem3A_680 : i32 to index
        %swap3A_2167 = arith.index_cast %swap3A_2165 : i32 to index
        %swap3A_2168 = arith.index_cast %add3A_842 : i32 to index
        %swap3A_2169 = arith.constant 480 : index
        %swap3A_2170 = tpu.vector_load %arg8[%swap3A_2166, %swap3A_2167, %swap3A_2168, %swap3A_2169] {strides = array<i32>} : memref<4x4x8x768xf32, #tpu.memory_space<vmem>>, vector<1x1x1x16xf32>,
        %swap3A_2171 = vector.shape_cast %swap3A_2170 : vector<1x1x1x16xf32> to vector<16xf32>
        %swap3A_2172 = vector.shape_cast %bitcast_convert_type3A_2128 : vector<16xf32> to vector<1x1x1x16xf32>
        tpu.vector_store %arg8[%swap3A_2166, %swap3A_2167, %swap3A_2168, %swap3A_2169], %swap3A_2172 {add = true, strides = array<i32>} : memref<4x4x8x768xf32, #tpu.memory_space<vmem>>, vector<1x1x1x16xf32>,
        %swap3A_2173 = arith.constant 2 : i32
        %swap3A_2174 = arith.index_cast %rem3A_680 : i32 to index
        %swap3A_2175 = arith.index_cast %swap3A_2173 : i32 to index
        %swap3A_2176 = arith.index_cast %add3A_842 : i32 to index
        %swap3A_2177 = arith.constant 496 : index
        %swap3A_2178 = tpu.vector_load %arg8[%swap3A_2174, %swap3A_2175, %swap3A_2176, %swap3A_2177] {strides = array<i32>} : memref<4x4x8x768xf32, #tpu.memory_space<vmem>>, vector<1x1x1x16xf32>,
        %swap3A_2179 = vector.shape_cast %swap3A_2178 : vector<1x1x1x16xf32> to vector<16xf32>
        %swap3A_2180 = vector.shape_cast %bitcast_convert_type3A_2132 : vector<16xf32> to vector<1x1x1x16xf32>
        tpu.vector_store %arg8[%swap3A_2174, %swap3A_2175, %swap3A_2176, %swap3A_2177], %swap3A_2180 {add = true, strides = array<i32>} : memref<4x4x8x768xf32, #tpu.memory_space<vmem>>, vector<1x1x1x16xf32>,
        %swap3A_2181 = arith.constant 3 : i32
        %swap3A_2182 = arith.index_cast %rem3A_680 : i32 to index
        %swap3A_2183 = arith.index_cast %swap3A_2181 : i32 to index
        %swap3A_2184 = arith.index_cast %add3A_842 : i32 to index
        %swap3A_2185 = arith.constant 480 : index
        %swap3A_2186 = tpu.vector_load %arg8[%swap3A_2182, %swap3A_2183, %swap3A_2184, %swap3A_2185] {strides = array<i32>} : memref<4x4x8x768xf32, #tpu.memory_space<vmem>>, vector<1x1x1x16xf32>,
        %swap3A_2187 = vector.shape_cast %swap3A_2186 : vector<1x1x1x16xf32> to vector<16xf32>
        %swap3A_2188 = vector.shape_cast %bitcast_convert_type3A_2128 : vector<16xf32> to vector<1x1x1x16xf32>
        tpu.vector_store %arg8[%swap3A_2182, %swap3A_2183, %swap3A_2184, %swap3A_2185], %swap3A_2188 {add = true, strides = array<i32>} : memref<4x4x8x768xf32, #tpu.memory_space<vmem>>, vector<1x1x1x16xf32>,
        %swap3A_2189 = arith.constant 3 : i32
        %swap3A_2190 = arith.index_cast %rem3A_680 : i32 to index
        %swap3A_2191 = arith.index_cast %swap3A_2189 : i32 to index
        %swap3A_2192 = arith.index_cast %add3A_842 : i32 to index
        %swap3A_2193 = arith.constant 496 : index
        %swap3A_2194 = tpu.vector_load %arg8[%swap3A_2190, %swap3A_2191, %swap3A_2192, %swap3A_2193] {strides = array<i32>} : memref<4x4x8x768xf32, #tpu.memory_space<vmem>>, vector<1x1x1x16xf32>,
        %swap3A_2195 = vector.shape_cast %swap3A_2194 : vector<1x1x1x16xf32> to vector<16xf32>
        %swap3A_2196 = vector.shape_cast %bitcast_convert_type3A_2132 : vector<16xf32> to vector<1x1x1x16xf32>
        tpu.vector_store %arg8[%swap3A_2190, %swap3A_2191, %swap3A_2192, %swap3A_2193], %swap3A_2196 {add = true, strides = array<i32>} : memref<4x4x8x768xf32, #tpu.memory_space<vmem>>, vector<1x1x1x16xf32>,
        %mul3A_2197 = arith.constant 8 : i32
        %mul3A_2198 = arith.muli %add3A_679, %mul3A_2197 : i32
        %mul3A_2199 = arith.constant 384 : i32
        %mul3A_2200 = arith.muli %mul3A_2198, %mul3A_2199 : i32
        %mul3A_2201 = arith.constant 384 : i32
        %mul3A_2202 = arith.muli %add3A_842, %mul3A_2201 : i32
        %add3A_2203 = arith.addi %mul3A_2200, %mul3A_2202 : i32
        %add3A_2204 = arith.constant 256 : i32
        %add3A_2205 = arith.addi %add3A_2203, %add3A_2204 : i32
        %multiple_of3A_2206 = tpu.assume_multiple %add3A_2205, 16 : i32
        %get3A_2207 = arith.index_cast %multiple_of3A_2206 : i32 to index
        %get3A_2208 = tpu.vector_load %arg7[%get3A_2207] {strides = array<i32>} : memref<24576xi32, #tpu.memory_space<vmem>>, vector<16xi32>,
        %get3A_2209 = vector.shape_cast %get3A_2208 : vector<16xi32> to vector<16xi32>
        %shift_left3A_2210 = arith.constant 16 : i32
        %shift_left3A_2211 = vector.broadcast %shift_left3A_2210 : i32 to vector<16xi32>
        %shift_left3A_2212 = arith.shli %get3A_2209, %shift_left3A_2211 : vector<16xi32>
        %bitcast_convert_type3A_2213 = tpu.bitcast %shift_left3A_2212 : vector<16xi32> -> vector<16xf32>
        %and3A_2214 = arith.constant -65536 : i32
        %and3A_2215 = vector.broadcast %and3A_2214 : i32 to vector<16xi32>
        %and3A_2216 = arith.andi %get3A_2209, %and3A_2215 : vector<16xi32>
        %bitcast_convert_type3A_2217 = tpu.bitcast %and3A_2216 : vector<16xi32> -> vector<16xf32>
        %swap3A_2218 = arith.constant 0 : i32
        %swap3A_2219 = arith.index_cast %rem3A_680 : i32 to index
        %swap3A_2220 = arith.index_cast %swap3A_2218 : i32 to index
        %swap3A_2221 = arith.index_cast %add3A_842 : i32 to index
        %swap3A_2222 = arith.constant 512 : index
        %swap3A_2223 = tpu.vector_load %arg8[%swap3A_2219, %swap3A_2220, %swap3A_2221, %swap3A_2222] {strides = array<i32>} : memref<4x4x8x768xf32, #tpu.memory_space<vmem>>, vector<1x1x1x16xf32>,
        %swap3A_2224 = vector.shape_cast %swap3A_2223 : vector<1x1x1x16xf32> to vector<16xf32>
        %swap3A_2225 = vector.shape_cast %bitcast_convert_type3A_2213 : vector<16xf32> to vector<1x1x1x16xf32>
        tpu.vector_store %arg8[%swap3A_2219, %swap3A_2220, %swap3A_2221, %swap3A_2222], %swap3A_2225 {add = true, strides = array<i32>} : memref<4x4x8x768xf32, #tpu.memory_space<vmem>>, vector<1x1x1x16xf32>,
        %swap3A_2226 = arith.constant 0 : i32
        %swap3A_2227 = arith.index_cast %rem3A_680 : i32 to index
        %swap3A_2228 = arith.index_cast %swap3A_2226 : i32 to index
        %swap3A_2229 = arith.index_cast %add3A_842 : i32 to index
        %swap3A_2230 = arith.constant 528 : index
        %swap3A_2231 = tpu.vector_load %arg8[%swap3A_2227, %swap3A_2228, %swap3A_2229, %swap3A_2230] {strides = array<i32>} : memref<4x4x8x768xf32, #tpu.memory_space<vmem>>, vector<1x1x1x16xf32>,
        %swap3A_2232 = vector.shape_cast %swap3A_2231 : vector<1x1x1x16xf32> to vector<16xf32>
        %swap3A_2233 = vector.shape_cast %bitcast_convert_type3A_2217 : vector<16xf32> to vector<1x1x1x16xf32>
        tpu.vector_store %arg8[%swap3A_2227, %swap3A_2228, %swap3A_2229, %swap3A_2230], %swap3A_2233 {add = true, strides = array<i32>} : memref<4x4x8x768xf32, #tpu.memory_space<vmem>>, vector<1x1x1x16xf32>,
        %swap3A_2234 = arith.constant 1 : i32
        %swap3A_2235 = arith.index_cast %rem3A_680 : i32 to index
        %swap3A_2236 = arith.index_cast %swap3A_2234 : i32 to index
        %swap3A_2237 = arith.index_cast %add3A_842 : i32 to index
        %swap3A_2238 = arith.constant 512 : index
        %swap3A_2239 = tpu.vector_load %arg8[%swap3A_2235, %swap3A_2236, %swap3A_2237, %swap3A_2238] {strides = array<i32>} : memref<4x4x8x768xf32, #tpu.memory_space<vmem>>, vector<1x1x1x16xf32>,
        %swap3A_2240 = vector.shape_cast %swap3A_2239 : vector<1x1x1x16xf32> to vector<16xf32>
        %swap3A_2241 = vector.shape_cast %bitcast_convert_type3A_2213 : vector<16xf32> to vector<1x1x1x16xf32>
        tpu.vector_store %arg8[%swap3A_2235, %swap3A_2236, %swap3A_2237, %swap3A_2238], %swap3A_2241 {add = true, strides = array<i32>} : memref<4x4x8x768xf32, #tpu.memory_space<vmem>>, vector<1x1x1x16xf32>,
        %swap3A_2242 = arith.constant 1 : i32
        %swap3A_2243 = arith.index_cast %rem3A_680 : i32 to index
        %swap3A_2244 = arith.index_cast %swap3A_2242 : i32 to index
        %swap3A_2245 = arith.index_cast %add3A_842 : i32 to index
        %swap3A_2246 = arith.constant 528 : index
        %swap3A_2247 = tpu.vector_load %arg8[%swap3A_2243, %swap3A_2244, %swap3A_2245, %swap3A_2246] {strides = array<i32>} : memref<4x4x8x768xf32, #tpu.memory_space<vmem>>, vector<1x1x1x16xf32>,
        %swap3A_2248 = vector.shape_cast %swap3A_2247 : vector<1x1x1x16xf32> to vector<16xf32>
        %swap3A_2249 = vector.shape_cast %bitcast_convert_type3A_2217 : vector<16xf32> to vector<1x1x1x16xf32>
        tpu.vector_store %arg8[%swap3A_2243, %swap3A_2244, %swap3A_2245, %swap3A_2246], %swap3A_2249 {add = true, strides = array<i32>} : memref<4x4x8x768xf32, #tpu.memory_space<vmem>>, vector<1x1x1x16xf32>,
        %swap3A_2250 = arith.constant 2 : i32
        %swap3A_2251 = arith.index_cast %rem3A_680 : i32 to index
        %swap3A_2252 = arith.index_cast %swap3A_2250 : i32 to index
        %swap3A_2253 = arith.index_cast %add3A_842 : i32 to index
        %swap3A_2254 = arith.constant 512 : index
        %swap3A_2255 = tpu.vector_load %arg8[%swap3A_2251, %swap3A_2252, %swap3A_2253, %swap3A_2254] {strides = array<i32>} : memref<4x4x8x768xf32, #tpu.memory_space<vmem>>, vector<1x1x1x16xf32>,
        %swap3A_2256 = vector.shape_cast %swap3A_2255 : vector<1x1x1x16xf32> to vector<16xf32>
        %swap3A_2257 = vector.shape_cast %bitcast_convert_type3A_2213 : vector<16xf32> to vector<1x1x1x16xf32>
        tpu.vector_store %arg8[%swap3A_2251, %swap3A_2252, %swap3A_2253, %swap3A_2254], %swap3A_2257 {add = true, strides = array<i32>} : memref<4x4x8x768xf32, #tpu.memory_space<vmem>>, vector<1x1x1x16xf32>,
        %swap3A_2258 = arith.constant 2 : i32
        %swap3A_2259 = arith.index_cast %rem3A_680 : i32 to index
        %swap3A_2260 = arith.index_cast %swap3A_2258 : i32 to index
        %swap3A_2261 = arith.index_cast %add3A_842 : i32 to index
        %swap3A_2262 = arith.constant 528 : index
        %swap3A_2263 = tpu.vector_load %arg8[%swap3A_2259, %swap3A_2260, %swap3A_2261, %swap3A_2262] {strides = array<i32>} : memref<4x4x8x768xf32, #tpu.memory_space<vmem>>, vector<1x1x1x16xf32>,
        %swap3A_2264 = vector.shape_cast %swap3A_2263 : vector<1x1x1x16xf32> to vector<16xf32>
        %swap3A_2265 = vector.shape_cast %bitcast_convert_type3A_2217 : vector<16xf32> to vector<1x1x1x16xf32>
        tpu.vector_store %arg8[%swap3A_2259, %swap3A_2260, %swap3A_2261, %swap3A_2262], %swap3A_2265 {add = true, strides = array<i32>} : memref<4x4x8x768xf32, #tpu.memory_space<vmem>>, vector<1x1x1x16xf32>,
        %swap3A_2266 = arith.constant 3 : i32
        %swap3A_2267 = arith.index_cast %rem3A_680 : i32 to index
        %swap3A_2268 = arith.index_cast %swap3A_2266 : i32 to index
        %swap3A_2269 = arith.index_cast %add3A_842 : i32 to index
        %swap3A_2270 = arith.constant 512 : index
        %swap3A_2271 = tpu.vector_load %arg8[%swap3A_2267, %swap3A_2268, %swap3A_2269, %swap3A_2270] {strides = array<i32>} : memref<4x4x8x768xf32, #tpu.memory_space<vmem>>, vector<1x1x1x16xf32>,
        %swap3A_2272 = vector.shape_cast %swap3A_2271 : vector<1x1x1x16xf32> to vector<16xf32>
        %swap3A_2273 = vector.shape_cast %bitcast_convert_type3A_2213 : vector<16xf32> to vector<1x1x1x16xf32>
        tpu.vector_store %arg8[%swap3A_2267, %swap3A_2268, %swap3A_2269, %swap3A_2270], %swap3A_2273 {add = true, strides = array<i32>} : memref<4x4x8x768xf32, #tpu.memory_space<vmem>>, vector<1x1x1x16xf32>,
        %swap3A_2274 = arith.constant 3 : i32
        %swap3A_2275 = arith.index_cast %rem3A_680 : i32 to index
        %swap3A_2276 = arith.index_cast %swap3A_2274 : i32 to index
        %swap3A_2277 = arith.index_cast %add3A_842 : i32 to index
        %swap3A_2278 = arith.constant 528 : index
        %swap3A_2279 = tpu.vector_load %arg8[%swap3A_2275, %swap3A_2276, %swap3A_2277, %swap3A_2278] {strides = array<i32>} : memref<4x4x8x768xf32, #tpu.memory_space<vmem>>, vector<1x1x1x16xf32>,
        %swap3A_2280 = vector.shape_cast %swap3A_2279 : vector<1x1x1x16xf32> to vector<16xf32>
        %swap3A_2281 = vector.shape_cast %bitcast_convert_type3A_2217 : vector<16xf32> to vector<1x1x1x16xf32>
        tpu.vector_store %arg8[%swap3A_2275, %swap3A_2276, %swap3A_2277, %swap3A_2278], %swap3A_2281 {add = true, strides = array<i32>} : memref<4x4x8x768xf32, #tpu.memory_space<vmem>>, vector<1x1x1x16xf32>,
        %mul3A_2282 = arith.constant 8 : i32
        %mul3A_2283 = arith.muli %add3A_679, %mul3A_2282 : i32
        %mul3A_2284 = arith.constant 384 : i32
        %mul3A_2285 = arith.muli %mul3A_2283, %mul3A_2284 : i32
        %mul3A_2286 = arith.constant 384 : i32
        %mul3A_2287 = arith.muli %add3A_842, %mul3A_2286 : i32
        %add3A_2288 = arith.addi %mul3A_2285, %mul3A_2287 : i32
        %add3A_2289 = arith.constant 272 : i32
        %add3A_2290 = arith.addi %add3A_2288, %add3A_2289 : i32
        %multiple_of3A_2291 = tpu.assume_multiple %add3A_2290, 16 : i32
        %get3A_2292 = arith.index_cast %multiple_of3A_2291 : i32 to index
        %get3A_2293 = tpu.vector_load %arg7[%get3A_2292] {strides = array<i32>} : memref<24576xi32, #tpu.memory_space<vmem>>, vector<16xi32>,
        %get3A_2294 = vector.shape_cast %get3A_2293 : vector<16xi32> to vector<16xi32>
        %shift_left3A_2295 = arith.constant 16 : i32
        %shift_left3A_2296 = vector.broadcast %shift_left3A_2295 : i32 to vector<16xi32>
        %shift_left3A_2297 = arith.shli %get3A_2294, %shift_left3A_2296 : vector<16xi32>
        %bitcast_convert_type3A_2298 = tpu.bitcast %shift_left3A_2297 : vector<16xi32> -> vector<16xf32>
        %and3A_2299 = arith.constant -65536 : i32
        %and3A_2300 = vector.broadcast %and3A_2299 : i32 to vector<16xi32>
        %and3A_2301 = arith.andi %get3A_2294, %and3A_2300 : vector<16xi32>
        %bitcast_convert_type3A_2302 = tpu.bitcast %and3A_2301 : vector<16xi32> -> vector<16xf32>
        %swap3A_2303 = arith.constant 0 : i32
        %swap3A_2304 = arith.index_cast %rem3A_680 : i32 to index
        %swap3A_2305 = arith.index_cast %swap3A_2303 : i32 to index
        %swap3A_2306 = arith.index_cast %add3A_842 : i32 to index
        %swap3A_2307 = arith.constant 544 : index
        %swap3A_2308 = tpu.vector_load %arg8[%swap3A_2304, %swap3A_2305, %swap3A_2306, %swap3A_2307] {strides = array<i32>} : memref<4x4x8x768xf32, #tpu.memory_space<vmem>>, vector<1x1x1x16xf32>,
        %swap3A_2309 = vector.shape_cast %swap3A_2308 : vector<1x1x1x16xf32> to vector<16xf32>
        %swap3A_2310 = vector.shape_cast %bitcast_convert_type3A_2298 : vector<16xf32> to vector<1x1x1x16xf32>
        tpu.vector_store %arg8[%swap3A_2304, %swap3A_2305, %swap3A_2306, %swap3A_2307], %swap3A_2310 {add = true, strides = array<i32>} : memref<4x4x8x768xf32, #tpu.memory_space<vmem>>, vector<1x1x1x16xf32>,
        %swap3A_2311 = arith.constant 0 : i32
        %swap3A_2312 = arith.index_cast %rem3A_680 : i32 to index
        %swap3A_2313 = arith.index_cast %swap3A_2311 : i32 to index
        %swap3A_2314 = arith.index_cast %add3A_842 : i32 to index
        %swap3A_2315 = arith.constant 560 : index
        %swap3A_2316 = tpu.vector_load %arg8[%swap3A_2312, %swap3A_2313, %swap3A_2314, %swap3A_2315] {strides = array<i32>} : memref<4x4x8x768xf32, #tpu.memory_space<vmem>>, vector<1x1x1x16xf32>,
        %swap3A_2317 = vector.shape_cast %swap3A_2316 : vector<1x1x1x16xf32> to vector<16xf32>
        %swap3A_2318 = vector.shape_cast %bitcast_convert_type3A_2302 : vector<16xf32> to vector<1x1x1x16xf32>
        tpu.vector_store %arg8[%swap3A_2312, %swap3A_2313, %swap3A_2314, %swap3A_2315], %swap3A_2318 {add = true, strides = array<i32>} : memref<4x4x8x768xf32, #tpu.memory_space<vmem>>, vector<1x1x1x16xf32>,
        %swap3A_2319 = arith.constant 1 : i32
        %swap3A_2320 = arith.index_cast %rem3A_680 : i32 to index
        %swap3A_2321 = arith.index_cast %swap3A_2319 : i32 to index
        %swap3A_2322 = arith.index_cast %add3A_842 : i32 to index
        %swap3A_2323 = arith.constant 544 : index
        %swap3A_2324 = tpu.vector_load %arg8[%swap3A_2320, %swap3A_2321, %swap3A_2322, %swap3A_2323] {strides = array<i32>} : memref<4x4x8x768xf32, #tpu.memory_space<vmem>>, vector<1x1x1x16xf32>,
        %swap3A_2325 = vector.shape_cast %swap3A_2324 : vector<1x1x1x16xf32> to vector<16xf32>
        %swap3A_2326 = vector.shape_cast %bitcast_convert_type3A_2298 : vector<16xf32> to vector<1x1x1x16xf32>
        tpu.vector_store %arg8[%swap3A_2320, %swap3A_2321, %swap3A_2322, %swap3A_2323], %swap3A_2326 {add = true, strides = array<i32>} : memref<4x4x8x768xf32, #tpu.memory_space<vmem>>, vector<1x1x1x16xf32>,
        %swap3A_2327 = arith.constant 1 : i32
        %swap3A_2328 = arith.index_cast %rem3A_680 : i32 to index
        %swap3A_2329 = arith.index_cast %swap3A_2327 : i32 to index
        %swap3A_2330 = arith.index_cast %add3A_842 : i32 to index
        %swap3A_2331 = arith.constant 560 : index
        %swap3A_2332 = tpu.vector_load %arg8[%swap3A_2328, %swap3A_2329, %swap3A_2330, %swap3A_2331] {strides = array<i32>} : memref<4x4x8x768xf32, #tpu.memory_space<vmem>>, vector<1x1x1x16xf32>,
        %swap3A_2333 = vector.shape_cast %swap3A_2332 : vector<1x1x1x16xf32> to vector<16xf32>
        %swap3A_2334 = vector.shape_cast %bitcast_convert_type3A_2302 : vector<16xf32> to vector<1x1x1x16xf32>
        tpu.vector_store %arg8[%swap3A_2328, %swap3A_2329, %swap3A_2330, %swap3A_2331], %swap3A_2334 {add = true, strides = array<i32>} : memref<4x4x8x768xf32, #tpu.memory_space<vmem>>, vector<1x1x1x16xf32>,
        %swap3A_2335 = arith.constant 2 : i32
        %swap3A_2336 = arith.index_cast %rem3A_680 : i32 to index
        %swap3A_2337 = arith.index_cast %swap3A_2335 : i32 to index
        %swap3A_2338 = arith.index_cast %add3A_842 : i32 to index
        %swap3A_2339 = arith.constant 544 : index
        %swap3A_2340 = tpu.vector_load %arg8[%swap3A_2336, %swap3A_2337, %swap3A_2338, %swap3A_2339] {strides = array<i32>} : memref<4x4x8x768xf32, #tpu.memory_space<vmem>>, vector<1x1x1x16xf32>,
        %swap3A_2341 = vector.shape_cast %swap3A_2340 : vector<1x1x1x16xf32> to vector<16xf32>
        %swap3A_2342 = vector.shape_cast %bitcast_convert_type3A_2298 : vector<16xf32> to vector<1x1x1x16xf32>
        tpu.vector_store %arg8[%swap3A_2336, %swap3A_2337, %swap3A_2338, %swap3A_2339], %swap3A_2342 {add = true, strides = array<i32>} : memref<4x4x8x768xf32, #tpu.memory_space<vmem>>, vector<1x1x1x16xf32>,
        %swap3A_2343 = arith.constant 2 : i32
        %swap3A_2344 = arith.index_cast %rem3A_680 : i32 to index
        %swap3A_2345 = arith.index_cast %swap3A_2343 : i32 to index
        %swap3A_2346 = arith.index_cast %add3A_842 : i32 to index
        %swap3A_2347 = arith.constant 560 : index
        %swap3A_2348 = tpu.vector_load %arg8[%swap3A_2344, %swap3A_2345, %swap3A_2346, %swap3A_2347] {strides = array<i32>} : memref<4x4x8x768xf32, #tpu.memory_space<vmem>>, vector<1x1x1x16xf32>,
        %swap3A_2349 = vector.shape_cast %swap3A_2348 : vector<1x1x1x16xf32> to vector<16xf32>
        %swap3A_2350 = vector.shape_cast %bitcast_convert_type3A_2302 : vector<16xf32> to vector<1x1x1x16xf32>
        tpu.vector_store %arg8[%swap3A_2344, %swap3A_2345, %swap3A_2346, %swap3A_2347], %swap3A_2350 {add = true, strides = array<i32>} : memref<4x4x8x768xf32, #tpu.memory_space<vmem>>, vector<1x1x1x16xf32>,
        %swap3A_2351 = arith.constant 3 : i32
        %swap3A_2352 = arith.index_cast %rem3A_680 : i32 to index
        %swap3A_2353 = arith.index_cast %swap3A_2351 : i32 to index
        %swap3A_2354 = arith.index_cast %add3A_842 : i32 to index
        %swap3A_2355 = arith.constant 544 : index
        %swap3A_2356 = tpu.vector_load %arg8[%swap3A_2352, %swap3A_2353, %swap3A_2354, %swap3A_2355] {strides = array<i32>} : memref<4x4x8x768xf32, #tpu.memory_space<vmem>>, vector<1x1x1x16xf32>,
        %swap3A_2357 = vector.shape_cast %swap3A_2356 : vector<1x1x1x16xf32> to vector<16xf32>
        %swap3A_2358 = vector.shape_cast %bitcast_convert_type3A_2298 : vector<16xf32> to vector<1x1x1x16xf32>
        tpu.vector_store %arg8[%swap3A_2352, %swap3A_2353, %swap3A_2354, %swap3A_2355], %swap3A_2358 {add = true, strides = array<i32>} : memref<4x4x8x768xf32, #tpu.memory_space<vmem>>, vector<1x1x1x16xf32>,
        %swap3A_2359 = arith.constant 3 : i32
        %swap3A_2360 = arith.index_cast %rem3A_680 : i32 to index
        %swap3A_2361 = arith.index_cast %swap3A_2359 : i32 to index
        %swap3A_2362 = arith.index_cast %add3A_842 : i32 to index
        %swap3A_2363 = arith.constant 560 : index
        %swap3A_2364 = tpu.vector_load %arg8[%swap3A_2360, %swap3A_2361, %swap3A_2362, %swap3A_2363] {strides = array<i32>} : memref<4x4x8x768xf32, #tpu.memory_space<vmem>>, vector<1x1x1x16xf32>,
        %swap3A_2365 = vector.shape_cast %swap3A_2364 : vector<1x1x1x16xf32> to vector<16xf32>
        %swap3A_2366 = vector.shape_cast %bitcast_convert_type3A_2302 : vector<16xf32> to vector<1x1x1x16xf32>
        tpu.vector_store %arg8[%swap3A_2360, %swap3A_2361, %swap3A_2362, %swap3A_2363], %swap3A_2366 {add = true, strides = array<i32>} : memref<4x4x8x768xf32, #tpu.memory_space<vmem>>, vector<1x1x1x16xf32>,
        %mul3A_2367 = arith.constant 8 : i32
        %mul3A_2368 = arith.muli %add3A_679, %mul3A_2367 : i32
        %mul3A_2369 = arith.constant 384 : i32
        %mul3A_2370 = arith.muli %mul3A_2368, %mul3A_2369 : i32
        %mul3A_2371 = arith.constant 384 : i32
        %mul3A_2372 = arith.muli %add3A_842, %mul3A_2371 : i32
        %add3A_2373 = arith.addi %mul3A_2370, %mul3A_2372 : i32
        %add3A_2374 = arith.constant 288 : i32
        %add3A_2375 = arith.addi %add3A_2373, %add3A_2374 : i32
        %multiple_of3A_2376 = tpu.assume_multiple %add3A_2375, 16 : i32
        %get3A_2377 = arith.index_cast %multiple_of3A_2376 : i32 to index
        %get3A_2378 = tpu.vector_load %arg7[%get3A_2377] {strides = array<i32>} : memref<24576xi32, #tpu.memory_space<vmem>>, vector<16xi32>,
        %get3A_2379 = vector.shape_cast %get3A_2378 : vector<16xi32> to vector<16xi32>
        %shift_left3A_2380 = arith.constant 16 : i32
        %shift_left3A_2381 = vector.broadcast %shift_left3A_2380 : i32 to vector<16xi32>
        %shift_left3A_2382 = arith.shli %get3A_2379, %shift_left3A_2381 : vector<16xi32>
        %bitcast_convert_type3A_2383 = tpu.bitcast %shift_left3A_2382 : vector<16xi32> -> vector<16xf32>
        %and3A_2384 = arith.constant -65536 : i32
        %and3A_2385 = vector.broadcast %and3A_2384 : i32 to vector<16xi32>
        %and3A_2386 = arith.andi %get3A_2379, %and3A_2385 : vector<16xi32>
        %bitcast_convert_type3A_2387 = tpu.bitcast %and3A_2386 : vector<16xi32> -> vector<16xf32>
        %swap3A_2388 = arith.constant 0 : i32
        %swap3A_2389 = arith.index_cast %rem3A_680 : i32 to index
        %swap3A_2390 = arith.index_cast %swap3A_2388 : i32 to index
        %swap3A_2391 = arith.index_cast %add3A_842 : i32 to index
        %swap3A_2392 = arith.constant 576 : index
        %swap3A_2393 = tpu.vector_load %arg8[%swap3A_2389, %swap3A_2390, %swap3A_2391, %swap3A_2392] {strides = array<i32>} : memref<4x4x8x768xf32, #tpu.memory_space<vmem>>, vector<1x1x1x16xf32>,
        %swap3A_2394 = vector.shape_cast %swap3A_2393 : vector<1x1x1x16xf32> to vector<16xf32>
        %swap3A_2395 = vector.shape_cast %bitcast_convert_type3A_2383 : vector<16xf32> to vector<1x1x1x16xf32>
        tpu.vector_store %arg8[%swap3A_2389, %swap3A_2390, %swap3A_2391, %swap3A_2392], %swap3A_2395 {add = true, strides = array<i32>} : memref<4x4x8x768xf32, #tpu.memory_space<vmem>>, vector<1x1x1x16xf32>,
        %swap3A_2396 = arith.constant 0 : i32
        %swap3A_2397 = arith.index_cast %rem3A_680 : i32 to index
        %swap3A_2398 = arith.index_cast %swap3A_2396 : i32 to index
        %swap3A_2399 = arith.index_cast %add3A_842 : i32 to index
        %swap3A_2400 = arith.constant 592 : index
        %swap3A_2401 = tpu.vector_load %arg8[%swap3A_2397, %swap3A_2398, %swap3A_2399, %swap3A_2400] {strides = array<i32>} : memref<4x4x8x768xf32, #tpu.memory_space<vmem>>, vector<1x1x1x16xf32>,
        %swap3A_2402 = vector.shape_cast %swap3A_2401 : vector<1x1x1x16xf32> to vector<16xf32>
        %swap3A_2403 = vector.shape_cast %bitcast_convert_type3A_2387 : vector<16xf32> to vector<1x1x1x16xf32>
        tpu.vector_store %arg8[%swap3A_2397, %swap3A_2398, %swap3A_2399, %swap3A_2400], %swap3A_2403 {add = true, strides = array<i32>} : memref<4x4x8x768xf32, #tpu.memory_space<vmem>>, vector<1x1x1x16xf32>,
        %swap3A_2404 = arith.constant 1 : i32
        %swap3A_2405 = arith.index_cast %rem3A_680 : i32 to index
        %swap3A_2406 = arith.index_cast %swap3A_2404 : i32 to index
        %swap3A_2407 = arith.index_cast %add3A_842 : i32 to index
        %swap3A_2408 = arith.constant 576 : index
        %swap3A_2409 = tpu.vector_load %arg8[%swap3A_2405, %swap3A_2406, %swap3A_2407, %swap3A_2408] {strides = array<i32>} : memref<4x4x8x768xf32, #tpu.memory_space<vmem>>, vector<1x1x1x16xf32>,
        %swap3A_2410 = vector.shape_cast %swap3A_2409 : vector<1x1x1x16xf32> to vector<16xf32>
        %swap3A_2411 = vector.shape_cast %bitcast_convert_type3A_2383 : vector<16xf32> to vector<1x1x1x16xf32>
        tpu.vector_store %arg8[%swap3A_2405, %swap3A_2406, %swap3A_2407, %swap3A_2408], %swap3A_2411 {add = true, strides = array<i32>} : memref<4x4x8x768xf32, #tpu.memory_space<vmem>>, vector<1x1x1x16xf32>,
        %swap3A_2412 = arith.constant 1 : i32
        %swap3A_2413 = arith.index_cast %rem3A_680 : i32 to index
        %swap3A_2414 = arith.index_cast %swap3A_2412 : i32 to index
        %swap3A_2415 = arith.index_cast %add3A_842 : i32 to index
        %swap3A_2416 = arith.constant 592 : index
        %swap3A_2417 = tpu.vector_load %arg8[%swap3A_2413, %swap3A_2414, %swap3A_2415, %swap3A_2416] {strides = array<i32>} : memref<4x4x8x768xf32, #tpu.memory_space<vmem>>, vector<1x1x1x16xf32>,
        %swap3A_2418 = vector.shape_cast %swap3A_2417 : vector<1x1x1x16xf32> to vector<16xf32>
        %swap3A_2419 = vector.shape_cast %bitcast_convert_type3A_2387 : vector<16xf32> to vector<1x1x1x16xf32>
        tpu.vector_store %arg8[%swap3A_2413, %swap3A_2414, %swap3A_2415, %swap3A_2416], %swap3A_2419 {add = true, strides = array<i32>} : memref<4x4x8x768xf32, #tpu.memory_space<vmem>>, vector<1x1x1x16xf32>,
        %swap3A_2420 = arith.constant 2 : i32
        %swap3A_2421 = arith.index_cast %rem3A_680 : i32 to index
        %swap3A_2422 = arith.index_cast %swap3A_2420 : i32 to index
        %swap3A_2423 = arith.index_cast %add3A_842 : i32 to index
        %swap3A_2424 = arith.constant 576 : index
        %swap3A_2425 = tpu.vector_load %arg8[%swap3A_2421, %swap3A_2422, %swap3A_2423, %swap3A_2424] {strides = array<i32>} : memref<4x4x8x768xf32, #tpu.memory_space<vmem>>, vector<1x1x1x16xf32>,
        %swap3A_2426 = vector.shape_cast %swap3A_2425 : vector<1x1x1x16xf32> to vector<16xf32>
        %swap3A_2427 = vector.shape_cast %bitcast_convert_type3A_2383 : vector<16xf32> to vector<1x1x1x16xf32>
        tpu.vector_store %arg8[%swap3A_2421, %swap3A_2422, %swap3A_2423, %swap3A_2424], %swap3A_2427 {add = true, strides = array<i32>} : memref<4x4x8x768xf32, #tpu.memory_space<vmem>>, vector<1x1x1x16xf32>,
        %swap3A_2428 = arith.constant 2 : i32
        %swap3A_2429 = arith.index_cast %rem3A_680 : i32 to index
        %swap3A_2430 = arith.index_cast %swap3A_2428 : i32 to index
        %swap3A_2431 = arith.index_cast %add3A_842 : i32 to index
        %swap3A_2432 = arith.constant 592 : index
        %swap3A_2433 = tpu.vector_load %arg8[%swap3A_2429, %swap3A_2430, %swap3A_2431, %swap3A_2432] {strides = array<i32>} : memref<4x4x8x768xf32, #tpu.memory_space<vmem>>, vector<1x1x1x16xf32>,
        %swap3A_2434 = vector.shape_cast %swap3A_2433 : vector<1x1x1x16xf32> to vector<16xf32>
        %swap3A_2435 = vector.shape_cast %bitcast_convert_type3A_2387 : vector<16xf32> to vector<1x1x1x16xf32>
        tpu.vector_store %arg8[%swap3A_2429, %swap3A_2430, %swap3A_2431, %swap3A_2432], %swap3A_2435 {add = true, strides = array<i32>} : memref<4x4x8x768xf32, #tpu.memory_space<vmem>>, vector<1x1x1x16xf32>,
        %swap3A_2436 = arith.constant 3 : i32
        %swap3A_2437 = arith.index_cast %rem3A_680 : i32 to index
        %swap3A_2438 = arith.index_cast %swap3A_2436 : i32 to index
        %swap3A_2439 = arith.index_cast %add3A_842 : i32 to index
        %swap3A_2440 = arith.constant 576 : index
        %swap3A_2441 = tpu.vector_load %arg8[%swap3A_2437, %swap3A_2438, %swap3A_2439, %swap3A_2440] {strides = array<i32>} : memref<4x4x8x768xf32, #tpu.memory_space<vmem>>, vector<1x1x1x16xf32>,
        %swap3A_2442 = vector.shape_cast %swap3A_2441 : vector<1x1x1x16xf32> to vector<16xf32>
        %swap3A_2443 = vector.shape_cast %bitcast_convert_type3A_2383 : vector<16xf32> to vector<1x1x1x16xf32>
        tpu.vector_store %arg8[%swap3A_2437, %swap3A_2438, %swap3A_2439, %swap3A_2440], %swap3A_2443 {add = true, strides = array<i32>} : memref<4x4x8x768xf32, #tpu.memory_space<vmem>>, vector<1x1x1x16xf32>,
        %swap3A_2444 = arith.constant 3 : i32
        %swap3A_2445 = arith.index_cast %rem3A_680 : i32 to index
        %swap3A_2446 = arith.index_cast %swap3A_2444 : i32 to index
        %swap3A_2447 = arith.index_cast %add3A_842 : i32 to index
        %swap3A_2448 = arith.constant 592 : index
        %swap3A_2449 = tpu.vector_load %arg8[%swap3A_2445, %swap3A_2446, %swap3A_2447, %swap3A_2448] {strides = array<i32>} : memref<4x4x8x768xf32, #tpu.memory_space<vmem>>, vector<1x1x1x16xf32>,
        %swap3A_2450 = vector.shape_cast %swap3A_2449 : vector<1x1x1x16xf32> to vector<16xf32>
        %swap3A_2451 = vector.shape_cast %bitcast_convert_type3A_2387 : vector<16xf32> to vector<1x1x1x16xf32>
        tpu.vector_store %arg8[%swap3A_2445, %swap3A_2446, %swap3A_2447, %swap3A_2448], %swap3A_2451 {add = true, strides = array<i32>} : memref<4x4x8x768xf32, #tpu.memory_space<vmem>>, vector<1x1x1x16xf32>,
        %mul3A_2452 = arith.constant 8 : i32
        %mul3A_2453 = arith.muli %add3A_679, %mul3A_2452 : i32
        %mul3A_2454 = arith.constant 384 : i32
        %mul3A_2455 = arith.muli %mul3A_2453, %mul3A_2454 : i32
        %mul3A_2456 = arith.constant 384 : i32
        %mul3A_2457 = arith.muli %add3A_842, %mul3A_2456 : i32
        %add3A_2458 = arith.addi %mul3A_2455, %mul3A_2457 : i32
        %add3A_2459 = arith.constant 304 : i32
        %add3A_2460 = arith.addi %add3A_2458, %add3A_2459 : i32
        %multiple_of3A_2461 = tpu.assume_multiple %add3A_2460, 16 : i32
        %get3A_2462 = arith.index_cast %multiple_of3A_2461 : i32 to index
        %get3A_2463 = tpu.vector_load %arg7[%get3A_2462] {strides = array<i32>} : memref<24576xi32, #tpu.memory_space<vmem>>, vector<16xi32>,
        %get3A_2464 = vector.shape_cast %get3A_2463 : vector<16xi32> to vector<16xi32>
        %shift_left3A_2465 = arith.constant 16 : i32
        %shift_left3A_2466 = vector.broadcast %shift_left3A_2465 : i32 to vector<16xi32>
        %shift_left3A_2467 = arith.shli %get3A_2464, %shift_left3A_2466 : vector<16xi32>
        %bitcast_convert_type3A_2468 = tpu.bitcast %shift_left3A_2467 : vector<16xi32> -> vector<16xf32>
        %and3A_2469 = arith.constant -65536 : i32
        %and3A_2470 = vector.broadcast %and3A_2469 : i32 to vector<16xi32>
        %and3A_2471 = arith.andi %get3A_2464, %and3A_2470 : vector<16xi32>
        %bitcast_convert_type3A_2472 = tpu.bitcast %and3A_2471 : vector<16xi32> -> vector<16xf32>
        %swap3A_2473 = arith.constant 0 : i32
        %swap3A_2474 = arith.index_cast %rem3A_680 : i32 to index
        %swap3A_2475 = arith.index_cast %swap3A_2473 : i32 to index
        %swap3A_2476 = arith.index_cast %add3A_842 : i32 to index
        %swap3A_2477 = arith.constant 608 : index
        %swap3A_2478 = tpu.vector_load %arg8[%swap3A_2474, %swap3A_2475, %swap3A_2476, %swap3A_2477] {strides = array<i32>} : memref<4x4x8x768xf32, #tpu.memory_space<vmem>>, vector<1x1x1x16xf32>,
        %swap3A_2479 = vector.shape_cast %swap3A_2478 : vector<1x1x1x16xf32> to vector<16xf32>
        %swap3A_2480 = vector.shape_cast %bitcast_convert_type3A_2468 : vector<16xf32> to vector<1x1x1x16xf32>
        tpu.vector_store %arg8[%swap3A_2474, %swap3A_2475, %swap3A_2476, %swap3A_2477], %swap3A_2480 {add = true, strides = array<i32>} : memref<4x4x8x768xf32, #tpu.memory_space<vmem>>, vector<1x1x1x16xf32>,
        %swap3A_2481 = arith.constant 0 : i32
        %swap3A_2482 = arith.index_cast %rem3A_680 : i32 to index
        %swap3A_2483 = arith.index_cast %swap3A_2481 : i32 to index
        %swap3A_2484 = arith.index_cast %add3A_842 : i32 to index
        %swap3A_2485 = arith.constant 624 : index
        %swap3A_2486 = tpu.vector_load %arg8[%swap3A_2482, %swap3A_2483, %swap3A_2484, %swap3A_2485] {strides = array<i32>} : memref<4x4x8x768xf32, #tpu.memory_space<vmem>>, vector<1x1x1x16xf32>,
        %swap3A_2487 = vector.shape_cast %swap3A_2486 : vector<1x1x1x16xf32> to vector<16xf32>
        %swap3A_2488 = vector.shape_cast %bitcast_convert_type3A_2472 : vector<16xf32> to vector<1x1x1x16xf32>
        tpu.vector_store %arg8[%swap3A_2482, %swap3A_2483, %swap3A_2484, %swap3A_2485], %swap3A_2488 {add = true, strides = array<i32>} : memref<4x4x8x768xf32, #tpu.memory_space<vmem>>, vector<1x1x1x16xf32>,
        %swap3A_2489 = arith.constant 1 : i32
        %swap3A_2490 = arith.index_cast %rem3A_680 : i32 to index
        %swap3A_2491 = arith.index_cast %swap3A_2489 : i32 to index
        %swap3A_2492 = arith.index_cast %add3A_842 : i32 to index
        %swap3A_2493 = arith.constant 608 : index
        %swap3A_2494 = tpu.vector_load %arg8[%swap3A_2490, %swap3A_2491, %swap3A_2492, %swap3A_2493] {strides = array<i32>} : memref<4x4x8x768xf32, #tpu.memory_space<vmem>>, vector<1x1x1x16xf32>,
        %swap3A_2495 = vector.shape_cast %swap3A_2494 : vector<1x1x1x16xf32> to vector<16xf32>
        %swap3A_2496 = vector.shape_cast %bitcast_convert_type3A_2468 : vector<16xf32> to vector<1x1x1x16xf32>
        tpu.vector_store %arg8[%swap3A_2490, %swap3A_2491, %swap3A_2492, %swap3A_2493], %swap3A_2496 {add = true, strides = array<i32>} : memref<4x4x8x768xf32, #tpu.memory_space<vmem>>, vector<1x1x1x16xf32>,
        %swap3A_2497 = arith.constant 1 : i32
        %swap3A_2498 = arith.index_cast %rem3A_680 : i32 to index
        %swap3A_2499 = arith.index_cast %swap3A_2497 : i32 to index
        %swap3A_2500 = arith.index_cast %add3A_842 : i32 to index
        %swap3A_2501 = arith.constant 624 : index
        %swap3A_2502 = tpu.vector_load %arg8[%swap3A_2498, %swap3A_2499, %swap3A_2500, %swap3A_2501] {strides = array<i32>} : memref<4x4x8x768xf32, #tpu.memory_space<vmem>>, vector<1x1x1x16xf32>,
        %swap3A_2503 = vector.shape_cast %swap3A_2502 : vector<1x1x1x16xf32> to vector<16xf32>
        %swap3A_2504 = vector.shape_cast %bitcast_convert_type3A_2472 : vector<16xf32> to vector<1x1x1x16xf32>
        tpu.vector_store %arg8[%swap3A_2498, %swap3A_2499, %swap3A_2500, %swap3A_2501], %swap3A_2504 {add = true, strides = array<i32>} : memref<4x4x8x768xf32, #tpu.memory_space<vmem>>, vector<1x1x1x16xf32>,
        %swap3A_2505 = arith.constant 2 : i32
        %swap3A_2506 = arith.index_cast %rem3A_680 : i32 to index
        %swap3A_2507 = arith.index_cast %swap3A_2505 : i32 to index
        %swap3A_2508 = arith.index_cast %add3A_842 : i32 to index
        %swap3A_2509 = arith.constant 608 : index
        %swap3A_2510 = tpu.vector_load %arg8[%swap3A_2506, %swap3A_2507, %swap3A_2508, %swap3A_2509] {strides = array<i32>} : memref<4x4x8x768xf32, #tpu.memory_space<vmem>>, vector<1x1x1x16xf32>,
        %swap3A_2511 = vector.shape_cast %swap3A_2510 : vector<1x1x1x16xf32> to vector<16xf32>
        %swap3A_2512 = vector.shape_cast %bitcast_convert_type3A_2468 : vector<16xf32> to vector<1x1x1x16xf32>
        tpu.vector_store %arg8[%swap3A_2506, %swap3A_2507, %swap3A_2508, %swap3A_2509], %swap3A_2512 {add = true, strides = array<i32>} : memref<4x4x8x768xf32, #tpu.memory_space<vmem>>, vector<1x1x1x16xf32>,
        %swap3A_2513 = arith.constant 2 : i32
        %swap3A_2514 = arith.index_cast %rem3A_680 : i32 to index
        %swap3A_2515 = arith.index_cast %swap3A_2513 : i32 to index
        %swap3A_2516 = arith.index_cast %add3A_842 : i32 to index
        %swap3A_2517 = arith.constant 624 : index
        %swap3A_2518 = tpu.vector_load %arg8[%swap3A_2514, %swap3A_2515, %swap3A_2516, %swap3A_2517] {strides = array<i32>} : memref<4x4x8x768xf32, #tpu.memory_space<vmem>>, vector<1x1x1x16xf32>,
        %swap3A_2519 = vector.shape_cast %swap3A_2518 : vector<1x1x1x16xf32> to vector<16xf32>
        %swap3A_2520 = vector.shape_cast %bitcast_convert_type3A_2472 : vector<16xf32> to vector<1x1x1x16xf32>
        tpu.vector_store %arg8[%swap3A_2514, %swap3A_2515, %swap3A_2516, %swap3A_2517], %swap3A_2520 {add = true, strides = array<i32>} : memref<4x4x8x768xf32, #tpu.memory_space<vmem>>, vector<1x1x1x16xf32>,
        %swap3A_2521 = arith.constant 3 : i32
        %swap3A_2522 = arith.index_cast %rem3A_680 : i32 to index
        %swap3A_2523 = arith.index_cast %swap3A_2521 : i32 to index
        %swap3A_2524 = arith.index_cast %add3A_842 : i32 to index
        %swap3A_2525 = arith.constant 608 : index
        %swap3A_2526 = tpu.vector_load %arg8[%swap3A_2522, %swap3A_2523, %swap3A_2524, %swap3A_2525] {strides = array<i32>} : memref<4x4x8x768xf32, #tpu.memory_space<vmem>>, vector<1x1x1x16xf32>,
        %swap3A_2527 = vector.shape_cast %swap3A_2526 : vector<1x1x1x16xf32> to vector<16xf32>
        %swap3A_2528 = vector.shape_cast %bitcast_convert_type3A_2468 : vector<16xf32> to vector<1x1x1x16xf32>
        tpu.vector_store %arg8[%swap3A_2522, %swap3A_2523, %swap3A_2524, %swap3A_2525], %swap3A_2528 {add = true, strides = array<i32>} : memref<4x4x8x768xf32, #tpu.memory_space<vmem>>, vector<1x1x1x16xf32>,
        %swap3A_2529 = arith.constant 3 : i32
        %swap3A_2530 = arith.index_cast %rem3A_680 : i32 to index
        %swap3A_2531 = arith.index_cast %swap3A_2529 : i32 to index
        %swap3A_2532 = arith.index_cast %add3A_842 : i32 to index
        %swap3A_2533 = arith.constant 624 : index
        %swap3A_2534 = tpu.vector_load %arg8[%swap3A_2530, %swap3A_2531, %swap3A_2532, %swap3A_2533] {strides = array<i32>} : memref<4x4x8x768xf32, #tpu.memory_space<vmem>>, vector<1x1x1x16xf32>,
        %swap3A_2535 = vector.shape_cast %swap3A_2534 : vector<1x1x1x16xf32> to vector<16xf32>
        %swap3A_2536 = vector.shape_cast %bitcast_convert_type3A_2472 : vector<16xf32> to vector<1x1x1x16xf32>
        tpu.vector_store %arg8[%swap3A_2530, %swap3A_2531, %swap3A_2532, %swap3A_2533], %swap3A_2536 {add = true, strides = array<i32>} : memref<4x4x8x768xf32, #tpu.memory_space<vmem>>, vector<1x1x1x16xf32>,
        %mul3A_2537 = arith.constant 8 : i32
        %mul3A_2538 = arith.muli %add3A_679, %mul3A_2537 : i32
        %mul3A_2539 = arith.constant 384 : i32
        %mul3A_2540 = arith.muli %mul3A_2538, %mul3A_2539 : i32
        %mul3A_2541 = arith.constant 384 : i32
        %mul3A_2542 = arith.muli %add3A_842, %mul3A_2541 : i32
        %add3A_2543 = arith.addi %mul3A_2540, %mul3A_2542 : i32
        %add3A_2544 = arith.constant 320 : i32
        %add3A_2545 = arith.addi %add3A_2543, %add3A_2544 : i32
        %multiple_of3A_2546 = tpu.assume_multiple %add3A_2545, 16 : i32
        %get3A_2547 = arith.index_cast %multiple_of3A_2546 : i32 to index
        %get3A_2548 = tpu.vector_load %arg7[%get3A_2547] {strides = array<i32>} : memref<24576xi32, #tpu.memory_space<vmem>>, vector<16xi32>,
        %get3A_2549 = vector.shape_cast %get3A_2548 : vector<16xi32> to vector<16xi32>
        %shift_left3A_2550 = arith.constant 16 : i32
        %shift_left3A_2551 = vector.broadcast %shift_left3A_2550 : i32 to vector<16xi32>
        %shift_left3A_2552 = arith.shli %get3A_2549, %shift_left3A_2551 : vector<16xi32>
        %bitcast_convert_type3A_2553 = tpu.bitcast %shift_left3A_2552 : vector<16xi32> -> vector<16xf32>
        %and3A_2554 = arith.constant -65536 : i32
        %and3A_2555 = vector.broadcast %and3A_2554 : i32 to vector<16xi32>
        %and3A_2556 = arith.andi %get3A_2549, %and3A_2555 : vector<16xi32>
        %bitcast_convert_type3A_2557 = tpu.bitcast %and3A_2556 : vector<16xi32> -> vector<16xf32>
        %swap3A_2558 = arith.constant 0 : i32
        %swap3A_2559 = arith.index_cast %rem3A_680 : i32 to index
        %swap3A_2560 = arith.index_cast %swap3A_2558 : i32 to index
        %swap3A_2561 = arith.index_cast %add3A_842 : i32 to index
        %swap3A_2562 = arith.constant 640 : index
        %swap3A_2563 = tpu.vector_load %arg8[%swap3A_2559, %swap3A_2560, %swap3A_2561, %swap3A_2562] {strides = array<i32>} : memref<4x4x8x768xf32, #tpu.memory_space<vmem>>, vector<1x1x1x16xf32>,
        %swap3A_2564 = vector.shape_cast %swap3A_2563 : vector<1x1x1x16xf32> to vector<16xf32>
        %swap3A_2565 = vector.shape_cast %bitcast_convert_type3A_2553 : vector<16xf32> to vector<1x1x1x16xf32>
        tpu.vector_store %arg8[%swap3A_2559, %swap3A_2560, %swap3A_2561, %swap3A_2562], %swap3A_2565 {add = true, strides = array<i32>} : memref<4x4x8x768xf32, #tpu.memory_space<vmem>>, vector<1x1x1x16xf32>,
        %swap3A_2566 = arith.constant 0 : i32
        %swap3A_2567 = arith.index_cast %rem3A_680 : i32 to index
        %swap3A_2568 = arith.index_cast %swap3A_2566 : i32 to index
        %swap3A_2569 = arith.index_cast %add3A_842 : i32 to index
        %swap3A_2570 = arith.constant 656 : index
        %swap3A_2571 = tpu.vector_load %arg8[%swap3A_2567, %swap3A_2568, %swap3A_2569, %swap3A_2570] {strides = array<i32>} : memref<4x4x8x768xf32, #tpu.memory_space<vmem>>, vector<1x1x1x16xf32>,
        %swap3A_2572 = vector.shape_cast %swap3A_2571 : vector<1x1x1x16xf32> to vector<16xf32>
        %swap3A_2573 = vector.shape_cast %bitcast_convert_type3A_2557 : vector<16xf32> to vector<1x1x1x16xf32>
        tpu.vector_store %arg8[%swap3A_2567, %swap3A_2568, %swap3A_2569, %swap3A_2570], %swap3A_2573 {add = true, strides = array<i32>} : memref<4x4x8x768xf32, #tpu.memory_space<vmem>>, vector<1x1x1x16xf32>,
        %swap3A_2574 = arith.constant 1 : i32
        %swap3A_2575 = arith.index_cast %rem3A_680 : i32 to index
        %swap3A_2576 = arith.index_cast %swap3A_2574 : i32 to index
        %swap3A_2577 = arith.index_cast %add3A_842 : i32 to index
        %swap3A_2578 = arith.constant 640 : index
        %swap3A_2579 = tpu.vector_load %arg8[%swap3A_2575, %swap3A_2576, %swap3A_2577, %swap3A_2578] {strides = array<i32>} : memref<4x4x8x768xf32, #tpu.memory_space<vmem>>, vector<1x1x1x16xf32>,
        %swap3A_2580 = vector.shape_cast %swap3A_2579 : vector<1x1x1x16xf32> to vector<16xf32>
        %swap3A_2581 = vector.shape_cast %bitcast_convert_type3A_2553 : vector<16xf32> to vector<1x1x1x16xf32>
        tpu.vector_store %arg8[%swap3A_2575, %swap3A_2576, %swap3A_2577, %swap3A_2578], %swap3A_2581 {add = true, strides = array<i32>} : memref<4x4x8x768xf32, #tpu.memory_space<vmem>>, vector<1x1x1x16xf32>,
        %swap3A_2582 = arith.constant 1 : i32
        %swap3A_2583 = arith.index_cast %rem3A_680 : i32 to index
        %swap3A_2584 = arith.index_cast %swap3A_2582 : i32 to index
        %swap3A_2585 = arith.index_cast %add3A_842 : i32 to index
        %swap3A_2586 = arith.constant 656 : index
        %swap3A_2587 = tpu.vector_load %arg8[%swap3A_2583, %swap3A_2584, %swap3A_2585, %swap3A_2586] {strides = array<i32>} : memref<4x4x8x768xf32, #tpu.memory_space<vmem>>, vector<1x1x1x16xf32>,
        %swap3A_2588 = vector.shape_cast %swap3A_2587 : vector<1x1x1x16xf32> to vector<16xf32>
        %swap3A_2589 = vector.shape_cast %bitcast_convert_type3A_2557 : vector<16xf32> to vector<1x1x1x16xf32>
        tpu.vector_store %arg8[%swap3A_2583, %swap3A_2584, %swap3A_2585, %swap3A_2586], %swap3A_2589 {add = true, strides = array<i32>} : memref<4x4x8x768xf32, #tpu.memory_space<vmem>>, vector<1x1x1x16xf32>,
        %swap3A_2590 = arith.constant 2 : i32
        %swap3A_2591 = arith.index_cast %rem3A_680 : i32 to index
        %swap3A_2592 = arith.index_cast %swap3A_2590 : i32 to index
        %swap3A_2593 = arith.index_cast %add3A_842 : i32 to index
        %swap3A_2594 = arith.constant 640 : index
        %swap3A_2595 = tpu.vector_load %arg8[%swap3A_2591, %swap3A_2592, %swap3A_2593, %swap3A_2594] {strides = array<i32>} : memref<4x4x8x768xf32, #tpu.memory_space<vmem>>, vector<1x1x1x16xf32>,
        %swap3A_2596 = vector.shape_cast %swap3A_2595 : vector<1x1x1x16xf32> to vector<16xf32>
        %swap3A_2597 = vector.shape_cast %bitcast_convert_type3A_2553 : vector<16xf32> to vector<1x1x1x16xf32>
        tpu.vector_store %arg8[%swap3A_2591, %swap3A_2592, %swap3A_2593, %swap3A_2594], %swap3A_2597 {add = true, strides = array<i32>} : memref<4x4x8x768xf32, #tpu.memory_space<vmem>>, vector<1x1x1x16xf32>,
        %swap3A_2598 = arith.constant 2 : i32
        %swap3A_2599 = arith.index_cast %rem3A_680 : i32 to index
        %swap3A_2600 = arith.index_cast %swap3A_2598 : i32 to index
        %swap3A_2601 = arith.index_cast %add3A_842 : i32 to index
        %swap3A_2602 = arith.constant 656 : index
        %swap3A_2603 = tpu.vector_load %arg8[%swap3A_2599, %swap3A_2600, %swap3A_2601, %swap3A_2602] {strides = array<i32>} : memref<4x4x8x768xf32, #tpu.memory_space<vmem>>, vector<1x1x1x16xf32>,
        %swap3A_2604 = vector.shape_cast %swap3A_2603 : vector<1x1x1x16xf32> to vector<16xf32>
        %swap3A_2605 = vector.shape_cast %bitcast_convert_type3A_2557 : vector<16xf32> to vector<1x1x1x16xf32>
        tpu.vector_store %arg8[%swap3A_2599, %swap3A_2600, %swap3A_2601, %swap3A_2602], %swap3A_2605 {add = true, strides = array<i32>} : memref<4x4x8x768xf32, #tpu.memory_space<vmem>>, vector<1x1x1x16xf32>,
        %swap3A_2606 = arith.constant 3 : i32
        %swap3A_2607 = arith.index_cast %rem3A_680 : i32 to index
        %swap3A_2608 = arith.index_cast %swap3A_2606 : i32 to index
        %swap3A_2609 = arith.index_cast %add3A_842 : i32 to index
        %swap3A_2610 = arith.constant 640 : index
        %swap3A_2611 = tpu.vector_load %arg8[%swap3A_2607, %swap3A_2608, %swap3A_2609, %swap3A_2610] {strides = array<i32>} : memref<4x4x8x768xf32, #tpu.memory_space<vmem>>, vector<1x1x1x16xf32>,
        %swap3A_2612 = vector.shape_cast %swap3A_2611 : vector<1x1x1x16xf32> to vector<16xf32>
        %swap3A_2613 = vector.shape_cast %bitcast_convert_type3A_2553 : vector<16xf32> to vector<1x1x1x16xf32>
        tpu.vector_store %arg8[%swap3A_2607, %swap3A_2608, %swap3A_2609, %swap3A_2610], %swap3A_2613 {add = true, strides = array<i32>} : memref<4x4x8x768xf32, #tpu.memory_space<vmem>>, vector<1x1x1x16xf32>,
        %swap3A_2614 = arith.constant 3 : i32
        %swap3A_2615 = arith.index_cast %rem3A_680 : i32 to index
        %swap3A_2616 = arith.index_cast %swap3A_2614 : i32 to index
        %swap3A_2617 = arith.index_cast %add3A_842 : i32 to index
        %swap3A_2618 = arith.constant 656 : index
        %swap3A_2619 = tpu.vector_load %arg8[%swap3A_2615, %swap3A_2616, %swap3A_2617, %swap3A_2618] {strides = array<i32>} : memref<4x4x8x768xf32, #tpu.memory_space<vmem>>, vector<1x1x1x16xf32>,
        %swap3A_2620 = vector.shape_cast %swap3A_2619 : vector<1x1x1x16xf32> to vector<16xf32>
        %swap3A_2621 = vector.shape_cast %bitcast_convert_type3A_2557 : vector<16xf32> to vector<1x1x1x16xf32>
        tpu.vector_store %arg8[%swap3A_2615, %swap3A_2616, %swap3A_2617, %swap3A_2618], %swap3A_2621 {add = true, strides = array<i32>} : memref<4x4x8x768xf32, #tpu.memory_space<vmem>>, vector<1x1x1x16xf32>,
        %mul3A_2622 = arith.constant 8 : i32
        %mul3A_2623 = arith.muli %add3A_679, %mul3A_2622 : i32
        %mul3A_2624 = arith.constant 384 : i32
        %mul3A_2625 = arith.muli %mul3A_2623, %mul3A_2624 : i32
        %mul3A_2626 = arith.constant 384 : i32
        %mul3A_2627 = arith.muli %add3A_842, %mul3A_2626 : i32
        %add3A_2628 = arith.addi %mul3A_2625, %mul3A_2627 : i32
        %add3A_2629 = arith.constant 336 : i32
        %add3A_2630 = arith.addi %add3A_2628, %add3A_2629 : i32
        %multiple_of3A_2631 = tpu.assume_multiple %add3A_2630, 16 : i32
        %get3A_2632 = arith.index_cast %multiple_of3A_2631 : i32 to index
        %get3A_2633 = tpu.vector_load %arg7[%get3A_2632] {strides = array<i32>} : memref<24576xi32, #tpu.memory_space<vmem>>, vector<16xi32>,
        %get3A_2634 = vector.shape_cast %get3A_2633 : vector<16xi32> to vector<16xi32>
        %shift_left3A_2635 = arith.constant 16 : i32
        %shift_left3A_2636 = vector.broadcast %shift_left3A_2635 : i32 to vector<16xi32>
        %shift_left3A_2637 = arith.shli %get3A_2634, %shift_left3A_2636 : vector<16xi32>
        %bitcast_convert_type3A_2638 = tpu.bitcast %shift_left3A_2637 : vector<16xi32> -> vector<16xf32>
        %and3A_2639 = arith.constant -65536 : i32
        %and3A_2640 = vector.broadcast %and3A_2639 : i32 to vector<16xi32>
        %and3A_2641 = arith.andi %get3A_2634, %and3A_2640 : vector<16xi32>
        %bitcast_convert_type3A_2642 = tpu.bitcast %and3A_2641 : vector<16xi32> -> vector<16xf32>
        %swap3A_2643 = arith.constant 0 : i32
        %swap3A_2644 = arith.index_cast %rem3A_680 : i32 to index
        %swap3A_2645 = arith.index_cast %swap3A_2643 : i32 to index
        %swap3A_2646 = arith.index_cast %add3A_842 : i32 to index
        %swap3A_2647 = arith.constant 672 : index
        %swap3A_2648 = tpu.vector_load %arg8[%swap3A_2644, %swap3A_2645, %swap3A_2646, %swap3A_2647] {strides = array<i32>} : memref<4x4x8x768xf32, #tpu.memory_space<vmem>>, vector<1x1x1x16xf32>,
        %swap3A_2649 = vector.shape_cast %swap3A_2648 : vector<1x1x1x16xf32> to vector<16xf32>
        %swap3A_2650 = vector.shape_cast %bitcast_convert_type3A_2638 : vector<16xf32> to vector<1x1x1x16xf32>
        tpu.vector_store %arg8[%swap3A_2644, %swap3A_2645, %swap3A_2646, %swap3A_2647], %swap3A_2650 {add = true, strides = array<i32>} : memref<4x4x8x768xf32, #tpu.memory_space<vmem>>, vector<1x1x1x16xf32>,
        %swap3A_2651 = arith.constant 0 : i32
        %swap3A_2652 = arith.index_cast %rem3A_680 : i32 to index
        %swap3A_2653 = arith.index_cast %swap3A_2651 : i32 to index
        %swap3A_2654 = arith.index_cast %add3A_842 : i32 to index
        %swap3A_2655 = arith.constant 688 : index
        %swap3A_2656 = tpu.vector_load %arg8[%swap3A_2652, %swap3A_2653, %swap3A_2654, %swap3A_2655] {strides = array<i32>} : memref<4x4x8x768xf32, #tpu.memory_space<vmem>>, vector<1x1x1x16xf32>,
        %swap3A_2657 = vector.shape_cast %swap3A_2656 : vector<1x1x1x16xf32> to vector<16xf32>
        %swap3A_2658 = vector.shape_cast %bitcast_convert_type3A_2642 : vector<16xf32> to vector<1x1x1x16xf32>
        tpu.vector_store %arg8[%swap3A_2652, %swap3A_2653, %swap3A_2654, %swap3A_2655], %swap3A_2658 {add = true, strides = array<i32>} : memref<4x4x8x768xf32, #tpu.memory_space<vmem>>, vector<1x1x1x16xf32>,
        %swap3A_2659 = arith.constant 1 : i32
        %swap3A_2660 = arith.index_cast %rem3A_680 : i32 to index
        %swap3A_2661 = arith.index_cast %swap3A_2659 : i32 to index
        %swap3A_2662 = arith.index_cast %add3A_842 : i32 to index
        %swap3A_2663 = arith.constant 672 : index
        %swap3A_2664 = tpu.vector_load %arg8[%swap3A_2660, %swap3A_2661, %swap3A_2662, %swap3A_2663] {strides = array<i32>} : memref<4x4x8x768xf32, #tpu.memory_space<vmem>>, vector<1x1x1x16xf32>,
        %swap3A_2665 = vector.shape_cast %swap3A_2664 : vector<1x1x1x16xf32> to vector<16xf32>
        %swap3A_2666 = vector.shape_cast %bitcast_convert_type3A_2638 : vector<16xf32> to vector<1x1x1x16xf32>
        tpu.vector_store %arg8[%swap3A_2660, %swap3A_2661, %swap3A_2662, %swap3A_2663], %swap3A_2666 {add = true, strides = array<i32>} : memref<4x4x8x768xf32, #tpu.memory_space<vmem>>, vector<1x1x1x16xf32>,
        %swap3A_2667 = arith.constant 1 : i32
        %swap3A_2668 = arith.index_cast %rem3A_680 : i32 to index
        %swap3A_2669 = arith.index_cast %swap3A_2667 : i32 to index
        %swap3A_2670 = arith.index_cast %add3A_842 : i32 to index
        %swap3A_2671 = arith.constant 688 : index
        %swap3A_2672 = tpu.vector_load %arg8[%swap3A_2668, %swap3A_2669, %swap3A_2670, %swap3A_2671] {strides = array<i32>} : memref<4x4x8x768xf32, #tpu.memory_space<vmem>>, vector<1x1x1x16xf32>,
        %swap3A_2673 = vector.shape_cast %swap3A_2672 : vector<1x1x1x16xf32> to vector<16xf32>
        %swap3A_2674 = vector.shape_cast %bitcast_convert_type3A_2642 : vector<16xf32> to vector<1x1x1x16xf32>
        tpu.vector_store %arg8[%swap3A_2668, %swap3A_2669, %swap3A_2670, %swap3A_2671], %swap3A_2674 {add = true, strides = array<i32>} : memref<4x4x8x768xf32, #tpu.memory_space<vmem>>, vector<1x1x1x16xf32>,
        %swap3A_2675 = arith.constant 2 : i32
        %swap3A_2676 = arith.index_cast %rem3A_680 : i32 to index
        %swap3A_2677 = arith.index_cast %swap3A_2675 : i32 to index
        %swap3A_2678 = arith.index_cast %add3A_842 : i32 to index
        %swap3A_2679 = arith.constant 672 : index
        %swap3A_2680 = tpu.vector_load %arg8[%swap3A_2676, %swap3A_2677, %swap3A_2678, %swap3A_2679] {strides = array<i32>} : memref<4x4x8x768xf32, #tpu.memory_space<vmem>>, vector<1x1x1x16xf32>,
        %swap3A_2681 = vector.shape_cast %swap3A_2680 : vector<1x1x1x16xf32> to vector<16xf32>
        %swap3A_2682 = vector.shape_cast %bitcast_convert_type3A_2638 : vector<16xf32> to vector<1x1x1x16xf32>
        tpu.vector_store %arg8[%swap3A_2676, %swap3A_2677, %swap3A_2678, %swap3A_2679], %swap3A_2682 {add = true, strides = array<i32>} : memref<4x4x8x768xf32, #tpu.memory_space<vmem>>, vector<1x1x1x16xf32>,
        %swap3A_2683 = arith.constant 2 : i32
        %swap3A_2684 = arith.index_cast %rem3A_680 : i32 to index
        %swap3A_2685 = arith.index_cast %swap3A_2683 : i32 to index
        %swap3A_2686 = arith.index_cast %add3A_842 : i32 to index
        %swap3A_2687 = arith.constant 688 : index
        %swap3A_2688 = tpu.vector_load %arg8[%swap3A_2684, %swap3A_2685, %swap3A_2686, %swap3A_2687] {strides = array<i32>} : memref<4x4x8x768xf32, #tpu.memory_space<vmem>>, vector<1x1x1x16xf32>,
        %swap3A_2689 = vector.shape_cast %swap3A_2688 : vector<1x1x1x16xf32> to vector<16xf32>
        %swap3A_2690 = vector.shape_cast %bitcast_convert_type3A_2642 : vector<16xf32> to vector<1x1x1x16xf32>
        tpu.vector_store %arg8[%swap3A_2684, %swap3A_2685, %swap3A_2686, %swap3A_2687], %swap3A_2690 {add = true, strides = array<i32>} : memref<4x4x8x768xf32, #tpu.memory_space<vmem>>, vector<1x1x1x16xf32>,
        %swap3A_2691 = arith.constant 3 : i32
        %swap3A_2692 = arith.index_cast %rem3A_680 : i32 to index
        %swap3A_2693 = arith.index_cast %swap3A_2691 : i32 to index
        %swap3A_2694 = arith.index_cast %add3A_842 : i32 to index
        %swap3A_2695 = arith.constant 672 : index
        %swap3A_2696 = tpu.vector_load %arg8[%swap3A_2692, %swap3A_2693, %swap3A_2694, %swap3A_2695] {strides = array<i32>} : memref<4x4x8x768xf32, #tpu.memory_space<vmem>>, vector<1x1x1x16xf32>,
        %swap3A_2697 = vector.shape_cast %swap3A_2696 : vector<1x1x1x16xf32> to vector<16xf32>
        %swap3A_2698 = vector.shape_cast %bitcast_convert_type3A_2638 : vector<16xf32> to vector<1x1x1x16xf32>
        tpu.vector_store %arg8[%swap3A_2692, %swap3A_2693, %swap3A_2694, %swap3A_2695], %swap3A_2698 {add = true, strides = array<i32>} : memref<4x4x8x768xf32, #tpu.memory_space<vmem>>, vector<1x1x1x16xf32>,
        %swap3A_2699 = arith.constant 3 : i32
        %swap3A_2700 = arith.index_cast %rem3A_680 : i32 to index
        %swap3A_2701 = arith.index_cast %swap3A_2699 : i32 to index
        %swap3A_2702 = arith.index_cast %add3A_842 : i32 to index
        %swap3A_2703 = arith.constant 688 : index
        %swap3A_2704 = tpu.vector_load %arg8[%swap3A_2700, %swap3A_2701, %swap3A_2702, %swap3A_2703] {strides = array<i32>} : memref<4x4x8x768xf32, #tpu.memory_space<vmem>>, vector<1x1x1x16xf32>,
        %swap3A_2705 = vector.shape_cast %swap3A_2704 : vector<1x1x1x16xf32> to vector<16xf32>
        %swap3A_2706 = vector.shape_cast %bitcast_convert_type3A_2642 : vector<16xf32> to vector<1x1x1x16xf32>
        tpu.vector_store %arg8[%swap3A_2700, %swap3A_2701, %swap3A_2702, %swap3A_2703], %swap3A_2706 {add = true, strides = array<i32>} : memref<4x4x8x768xf32, #tpu.memory_space<vmem>>, vector<1x1x1x16xf32>,
        %mul3A_2707 = arith.constant 8 : i32
        %mul3A_2708 = arith.muli %add3A_679, %mul3A_2707 : i32
        %mul3A_2709 = arith.constant 384 : i32
        %mul3A_2710 = arith.muli %mul3A_2708, %mul3A_2709 : i32
        %mul3A_2711 = arith.constant 384 : i32
        %mul3A_2712 = arith.muli %add3A_842, %mul3A_2711 : i32
        %add3A_2713 = arith.addi %mul3A_2710, %mul3A_2712 : i32
        %add3A_2714 = arith.constant 352 : i32
        %add3A_2715 = arith.addi %add3A_2713, %add3A_2714 : i32
        %multiple_of3A_2716 = tpu.assume_multiple %add3A_2715, 16 : i32
        %get3A_2717 = arith.index_cast %multiple_of3A_2716 : i32 to index
        %get3A_2718 = tpu.vector_load %arg7[%get3A_2717] {strides = array<i32>} : memref<24576xi32, #tpu.memory_space<vmem>>, vector<16xi32>,
        %get3A_2719 = vector.shape_cast %get3A_2718 : vector<16xi32> to vector<16xi32>
        %shift_left3A_2720 = arith.constant 16 : i32
        %shift_left3A_2721 = vector.broadcast %shift_left3A_2720 : i32 to vector<16xi32>
        %shift_left3A_2722 = arith.shli %get3A_2719, %shift_left3A_2721 : vector<16xi32>
        %bitcast_convert_type3A_2723 = tpu.bitcast %shift_left3A_2722 : vector<16xi32> -> vector<16xf32>
        %and3A_2724 = arith.constant -65536 : i32
        %and3A_2725 = vector.broadcast %and3A_2724 : i32 to vector<16xi32>
        %and3A_2726 = arith.andi %get3A_2719, %and3A_2725 : vector<16xi32>
        %bitcast_convert_type3A_2727 = tpu.bitcast %and3A_2726 : vector<16xi32> -> vector<16xf32>
        %swap3A_2728 = arith.constant 0 : i32
        %swap3A_2729 = arith.index_cast %rem3A_680 : i32 to index
        %swap3A_2730 = arith.index_cast %swap3A_2728 : i32 to index
        %swap3A_2731 = arith.index_cast %add3A_842 : i32 to index
        %swap3A_2732 = arith.constant 704 : index
        %swap3A_2733 = tpu.vector_load %arg8[%swap3A_2729, %swap3A_2730, %swap3A_2731, %swap3A_2732] {strides = array<i32>} : memref<4x4x8x768xf32, #tpu.memory_space<vmem>>, vector<1x1x1x16xf32>,
        %swap3A_2734 = vector.shape_cast %swap3A_2733 : vector<1x1x1x16xf32> to vector<16xf32>
        %swap3A_2735 = vector.shape_cast %bitcast_convert_type3A_2723 : vector<16xf32> to vector<1x1x1x16xf32>
        tpu.vector_store %arg8[%swap3A_2729, %swap3A_2730, %swap3A_2731, %swap3A_2732], %swap3A_2735 {add = true, strides = array<i32>} : memref<4x4x8x768xf32, #tpu.memory_space<vmem>>, vector<1x1x1x16xf32>,
        %swap3A_2736 = arith.constant 0 : i32
        %swap3A_2737 = arith.index_cast %rem3A_680 : i32 to index
        %swap3A_2738 = arith.index_cast %swap3A_2736 : i32 to index
        %swap3A_2739 = arith.index_cast %add3A_842 : i32 to index
        %swap3A_2740 = arith.constant 720 : index
        %swap3A_2741 = tpu.vector_load %arg8[%swap3A_2737, %swap3A_2738, %swap3A_2739, %swap3A_2740] {strides = array<i32>} : memref<4x4x8x768xf32, #tpu.memory_space<vmem>>, vector<1x1x1x16xf32>,
        %swap3A_2742 = vector.shape_cast %swap3A_2741 : vector<1x1x1x16xf32> to vector<16xf32>
        %swap3A_2743 = vector.shape_cast %bitcast_convert_type3A_2727 : vector<16xf32> to vector<1x1x1x16xf32>
        tpu.vector_store %arg8[%swap3A_2737, %swap3A_2738, %swap3A_2739, %swap3A_2740], %swap3A_2743 {add = true, strides = array<i32>} : memref<4x4x8x768xf32, #tpu.memory_space<vmem>>, vector<1x1x1x16xf32>,
        %swap3A_2744 = arith.constant 1 : i32
        %swap3A_2745 = arith.index_cast %rem3A_680 : i32 to index
        %swap3A_2746 = arith.index_cast %swap3A_2744 : i32 to index
        %swap3A_2747 = arith.index_cast %add3A_842 : i32 to index
        %swap3A_2748 = arith.constant 704 : index
        %swap3A_2749 = tpu.vector_load %arg8[%swap3A_2745, %swap3A_2746, %swap3A_2747, %swap3A_2748] {strides = array<i32>} : memref<4x4x8x768xf32, #tpu.memory_space<vmem>>, vector<1x1x1x16xf32>,
        %swap3A_2750 = vector.shape_cast %swap3A_2749 : vector<1x1x1x16xf32> to vector<16xf32>
        %swap3A_2751 = vector.shape_cast %bitcast_convert_type3A_2723 : vector<16xf32> to vector<1x1x1x16xf32>
        tpu.vector_store %arg8[%swap3A_2745, %swap3A_2746, %swap3A_2747, %swap3A_2748], %swap3A_2751 {add = true, strides = array<i32>} : memref<4x4x8x768xf32, #tpu.memory_space<vmem>>, vector<1x1x1x16xf32>,
        %swap3A_2752 = arith.constant 1 : i32
        %swap3A_2753 = arith.index_cast %rem3A_680 : i32 to index
        %swap3A_2754 = arith.index_cast %swap3A_2752 : i32 to index
        %swap3A_2755 = arith.index_cast %add3A_842 : i32 to index
        %swap3A_2756 = arith.constant 720 : index
        %swap3A_2757 = tpu.vector_load %arg8[%swap3A_2753, %swap3A_2754, %swap3A_2755, %swap3A_2756] {strides = array<i32>} : memref<4x4x8x768xf32, #tpu.memory_space<vmem>>, vector<1x1x1x16xf32>,
        %swap3A_2758 = vector.shape_cast %swap3A_2757 : vector<1x1x1x16xf32> to vector<16xf32>
        %swap3A_2759 = vector.shape_cast %bitcast_convert_type3A_2727 : vector<16xf32> to vector<1x1x1x16xf32>
        tpu.vector_store %arg8[%swap3A_2753, %swap3A_2754, %swap3A_2755, %swap3A_2756], %swap3A_2759 {add = true, strides = array<i32>} : memref<4x4x8x768xf32, #tpu.memory_space<vmem>>, vector<1x1x1x16xf32>,
        %swap3A_2760 = arith.constant 2 : i32
        %swap3A_2761 = arith.index_cast %rem3A_680 : i32 to index
        %swap3A_2762 = arith.index_cast %swap3A_2760 : i32 to index
        %swap3A_2763 = arith.index_cast %add3A_842 : i32 to index
        %swap3A_2764 = arith.constant 704 : index
        %swap3A_2765 = tpu.vector_load %arg8[%swap3A_2761, %swap3A_2762, %swap3A_2763, %swap3A_2764] {strides = array<i32>} : memref<4x4x8x768xf32, #tpu.memory_space<vmem>>, vector<1x1x1x16xf32>,
        %swap3A_2766 = vector.shape_cast %swap3A_2765 : vector<1x1x1x16xf32> to vector<16xf32>
        %swap3A_2767 = vector.shape_cast %bitcast_convert_type3A_2723 : vector<16xf32> to vector<1x1x1x16xf32>
        tpu.vector_store %arg8[%swap3A_2761, %swap3A_2762, %swap3A_2763, %swap3A_2764], %swap3A_2767 {add = true, strides = array<i32>} : memref<4x4x8x768xf32, #tpu.memory_space<vmem>>, vector<1x1x1x16xf32>,
        %swap3A_2768 = arith.constant 2 : i32
        %swap3A_2769 = arith.index_cast %rem3A_680 : i32 to index
        %swap3A_2770 = arith.index_cast %swap3A_2768 : i32 to index
        %swap3A_2771 = arith.index_cast %add3A_842 : i32 to index
        %swap3A_2772 = arith.constant 720 : index
        %swap3A_2773 = tpu.vector_load %arg8[%swap3A_2769, %swap3A_2770, %swap3A_2771, %swap3A_2772] {strides = array<i32>} : memref<4x4x8x768xf32, #tpu.memory_space<vmem>>, vector<1x1x1x16xf32>,
        %swap3A_2774 = vector.shape_cast %swap3A_2773 : vector<1x1x1x16xf32> to vector<16xf32>
        %swap3A_2775 = vector.shape_cast %bitcast_convert_type3A_2727 : vector<16xf32> to vector<1x1x1x16xf32>
        tpu.vector_store %arg8[%swap3A_2769, %swap3A_2770, %swap3A_2771, %swap3A_2772], %swap3A_2775 {add = true, strides = array<i32>} : memref<4x4x8x768xf32, #tpu.memory_space<vmem>>, vector<1x1x1x16xf32>,
        %swap3A_2776 = arith.constant 3 : i32
        %swap3A_2777 = arith.index_cast %rem3A_680 : i32 to index
        %swap3A_2778 = arith.index_cast %swap3A_2776 : i32 to index
        %swap3A_2779 = arith.index_cast %add3A_842 : i32 to index
        %swap3A_2780 = arith.constant 704 : index
        %swap3A_2781 = tpu.vector_load %arg8[%swap3A_2777, %swap3A_2778, %swap3A_2779, %swap3A_2780] {strides = array<i32>} : memref<4x4x8x768xf32, #tpu.memory_space<vmem>>, vector<1x1x1x16xf32>,
        %swap3A_2782 = vector.shape_cast %swap3A_2781 : vector<1x1x1x16xf32> to vector<16xf32>
        %swap3A_2783 = vector.shape_cast %bitcast_convert_type3A_2723 : vector<16xf32> to vector<1x1x1x16xf32>
        tpu.vector_store %arg8[%swap3A_2777, %swap3A_2778, %swap3A_2779, %swap3A_2780], %swap3A_2783 {add = true, strides = array<i32>} : memref<4x4x8x768xf32, #tpu.memory_space<vmem>>, vector<1x1x1x16xf32>,
        %swap3A_2784 = arith.constant 3 : i32
        %swap3A_2785 = arith.index_cast %rem3A_680 : i32 to index
        %swap3A_2786 = arith.index_cast %swap3A_2784 : i32 to index
        %swap3A_2787 = arith.index_cast %add3A_842 : i32 to index
        %swap3A_2788 = arith.constant 720 : index
        %swap3A_2789 = tpu.vector_load %arg8[%swap3A_2785, %swap3A_2786, %swap3A_2787, %swap3A_2788] {strides = array<i32>} : memref<4x4x8x768xf32, #tpu.memory_space<vmem>>, vector<1x1x1x16xf32>,
        %swap3A_2790 = vector.shape_cast %swap3A_2789 : vector<1x1x1x16xf32> to vector<16xf32>
        %swap3A_2791 = vector.shape_cast %bitcast_convert_type3A_2727 : vector<16xf32> to vector<1x1x1x16xf32>
        tpu.vector_store %arg8[%swap3A_2785, %swap3A_2786, %swap3A_2787, %swap3A_2788], %swap3A_2791 {add = true, strides = array<i32>} : memref<4x4x8x768xf32, #tpu.memory_space<vmem>>, vector<1x1x1x16xf32>,
        %mul3A_2792 = arith.constant 8 : i32
        %mul3A_2793 = arith.muli %add3A_679, %mul3A_2792 : i32
        %mul3A_2794 = arith.constant 384 : i32
        %mul3A_2795 = arith.muli %mul3A_2793, %mul3A_2794 : i32
        %mul3A_2796 = arith.constant 384 : i32
        %mul3A_2797 = arith.muli %add3A_842, %mul3A_2796 : i32
        %add3A_2798 = arith.addi %mul3A_2795, %mul3A_2797 : i32
        %add3A_2799 = arith.constant 368 : i32
        %add3A_2800 = arith.addi %add3A_2798, %add3A_2799 : i32
        %multiple_of3A_2801 = tpu.assume_multiple %add3A_2800, 16 : i32
        %get3A_2802 = arith.index_cast %multiple_of3A_2801 : i32 to index
        %get3A_2803 = tpu.vector_load %arg7[%get3A_2802] {strides = array<i32>} : memref<24576xi32, #tpu.memory_space<vmem>>, vector<16xi32>,
        %get3A_2804 = vector.shape_cast %get3A_2803 : vector<16xi32> to vector<16xi32>
        %shift_left3A_2805 = arith.constant 16 : i32
        %shift_left3A_2806 = vector.broadcast %shift_left3A_2805 : i32 to vector<16xi32>
        %shift_left3A_2807 = arith.shli %get3A_2804, %shift_left3A_2806 : vector<16xi32>
        %bitcast_convert_type3A_2808 = tpu.bitcast %shift_left3A_2807 : vector<16xi32> -> vector<16xf32>
        %and3A_2809 = arith.constant -65536 : i32
        %and3A_2810 = vector.broadcast %and3A_2809 : i32 to vector<16xi32>
        %and3A_2811 = arith.andi %get3A_2804, %and3A_2810 : vector<16xi32>
        %bitcast_convert_type3A_2812 = tpu.bitcast %and3A_2811 : vector<16xi32> -> vector<16xf32>
        %swap3A_2813 = arith.constant 0 : i32
        %swap3A_2814 = arith.index_cast %rem3A_680 : i32 to index
        %swap3A_2815 = arith.index_cast %swap3A_2813 : i32 to index
        %swap3A_2816 = arith.index_cast %add3A_842 : i32 to index
        %swap3A_2817 = arith.constant 736 : index
        %swap3A_2818 = tpu.vector_load %arg8[%swap3A_2814, %swap3A_2815, %swap3A_2816, %swap3A_2817] {strides = array<i32>} : memref<4x4x8x768xf32, #tpu.memory_space<vmem>>, vector<1x1x1x16xf32>,
        %swap3A_2819 = vector.shape_cast %swap3A_2818 : vector<1x1x1x16xf32> to vector<16xf32>
        %swap3A_2820 = vector.shape_cast %bitcast_convert_type3A_2808 : vector<16xf32> to vector<1x1x1x16xf32>
        tpu.vector_store %arg8[%swap3A_2814, %swap3A_2815, %swap3A_2816, %swap3A_2817], %swap3A_2820 {add = true, strides = array<i32>} : memref<4x4x8x768xf32, #tpu.memory_space<vmem>>, vector<1x1x1x16xf32>,
        %swap3A_2821 = arith.constant 0 : i32
        %swap3A_2822 = arith.index_cast %rem3A_680 : i32 to index
        %swap3A_2823 = arith.index_cast %swap3A_2821 : i32 to index
        %swap3A_2824 = arith.index_cast %add3A_842 : i32 to index
        %swap3A_2825 = arith.constant 752 : index
        %swap3A_2826 = tpu.vector_load %arg8[%swap3A_2822, %swap3A_2823, %swap3A_2824, %swap3A_2825] {strides = array<i32>} : memref<4x4x8x768xf32, #tpu.memory_space<vmem>>, vector<1x1x1x16xf32>,
        %swap3A_2827 = vector.shape_cast %swap3A_2826 : vector<1x1x1x16xf32> to vector<16xf32>
        %swap3A_2828 = vector.shape_cast %bitcast_convert_type3A_2812 : vector<16xf32> to vector<1x1x1x16xf32>
        tpu.vector_store %arg8[%swap3A_2822, %swap3A_2823, %swap3A_2824, %swap3A_2825], %swap3A_2828 {add = true, strides = array<i32>} : memref<4x4x8x768xf32, #tpu.memory_space<vmem>>, vector<1x1x1x16xf32>,
        %swap3A_2829 = arith.constant 1 : i32
        %swap3A_2830 = arith.index_cast %rem3A_680 : i32 to index
        %swap3A_2831 = arith.index_cast %swap3A_2829 : i32 to index
        %swap3A_2832 = arith.index_cast %add3A_842 : i32 to index
        %swap3A_2833 = arith.constant 736 : index
        %swap3A_2834 = tpu.vector_load %arg8[%swap3A_2830, %swap3A_2831, %swap3A_2832, %swap3A_2833] {strides = array<i32>} : memref<4x4x8x768xf32, #tpu.memory_space<vmem>>, vector<1x1x1x16xf32>,
        %swap3A_2835 = vector.shape_cast %swap3A_2834 : vector<1x1x1x16xf32> to vector<16xf32>
        %swap3A_2836 = vector.shape_cast %bitcast_convert_type3A_2808 : vector<16xf32> to vector<1x1x1x16xf32>
        tpu.vector_store %arg8[%swap3A_2830, %swap3A_2831, %swap3A_2832, %swap3A_2833], %swap3A_2836 {add = true, strides = array<i32>} : memref<4x4x8x768xf32, #tpu.memory_space<vmem>>, vector<1x1x1x16xf32>,
        %swap3A_2837 = arith.constant 1 : i32
        %swap3A_2838 = arith.index_cast %rem3A_680 : i32 to index
        %swap3A_2839 = arith.index_cast %swap3A_2837 : i32 to index
        %swap3A_2840 = arith.index_cast %add3A_842 : i32 to index
        %swap3A_2841 = arith.constant 752 : index
        %swap3A_2842 = tpu.vector_load %arg8[%swap3A_2838, %swap3A_2839, %swap3A_2840, %swap3A_2841] {strides = array<i32>} : memref<4x4x8x768xf32, #tpu.memory_space<vmem>>, vector<1x1x1x16xf32>,
        %swap3A_2843 = vector.shape_cast %swap3A_2842 : vector<1x1x1x16xf32> to vector<16xf32>
        %swap3A_2844 = vector.shape_cast %bitcast_convert_type3A_2812 : vector<16xf32> to vector<1x1x1x16xf32>
        tpu.vector_store %arg8[%swap3A_2838, %swap3A_2839, %swap3A_2840, %swap3A_2841], %swap3A_2844 {add = true, strides = array<i32>} : memref<4x4x8x768xf32, #tpu.memory_space<vmem>>, vector<1x1x1x16xf32>,
        %swap3A_2845 = arith.constant 2 : i32
        %swap3A_2846 = arith.index_cast %rem3A_680 : i32 to index
        %swap3A_2847 = arith.index_cast %swap3A_2845 : i32 to index
        %swap3A_2848 = arith.index_cast %add3A_842 : i32 to index
        %swap3A_2849 = arith.constant 736 : index
        %swap3A_2850 = tpu.vector_load %arg8[%swap3A_2846, %swap3A_2847, %swap3A_2848, %swap3A_2849] {strides = array<i32>} : memref<4x4x8x768xf32, #tpu.memory_space<vmem>>, vector<1x1x1x16xf32>,
        %swap3A_2851 = vector.shape_cast %swap3A_2850 : vector<1x1x1x16xf32> to vector<16xf32>
        %swap3A_2852 = vector.shape_cast %bitcast_convert_type3A_2808 : vector<16xf32> to vector<1x1x1x16xf32>
        tpu.vector_store %arg8[%swap3A_2846, %swap3A_2847, %swap3A_2848, %swap3A_2849], %swap3A_2852 {add = true, strides = array<i32>} : memref<4x4x8x768xf32, #tpu.memory_space<vmem>>, vector<1x1x1x16xf32>,
        %swap3A_2853 = arith.constant 2 : i32
        %swap3A_2854 = arith.index_cast %rem3A_680 : i32 to index
        %swap3A_2855 = arith.index_cast %swap3A_2853 : i32 to index
        %swap3A_2856 = arith.index_cast %add3A_842 : i32 to index
        %swap3A_2857 = arith.constant 752 : index
        %swap3A_2858 = tpu.vector_load %arg8[%swap3A_2854, %swap3A_2855, %swap3A_2856, %swap3A_2857] {strides = array<i32>} : memref<4x4x8x768xf32, #tpu.memory_space<vmem>>, vector<1x1x1x16xf32>,
        %swap3A_2859 = vector.shape_cast %swap3A_2858 : vector<1x1x1x16xf32> to vector<16xf32>
        %swap3A_2860 = vector.shape_cast %bitcast_convert_type3A_2812 : vector<16xf32> to vector<1x1x1x16xf32>
        tpu.vector_store %arg8[%swap3A_2854, %swap3A_2855, %swap3A_2856, %swap3A_2857], %swap3A_2860 {add = true, strides = array<i32>} : memref<4x4x8x768xf32, #tpu.memory_space<vmem>>, vector<1x1x1x16xf32>,
        %swap3A_2861 = arith.constant 3 : i32
        %swap3A_2862 = arith.index_cast %rem3A_680 : i32 to index
        %swap3A_2863 = arith.index_cast %swap3A_2861 : i32 to index
        %swap3A_2864 = arith.index_cast %add3A_842 : i32 to index
        %swap3A_2865 = arith.constant 736 : index
        %swap3A_2866 = tpu.vector_load %arg8[%swap3A_2862, %swap3A_2863, %swap3A_2864, %swap3A_2865] {strides = array<i32>} : memref<4x4x8x768xf32, #tpu.memory_space<vmem>>, vector<1x1x1x16xf32>,
        %swap3A_2867 = vector.shape_cast %swap3A_2866 : vector<1x1x1x16xf32> to vector<16xf32>
        %swap3A_2868 = vector.shape_cast %bitcast_convert_type3A_2808 : vector<16xf32> to vector<1x1x1x16xf32>
        tpu.vector_store %arg8[%swap3A_2862, %swap3A_2863, %swap3A_2864, %swap3A_2865], %swap3A_2868 {add = true, strides = array<i32>} : memref<4x4x8x768xf32, #tpu.memory_space<vmem>>, vector<1x1x1x16xf32>,
        %swap3A_2869 = arith.constant 3 : i32
        %swap3A_2870 = arith.index_cast %rem3A_680 : i32 to index
        %swap3A_2871 = arith.index_cast %swap3A_2869 : i32 to index
        %swap3A_2872 = arith.index_cast %add3A_842 : i32 to index
        %swap3A_2873 = arith.constant 752 : index
        %swap3A_2874 = tpu.vector_load %arg8[%swap3A_2870, %swap3A_2871, %swap3A_2872, %swap3A_2873] {strides = array<i32>} : memref<4x4x8x768xf32, #tpu.memory_space<vmem>>, vector<1x1x1x16xf32>,
        %swap3A_2875 = vector.shape_cast %swap3A_2874 : vector<1x1x1x16xf32> to vector<16xf32>
        %swap3A_2876 = vector.shape_cast %bitcast_convert_type3A_2812 : vector<16xf32> to vector<1x1x1x16xf32>
        tpu.vector_store %arg8[%swap3A_2870, %swap3A_2871, %swap3A_2872, %swap3A_2873], %swap3A_2876 {add = true, strides = array<i32>} : memref<4x4x8x768xf32, #tpu.memory_space<vmem>>, vector<1x1x1x16xf32>,
      }
      %scan3A_745 = arith.constant 8 : i32
      %add3A_746 = arith.constant 3 : i32
      %add3A_747 = arith.addi %add3A_679, %add3A_746 : i32
      %lt3A = arith.constant 8 : i32
      %lt3A_748 = arith.cmpi slt, %add3A_747, %lt3A : i32
      %convert_element_type3A = arith.extui %lt3A_748 : i1 to i32
      %cond3A = arith.constant 0 : i32
      %cond3A_749 = arith.cmpi ne, %convert_element_type3A, %cond3A : i32
      scf.if %cond3A_749 {
        %add3A_838 = arith.constant 3 : i32
        %add3A_839 = arith.addi %add3A_679, %add3A_838 : i32
        %rem3A_840 = arith.constant 4 : i32
        %rem3A_841 = arith.remsi %add3A_839, %rem3A_840 : i32
        %ge3A = arith.constant 4 : i32
        %ge3A_842 = arith.cmpi sge, %add3A_839, %ge3A : i32
        %convert_element_type3A_843 = arith.extui %ge3A_842 : i1 to i32
        %cond3A_844 = arith.constant 0 : i32
        %cond3A_845 = arith.cmpi ne, %convert_element_type3A_843, %cond3A_844 : i32
        scf.if %cond3A_845 {
          %sub3A = arith.constant 4 : i32
          %sub3A_906 = arith.subi %add3A_839, %sub3A : i32
          %mul3A_907 = arith.constant 64 : i32
          %mul3A_908 = arith.muli %add3A, %mul3A_907 : i32
          %add3A_909 = arith.constant 0 : i32
          %add3A_910 = arith.addi %add3A_909, %mul3A_908 : i32
          %mul3A_911 = arith.constant 8 : i32
          %mul3A_912 = arith.muli %sub3A_906, %mul3A_911 : i32
          %add3A_913 = arith.addi %add3A_910, %mul3A_912 : i32
          %mul3A_914 = arith.constant 64 : i32
          %mul3A_915 = arith.muli %add3A, %mul3A_914 : i32
          %add3A_916 = arith.constant 2048 : i32
          %add3A_917 = arith.addi %add3A_916, %mul3A_915 : i32
          %mul3A_918 = arith.constant 8 : i32
          %mul3A_919 = arith.muli %sub3A_906, %mul3A_918 : i32
          %add3A_920 = arith.addi %add3A_917, %mul3A_919 : i32
          %mul3A_921 = arith.constant 64 : i32
          %mul3A_922 = arith.muli %add3A, %mul3A_921 : i32
          %add3A_923 = arith.constant 4096 : i32
          %add3A_924 = arith.addi %add3A_923, %mul3A_922 : i32
          %mul3A_925 = arith.constant 8 : i32
          %mul3A_926 = arith.muli %sub3A_906, %mul3A_925 : i32
          %add3A_927 = arith.addi %add3A_924, %mul3A_926 : i32
          %mul3A_928 = arith.constant 64 : i32
          %mul3A_929 = arith.muli %add3A, %mul3A_928 : i32
          %add3A_930 = arith.constant 6144 : i32
          %add3A_931 = arith.addi %add3A_930, %mul3A_929 : i32
          %mul3A_932 = arith.constant 8 : i32
          %mul3A_933 = arith.muli %sub3A_906, %mul3A_932 : i32
          %add3A_934 = arith.addi %add3A_931, %mul3A_933 : i32
          %dma_wait3A_935 = arith.constant 0 : i32
          %dma_wait3A_936 = arith.constant 0 : i32
          %dma_wait3A_937 = arith.constant 0 : i32
          %dma_wait3A_938 = tpu.memref_slice %arg8[%rem3A_841, %dma_wait3A_935, %dma_wait3A_936, %dma_wait3A_937] : memref<4x4x8x768xf32, #tpu.memory_space<vmem>> -> memref<1x1x8x768xf32, #tpu.memory_space<vmem>>
          %dma_wait3A_939 = tpu.memref_squeeze %dma_wait3A_938 : memref<1x1x8x768xf32, #tpu.memory_space<vmem>> -> memref<8x768xf32, #tpu.memory_space<vmem>>
          %dma_wait3A_940 = arith.constant 0 : i32
          %dma_wait3A_941 = tpu.memref_slice %arg5[%add3A_913, %dma_wait3A_940] : memref<8192x768xf32, #tpu.memory_space<hbm>> -> memref<8x768xf32, #tpu.memory_space<hbm>>
          %dma_wait3A_942 = tpu.memref_slice %arg12[%rem3A_841] : memref<4x!tpu.dma_semaphore, #tpu.memory_space<semaphore_mem>> -> memref<1x!tpu.dma_semaphore, #tpu.memory_space<semaphore_mem>>
          %dma_wait3A_943 = tpu.memref_squeeze %dma_wait3A_942 : memref<1x!tpu.dma_semaphore, #tpu.memory_space<semaphore_mem>> -> memref<!tpu.dma_semaphore, #tpu.memory_space<semaphore_mem>>
          %dma_wait3A_944 = arith.constant 0 : i32
          %dma_wait3A_945 = tpu.memref_slice %arg5[%add3A_913, %dma_wait3A_944] : memref<8192x768xf32, #tpu.memory_space<hbm>> -> memref<8x768xf32, #tpu.memory_space<hbm>>
          %dma_wait3A_946 = arith.constant 0 : i32
          %dma_wait3A_947 = arith.constant 0 : i32
          %dma_wait3A_948 = tpu.memref_slice %arg8[%rem3A_841, %dma_wait3A_935, %dma_wait3A_946, %dma_wait3A_947] : memref<4x4x8x768xf32, #tpu.memory_space<vmem>> -> memref<1x1x8x768xf32, #tpu.memory_space<vmem>>
          %dma_wait3A_949 = tpu.memref_squeeze %dma_wait3A_948 : memref<1x1x8x768xf32, #tpu.memory_space<vmem>> -> memref<8x768xf32, #tpu.memory_space<vmem>>
          tpu.wait_dma2 semaphore(%dma_wait3A_943 : memref<!tpu.dma_semaphore, #tpu.memory_space<semaphore_mem>>) src(%dma_wait3A_949 : memref<8x768xf32, #tpu.memory_space<vmem>>) dst(%dma_wait3A_945 : memref<8x768xf32, #tpu.memory_space<hbm>>)
          %dma_wait3A_950 = arith.constant 1 : i32
          %dma_wait3A_951 = arith.constant 0 : i32
          %dma_wait3A_952 = arith.constant 0 : i32
          %dma_wait3A_953 = tpu.memref_slice %arg8[%rem3A_841, %dma_wait3A_950, %dma_wait3A_951, %dma_wait3A_952] : memref<4x4x8x768xf32, #tpu.memory_space<vmem>> -> memref<1x1x8x768xf32, #tpu.memory_space<vmem>>
          %dma_wait3A_954 = tpu.memref_squeeze %dma_wait3A_953 : memref<1x1x8x768xf32, #tpu.memory_space<vmem>> -> memref<8x768xf32, #tpu.memory_space<vmem>>
          %dma_wait3A_955 = arith.constant 0 : i32
          %dma_wait3A_956 = tpu.memref_slice %arg5[%add3A_920, %dma_wait3A_955] : memref<8192x768xf32, #tpu.memory_space<hbm>> -> memref<8x768xf32, #tpu.memory_space<hbm>>
          %dma_wait3A_957 = tpu.memref_slice %arg12[%rem3A_841] : memref<4x!tpu.dma_semaphore, #tpu.memory_space<semaphore_mem>> -> memref<1x!tpu.dma_semaphore, #tpu.memory_space<semaphore_mem>>
          %dma_wait3A_958 = tpu.memref_squeeze %dma_wait3A_957 : memref<1x!tpu.dma_semaphore, #tpu.memory_space<semaphore_mem>> -> memref<!tpu.dma_semaphore, #tpu.memory_space<semaphore_mem>>
          %dma_wait3A_959 = arith.constant 0 : i32
          %dma_wait3A_960 = tpu.memref_slice %arg5[%add3A_920, %dma_wait3A_959] : memref<8192x768xf32, #tpu.memory_space<hbm>> -> memref<8x768xf32, #tpu.memory_space<hbm>>
          %dma_wait3A_961 = arith.constant 0 : i32
          %dma_wait3A_962 = arith.constant 0 : i32
          %dma_wait3A_963 = tpu.memref_slice %arg8[%rem3A_841, %dma_wait3A_950, %dma_wait3A_961, %dma_wait3A_962] : memref<4x4x8x768xf32, #tpu.memory_space<vmem>> -> memref<1x1x8x768xf32, #tpu.memory_space<vmem>>
          %dma_wait3A_964 = tpu.memref_squeeze %dma_wait3A_963 : memref<1x1x8x768xf32, #tpu.memory_space<vmem>> -> memref<8x768xf32, #tpu.memory_space<vmem>>
          tpu.wait_dma2 semaphore(%dma_wait3A_958 : memref<!tpu.dma_semaphore, #tpu.memory_space<semaphore_mem>>) src(%dma_wait3A_964 : memref<8x768xf32, #tpu.memory_space<vmem>>) dst(%dma_wait3A_960 : memref<8x768xf32, #tpu.memory_space<hbm>>)
          %dma_wait3A_965 = arith.constant 2 : i32
          %dma_wait3A_966 = arith.constant 0 : i32
          %dma_wait3A_967 = arith.constant 0 : i32
          %dma_wait3A_968 = tpu.memref_slice %arg8[%rem3A_841, %dma_wait3A_965, %dma_wait3A_966, %dma_wait3A_967] : memref<4x4x8x768xf32, #tpu.memory_space<vmem>> -> memref<1x1x8x768xf32, #tpu.memory_space<vmem>>
          %dma_wait3A_969 = tpu.memref_squeeze %dma_wait3A_968 : memref<1x1x8x768xf32, #tpu.memory_space<vmem>> -> memref<8x768xf32, #tpu.memory_space<vmem>>
          %dma_wait3A_970 = arith.constant 0 : i32
          %dma_wait3A_971 = tpu.memref_slice %arg5[%add3A_927, %dma_wait3A_970] : memref<8192x768xf32, #tpu.memory_space<hbm>> -> memref<8x768xf32, #tpu.memory_space<hbm>>
          %dma_wait3A_972 = tpu.memref_slice %arg12[%rem3A_841] : memref<4x!tpu.dma_semaphore, #tpu.memory_space<semaphore_mem>> -> memref<1x!tpu.dma_semaphore, #tpu.memory_space<semaphore_mem>>
          %dma_wait3A_973 = tpu.memref_squeeze %dma_wait3A_972 : memref<1x!tpu.dma_semaphore, #tpu.memory_space<semaphore_mem>> -> memref<!tpu.dma_semaphore, #tpu.memory_space<semaphore_mem>>
          %dma_wait3A_974 = arith.constant 0 : i32
          %dma_wait3A_975 = tpu.memref_slice %arg5[%add3A_927, %dma_wait3A_974] : memref<8192x768xf32, #tpu.memory_space<hbm>> -> memref<8x768xf32, #tpu.memory_space<hbm>>
          %dma_wait3A_976 = arith.constant 0 : i32
          %dma_wait3A_977 = arith.constant 0 : i32
          %dma_wait3A_978 = tpu.memref_slice %arg8[%rem3A_841, %dma_wait3A_965, %dma_wait3A_976, %dma_wait3A_977] : memref<4x4x8x768xf32, #tpu.memory_space<vmem>> -> memref<1x1x8x768xf32, #tpu.memory_space<vmem>>
          %dma_wait3A_979 = tpu.memref_squeeze %dma_wait3A_978 : memref<1x1x8x768xf32, #tpu.memory_space<vmem>> -> memref<8x768xf32, #tpu.memory_space<vmem>>
          tpu.wait_dma2 semaphore(%dma_wait3A_973 : memref<!tpu.dma_semaphore, #tpu.memory_space<semaphore_mem>>) src(%dma_wait3A_979 : memref<8x768xf32, #tpu.memory_space<vmem>>) dst(%dma_wait3A_975 : memref<8x768xf32, #tpu.memory_space<hbm>>)
          %dma_wait3A_980 = arith.constant 3 : i32
          %dma_wait3A_981 = arith.constant 0 : i32
          %dma_wait3A_982 = arith.constant 0 : i32
          %dma_wait3A_983 = tpu.memref_slice %arg8[%rem3A_841, %dma_wait3A_980, %dma_wait3A_981, %dma_wait3A_982] : memref<4x4x8x768xf32, #tpu.memory_space<vmem>> -> memref<1x1x8x768xf32, #tpu.memory_space<vmem>>
          %dma_wait3A_984 = tpu.memref_squeeze %dma_wait3A_983 : memref<1x1x8x768xf32, #tpu.memory_space<vmem>> -> memref<8x768xf32, #tpu.memory_space<vmem>>
          %dma_wait3A_985 = arith.constant 0 : i32
          %dma_wait3A_986 = tpu.memref_slice %arg5[%add3A_934, %dma_wait3A_985] : memref<8192x768xf32, #tpu.memory_space<hbm>> -> memref<8x768xf32, #tpu.memory_space<hbm>>
          %dma_wait3A_987 = tpu.memref_slice %arg12[%rem3A_841] : memref<4x!tpu.dma_semaphore, #tpu.memory_space<semaphore_mem>> -> memref<1x!tpu.dma_semaphore, #tpu.memory_space<semaphore_mem>>
          %dma_wait3A_988 = tpu.memref_squeeze %dma_wait3A_987 : memref<1x!tpu.dma_semaphore, #tpu.memory_space<semaphore_mem>> -> memref<!tpu.dma_semaphore, #tpu.memory_space<semaphore_mem>>
          %dma_wait3A_989 = arith.constant 0 : i32
          %dma_wait3A_990 = tpu.memref_slice %arg5[%add3A_934, %dma_wait3A_989] : memref<8192x768xf32, #tpu.memory_space<hbm>> -> memref<8x768xf32, #tpu.memory_space<hbm>>
          %dma_wait3A_991 = arith.constant 0 : i32
          %dma_wait3A_992 = arith.constant 0 : i32
          %dma_wait3A_993 = tpu.memref_slice %arg8[%rem3A_841, %dma_wait3A_980, %dma_wait3A_991, %dma_wait3A_992] : memref<4x4x8x768xf32, #tpu.memory_space<vmem>> -> memref<1x1x8x768xf32, #tpu.memory_space<vmem>>
          %dma_wait3A_994 = tpu.memref_squeeze %dma_wait3A_993 : memref<1x1x8x768xf32, #tpu.memory_space<vmem>> -> memref<8x768xf32, #tpu.memory_space<vmem>>
          tpu.wait_dma2 semaphore(%dma_wait3A_988 : memref<!tpu.dma_semaphore, #tpu.memory_space<semaphore_mem>>) src(%dma_wait3A_994 : memref<8x768xf32, #tpu.memory_space<vmem>>) dst(%dma_wait3A_990 : memref<8x768xf32, #tpu.memory_space<hbm>>)
        } else {
        }
        %mul3A_846 = arith.constant 8 : i32
        %mul3A_847 = arith.muli %add3A_839, %mul3A_846 : i32
        %mul3A_848 = arith.constant 8 : i32
        %mul3A_849 = arith.muli %add3A_839, %mul3A_848 : i32
        %mul3A_850 = arith.constant 8 : i32
        %mul3A_851 = arith.muli %add3A_839, %mul3A_850 : i32
        %mul3A_852 = arith.constant 8 : i32
        %mul3A_853 = arith.muli %add3A_839, %mul3A_852 : i32
        %dma_start3A_854 = arith.constant 0 : i32
        %dma_start3A_855 = arith.constant 0 : i32
        %dma_start3A_856 = arith.constant 0 : i32
        %dma_start3A_857 = arith.constant 0 : i32
        %dma_start3A_858 = tpu.memref_slice %arg8[%rem3A_841, %dma_start3A_855, %dma_start3A_856, %dma_start3A_857] : memref<4x4x8x768xf32, #tpu.memory_space<vmem>> -> memref<1x1x8x768xf32, #tpu.memory_space<vmem>>
        %dma_start3A_859 = tpu.memref_squeeze %dma_start3A_858 : memref<1x1x8x768xf32, #tpu.memory_space<vmem>> -> memref<8x768xf32, #tpu.memory_space<vmem>>
        %dma_start3A_860 = tpu.memref_slice %arg6[%dma_start3A_854, %mul3A_847] : memref<4x64xi32, #tpu.memory_space<vmem>> -> memref<1x8xi32, #tpu.memory_space<vmem>>
        %dma_start3A_861 = tpu.memref_squeeze %dma_start3A_860 : memref<1x8xi32, #tpu.memory_space<vmem>> -> memref<8xi32, #tpu.memory_space<vmem>>
        %dma_start3A_862 = arith.constant 0 : i32
        %dma_start3A_863 = arith.constant 0 : i32
        %dma_start3A_864 = tpu.memref_slice %arg3[%dma_start3A_862, %dma_start3A_863] : memref<100000x768xf32, #tpu.memory_space<hbm>> -> memref<100000x768xf32, #tpu.memory_space<hbm>>
        %dma_start3A_865 = tpu.memref_slice %arg11[%rem3A_841] : memref<4x!tpu.dma_semaphore, #tpu.memory_space<semaphore_mem>> -> memref<1x!tpu.dma_semaphore, #tpu.memory_space<semaphore_mem>>
        %dma_start3A_866 = tpu.memref_squeeze %dma_start3A_865 : memref<1x!tpu.dma_semaphore, #tpu.memory_space<semaphore_mem>> -> memref<!tpu.dma_semaphore, #tpu.memory_space<semaphore_mem>>
        tpu.enqueue_indirect_dma source(%dma_start3A_864 : memref<100000x768xf32, #tpu.memory_space<hbm>>) target(%dma_start3A_859 : memref<8x768xf32, #tpu.memory_space<vmem>>) offsets(%dma_start3A_861 : memref<8xi32, #tpu.memory_space<vmem>>) semaphore(%dma_start3A_866 : memref<!tpu.dma_semaphore, #tpu.memory_space<semaphore_mem>>)
        %dma_start3A_867 = arith.constant 1 : i32
        %dma_start3A_868 = arith.constant 1 : i32
        %dma_start3A_869 = arith.constant 0 : i32
        %dma_start3A_870 = arith.constant 0 : i32
        %dma_start3A_871 = tpu.memref_slice %arg8[%rem3A_841, %dma_start3A_868, %dma_start3A_869, %dma_start3A_870] : memref<4x4x8x768xf32, #tpu.memory_space<vmem>> -> memref<1x1x8x768xf32, #tpu.memory_space<vmem>>
        %dma_start3A_872 = tpu.memref_squeeze %dma_start3A_871 : memref<1x1x8x768xf32, #tpu.memory_space<vmem>> -> memref<8x768xf32, #tpu.memory_space<vmem>>
        %dma_start3A_873 = tpu.memref_slice %arg6[%dma_start3A_867, %mul3A_849] : memref<4x64xi32, #tpu.memory_space<vmem>> -> memref<1x8xi32, #tpu.memory_space<vmem>>
        %dma_start3A_874 = tpu.memref_squeeze %dma_start3A_873 : memref<1x8xi32, #tpu.memory_space<vmem>> -> memref<8xi32, #tpu.memory_space<vmem>>
        %dma_start3A_875 = arith.constant 0 : i32
        %dma_start3A_876 = arith.constant 0 : i32
        %dma_start3A_877 = tpu.memref_slice %arg3[%dma_start3A_875, %dma_start3A_876] : memref<100000x768xf32, #tpu.memory_space<hbm>> -> memref<100000x768xf32, #tpu.memory_space<hbm>>
        %dma_start3A_878 = tpu.memref_slice %arg11[%rem3A_841] : memref<4x!tpu.dma_semaphore, #tpu.memory_space<semaphore_mem>> -> memref<1x!tpu.dma_semaphore, #tpu.memory_space<semaphore_mem>>
        %dma_start3A_879 = tpu.memref_squeeze %dma_start3A_878 : memref<1x!tpu.dma_semaphore, #tpu.memory_space<semaphore_mem>> -> memref<!tpu.dma_semaphore, #tpu.memory_space<semaphore_mem>>
        tpu.enqueue_indirect_dma source(%dma_start3A_877 : memref<100000x768xf32, #tpu.memory_space<hbm>>) target(%dma_start3A_872 : memref<8x768xf32, #tpu.memory_space<vmem>>) offsets(%dma_start3A_874 : memref<8xi32, #tpu.memory_space<vmem>>) semaphore(%dma_start3A_879 : memref<!tpu.dma_semaphore, #tpu.memory_space<semaphore_mem>>)
        %dma_start3A_880 = arith.constant 2 : i32
        %dma_start3A_881 = arith.constant 2 : i32
        %dma_start3A_882 = arith.constant 0 : i32
        %dma_start3A_883 = arith.constant 0 : i32
        %dma_start3A_884 = tpu.memref_slice %arg8[%rem3A_841, %dma_start3A_881, %dma_start3A_882, %dma_start3A_883] : memref<4x4x8x768xf32, #tpu.memory_space<vmem>> -> memref<1x1x8x768xf32, #tpu.memory_space<vmem>>
        %dma_start3A_885 = tpu.memref_squeeze %dma_start3A_884 : memref<1x1x8x768xf32, #tpu.memory_space<vmem>> -> memref<8x768xf32, #tpu.memory_space<vmem>>
        %dma_start3A_886 = tpu.memref_slice %arg6[%dma_start3A_880, %mul3A_851] : memref<4x64xi32, #tpu.memory_space<vmem>> -> memref<1x8xi32, #tpu.memory_space<vmem>>
        %dma_start3A_887 = tpu.memref_squeeze %dma_start3A_886 : memref<1x8xi32, #tpu.memory_space<vmem>> -> memref<8xi32, #tpu.memory_space<vmem>>
        %dma_start3A_888 = arith.constant 0 : i32
        %dma_start3A_889 = arith.constant 0 : i32
        %dma_start3A_890 = tpu.memref_slice %arg3[%dma_start3A_888, %dma_start3A_889] : memref<100000x768xf32, #tpu.memory_space<hbm>> -> memref<100000x768xf32, #tpu.memory_space<hbm>>
        %dma_start3A_891 = tpu.memref_slice %arg11[%rem3A_841] : memref<4x!tpu.dma_semaphore, #tpu.memory_space<semaphore_mem>> -> memref<1x!tpu.dma_semaphore, #tpu.memory_space<semaphore_mem>>
        %dma_start3A_892 = tpu.memref_squeeze %dma_start3A_891 : memref<1x!tpu.dma_semaphore, #tpu.memory_space<semaphore_mem>> -> memref<!tpu.dma_semaphore, #tpu.memory_space<semaphore_mem>>
        tpu.enqueue_indirect_dma source(%dma_start3A_890 : memref<100000x768xf32, #tpu.memory_space<hbm>>) target(%dma_start3A_885 : memref<8x768xf32, #tpu.memory_space<vmem>>) offsets(%dma_start3A_887 : memref<8xi32, #tpu.memory_space<vmem>>) semaphore(%dma_start3A_892 : memref<!tpu.dma_semaphore, #tpu.memory_space<semaphore_mem>>)
        %dma_start3A_893 = arith.constant 3 : i32
        %dma_start3A_894 = arith.constant 3 : i32
        %dma_start3A_895 = arith.constant 0 : i32
        %dma_start3A_896 = arith.constant 0 : i32
        %dma_start3A_897 = tpu.memref_slice %arg8[%rem3A_841, %dma_start3A_894, %dma_start3A_895, %dma_start3A_896] : memref<4x4x8x768xf32, #tpu.memory_space<vmem>> -> memref<1x1x8x768xf32, #tpu.memory_space<vmem>>
        %dma_start3A_898 = tpu.memref_squeeze %dma_start3A_897 : memref<1x1x8x768xf32, #tpu.memory_space<vmem>> -> memref<8x768xf32, #tpu.memory_space<vmem>>
        %dma_start3A_899 = tpu.memref_slice %arg6[%dma_start3A_893, %mul3A_853] : memref<4x64xi32, #tpu.memory_space<vmem>> -> memref<1x8xi32, #tpu.memory_space<vmem>>
        %dma_start3A_900 = tpu.memref_squeeze %dma_start3A_899 : memref<1x8xi32, #tpu.memory_space<vmem>> -> memref<8xi32, #tpu.memory_space<vmem>>
        %dma_start3A_901 = arith.constant 0 : i32
        %dma_start3A_902 = arith.constant 0 : i32
        %dma_start3A_903 = tpu.memref_slice %arg3[%dma_start3A_901, %dma_start3A_902] : memref<100000x768xf32, #tpu.memory_space<hbm>> -> memref<100000x768xf32, #tpu.memory_space<hbm>>
        %dma_start3A_904 = tpu.memref_slice %arg11[%rem3A_841] : memref<4x!tpu.dma_semaphore, #tpu.memory_space<semaphore_mem>> -> memref<1x!tpu.dma_semaphore, #tpu.memory_space<semaphore_mem>>
        %dma_start3A_905 = tpu.memref_squeeze %dma_start3A_904 : memref<1x!tpu.dma_semaphore, #tpu.memory_space<semaphore_mem>> -> memref<!tpu.dma_semaphore, #tpu.memory_space<semaphore_mem>>
        tpu.enqueue_indirect_dma source(%dma_start3A_903 : memref<100000x768xf32, #tpu.memory_space<hbm>>) target(%dma_start3A_898 : memref<8x768xf32, #tpu.memory_space<vmem>>) offsets(%dma_start3A_900 : memref<8xi32, #tpu.memory_space<vmem>>) semaphore(%dma_start3A_905 : memref<!tpu.dma_semaphore, #tpu.memory_space<semaphore_mem>>)
      } else {
      }
      %mul3A_750 = arith.constant 64 : i32
      %mul3A_751 = arith.muli %add3A, %mul3A_750 : i32
      %add3A_752 = arith.constant 0 : i32
      %add3A_753 = arith.addi %add3A_752, %mul3A_751 : i32
      %mul3A_754 = arith.constant 8 : i32
      %mul3A_755 = arith.muli %add3A_679, %mul3A_754 : i32
      %add3A_756 = arith.addi %add3A_753, %mul3A_755 : i32
      %mul3A_757 = arith.constant 64 : i32
      %mul3A_758 = arith.muli %add3A, %mul3A_757 : i32
      %add3A_759 = arith.constant 2048 : i32
      %add3A_760 = arith.addi %add3A_759, %mul3A_758 : i32
      %mul3A_761 = arith.constant 8 : i32
      %mul3A_762 = arith.muli %add3A_679, %mul3A_761 : i32
      %add3A_763 = arith.addi %add3A_760, %mul3A_762 : i32
      %mul3A_764 = arith.constant 64 : i32
      %mul3A_765 = arith.muli %add3A, %mul3A_764 : i32
      %add3A_766 = arith.constant 4096 : i32
      %add3A_767 = arith.addi %add3A_766, %mul3A_765 : i32
      %mul3A_768 = arith.constant 8 : i32
      %mul3A_769 = arith.muli %add3A_679, %mul3A_768 : i32
      %add3A_770 = arith.addi %add3A_767, %mul3A_769 : i32
      %mul3A_771 = arith.constant 64 : i32
      %mul3A_772 = arith.muli %add3A, %mul3A_771 : i32
      %add3A_773 = arith.constant 6144 : i32
      %add3A_774 = arith.addi %add3A_773, %mul3A_772 : i32
      %mul3A_775 = arith.constant 8 : i32
      %mul3A_776 = arith.muli %add3A_679, %mul3A_775 : i32
      %add3A_777 = arith.addi %add3A_774, %mul3A_776 : i32
      %dma_start3A_778 = arith.constant 0 : i32
      %dma_start3A_779 = arith.constant 0 : i32
      %dma_start3A_780 = arith.constant 0 : i32
      %dma_start3A_781 = tpu.memref_slice %arg8[%rem3A_680, %dma_start3A_778, %dma_start3A_779, %dma_start3A_780] : memref<4x4x8x768xf32, #tpu.memory_space<vmem>> -> memref<1x1x8x768xf32, #tpu.memory_space<vmem>>
      %dma_start3A_782 = tpu.memref_squeeze %dma_start3A_781 : memref<1x1x8x768xf32, #tpu.memory_space<vmem>> -> memref<8x768xf32, #tpu.memory_space<vmem>>
      %dma_start3A_783 = arith.constant 0 : i32
      %dma_start3A_784 = tpu.memref_slice %arg5[%add3A_756, %dma_start3A_783] : memref<8192x768xf32, #tpu.memory_space<hbm>> -> memref<8x768xf32, #tpu.memory_space<hbm>>
      %dma_start3A_785 = tpu.memref_slice %arg12[%rem3A_680] : memref<4x!tpu.dma_semaphore, #tpu.memory_space<semaphore_mem>> -> memref<1x!tpu.dma_semaphore, #tpu.memory_space<semaphore_mem>>
      %dma_start3A_786 = tpu.memref_squeeze %dma_start3A_785 : memref<1x!tpu.dma_semaphore, #tpu.memory_space<semaphore_mem>> -> memref<!tpu.dma_semaphore, #tpu.memory_space<semaphore_mem>>
      %dma_start3A_787 = arith.constant 0 : i32
      %dma_start3A_788 = tpu.memref_slice %arg5[%add3A_756, %dma_start3A_787] : memref<8192x768xf32, #tpu.memory_space<hbm>> -> memref<8x768xf32, #tpu.memory_space<hbm>>
      %dma_start3A_789 = arith.constant 0 : i32
      %dma_start3A_790 = arith.constant 0 : i32
      %dma_start3A_791 = tpu.memref_slice %arg8[%rem3A_680, %dma_start3A_778, %dma_start3A_789, %dma_start3A_790] : memref<4x4x8x768xf32, #tpu.memory_space<vmem>> -> memref<1x1x8x768xf32, #tpu.memory_space<vmem>>
      %dma_start3A_792 = tpu.memref_squeeze %dma_start3A_791 : memref<1x1x8x768xf32, #tpu.memory_space<vmem>> -> memref<8x768xf32, #tpu.memory_space<vmem>>
      tpu.enqueue_dma source(%dma_start3A_792 : memref<8x768xf32, #tpu.memory_space<vmem>>) target(%dma_start3A_788 : memref<8x768xf32, #tpu.memory_space<hbm>>) target_semaphore(%dma_start3A_786 : memref<!tpu.dma_semaphore, #tpu.memory_space<semaphore_mem>>)
      %dma_start3A_793 = arith.constant 1 : i32
      %dma_start3A_794 = arith.constant 0 : i32
      %dma_start3A_795 = arith.constant 0 : i32
      %dma_start3A_796 = tpu.memref_slice %arg8[%rem3A_680, %dma_start3A_793, %dma_start3A_794, %dma_start3A_795] : memref<4x4x8x768xf32, #tpu.memory_space<vmem>> -> memref<1x1x8x768xf32, #tpu.memory_space<vmem>>
      %dma_start3A_797 = tpu.memref_squeeze %dma_start3A_796 : memref<1x1x8x768xf32, #tpu.memory_space<vmem>> -> memref<8x768xf32, #tpu.memory_space<vmem>>
      %dma_start3A_798 = arith.constant 0 : i32
      %dma_start3A_799 = tpu.memref_slice %arg5[%add3A_763, %dma_start3A_798] : memref<8192x768xf32, #tpu.memory_space<hbm>> -> memref<8x768xf32, #tpu.memory_space<hbm>>
      %dma_start3A_800 = tpu.memref_slice %arg12[%rem3A_680] : memref<4x!tpu.dma_semaphore, #tpu.memory_space<semaphore_mem>> -> memref<1x!tpu.dma_semaphore, #tpu.memory_space<semaphore_mem>>
      %dma_start3A_801 = tpu.memref_squeeze %dma_start3A_800 : memref<1x!tpu.dma_semaphore, #tpu.memory_space<semaphore_mem>> -> memref<!tpu.dma_semaphore, #tpu.memory_space<semaphore_mem>>
      %dma_start3A_802 = arith.constant 0 : i32
      %dma_start3A_803 = tpu.memref_slice %arg5[%add3A_763, %dma_start3A_802] : memref<8192x768xf32, #tpu.memory_space<hbm>> -> memref<8x768xf32, #tpu.memory_space<hbm>>
      %dma_start3A_804 = arith.constant 0 : i32
      %dma_start3A_805 = arith.constant 0 : i32
      %dma_start3A_806 = tpu.memref_slice %arg8[%rem3A_680, %dma_start3A_793, %dma_start3A_804, %dma_start3A_805] : memref<4x4x8x768xf32, #tpu.memory_space<vmem>> -> memref<1x1x8x768xf32, #tpu.memory_space<vmem>>
      %dma_start3A_807 = tpu.memref_squeeze %dma_start3A_806 : memref<1x1x8x768xf32, #tpu.memory_space<vmem>> -> memref<8x768xf32, #tpu.memory_space<vmem>>
      tpu.enqueue_dma source(%dma_start3A_807 : memref<8x768xf32, #tpu.memory_space<vmem>>) target(%dma_start3A_803 : memref<8x768xf32, #tpu.memory_space<hbm>>) target_semaphore(%dma_start3A_801 : memref<!tpu.dma_semaphore, #tpu.memory_space<semaphore_mem>>)
      %dma_start3A_808 = arith.constant 2 : i32
      %dma_start3A_809 = arith.constant 0 : i32
      %dma_start3A_810 = arith.constant 0 : i32
      %dma_start3A_811 = tpu.memref_slice %arg8[%rem3A_680, %dma_start3A_808, %dma_start3A_809, %dma_start3A_810] : memref<4x4x8x768xf32, #tpu.memory_space<vmem>> -> memref<1x1x8x768xf32, #tpu.memory_space<vmem>>
      %dma_start3A_812 = tpu.memref_squeeze %dma_start3A_811 : memref<1x1x8x768xf32, #tpu.memory_space<vmem>> -> memref<8x768xf32, #tpu.memory_space<vmem>>
      %dma_start3A_813 = arith.constant 0 : i32
      %dma_start3A_814 = tpu.memref_slice %arg5[%add3A_770, %dma_start3A_813] : memref<8192x768xf32, #tpu.memory_space<hbm>> -> memref<8x768xf32, #tpu.memory_space<hbm>>
      %dma_start3A_815 = tpu.memref_slice %arg12[%rem3A_680] : memref<4x!tpu.dma_semaphore, #tpu.memory_space<semaphore_mem>> -> memref<1x!tpu.dma_semaphore, #tpu.memory_space<semaphore_mem>>
      %dma_start3A_816 = tpu.memref_squeeze %dma_start3A_815 : memref<1x!tpu.dma_semaphore, #tpu.memory_space<semaphore_mem>> -> memref<!tpu.dma_semaphore, #tpu.memory_space<semaphore_mem>>
      %dma_start3A_817 = arith.constant 0 : i32
      %dma_start3A_818 = tpu.memref_slice %arg5[%add3A_770, %dma_start3A_817] : memref<8192x768xf32, #tpu.memory_space<hbm>> -> memref<8x768xf32, #tpu.memory_space<hbm>>
      %dma_start3A_819 = arith.constant 0 : i32
      %dma_start3A_820 = arith.constant 0 : i32
      %dma_start3A_821 = tpu.memref_slice %arg8[%rem3A_680, %dma_start3A_808, %dma_start3A_819, %dma_start3A_820] : memref<4x4x8x768xf32, #tpu.memory_space<vmem>> -> memref<1x1x8x768xf32, #tpu.memory_space<vmem>>
      %dma_start3A_822 = tpu.memref_squeeze %dma_start3A_821 : memref<1x1x8x768xf32, #tpu.memory_space<vmem>> -> memref<8x768xf32, #tpu.memory_space<vmem>>
      tpu.enqueue_dma source(%dma_start3A_822 : memref<8x768xf32, #tpu.memory_space<vmem>>) target(%dma_start3A_818 : memref<8x768xf32, #tpu.memory_space<hbm>>) target_semaphore(%dma_start3A_816 : memref<!tpu.dma_semaphore, #tpu.memory_space<semaphore_mem>>)
      %dma_start3A_823 = arith.constant 3 : i32
      %dma_start3A_824 = arith.constant 0 : i32
      %dma_start3A_825 = arith.constant 0 : i32
      %dma_start3A_826 = tpu.memref_slice %arg8[%rem3A_680, %dma_start3A_823, %dma_start3A_824, %dma_start3A_825] : memref<4x4x8x768xf32, #tpu.memory_space<vmem>> -> memref<1x1x8x768xf32, #tpu.memory_space<vmem>>
      %dma_start3A_827 = tpu.memref_squeeze %dma_start3A_826 : memref<1x1x8x768xf32, #tpu.memory_space<vmem>> -> memref<8x768xf32, #tpu.memory_space<vmem>>
      %dma_start3A_828 = arith.constant 0 : i32
      %dma_start3A_829 = tpu.memref_slice %arg5[%add3A_777, %dma_start3A_828] : memref<8192x768xf32, #tpu.memory_space<hbm>> -> memref<8x768xf32, #tpu.memory_space<hbm>>
      %dma_start3A_830 = tpu.memref_slice %arg12[%rem3A_680] : memref<4x!tpu.dma_semaphore, #tpu.memory_space<semaphore_mem>> -> memref<1x!tpu.dma_semaphore, #tpu.memory_space<semaphore_mem>>
      %dma_start3A_831 = tpu.memref_squeeze %dma_start3A_830 : memref<1x!tpu.dma_semaphore, #tpu.memory_space<semaphore_mem>> -> memref<!tpu.dma_semaphore, #tpu.memory_space<semaphore_mem>>
      %dma_start3A_832 = arith.constant 0 : i32
      %dma_start3A_833 = tpu.memref_slice %arg5[%add3A_777, %dma_start3A_832] : memref<8192x768xf32, #tpu.memory_space<hbm>> -> memref<8x768xf32, #tpu.memory_space<hbm>>
      %dma_start3A_834 = arith.constant 0 : i32
      %dma_start3A_835 = arith.constant 0 : i32
      %dma_start3A_836 = tpu.memref_slice %arg8[%rem3A_680, %dma_start3A_823, %dma_start3A_834, %dma_start3A_835] : memref<4x4x8x768xf32, #tpu.memory_space<vmem>> -> memref<1x1x8x768xf32, #tpu.memory_space<vmem>>
      %dma_start3A_837 = tpu.memref_squeeze %dma_start3A_836 : memref<1x1x8x768xf32, #tpu.memory_space<vmem>> -> memref<8x768xf32, #tpu.memory_space<vmem>>
      tpu.enqueue_dma source(%dma_start3A_837 : memref<8x768xf32, #tpu.memory_space<vmem>>) target(%dma_start3A_833 : memref<8x768xf32, #tpu.memory_space<hbm>>) target_semaphore(%dma_start3A_831 : memref<!tpu.dma_semaphore, #tpu.memory_space<semaphore_mem>>)
    }
    %scan3A_306 = arith.constant 8 : i32
    %mul3A_307 = arith.constant 64 : i32
    %mul3A_308 = arith.muli %add3A, %mul3A_307 : i32
    %add3A_309 = arith.constant 0 : i32
    %add3A_310 = arith.addi %add3A_309, %mul3A_308 : i32
    %add3A_311 = arith.constant 32 : i32
    %add3A_312 = arith.addi %add3A_310, %add3A_311 : i32
    %mul3A_313 = arith.constant 64 : i32
    %mul3A_314 = arith.muli %add3A, %mul3A_313 : i32
    %add3A_315 = arith.constant 2048 : i32
    %add3A_316 = arith.addi %add3A_315, %mul3A_314 : i32
    %add3A_317 = arith.constant 32 : i32
    %add3A_318 = arith.addi %add3A_316, %add3A_317 : i32
    %mul3A_319 = arith.constant 64 : i32
    %mul3A_320 = arith.muli %add3A, %mul3A_319 : i32
    %add3A_321 = arith.constant 4096 : i32
    %add3A_322 = arith.addi %add3A_321, %mul3A_320 : i32
    %add3A_323 = arith.constant 32 : i32
    %add3A_324 = arith.addi %add3A_322, %add3A_323 : i32
    %mul3A_325 = arith.constant 64 : i32
    %mul3A_326 = arith.muli %add3A, %mul3A_325 : i32
    %add3A_327 = arith.constant 6144 : i32
    %add3A_328 = arith.addi %add3A_327, %mul3A_326 : i32
    %add3A_329 = arith.constant 32 : i32
    %add3A_330 = arith.addi %add3A_328, %add3A_329 : i32
    %dma_wait3A_331 = arith.constant 0 : i32
    %dma_wait3A_332 = arith.constant 0 : i32
    %dma_wait3A_333 = arith.constant 0 : i32
    %dma_wait3A_334 = arith.constant 0 : i32
    %dma_wait3A_335 = arith.constant 0 : i32
    %dma_wait3A_336 = tpu.memref_slice %arg8[%dma_wait3A_331, %dma_wait3A_332, %dma_wait3A_334, %dma_wait3A_335] : memref<4x4x8x768xf32, #tpu.memory_space<vmem>> -> memref<1x1x8x768xf32, #tpu.memory_space<vmem>>
    %dma_wait3A_337 = tpu.memref_squeeze %dma_wait3A_336 : memref<1x1x8x768xf32, #tpu.memory_space<vmem>> -> memref<8x768xf32, #tpu.memory_space<vmem>>
    %dma_wait3A_338 = arith.constant 0 : i32
    %dma_wait3A_339 = tpu.memref_slice %arg5[%add3A_312, %dma_wait3A_338] : memref<8192x768xf32, #tpu.memory_space<hbm>> -> memref<8x768xf32, #tpu.memory_space<hbm>>
    %dma_wait3A_340 = tpu.memref_slice %arg12[%dma_wait3A_333] : memref<4x!tpu.dma_semaphore, #tpu.memory_space<semaphore_mem>> -> memref<1x!tpu.dma_semaphore, #tpu.memory_space<semaphore_mem>>
    %dma_wait3A_341 = tpu.memref_squeeze %dma_wait3A_340 : memref<1x!tpu.dma_semaphore, #tpu.memory_space<semaphore_mem>> -> memref<!tpu.dma_semaphore, #tpu.memory_space<semaphore_mem>>
    %dma_wait3A_342 = arith.constant 0 : i32
    %dma_wait3A_343 = tpu.memref_slice %arg5[%add3A_312, %dma_wait3A_342] : memref<8192x768xf32, #tpu.memory_space<hbm>> -> memref<8x768xf32, #tpu.memory_space<hbm>>
    %dma_wait3A_344 = arith.constant 0 : i32
    %dma_wait3A_345 = arith.constant 0 : i32
    %dma_wait3A_346 = tpu.memref_slice %arg8[%dma_wait3A_331, %dma_wait3A_332, %dma_wait3A_344, %dma_wait3A_345] : memref<4x4x8x768xf32, #tpu.memory_space<vmem>> -> memref<1x1x8x768xf32, #tpu.memory_space<vmem>>
    %dma_wait3A_347 = tpu.memref_squeeze %dma_wait3A_346 : memref<1x1x8x768xf32, #tpu.memory_space<vmem>> -> memref<8x768xf32, #tpu.memory_space<vmem>>
    tpu.wait_dma2 semaphore(%dma_wait3A_341 : memref<!tpu.dma_semaphore, #tpu.memory_space<semaphore_mem>>) src(%dma_wait3A_347 : memref<8x768xf32, #tpu.memory_space<vmem>>) dst(%dma_wait3A_343 : memref<8x768xf32, #tpu.memory_space<hbm>>)
    %dma_wait3A_348 = arith.constant 0 : i32
    %dma_wait3A_349 = arith.constant 1 : i32
    %dma_wait3A_350 = arith.constant 0 : i32
    %dma_wait3A_351 = arith.constant 0 : i32
    %dma_wait3A_352 = arith.constant 0 : i32
    %dma_wait3A_353 = tpu.memref_slice %arg8[%dma_wait3A_348, %dma_wait3A_349, %dma_wait3A_351, %dma_wait3A_352] : memref<4x4x8x768xf32, #tpu.memory_space<vmem>> -> memref<1x1x8x768xf32, #tpu.memory_space<vmem>>
    %dma_wait3A_354 = tpu.memref_squeeze %dma_wait3A_353 : memref<1x1x8x768xf32, #tpu.memory_space<vmem>> -> memref<8x768xf32, #tpu.memory_space<vmem>>
    %dma_wait3A_355 = arith.constant 0 : i32
    %dma_wait3A_356 = tpu.memref_slice %arg5[%add3A_318, %dma_wait3A_355] : memref<8192x768xf32, #tpu.memory_space<hbm>> -> memref<8x768xf32, #tpu.memory_space<hbm>>
    %dma_wait3A_357 = tpu.memref_slice %arg12[%dma_wait3A_350] : memref<4x!tpu.dma_semaphore, #tpu.memory_space<semaphore_mem>> -> memref<1x!tpu.dma_semaphore, #tpu.memory_space<semaphore_mem>>
    %dma_wait3A_358 = tpu.memref_squeeze %dma_wait3A_357 : memref<1x!tpu.dma_semaphore, #tpu.memory_space<semaphore_mem>> -> memref<!tpu.dma_semaphore, #tpu.memory_space<semaphore_mem>>
    %dma_wait3A_359 = arith.constant 0 : i32
    %dma_wait3A_360 = tpu.memref_slice %arg5[%add3A_318, %dma_wait3A_359] : memref<8192x768xf32, #tpu.memory_space<hbm>> -> memref<8x768xf32, #tpu.memory_space<hbm>>
    %dma_wait3A_361 = arith.constant 0 : i32
    %dma_wait3A_362 = arith.constant 0 : i32
    %dma_wait3A_363 = tpu.memref_slice %arg8[%dma_wait3A_348, %dma_wait3A_349, %dma_wait3A_361, %dma_wait3A_362] : memref<4x4x8x768xf32, #tpu.memory_space<vmem>> -> memref<1x1x8x768xf32, #tpu.memory_space<vmem>>
    %dma_wait3A_364 = tpu.memref_squeeze %dma_wait3A_363 : memref<1x1x8x768xf32, #tpu.memory_space<vmem>> -> memref<8x768xf32, #tpu.memory_space<vmem>>
    tpu.wait_dma2 semaphore(%dma_wait3A_358 : memref<!tpu.dma_semaphore, #tpu.memory_space<semaphore_mem>>) src(%dma_wait3A_364 : memref<8x768xf32, #tpu.memory_space<vmem>>) dst(%dma_wait3A_360 : memref<8x768xf32, #tpu.memory_space<hbm>>)
    %dma_wait3A_365 = arith.constant 0 : i32
    %dma_wait3A_366 = arith.constant 2 : i32
    %dma_wait3A_367 = arith.constant 0 : i32
    %dma_wait3A_368 = arith.constant 0 : i32
    %dma_wait3A_369 = arith.constant 0 : i32
    %dma_wait3A_370 = tpu.memref_slice %arg8[%dma_wait3A_365, %dma_wait3A_366, %dma_wait3A_368, %dma_wait3A_369] : memref<4x4x8x768xf32, #tpu.memory_space<vmem>> -> memref<1x1x8x768xf32, #tpu.memory_space<vmem>>
    %dma_wait3A_371 = tpu.memref_squeeze %dma_wait3A_370 : memref<1x1x8x768xf32, #tpu.memory_space<vmem>> -> memref<8x768xf32, #tpu.memory_space<vmem>>
    %dma_wait3A_372 = arith.constant 0 : i32
    %dma_wait3A_373 = tpu.memref_slice %arg5[%add3A_324, %dma_wait3A_372] : memref<8192x768xf32, #tpu.memory_space<hbm>> -> memref<8x768xf32, #tpu.memory_space<hbm>>
    %dma_wait3A_374 = tpu.memref_slice %arg12[%dma_wait3A_367] : memref<4x!tpu.dma_semaphore, #tpu.memory_space<semaphore_mem>> -> memref<1x!tpu.dma_semaphore, #tpu.memory_space<semaphore_mem>>
    %dma_wait3A_375 = tpu.memref_squeeze %dma_wait3A_374 : memref<1x!tpu.dma_semaphore, #tpu.memory_space<semaphore_mem>> -> memref<!tpu.dma_semaphore, #tpu.memory_space<semaphore_mem>>
    %dma_wait3A_376 = arith.constant 0 : i32
    %dma_wait3A_377 = tpu.memref_slice %arg5[%add3A_324, %dma_wait3A_376] : memref<8192x768xf32, #tpu.memory_space<hbm>> -> memref<8x768xf32, #tpu.memory_space<hbm>>
    %dma_wait3A_378 = arith.constant 0 : i32
    %dma_wait3A_379 = arith.constant 0 : i32
    %dma_wait3A_380 = tpu.memref_slice %arg8[%dma_wait3A_365, %dma_wait3A_366, %dma_wait3A_378, %dma_wait3A_379] : memref<4x4x8x768xf32, #tpu.memory_space<vmem>> -> memref<1x1x8x768xf32, #tpu.memory_space<vmem>>
    %dma_wait3A_381 = tpu.memref_squeeze %dma_wait3A_380 : memref<1x1x8x768xf32, #tpu.memory_space<vmem>> -> memref<8x768xf32, #tpu.memory_space<vmem>>
    tpu.wait_dma2 semaphore(%dma_wait3A_375 : memref<!tpu.dma_semaphore, #tpu.memory_space<semaphore_mem>>) src(%dma_wait3A_381 : memref<8x768xf32, #tpu.memory_space<vmem>>) dst(%dma_wait3A_377 : memref<8x768xf32, #tpu.memory_space<hbm>>)
    %dma_wait3A_382 = arith.constant 0 : i32
    %dma_wait3A_383 = arith.constant 3 : i32
    %dma_wait3A_384 = arith.constant 0 : i32
    %dma_wait3A_385 = arith.constant 0 : i32
    %dma_wait3A_386 = arith.constant 0 : i32
    %dma_wait3A_387 = tpu.memref_slice %arg8[%dma_wait3A_382, %dma_wait3A_383, %dma_wait3A_385, %dma_wait3A_386] : memref<4x4x8x768xf32, #tpu.memory_space<vmem>> -> memref<1x1x8x768xf32, #tpu.memory_space<vmem>>
    %dma_wait3A_388 = tpu.memref_squeeze %dma_wait3A_387 : memref<1x1x8x768xf32, #tpu.memory_space<vmem>> -> memref<8x768xf32, #tpu.memory_space<vmem>>
    %dma_wait3A_389 = arith.constant 0 : i32
    %dma_wait3A_390 = tpu.memref_slice %arg5[%add3A_330, %dma_wait3A_389] : memref<8192x768xf32, #tpu.memory_space<hbm>> -> memref<8x768xf32, #tpu.memory_space<hbm>>
    %dma_wait3A_391 = tpu.memref_slice %arg12[%dma_wait3A_384] : memref<4x!tpu.dma_semaphore, #tpu.memory_space<semaphore_mem>> -> memref<1x!tpu.dma_semaphore, #tpu.memory_space<semaphore_mem>>
    %dma_wait3A_392 = tpu.memref_squeeze %dma_wait3A_391 : memref<1x!tpu.dma_semaphore, #tpu.memory_space<semaphore_mem>> -> memref<!tpu.dma_semaphore, #tpu.memory_space<semaphore_mem>>
    %dma_wait3A_393 = arith.constant 0 : i32
    %dma_wait3A_394 = tpu.memref_slice %arg5[%add3A_330, %dma_wait3A_393] : memref<8192x768xf32, #tpu.memory_space<hbm>> -> memref<8x768xf32, #tpu.memory_space<hbm>>
    %dma_wait3A_395 = arith.constant 0 : i32
    %dma_wait3A_396 = arith.constant 0 : i32
    %dma_wait3A_397 = tpu.memref_slice %arg8[%dma_wait3A_382, %dma_wait3A_383, %dma_wait3A_395, %dma_wait3A_396] : memref<4x4x8x768xf32, #tpu.memory_space<vmem>> -> memref<1x1x8x768xf32, #tpu.memory_space<vmem>>
    %dma_wait3A_398 = tpu.memref_squeeze %dma_wait3A_397 : memref<1x1x8x768xf32, #tpu.memory_space<vmem>> -> memref<8x768xf32, #tpu.memory_space<vmem>>
    tpu.wait_dma2 semaphore(%dma_wait3A_392 : memref<!tpu.dma_semaphore, #tpu.memory_space<semaphore_mem>>) src(%dma_wait3A_398 : memref<8x768xf32, #tpu.memory_space<vmem>>) dst(%dma_wait3A_394 : memref<8x768xf32, #tpu.memory_space<hbm>>)
    %mul3A_399 = arith.constant 64 : i32
    %mul3A_400 = arith.muli %add3A, %mul3A_399 : i32
    %add3A_401 = arith.constant 0 : i32
    %add3A_402 = arith.addi %add3A_401, %mul3A_400 : i32
    %add3A_403 = arith.constant 40 : i32
    %add3A_404 = arith.addi %add3A_402, %add3A_403 : i32
    %mul3A_405 = arith.constant 64 : i32
    %mul3A_406 = arith.muli %add3A, %mul3A_405 : i32
    %add3A_407 = arith.constant 2048 : i32
    %add3A_408 = arith.addi %add3A_407, %mul3A_406 : i32
    %add3A_409 = arith.constant 40 : i32
    %add3A_410 = arith.addi %add3A_408, %add3A_409 : i32
    %mul3A_411 = arith.constant 64 : i32
    %mul3A_412 = arith.muli %add3A, %mul3A_411 : i32
    %add3A_413 = arith.constant 4096 : i32
    %add3A_414 = arith.addi %add3A_413, %mul3A_412 : i32
    %add3A_415 = arith.constant 40 : i32
    %add3A_416 = arith.addi %add3A_414, %add3A_415 : i32
    %mul3A_417 = arith.constant 64 : i32
    %mul3A_418 = arith.muli %add3A, %mul3A_417 : i32
    %add3A_419 = arith.constant 6144 : i32
    %add3A_420 = arith.addi %add3A_419, %mul3A_418 : i32
    %add3A_421 = arith.constant 40 : i32
    %add3A_422 = arith.addi %add3A_420, %add3A_421 : i32
    %dma_wait3A_423 = arith.constant 1 : i32
    %dma_wait3A_424 = arith.constant 0 : i32
    %dma_wait3A_425 = arith.constant 1 : i32
    %dma_wait3A_426 = arith.constant 0 : i32
    %dma_wait3A_427 = arith.constant 0 : i32
    %dma_wait3A_428 = tpu.memref_slice %arg8[%dma_wait3A_423, %dma_wait3A_424, %dma_wait3A_426, %dma_wait3A_427] : memref<4x4x8x768xf32, #tpu.memory_space<vmem>> -> memref<1x1x8x768xf32, #tpu.memory_space<vmem>>
    %dma_wait3A_429 = tpu.memref_squeeze %dma_wait3A_428 : memref<1x1x8x768xf32, #tpu.memory_space<vmem>> -> memref<8x768xf32, #tpu.memory_space<vmem>>
    %dma_wait3A_430 = arith.constant 0 : i32
    %dma_wait3A_431 = tpu.memref_slice %arg5[%add3A_404, %dma_wait3A_430] : memref<8192x768xf32, #tpu.memory_space<hbm>> -> memref<8x768xf32, #tpu.memory_space<hbm>>
    %dma_wait3A_432 = tpu.memref_slice %arg12[%dma_wait3A_425] : memref<4x!tpu.dma_semaphore, #tpu.memory_space<semaphore_mem>> -> memref<1x!tpu.dma_semaphore, #tpu.memory_space<semaphore_mem>>
    %dma_wait3A_433 = tpu.memref_squeeze %dma_wait3A_432 : memref<1x!tpu.dma_semaphore, #tpu.memory_space<semaphore_mem>> -> memref<!tpu.dma_semaphore, #tpu.memory_space<semaphore_mem>>
    %dma_wait3A_434 = arith.constant 0 : i32
    %dma_wait3A_435 = tpu.memref_slice %arg5[%add3A_404, %dma_wait3A_434] : memref<8192x768xf32, #tpu.memory_space<hbm>> -> memref<8x768xf32, #tpu.memory_space<hbm>>
    %dma_wait3A_436 = arith.constant 0 : i32
    %dma_wait3A_437 = arith.constant 0 : i32
    %dma_wait3A_438 = tpu.memref_slice %arg8[%dma_wait3A_423, %dma_wait3A_424, %dma_wait3A_436, %dma_wait3A_437] : memref<4x4x8x768xf32, #tpu.memory_space<vmem>> -> memref<1x1x8x768xf32, #tpu.memory_space<vmem>>
    %dma_wait3A_439 = tpu.memref_squeeze %dma_wait3A_438 : memref<1x1x8x768xf32, #tpu.memory_space<vmem>> -> memref<8x768xf32, #tpu.memory_space<vmem>>
    tpu.wait_dma2 semaphore(%dma_wait3A_433 : memref<!tpu.dma_semaphore, #tpu.memory_space<semaphore_mem>>) src(%dma_wait3A_439 : memref<8x768xf32, #tpu.memory_space<vmem>>) dst(%dma_wait3A_435 : memref<8x768xf32, #tpu.memory_space<hbm>>)
    %dma_wait3A_440 = arith.constant 1 : i32
    %dma_wait3A_441 = arith.constant 1 : i32
    %dma_wait3A_442 = arith.constant 1 : i32
    %dma_wait3A_443 = arith.constant 0 : i32
    %dma_wait3A_444 = arith.constant 0 : i32
    %dma_wait3A_445 = tpu.memref_slice %arg8[%dma_wait3A_440, %dma_wait3A_441, %dma_wait3A_443, %dma_wait3A_444] : memref<4x4x8x768xf32, #tpu.memory_space<vmem>> -> memref<1x1x8x768xf32, #tpu.memory_space<vmem>>
    %dma_wait3A_446 = tpu.memref_squeeze %dma_wait3A_445 : memref<1x1x8x768xf32, #tpu.memory_space<vmem>> -> memref<8x768xf32, #tpu.memory_space<vmem>>
    %dma_wait3A_447 = arith.constant 0 : i32
    %dma_wait3A_448 = tpu.memref_slice %arg5[%add3A_410, %dma_wait3A_447] : memref<8192x768xf32, #tpu.memory_space<hbm>> -> memref<8x768xf32, #tpu.memory_space<hbm>>
    %dma_wait3A_449 = tpu.memref_slice %arg12[%dma_wait3A_442] : memref<4x!tpu.dma_semaphore, #tpu.memory_space<semaphore_mem>> -> memref<1x!tpu.dma_semaphore, #tpu.memory_space<semaphore_mem>>
    %dma_wait3A_450 = tpu.memref_squeeze %dma_wait3A_449 : memref<1x!tpu.dma_semaphore, #tpu.memory_space<semaphore_mem>> -> memref<!tpu.dma_semaphore, #tpu.memory_space<semaphore_mem>>
    %dma_wait3A_451 = arith.constant 0 : i32
    %dma_wait3A_452 = tpu.memref_slice %arg5[%add3A_410, %dma_wait3A_451] : memref<8192x768xf32, #tpu.memory_space<hbm>> -> memref<8x768xf32, #tpu.memory_space<hbm>>
    %dma_wait3A_453 = arith.constant 0 : i32
    %dma_wait3A_454 = arith.constant 0 : i32
    %dma_wait3A_455 = tpu.memref_slice %arg8[%dma_wait3A_440, %dma_wait3A_441, %dma_wait3A_453, %dma_wait3A_454] : memref<4x4x8x768xf32, #tpu.memory_space<vmem>> -> memref<1x1x8x768xf32, #tpu.memory_space<vmem>>
    %dma_wait3A_456 = tpu.memref_squeeze %dma_wait3A_455 : memref<1x1x8x768xf32, #tpu.memory_space<vmem>> -> memref<8x768xf32, #tpu.memory_space<vmem>>
    tpu.wait_dma2 semaphore(%dma_wait3A_450 : memref<!tpu.dma_semaphore, #tpu.memory_space<semaphore_mem>>) src(%dma_wait3A_456 : memref<8x768xf32, #tpu.memory_space<vmem>>) dst(%dma_wait3A_452 : memref<8x768xf32, #tpu.memory_space<hbm>>)
    %dma_wait3A_457 = arith.constant 1 : i32
    %dma_wait3A_458 = arith.constant 2 : i32
    %dma_wait3A_459 = arith.constant 1 : i32
    %dma_wait3A_460 = arith.constant 0 : i32
    %dma_wait3A_461 = arith.constant 0 : i32
    %dma_wait3A_462 = tpu.memref_slice %arg8[%dma_wait3A_457, %dma_wait3A_458, %dma_wait3A_460, %dma_wait3A_461] : memref<4x4x8x768xf32, #tpu.memory_space<vmem>> -> memref<1x1x8x768xf32, #tpu.memory_space<vmem>>
    %dma_wait3A_463 = tpu.memref_squeeze %dma_wait3A_462 : memref<1x1x8x768xf32, #tpu.memory_space<vmem>> -> memref<8x768xf32, #tpu.memory_space<vmem>>
    %dma_wait3A_464 = arith.constant 0 : i32
    %dma_wait3A_465 = tpu.memref_slice %arg5[%add3A_416, %dma_wait3A_464] : memref<8192x768xf32, #tpu.memory_space<hbm>> -> memref<8x768xf32, #tpu.memory_space<hbm>>
    %dma_wait3A_466 = tpu.memref_slice %arg12[%dma_wait3A_459] : memref<4x!tpu.dma_semaphore, #tpu.memory_space<semaphore_mem>> -> memref<1x!tpu.dma_semaphore, #tpu.memory_space<semaphore_mem>>
    %dma_wait3A_467 = tpu.memref_squeeze %dma_wait3A_466 : memref<1x!tpu.dma_semaphore, #tpu.memory_space<semaphore_mem>> -> memref<!tpu.dma_semaphore, #tpu.memory_space<semaphore_mem>>
    %dma_wait3A_468 = arith.constant 0 : i32
    %dma_wait3A_469 = tpu.memref_slice %arg5[%add3A_416, %dma_wait3A_468] : memref<8192x768xf32, #tpu.memory_space<hbm>> -> memref<8x768xf32, #tpu.memory_space<hbm>>
    %dma_wait3A_470 = arith.constant 0 : i32
    %dma_wait3A_471 = arith.constant 0 : i32
    %dma_wait3A_472 = tpu.memref_slice %arg8[%dma_wait3A_457, %dma_wait3A_458, %dma_wait3A_470, %dma_wait3A_471] : memref<4x4x8x768xf32, #tpu.memory_space<vmem>> -> memref<1x1x8x768xf32, #tpu.memory_space<vmem>>
    %dma_wait3A_473 = tpu.memref_squeeze %dma_wait3A_472 : memref<1x1x8x768xf32, #tpu.memory_space<vmem>> -> memref<8x768xf32, #tpu.memory_space<vmem>>
    tpu.wait_dma2 semaphore(%dma_wait3A_467 : memref<!tpu.dma_semaphore, #tpu.memory_space<semaphore_mem>>) src(%dma_wait3A_473 : memref<8x768xf32, #tpu.memory_space<vmem>>) dst(%dma_wait3A_469 : memref<8x768xf32, #tpu.memory_space<hbm>>)
    %dma_wait3A_474 = arith.constant 1 : i32
    %dma_wait3A_475 = arith.constant 3 : i32
    %dma_wait3A_476 = arith.constant 1 : i32
    %dma_wait3A_477 = arith.constant 0 : i32
    %dma_wait3A_478 = arith.constant 0 : i32
    %dma_wait3A_479 = tpu.memref_slice %arg8[%dma_wait3A_474, %dma_wait3A_475, %dma_wait3A_477, %dma_wait3A_478] : memref<4x4x8x768xf32, #tpu.memory_space<vmem>> -> memref<1x1x8x768xf32, #tpu.memory_space<vmem>>
    %dma_wait3A_480 = tpu.memref_squeeze %dma_wait3A_479 : memref<1x1x8x768xf32, #tpu.memory_space<vmem>> -> memref<8x768xf32, #tpu.memory_space<vmem>>
    %dma_wait3A_481 = arith.constant 0 : i32
    %dma_wait3A_482 = tpu.memref_slice %arg5[%add3A_422, %dma_wait3A_481] : memref<8192x768xf32, #tpu.memory_space<hbm>> -> memref<8x768xf32, #tpu.memory_space<hbm>>
    %dma_wait3A_483 = tpu.memref_slice %arg12[%dma_wait3A_476] : memref<4x!tpu.dma_semaphore, #tpu.memory_space<semaphore_mem>> -> memref<1x!tpu.dma_semaphore, #tpu.memory_space<semaphore_mem>>
    %dma_wait3A_484 = tpu.memref_squeeze %dma_wait3A_483 : memref<1x!tpu.dma_semaphore, #tpu.memory_space<semaphore_mem>> -> memref<!tpu.dma_semaphore, #tpu.memory_space<semaphore_mem>>
    %dma_wait3A_485 = arith.constant 0 : i32
    %dma_wait3A_486 = tpu.memref_slice %arg5[%add3A_422, %dma_wait3A_485] : memref<8192x768xf32, #tpu.memory_space<hbm>> -> memref<8x768xf32, #tpu.memory_space<hbm>>
    %dma_wait3A_487 = arith.constant 0 : i32
    %dma_wait3A_488 = arith.constant 0 : i32
    %dma_wait3A_489 = tpu.memref_slice %arg8[%dma_wait3A_474, %dma_wait3A_475, %dma_wait3A_487, %dma_wait3A_488] : memref<4x4x8x768xf32, #tpu.memory_space<vmem>> -> memref<1x1x8x768xf32, #tpu.memory_space<vmem>>
    %dma_wait3A_490 = tpu.memref_squeeze %dma_wait3A_489 : memref<1x1x8x768xf32, #tpu.memory_space<vmem>> -> memref<8x768xf32, #tpu.memory_space<vmem>>
    tpu.wait_dma2 semaphore(%dma_wait3A_484 : memref<!tpu.dma_semaphore, #tpu.memory_space<semaphore_mem>>) src(%dma_wait3A_490 : memref<8x768xf32, #tpu.memory_space<vmem>>) dst(%dma_wait3A_486 : memref<8x768xf32, #tpu.memory_space<hbm>>)
    %mul3A_491 = arith.constant 64 : i32
    %mul3A_492 = arith.muli %add3A, %mul3A_491 : i32
    %add3A_493 = arith.constant 0 : i32
    %add3A_494 = arith.addi %add3A_493, %mul3A_492 : i32
    %add3A_495 = arith.constant 48 : i32
    %add3A_496 = arith.addi %add3A_494, %add3A_495 : i32
    %mul3A_497 = arith.constant 64 : i32
    %mul3A_498 = arith.muli %add3A, %mul3A_497 : i32
    %add3A_499 = arith.constant 2048 : i32
    %add3A_500 = arith.addi %add3A_499, %mul3A_498 : i32
    %add3A_501 = arith.constant 48 : i32
    %add3A_502 = arith.addi %add3A_500, %add3A_501 : i32
    %mul3A_503 = arith.constant 64 : i32
    %mul3A_504 = arith.muli %add3A, %mul3A_503 : i32
    %add3A_505 = arith.constant 4096 : i32
    %add3A_506 = arith.addi %add3A_505, %mul3A_504 : i32
    %add3A_507 = arith.constant 48 : i32
    %add3A_508 = arith.addi %add3A_506, %add3A_507 : i32
    %mul3A_509 = arith.constant 64 : i32
    %mul3A_510 = arith.muli %add3A, %mul3A_509 : i32
    %add3A_511 = arith.constant 6144 : i32
    %add3A_512 = arith.addi %add3A_511, %mul3A_510 : i32
    %add3A_513 = arith.constant 48 : i32
    %add3A_514 = arith.addi %add3A_512, %add3A_513 : i32
    %dma_wait3A_515 = arith.constant 2 : i32
    %dma_wait3A_516 = arith.constant 0 : i32
    %dma_wait3A_517 = arith.constant 2 : i32
    %dma_wait3A_518 = arith.constant 0 : i32
    %dma_wait3A_519 = arith.constant 0 : i32
    %dma_wait3A_520 = tpu.memref_slice %arg8[%dma_wait3A_515, %dma_wait3A_516, %dma_wait3A_518, %dma_wait3A_519] : memref<4x4x8x768xf32, #tpu.memory_space<vmem>> -> memref<1x1x8x768xf32, #tpu.memory_space<vmem>>
    %dma_wait3A_521 = tpu.memref_squeeze %dma_wait3A_520 : memref<1x1x8x768xf32, #tpu.memory_space<vmem>> -> memref<8x768xf32, #tpu.memory_space<vmem>>
    %dma_wait3A_522 = arith.constant 0 : i32
    %dma_wait3A_523 = tpu.memref_slice %arg5[%add3A_496, %dma_wait3A_522] : memref<8192x768xf32, #tpu.memory_space<hbm>> -> memref<8x768xf32, #tpu.memory_space<hbm>>
    %dma_wait3A_524 = tpu.memref_slice %arg12[%dma_wait3A_517] : memref<4x!tpu.dma_semaphore, #tpu.memory_space<semaphore_mem>> -> memref<1x!tpu.dma_semaphore, #tpu.memory_space<semaphore_mem>>
    %dma_wait3A_525 = tpu.memref_squeeze %dma_wait3A_524 : memref<1x!tpu.dma_semaphore, #tpu.memory_space<semaphore_mem>> -> memref<!tpu.dma_semaphore, #tpu.memory_space<semaphore_mem>>
    %dma_wait3A_526 = arith.constant 0 : i32
    %dma_wait3A_527 = tpu.memref_slice %arg5[%add3A_496, %dma_wait3A_526] : memref<8192x768xf32, #tpu.memory_space<hbm>> -> memref<8x768xf32, #tpu.memory_space<hbm>>
    %dma_wait3A_528 = arith.constant 0 : i32
    %dma_wait3A_529 = arith.constant 0 : i32
    %dma_wait3A_530 = tpu.memref_slice %arg8[%dma_wait3A_515, %dma_wait3A_516, %dma_wait3A_528, %dma_wait3A_529] : memref<4x4x8x768xf32, #tpu.memory_space<vmem>> -> memref<1x1x8x768xf32, #tpu.memory_space<vmem>>
    %dma_wait3A_531 = tpu.memref_squeeze %dma_wait3A_530 : memref<1x1x8x768xf32, #tpu.memory_space<vmem>> -> memref<8x768xf32, #tpu.memory_space<vmem>>
    tpu.wait_dma2 semaphore(%dma_wait3A_525 : memref<!tpu.dma_semaphore, #tpu.memory_space<semaphore_mem>>) src(%dma_wait3A_531 : memref<8x768xf32, #tpu.memory_space<vmem>>) dst(%dma_wait3A_527 : memref<8x768xf32, #tpu.memory_space<hbm>>)
    %dma_wait3A_532 = arith.constant 2 : i32
    %dma_wait3A_533 = arith.constant 1 : i32
    %dma_wait3A_534 = arith.constant 2 : i32
    %dma_wait3A_535 = arith.constant 0 : i32
    %dma_wait3A_536 = arith.constant 0 : i32
    %dma_wait3A_537 = tpu.memref_slice %arg8[%dma_wait3A_532, %dma_wait3A_533, %dma_wait3A_535, %dma_wait3A_536] : memref<4x4x8x768xf32, #tpu.memory_space<vmem>> -> memref<1x1x8x768xf32, #tpu.memory_space<vmem>>
    %dma_wait3A_538 = tpu.memref_squeeze %dma_wait3A_537 : memref<1x1x8x768xf32, #tpu.memory_space<vmem>> -> memref<8x768xf32, #tpu.memory_space<vmem>>
    %dma_wait3A_539 = arith.constant 0 : i32
    %dma_wait3A_540 = tpu.memref_slice %arg5[%add3A_502, %dma_wait3A_539] : memref<8192x768xf32, #tpu.memory_space<hbm>> -> memref<8x768xf32, #tpu.memory_space<hbm>>
    %dma_wait3A_541 = tpu.memref_slice %arg12[%dma_wait3A_534] : memref<4x!tpu.dma_semaphore, #tpu.memory_space<semaphore_mem>> -> memref<1x!tpu.dma_semaphore, #tpu.memory_space<semaphore_mem>>
    %dma_wait3A_542 = tpu.memref_squeeze %dma_wait3A_541 : memref<1x!tpu.dma_semaphore, #tpu.memory_space<semaphore_mem>> -> memref<!tpu.dma_semaphore, #tpu.memory_space<semaphore_mem>>
    %dma_wait3A_543 = arith.constant 0 : i32
    %dma_wait3A_544 = tpu.memref_slice %arg5[%add3A_502, %dma_wait3A_543] : memref<8192x768xf32, #tpu.memory_space<hbm>> -> memref<8x768xf32, #tpu.memory_space<hbm>>
    %dma_wait3A_545 = arith.constant 0 : i32
    %dma_wait3A_546 = arith.constant 0 : i32
    %dma_wait3A_547 = tpu.memref_slice %arg8[%dma_wait3A_532, %dma_wait3A_533, %dma_wait3A_545, %dma_wait3A_546] : memref<4x4x8x768xf32, #tpu.memory_space<vmem>> -> memref<1x1x8x768xf32, #tpu.memory_space<vmem>>
    %dma_wait3A_548 = tpu.memref_squeeze %dma_wait3A_547 : memref<1x1x8x768xf32, #tpu.memory_space<vmem>> -> memref<8x768xf32, #tpu.memory_space<vmem>>
    tpu.wait_dma2 semaphore(%dma_wait3A_542 : memref<!tpu.dma_semaphore, #tpu.memory_space<semaphore_mem>>) src(%dma_wait3A_548 : memref<8x768xf32, #tpu.memory_space<vmem>>) dst(%dma_wait3A_544 : memref<8x768xf32, #tpu.memory_space<hbm>>)
    %dma_wait3A_549 = arith.constant 2 : i32
    %dma_wait3A_550 = arith.constant 2 : i32
    %dma_wait3A_551 = arith.constant 2 : i32
    %dma_wait3A_552 = arith.constant 0 : i32
    %dma_wait3A_553 = arith.constant 0 : i32
    %dma_wait3A_554 = tpu.memref_slice %arg8[%dma_wait3A_549, %dma_wait3A_550, %dma_wait3A_552, %dma_wait3A_553] : memref<4x4x8x768xf32, #tpu.memory_space<vmem>> -> memref<1x1x8x768xf32, #tpu.memory_space<vmem>>
    %dma_wait3A_555 = tpu.memref_squeeze %dma_wait3A_554 : memref<1x1x8x768xf32, #tpu.memory_space<vmem>> -> memref<8x768xf32, #tpu.memory_space<vmem>>
    %dma_wait3A_556 = arith.constant 0 : i32
    %dma_wait3A_557 = tpu.memref_slice %arg5[%add3A_508, %dma_wait3A_556] : memref<8192x768xf32, #tpu.memory_space<hbm>> -> memref<8x768xf32, #tpu.memory_space<hbm>>
    %dma_wait3A_558 = tpu.memref_slice %arg12[%dma_wait3A_551] : memref<4x!tpu.dma_semaphore, #tpu.memory_space<semaphore_mem>> -> memref<1x!tpu.dma_semaphore, #tpu.memory_space<semaphore_mem>>
    %dma_wait3A_559 = tpu.memref_squeeze %dma_wait3A_558 : memref<1x!tpu.dma_semaphore, #tpu.memory_space<semaphore_mem>> -> memref<!tpu.dma_semaphore, #tpu.memory_space<semaphore_mem>>
    %dma_wait3A_560 = arith.constant 0 : i32
    %dma_wait3A_561 = tpu.memref_slice %arg5[%add3A_508, %dma_wait3A_560] : memref<8192x768xf32, #tpu.memory_space<hbm>> -> memref<8x768xf32, #tpu.memory_space<hbm>>
    %dma_wait3A_562 = arith.constant 0 : i32
    %dma_wait3A_563 = arith.constant 0 : i32
    %dma_wait3A_564 = tpu.memref_slice %arg8[%dma_wait3A_549, %dma_wait3A_550, %dma_wait3A_562, %dma_wait3A_563] : memref<4x4x8x768xf32, #tpu.memory_space<vmem>> -> memref<1x1x8x768xf32, #tpu.memory_space<vmem>>
    %dma_wait3A_565 = tpu.memref_squeeze %dma_wait3A_564 : memref<1x1x8x768xf32, #tpu.memory_space<vmem>> -> memref<8x768xf32, #tpu.memory_space<vmem>>
    tpu.wait_dma2 semaphore(%dma_wait3A_559 : memref<!tpu.dma_semaphore, #tpu.memory_space<semaphore_mem>>) src(%dma_wait3A_565 : memref<8x768xf32, #tpu.memory_space<vmem>>) dst(%dma_wait3A_561 : memref<8x768xf32, #tpu.memory_space<hbm>>)
    %dma_wait3A_566 = arith.constant 2 : i32
    %dma_wait3A_567 = arith.constant 3 : i32
    %dma_wait3A_568 = arith.constant 2 : i32
    %dma_wait3A_569 = arith.constant 0 : i32
    %dma_wait3A_570 = arith.constant 0 : i32
    %dma_wait3A_571 = tpu.memref_slice %arg8[%dma_wait3A_566, %dma_wait3A_567, %dma_wait3A_569, %dma_wait3A_570] : memref<4x4x8x768xf32, #tpu.memory_space<vmem>> -> memref<1x1x8x768xf32, #tpu.memory_space<vmem>>
    %dma_wait3A_572 = tpu.memref_squeeze %dma_wait3A_571 : memref<1x1x8x768xf32, #tpu.memory_space<vmem>> -> memref<8x768xf32, #tpu.memory_space<vmem>>
    %dma_wait3A_573 = arith.constant 0 : i32
    %dma_wait3A_574 = tpu.memref_slice %arg5[%add3A_514, %dma_wait3A_573] : memref<8192x768xf32, #tpu.memory_space<hbm>> -> memref<8x768xf32, #tpu.memory_space<hbm>>
    %dma_wait3A_575 = tpu.memref_slice %arg12[%dma_wait3A_568] : memref<4x!tpu.dma_semaphore, #tpu.memory_space<semaphore_mem>> -> memref<1x!tpu.dma_semaphore, #tpu.memory_space<semaphore_mem>>
    %dma_wait3A_576 = tpu.memref_squeeze %dma_wait3A_575 : memref<1x!tpu.dma_semaphore, #tpu.memory_space<semaphore_mem>> -> memref<!tpu.dma_semaphore, #tpu.memory_space<semaphore_mem>>
    %dma_wait3A_577 = arith.constant 0 : i32
    %dma_wait3A_578 = tpu.memref_slice %arg5[%add3A_514, %dma_wait3A_577] : memref<8192x768xf32, #tpu.memory_space<hbm>> -> memref<8x768xf32, #tpu.memory_space<hbm>>
    %dma_wait3A_579 = arith.constant 0 : i32
    %dma_wait3A_580 = arith.constant 0 : i32
    %dma_wait3A_581 = tpu.memref_slice %arg8[%dma_wait3A_566, %dma_wait3A_567, %dma_wait3A_579, %dma_wait3A_580] : memref<4x4x8x768xf32, #tpu.memory_space<vmem>> -> memref<1x1x8x768xf32, #tpu.memory_space<vmem>>
    %dma_wait3A_582 = tpu.memref_squeeze %dma_wait3A_581 : memref<1x1x8x768xf32, #tpu.memory_space<vmem>> -> memref<8x768xf32, #tpu.memory_space<vmem>>
    tpu.wait_dma2 semaphore(%dma_wait3A_576 : memref<!tpu.dma_semaphore, #tpu.memory_space<semaphore_mem>>) src(%dma_wait3A_582 : memref<8x768xf32, #tpu.memory_space<vmem>>) dst(%dma_wait3A_578 : memref<8x768xf32, #tpu.memory_space<hbm>>)
    %mul3A_583 = arith.constant 64 : i32
    %mul3A_584 = arith.muli %add3A, %mul3A_583 : i32
    %add3A_585 = arith.constant 0 : i32
    %add3A_586 = arith.addi %add3A_585, %mul3A_584 : i32
    %add3A_587 = arith.constant 56 : i32
    %add3A_588 = arith.addi %add3A_586, %add3A_587 : i32
    %mul3A_589 = arith.constant 64 : i32
    %mul3A_590 = arith.muli %add3A, %mul3A_589 : i32
    %add3A_591 = arith.constant 2048 : i32
    %add3A_592 = arith.addi %add3A_591, %mul3A_590 : i32
    %add3A_593 = arith.constant 56 : i32
    %add3A_594 = arith.addi %add3A_592, %add3A_593 : i32
    %mul3A_595 = arith.constant 64 : i32
    %mul3A_596 = arith.muli %add3A, %mul3A_595 : i32
    %add3A_597 = arith.constant 4096 : i32
    %add3A_598 = arith.addi %add3A_597, %mul3A_596 : i32
    %add3A_599 = arith.constant 56 : i32
    %add3A_600 = arith.addi %add3A_598, %add3A_599 : i32
    %mul3A_601 = arith.constant 64 : i32
    %mul3A_602 = arith.muli %add3A, %mul3A_601 : i32
    %add3A_603 = arith.constant 6144 : i32
    %add3A_604 = arith.addi %add3A_603, %mul3A_602 : i32
    %add3A_605 = arith.constant 56 : i32
    %add3A_606 = arith.addi %add3A_604, %add3A_605 : i32
    %dma_wait3A_607 = arith.constant 3 : i32
    %dma_wait3A_608 = arith.constant 0 : i32
    %dma_wait3A_609 = arith.constant 3 : i32
    %dma_wait3A_610 = arith.constant 0 : i32
    %dma_wait3A_611 = arith.constant 0 : i32
    %dma_wait3A_612 = tpu.memref_slice %arg8[%dma_wait3A_607, %dma_wait3A_608, %dma_wait3A_610, %dma_wait3A_611] : memref<4x4x8x768xf32, #tpu.memory_space<vmem>> -> memref<1x1x8x768xf32, #tpu.memory_space<vmem>>
    %dma_wait3A_613 = tpu.memref_squeeze %dma_wait3A_612 : memref<1x1x8x768xf32, #tpu.memory_space<vmem>> -> memref<8x768xf32, #tpu.memory_space<vmem>>
    %dma_wait3A_614 = arith.constant 0 : i32
    %dma_wait3A_615 = tpu.memref_slice %arg5[%add3A_588, %dma_wait3A_614] : memref<8192x768xf32, #tpu.memory_space<hbm>> -> memref<8x768xf32, #tpu.memory_space<hbm>>
    %dma_wait3A_616 = tpu.memref_slice %arg12[%dma_wait3A_609] : memref<4x!tpu.dma_semaphore, #tpu.memory_space<semaphore_mem>> -> memref<1x!tpu.dma_semaphore, #tpu.memory_space<semaphore_mem>>
    %dma_wait3A_617 = tpu.memref_squeeze %dma_wait3A_616 : memref<1x!tpu.dma_semaphore, #tpu.memory_space<semaphore_mem>> -> memref<!tpu.dma_semaphore, #tpu.memory_space<semaphore_mem>>
    %dma_wait3A_618 = arith.constant 0 : i32
    %dma_wait3A_619 = tpu.memref_slice %arg5[%add3A_588, %dma_wait3A_618] : memref<8192x768xf32, #tpu.memory_space<hbm>> -> memref<8x768xf32, #tpu.memory_space<hbm>>
    %dma_wait3A_620 = arith.constant 0 : i32
    %dma_wait3A_621 = arith.constant 0 : i32
    %dma_wait3A_622 = tpu.memref_slice %arg8[%dma_wait3A_607, %dma_wait3A_608, %dma_wait3A_620, %dma_wait3A_621] : memref<4x4x8x768xf32, #tpu.memory_space<vmem>> -> memref<1x1x8x768xf32, #tpu.memory_space<vmem>>
    %dma_wait3A_623 = tpu.memref_squeeze %dma_wait3A_622 : memref<1x1x8x768xf32, #tpu.memory_space<vmem>> -> memref<8x768xf32, #tpu.memory_space<vmem>>
    tpu.wait_dma2 semaphore(%dma_wait3A_617 : memref<!tpu.dma_semaphore, #tpu.memory_space<semaphore_mem>>) src(%dma_wait3A_623 : memref<8x768xf32, #tpu.memory_space<vmem>>) dst(%dma_wait3A_619 : memref<8x768xf32, #tpu.memory_space<hbm>>)
    %dma_wait3A_624 = arith.constant 3 : i32
    %dma_wait3A_625 = arith.constant 1 : i32
    %dma_wait3A_626 = arith.constant 3 : i32
    %dma_wait3A_627 = arith.constant 0 : i32
    %dma_wait3A_628 = arith.constant 0 : i32
    %dma_wait3A_629 = tpu.memref_slice %arg8[%dma_wait3A_624, %dma_wait3A_625, %dma_wait3A_627, %dma_wait3A_628] : memref<4x4x8x768xf32, #tpu.memory_space<vmem>> -> memref<1x1x8x768xf32, #tpu.memory_space<vmem>>
    %dma_wait3A_630 = tpu.memref_squeeze %dma_wait3A_629 : memref<1x1x8x768xf32, #tpu.memory_space<vmem>> -> memref<8x768xf32, #tpu.memory_space<vmem>>
    %dma_wait3A_631 = arith.constant 0 : i32
    %dma_wait3A_632 = tpu.memref_slice %arg5[%add3A_594, %dma_wait3A_631] : memref<8192x768xf32, #tpu.memory_space<hbm>> -> memref<8x768xf32, #tpu.memory_space<hbm>>
    %dma_wait3A_633 = tpu.memref_slice %arg12[%dma_wait3A_626] : memref<4x!tpu.dma_semaphore, #tpu.memory_space<semaphore_mem>> -> memref<1x!tpu.dma_semaphore, #tpu.memory_space<semaphore_mem>>
    %dma_wait3A_634 = tpu.memref_squeeze %dma_wait3A_633 : memref<1x!tpu.dma_semaphore, #tpu.memory_space<semaphore_mem>> -> memref<!tpu.dma_semaphore, #tpu.memory_space<semaphore_mem>>
    %dma_wait3A_635 = arith.constant 0 : i32
    %dma_wait3A_636 = tpu.memref_slice %arg5[%add3A_594, %dma_wait3A_635] : memref<8192x768xf32, #tpu.memory_space<hbm>> -> memref<8x768xf32, #tpu.memory_space<hbm>>
    %dma_wait3A_637 = arith.constant 0 : i32
    %dma_wait3A_638 = arith.constant 0 : i32
    %dma_wait3A_639 = tpu.memref_slice %arg8[%dma_wait3A_624, %dma_wait3A_625, %dma_wait3A_637, %dma_wait3A_638] : memref<4x4x8x768xf32, #tpu.memory_space<vmem>> -> memref<1x1x8x768xf32, #tpu.memory_space<vmem>>
    %dma_wait3A_640 = tpu.memref_squeeze %dma_wait3A_639 : memref<1x1x8x768xf32, #tpu.memory_space<vmem>> -> memref<8x768xf32, #tpu.memory_space<vmem>>
    tpu.wait_dma2 semaphore(%dma_wait3A_634 : memref<!tpu.dma_semaphore, #tpu.memory_space<semaphore_mem>>) src(%dma_wait3A_640 : memref<8x768xf32, #tpu.memory_space<vmem>>) dst(%dma_wait3A_636 : memref<8x768xf32, #tpu.memory_space<hbm>>)
    %dma_wait3A_641 = arith.constant 3 : i32
    %dma_wait3A_642 = arith.constant 2 : i32
    %dma_wait3A_643 = arith.constant 3 : i32
    %dma_wait3A_644 = arith.constant 0 : i32
    %dma_wait3A_645 = arith.constant 0 : i32
    %dma_wait3A_646 = tpu.memref_slice %arg8[%dma_wait3A_641, %dma_wait3A_642, %dma_wait3A_644, %dma_wait3A_645] : memref<4x4x8x768xf32, #tpu.memory_space<vmem>> -> memref<1x1x8x768xf32, #tpu.memory_space<vmem>>
    %dma_wait3A_647 = tpu.memref_squeeze %dma_wait3A_646 : memref<1x1x8x768xf32, #tpu.memory_space<vmem>> -> memref<8x768xf32, #tpu.memory_space<vmem>>
    %dma_wait3A_648 = arith.constant 0 : i32
    %dma_wait3A_649 = tpu.memref_slice %arg5[%add3A_600, %dma_wait3A_648] : memref<8192x768xf32, #tpu.memory_space<hbm>> -> memref<8x768xf32, #tpu.memory_space<hbm>>
    %dma_wait3A_650 = tpu.memref_slice %arg12[%dma_wait3A_643] : memref<4x!tpu.dma_semaphore, #tpu.memory_space<semaphore_mem>> -> memref<1x!tpu.dma_semaphore, #tpu.memory_space<semaphore_mem>>
    %dma_wait3A_651 = tpu.memref_squeeze %dma_wait3A_650 : memref<1x!tpu.dma_semaphore, #tpu.memory_space<semaphore_mem>> -> memref<!tpu.dma_semaphore, #tpu.memory_space<semaphore_mem>>
    %dma_wait3A_652 = arith.constant 0 : i32
    %dma_wait3A_653 = tpu.memref_slice %arg5[%add3A_600, %dma_wait3A_652] : memref<8192x768xf32, #tpu.memory_space<hbm>> -> memref<8x768xf32, #tpu.memory_space<hbm>>
    %dma_wait3A_654 = arith.constant 0 : i32
    %dma_wait3A_655 = arith.constant 0 : i32
    %dma_wait3A_656 = tpu.memref_slice %arg8[%dma_wait3A_641, %dma_wait3A_642, %dma_wait3A_654, %dma_wait3A_655] : memref<4x4x8x768xf32, #tpu.memory_space<vmem>> -> memref<1x1x8x768xf32, #tpu.memory_space<vmem>>
    %dma_wait3A_657 = tpu.memref_squeeze %dma_wait3A_656 : memref<1x1x8x768xf32, #tpu.memory_space<vmem>> -> memref<8x768xf32, #tpu.memory_space<vmem>>
    tpu.wait_dma2 semaphore(%dma_wait3A_651 : memref<!tpu.dma_semaphore, #tpu.memory_space<semaphore_mem>>) src(%dma_wait3A_657 : memref<8x768xf32, #tpu.memory_space<vmem>>) dst(%dma_wait3A_653 : memref<8x768xf32, #tpu.memory_space<hbm>>)
    %dma_wait3A_658 = arith.constant 3 : i32
    %dma_wait3A_659 = arith.constant 3 : i32
    %dma_wait3A_660 = arith.constant 3 : i32
    %dma_wait3A_661 = arith.constant 0 : i32
    %dma_wait3A_662 = arith.constant 0 : i32
    %dma_wait3A_663 = tpu.memref_slice %arg8[%dma_wait3A_658, %dma_wait3A_659, %dma_wait3A_661, %dma_wait3A_662] : memref<4x4x8x768xf32, #tpu.memory_space<vmem>> -> memref<1x1x8x768xf32, #tpu.memory_space<vmem>>
    %dma_wait3A_664 = tpu.memref_squeeze %dma_wait3A_663 : memref<1x1x8x768xf32, #tpu.memory_space<vmem>> -> memref<8x768xf32, #tpu.memory_space<vmem>>
    %dma_wait3A_665 = arith.constant 0 : i32
    %dma_wait3A_666 = tpu.memref_slice %arg5[%add3A_606, %dma_wait3A_665] : memref<8192x768xf32, #tpu.memory_space<hbm>> -> memref<8x768xf32, #tpu.memory_space<hbm>>
    %dma_wait3A_667 = tpu.memref_slice %arg12[%dma_wait3A_660] : memref<4x!tpu.dma_semaphore, #tpu.memory_space<semaphore_mem>> -> memref<1x!tpu.dma_semaphore, #tpu.memory_space<semaphore_mem>>
    %dma_wait3A_668 = tpu.memref_squeeze %dma_wait3A_667 : memref<1x!tpu.dma_semaphore, #tpu.memory_space<semaphore_mem>> -> memref<!tpu.dma_semaphore, #tpu.memory_space<semaphore_mem>>
    %dma_wait3A_669 = arith.constant 0 : i32
    %dma_wait3A_670 = tpu.memref_slice %arg5[%add3A_606, %dma_wait3A_669] : memref<8192x768xf32, #tpu.memory_space<hbm>> -> memref<8x768xf32, #tpu.memory_space<hbm>>
    %dma_wait3A_671 = arith.constant 0 : i32
    %dma_wait3A_672 = arith.constant 0 : i32
    %dma_wait3A_673 = tpu.memref_slice %arg8[%dma_wait3A_658, %dma_wait3A_659, %dma_wait3A_671, %dma_wait3A_672] : memref<4x4x8x768xf32, #tpu.memory_space<vmem>> -> memref<1x1x8x768xf32, #tpu.memory_space<vmem>>
    %dma_wait3A_674 = tpu.memref_squeeze %dma_wait3A_673 : memref<1x1x8x768xf32, #tpu.memory_space<vmem>> -> memref<8x768xf32, #tpu.memory_space<vmem>>
    tpu.wait_dma2 semaphore(%dma_wait3A_668 : memref<!tpu.dma_semaphore, #tpu.memory_space<semaphore_mem>>) src(%dma_wait3A_674 : memref<8x768xf32, #tpu.memory_space<vmem>>) dst(%dma_wait3A_670 : memref<8x768xf32, #tpu.memory_space<hbm>>)
    return
  }
}

</mosaic_0001>

<sc_bundles>
// kernel: kernel.3.cloned.1.call-start
scs
__scs_entry_jumppad:
0x0: {  	(pc) =	sbr.rel $0x88, $3  }
0x1: {  	(tag) =	ssettag $0x0;
	lr =	simm.s32 $0x1  }
0x2: {  	[smem:$0x3F9F] =	sst lr;
	_ =	strace $0xD0000000  }
0x3: {  	_ = 	snop  }
0x4: {  	_ = 	snop  }
0x5: {  	_ = 	snop  }
0x6: {  	_ = 	snop  }
0x7: {  	_ = 	snop  }
__scs_overlays_trampoline_lowered:
0x8: {  	[smem:$0x3FAE] =	sst s0  }
0x9: {  	[smem:$0x3FAF] =	sst s1  }
0xa: {  	[smem:$0x3FB0] =	sst s2  }
0xb: {  	[smem:$0x3FB1] =	sst s3  }
0xc: {  	[smem:$0x3FB2] =	sst s4  }
0xd: {  	[smem:$0x3FB3] =	sst s5  }
0xe: {  	[smem:$0x3FB4] =	sst s6  }
0xf: {  	[smem:$0x3FB5] =	sst s7  }
0x10: {  	[smem:$0x3FB6] =	sst s8  }
0x11: {  	[smem:$0x3FB7] =	sst s9;
	s0 =	simm.s32 @!p0 $0x0  }
0x12: {  	s1 =	sld [smem:$0x3F9D];
	s0 =	simm.s32 @p0 $0x1  }
0x13: {  	[smem:$0x3FB8] =	sst s0;
	s0 =	simm.s32 @!p1 $0x0  }
0x14: {  	s2 =	sld [smem:$0x3F9C];
	s0 =	simm.s32 @p1 $0x1  }
0x15: {  	[smem:$0x3FB9] =	sst s0;
	s0 =	simm.s32 @!p2 $0x0  }
0x16: {  	s3 =	sld [smem:$0x3FDB];
	s0 =	simm.s32 @p2 $0x1  }
0x17: {  	s4 =	simm.s32 $0x1BF5;
	[smem:$0x3FBB] =	sst s0  }
0x18: {  	s0 =	sld [smem:$0x3F9E];
	_ =	swait.ge [sflag:s4], $0x0  }
0x19: {  	s7 =	sld [smem:$0x3F9F]  }
0x1a: {  	s8 =	sadd.s32 $0xFFFFE003, lr  }
0x1b: {  	s9 =	sadd.s32 $0xFFFFFEF7, lr;
	s5 =	simm.s32 $0xFFFFFFFF;
	p2 =	slt.u32 s8, $0xFFFFF086  }
0x1c: {  	p1 =	slt.u32 s9, $0xF7A;
	s5 =	simm.s32 @!p2 $0x0  }
0x1d: {  	s5 =	simm.s32 @p1 $0x1;
	p0 =	seq.s32 s7, s2  }
0x1e: {  	s7 =	smul.u32 @!p0 $0xF7A, s2;
	p2 =	seq.s32 @!p0 s5, $0x0  }
0x1f: {  	s9 =	smul.u32 $0xF7A, s1;
	s8 =	simm.s32 @!p0 $0x1BF5;
	p2 =	por !p2, p0  }
0x20: {  	[sflag:s8] =	ssyncset.s32 @!p0 $0xFFFFF086;
	s6 =	sadd.s32 @!p0 s3, s7;
	s7 =	simm.s32 @!p0 $0x108  }
0x21: {  	s3 =	sadd.s32 s3, s9;
	s6 =	sadd.s32 @!p0 $0x88, s6;
	s7 =	simm.s32 @p2 $0x1082  }
0x22: {  	[simem:s7], [sflag:s8] =	dma.local @!p0 [hbm:s6], $0xF7A  }
0x23: {  	s9 =	sor.u32 $0xD0000000, s2;
	s6 =	simm.s32 $0x108;
	_ =	swait.ge @!p0 [sflag:s8], $0x0  }
0x24: {  	s3 =	sadd.s32 $0x88, s3;
	s6 =	simm.s32 @!p1 $0x1082;
	[sflag:s4] =	ssyncset.s32 $0xFFFFF086  }
0x25: {  	[simem:s6], [sflag:s4] =	dma.local [hbm:s3], $0xF7A  }
0x26: {  	[smem:$0x3F9F] =	sst s1;
	(tag) =	ssettag s2;
	_ =	strace s9  }
0x27: {  	s1 =	sld [smem:$0x3FAF]  }
0x28: {  	s2 =	sld [smem:$0x3FB0]  }
0x29: {  	s4 =	sld [smem:$0x3FB2]  }
0x2a: {  	p0 =	seq.s32 s5, $0x0;
	s5 =	sld [smem:$0x3FB3]  }
0x2b: {  	s6 =	sld [smem:$0x3FB4]  }
0x2c: {  	s7 =	sld [smem:$0x3FB5]  }
0x2d: {  	s3 =	simm.s32 $0x108;
	s8 =	sld [smem:$0x3FB6]  }
0x2e: {  	s3 =	simm.s32 @!p0 $0x1082;
	s9 =	sld [smem:$0x3FB7]  }
0x2f: {  	lr =	sadd.s32 s0, s3;
	s0 =	sld [smem:$0x3FAE]  }
0x30: {  	s3 =	sld [smem:$0x3FB1]  }
0x31: {  	[smem:$0x3FBA] =	sst s10  }
0x32: {  	s10 =	sld [smem:$0x3FB8];
	_ =	sdelay $0x3  }
0x33: {  	p0 =	seq.s32 s10, $0x1;
	s10 =	sld [smem:$0x3FBA];
	_ =	sdelay $0x3  }
0x34: {  	[smem:$0x3FBA] =	sst s10  }
0x35: {  	s10 =	sld [smem:$0x3FB9];
	_ =	sdelay $0x3  }
0x36: {  	p1 =	seq.s32 s10, $0x1;
	s10 =	sld [smem:$0x3FBA];
	_ =	sdelay $0x3  }
0x37: {  	[smem:$0x3FBA] =	sst s10  }
0x38: {  	s10 =	sld [smem:$0x3FBB]  }
0x39: {  	_ = 	snop;
	(pc) =	sbr.ind lr, $3  }
0x3a: {  	_ = 	snop  }
0x3b: {  	_ = 	snop  }
0x3c: {  	p2 =	seq.s32 s10, $0x1;
	s10 =	sld [smem:$0x3FBA]  }
0x3d: {  	_ =	shalt  }
0x3e: {  	_ =	shalt  }
0x3f: {  	_ =	shalt  }
0x40: {  	_ =	shalt  }
0x41: {  	_ =	shalt  }
0x42: {  	_ =	shalt  }
0x43: {  	_ =	shalt  }
0x44: {  	_ =	shalt  }
0x45: {  	_ =	shalt  }
0x46: {  	_ =	shalt  }
0x47: {  	_ =	shalt  }
0x48: {  	_ =	shalt  }
0x49: {  	_ =	shalt  }
0x4a: {  	_ =	shalt  }
0x4b: {  	_ =	shalt  }
0x4c: {  	_ =	shalt  }
0x4d: {  	_ =	shalt  }
0x4e: {  	_ =	shalt  }
0x4f: {  	_ =	shalt  }
0x50: {  	_ =	shalt  }
0x51: {  	_ =	shalt  }
0x52: {  	_ =	shalt  }
0x53: {  	_ =	shalt  }
0x54: {  	_ =	shalt  }
0x55: {  	_ =	shalt  }
0x56: {  	_ =	shalt  }
0x57: {  	_ =	shalt  }
0x58: {  	_ =	shalt  }
0x59: {  	_ =	shalt  }
0x5a: {  	_ =	shalt  }
0x5b: {  	_ =	shalt  }
0x5c: {  	_ =	shalt  }
0x5d: {  	_ =	shalt  }
0x5e: {  	_ =	shalt  }
0x5f: {  	_ =	shalt  }
0x60: {  	_ =	shalt  }
0x61: {  	_ =	shalt  }
0x62: {  	_ =	shalt  }
0x63: {  	_ =	shalt  }
0x64: {  	_ =	shalt  }
0x65: {  	_ =	shalt  }
0x66: {  	_ =	shalt  }
0x67: {  	_ =	shalt  }
0x68: {  	_ =	shalt  }
0x69: {  	_ =	shalt  }
0x6a: {  	_ =	shalt  }
0x6b: {  	_ =	shalt  }
0x6c: {  	_ =	shalt  }
0x6d: {  	_ =	shalt  }
0x6e: {  	_ =	shalt  }
0x6f: {  	_ =	shalt  }
0x70: {  	_ =	shalt  }
0x71: {  	_ =	shalt  }
0x72: {  	_ =	shalt  }
0x73: {  	_ =	shalt  }
0x74: {  	_ =	shalt  }
0x75: {  	_ =	shalt  }
0x76: {  	_ =	shalt  }
0x77: {  	_ =	shalt  }
0x78: {  	_ =	shalt  }
0x79: {  	_ =	shalt  }
0x7a: {  	_ =	shalt  }
0x7b: {  	_ =	shalt  }
0x7c: {  	_ =	shalt  }
0x7d: {  	_ =	shalt  }
0x7e: {  	_ =	shalt  }
0x7f: {  	_ =	shalt  }
0x80: {  	_ =	shalt  }
0x81: {  	_ =	shalt  }
0x82: {  	_ =	shalt  }
0x83: {  	_ =	shalt  }
0x84: {  	_ =	shalt  }
0x85: {  	_ =	shalt  }
0x86: {  	_ =	shalt  }
0x87: {  	_ =	shalt  }
.Lfunc_end0:
.L_simem_size_0:
called_computation_lowered:
.L_overlay_start_0:
0x88: {  	s2 =	sld [smem:$0x3FD9]  }
0x89: {  	s3 =	sld [smem:$0x3FFE];
	_ =	sdelay $0x1  }
0x8a: {  	s1 =	srdreg.scid  }
0x8b: {  	s0 =	sand.u32 $0x1, s1  }
0x8c: {  	s17 =	sshll.u32 s0, $0xA;
	s2 =	sadd.s32 s3, s2  }
0x8d: {  	s2 =	sadd.s32 s2, s17  }
0x8e: {  	[smem:$0x3FC6] =	sst s2  }
0x8f: {  	_ = 	snop  }
0x90: {  	s2 =	sld [smem:$0x3FC9]  }
0x91: {  	s18 =	sld [smem:$0x3FC8]  }
0x92: {  	s4 =	sld [smem:$0x3FD0];
	(tm) =	ssettm $0x1  }
0x93: {  	s5 =	sld [smem:$0x3FFB];
	_ =	sdelay $0x3  }
0x94: {  	_ =	strace s5  }
0x95: {  	s5 =	sld [smem:$0x3FFC];
	_ =	sdelay $0x3  }
0x96: {  	_ =	strace s5  }
0x97: {  	s5 =	sld [smem:$0x3FFD];
	_ =	sdelay $0x3  }
0x98: {  	_ =	strace s5  }
0x99: {  	_ =	strace $0x8FFFFFFF  }
0x9a: {  	s19 =	sld [smem:$0x3FDB];
	_ =	sdelay $0x1  }
0x9b: {  	s6 =	simm.s32 $_scs_section_size  }
0x9c: {  	s7 =	simm.s32 $_size__tile_overlayer_lowered;
	s8 =	simm.s32 $_tile_overlayer_lowered  }
0x9d: {  	s22 =	simm.s32 $0x1BFF;
	s21 =	sshll.u32 s8, $0x1;
	s5 =	sadd.s32 s6, s19  }
0x9e: {  	s9 =	simm.s32 $0x0;
	s20 =	sshll.u32 s7, $0x1;
	s7 =	sadd.s32 s21, s5  }
0x9f: {  	[timem:s9], [sflag:s22] =	dma.local [hbm:s7], s20  }
0xa0: {  	_ =	swait.ge [sflag:s22], s20  }
0xa1: {  	s6 =	ssub.s32 $0x0, s20;
	[sflag:s22] =	ssyncset.done $0x0  }
0xa2: {  	[sflag:s22] =	ssyncadd.s32 s6;
	_ =	sdelay $0x1  }
0xa3: {  	s23 =	simm.s32 $0x1B8B  }
0xa4: {  	_ =	swait.ge [sflag:s23], $0x1  }
0xa5: {  	[sflag:s23] =	ssyncset.done $0x0  }
0xa6: {  	s25 =	simm.s32 $0x1B8E;
	s24 =	sld [smem:$0x3FFE];
	[sflag:s23] =	ssyncadd.s32 $0xFFFFFFFF  }
0xa7: {  	s26 =	simm.s32 $execute0_lowered;
	[smem:$0x3FD2] =	sst s25  }
0xa8: {  	s7 =	sshll.u32 s26, $0x1;
	_ =	strace $0x80000046;
	[dreg:$0x1] =	wrdreg $0xFFFFFFFF  }
0xa9: {  	s28 =	simm.s32 $_size_execute0_lowered;
	s5 =	sadd.s32 s5, s7;
	[dreg:$0x0] =	wrdreg $0x0  }
0xaa: {  	s7 =	sshll.u32 s28, $0x1;
	[dreg:$0x2] =	wrdreg s5  }
0xab: {  	[dreg:$0x3] =	wrdreg s7  }
0xac: {  	[dreg:$0x4] =	wrdreg $0xC0  }
0xad: {  	_ =	task [dreg:s9], $0x5FFFF  }
0xae: {  	[dreg:$0x1] =	wrdreg $0xFFFFFFFF  }
0xaf: {  	[dreg:$0x0] =	wrdreg $0x60  }
0xb0: {  	[dreg:$0x2] =	wrdreg s2  }
0xb1: {  	[dreg:$0x3] =	wrdreg s18  }
0xb2: {  	[dreg:$0x4] =	wrdreg s24  }
0xb3: {  	[dreg:$0x5] =	wrdreg s4  }
0xb4: {  	[dreg:$0x6] =	wrdreg $0x9  }
0xb5: {  	_ =	task.clear_ibuf [dreg:s9], $0x7FFFF;
	_ =	strace $0x90000046  }
0xb6: {  	s29 =	simm.s32 $0x9;
	_ =	strace $0x80000048  }
0xb7: {  	_ =	swait.ge [sflag:s29], $0x1  }
0xb8: {  	[sflag:s29] =	ssyncadd.s32 $0xFFFFFFFF  }
0xb9: {  	_ =	strace $0x90000048  }
0xba: {  	_ =	sfence  }
0xbb: {  	s30 =	sld [smem:$0x0];
	_ =	sdelay $0x2  }
0xbc: {  	s31 =	sshll.u32 s1, $0xD;
	s1 =	sshrl.u32 s1, $0x2  }
0xbd: {  	s3 =	sand.u32 $0x4000, s31;
	s1 =	sadd.s32 s1, s30  }
0xbe: {  	s0 =	sor.u32 s3, s0;
	s1 =	sshll.u32 s1, $0x11  }
0xbf: {  	s0 =	sor.u32 s1, s0  }
0xc0: {  	s0 =	sadd.s32 $0x8F2B, s0  }
0xc1: {  	[sflag:s0] =	ssyncadd.remote.s32 $0x1  }
0xc2: {  	_ =	sfence.sel $0xFFFF  }
0xc3: {  	[dreg:$0x0] =	wrdreg $0xFFFFFFFF;
	(pc) =	sbr.abs _section_cstart, $3  }
0xc4: {  	[dreg:$0x1] =	wrdreg $0xFFFFFFFF  }
0xc5: {  	_ =	task.clear_ibuf [dreg:s9], $0x2FFFF;
	_ =	strace $0x9FFFFFFF  }
0xc6: {  	(tm) =	ssettm $0x7FFFFFFF  }
0xc7: {  	_ =	shalt  }
tec
execute0_lowered:
.L_overlay_start_1:
0x0: {  	(tag) =	ssettag $0x1  }
0x1: {  	s0 =	rddreg [dreg:$0x0]  }
0x2: {  	s1 =	rddreg [dreg:$0x1]  }
0x3: {  	s2 =	rddreg [dreg:$0x2];
	s3 =	srdreg.scid  }
0x4: {  	s4 =	stileid.u32;
	s15 =	rddreg [dreg:$0x3];
	s3 =	sand.u32 $0x1, s3  }
0x5: {  	s5 =	sshll.u32 s4, $0x1;
	s4 =	simm.s32 $0x0;
	s10 =	sadd.s32 $0x100, s1  }
0x6: {  	s11 =	sadd.s32 $0x200, s1;
	s13 =	sadd.s32 $0x30000, s15;
	s5 =	sor.u32 s3, s5  }
0x7: {  	[smem:$0x7FF] =	sst s4;
	s8 =	sshll.u32 s3, $0x6;
	s3 =	ssub.s32 $0x2, s3  }
0x8: {  	s6 =	smul.u32 $0xC00, s5;
	s7 =	sshll.u32 s5, $0x8;
	_ =	strace $0x80000047  }
0x9: {  	s24 =	sshrl.u32 s3, $0x1;
	s9 =	sand.u32 $0x1E00, s7;
	s7 =	sor.u32 s8, s7  }
0xa: {  	s3 =	ssub.s32 s3, s24;
	s2 =	sadd.s32 s6, s2;
	s23 =	sor.u32 s8, s9  }
0xb: {  	s26 =	sshrl.u32 s7, $0x3;
	s31 =	smax.u32 s3, $0x1;
	s6 =	sshrl.u32 s23, $0x3  }
0xc: {  	s29 =	sor.u32 $0x20, s26;
	s30 =	sadd.s32 $0x400, s2;
	[dreg:$0xd] =	wrdreg s31  }
.Ltmp0:
0xd: {  	s25 =	sadd.s32 s0, s6;
	[dreg:$0xc] =	wrdreg s30;
	(pc) =	sbr.rel .LBB2_1-.Ltmp0, $4  }
0xe: {  	s14 =	sadd.s32 $0x60000, s15;
	s7 =	sadd.s32 s0, s29;
	[dreg:$0x8] =	wrdreg s25  }
0xf: {  	v0 =	vlaneseq.u32;
	s6 =	sor.u32 $0x30, s26;
	s28 =	sadd.s32 $0x10, s25;
	[dreg:$0xa] =	wrdreg s7  }
0x10: {  	s15 =	sadd.s32 $0x90000, s15;
	v1 =	vshrl.u32 v0, $0x3;
	s0 =	sadd.s32 s0, s6;
	[dreg:$0x9] =	wrdreg s28  }
0x11: {  	vm0 =	vmmov $0xffff;
	v0 =	vand.u32 $0x7, v0;
	v1 =	vmul.u32 $0x8, v1;
	s12 =	sshll.u32 s5, $0x3;
	s3 =	simm.s32 $0x0;
	[dreg:$0xb] =	wrdreg s0  }
.LBB2_7:
0x12: {  	s0 =	simm.s32 $0x7  }
0x13: {  	_ =	swait.ge [sflag:s0], $0x1800  }
0x14: {  	[sflag:s0] =	ssyncset.done $0x0  }
0x15: {  	[sflag:s0] =	ssyncadd.s32 $0xFFFFE800  }
0x16: {  	_ =	swait.ge [sflag:s0], $0x1800  }
0x17: {  	[sflag:s0] =	ssyncset.done $0x0  }
0x18: {  	[sflag:s0] =	ssyncadd.s32 $0xFFFFE800  }
0x19: {  	_ =	swait.ge [sflag:s0], $0x1800  }
0x1a: {  	[sflag:s0] =	ssyncset.done $0x0  }
0x1b: {  	[sflag:s0] =	ssyncadd.s32 $0xFFFFE800  }
0x1c: {  	_ =	swait.ge [sflag:s0], $0x1800  }
0x1d: {  	[sflag:s0] =	ssyncset.done $0x0  }
0x1e: {  	s29 =	simm.s32 $0x8;
	[sflag:s0] =	ssyncadd.s32 $0xFFFFE800  }
0x1f: {  	_ =	swait.ge [sflag:s29], $0x1800  }
0x20: {  	[sflag:s29] =	ssyncset.done $0x0  }
0x21: {  	[sflag:s29] =	ssyncadd.s32 $0xFFFFE800  }
0x22: {  	_ =	swait.ge [sflag:s29], $0x1800  }
0x23: {  	[sflag:s29] =	ssyncset.done $0x0  }
0x24: {  	[sflag:s29] =	ssyncadd.s32 $0xFFFFE800  }
0x25: {  	_ =	swait.ge [sflag:s29], $0x1800  }
0x26: {  	[sflag:s29] =	ssyncset.done $0x0  }
0x27: {  	[sflag:s29] =	ssyncadd.s32 $0xFFFFE800  }
0x28: {  	_ =	swait.ge [sflag:s29], $0x1800  }
0x29: {  	[sflag:s29] =	ssyncset.done $0x0  }
0x2a: {  	s30 =	simm.s32 $0x9;
	[sflag:s29] =	ssyncadd.s32 $0xFFFFE800  }
0x2b: {  	_ =	swait.ge [sflag:s30], $0x1800  }
0x2c: {  	[sflag:s30] =	ssyncset.done $0x0  }
0x2d: {  	[sflag:s30] =	ssyncadd.s32 $0xFFFFE800  }
0x2e: {  	_ =	swait.ge [sflag:s30], $0x1800  }
0x2f: {  	[sflag:s30] =	ssyncset.done $0x0  }
0x30: {  	[sflag:s30] =	ssyncadd.s32 $0xFFFFE800  }
0x31: {  	_ =	swait.ge [sflag:s30], $0x1800  }
0x32: {  	[sflag:s30] =	ssyncset.done $0x0  }
0x33: {  	[sflag:s30] =	ssyncadd.s32 $0xFFFFE800  }
0x34: {  	_ =	swait.ge [sflag:s30], $0x1800  }
0x35: {  	[sflag:s30] =	ssyncset.done $0x0  }
0x36: {  	s2 =	simm.s32 $0xA;
	[sflag:s30] =	ssyncadd.s32 $0xFFFFE800  }
0x37: {  	_ =	swait.ge [sflag:s2], $0x1800  }
0x38: {  	[sflag:s2] =	ssyncset.done $0x0  }
0x39: {  	[sflag:s2] =	ssyncadd.s32 $0xFFFFE800  }
0x3a: {  	_ =	swait.ge [sflag:s2], $0x1800  }
0x3b: {  	[sflag:s2] =	ssyncset.done $0x0  }
0x3c: {  	[sflag:s2] =	ssyncadd.s32 $0xFFFFE800  }
0x3d: {  	_ =	swait.ge [sflag:s2], $0x1800  }
0x3e: {  	[sflag:s2] =	ssyncset.done $0x0  }
0x3f: {  	[sflag:s2] =	ssyncadd.s32 $0xFFFFE800  }
0x40: {  	_ =	swait.ge [sflag:s2], $0x1800  }
0x41: {  	s3 =	rddreg [dreg:$0xe]  }
0x42: {  	s31 =	rddreg [dreg:$0xd];
	s3 =	sadd.s32 $0x1, s3  }
0x43: {  	p0 =	sne.s32 s3, s31  }
.Ltmp1:
0x44: {  	_ = 	snop;
	(pc) =	sbr.rel @!p0 .LBB2_8-.Ltmp1, $3  }
0x45: {  	_ =	sdelay $0x1  }
0x46: {  	[sflag:s2] =	ssyncset.done $0x0  }
0x47: {  	[sflag:s2] =	ssyncadd.s32 $0xFFFFE800  }
.LBB2_1:
0x48: {  	[dreg:$0xe] =	wrdreg s3  }
0x49: {  	s0 =	rddreg [dreg:$0x8]  }
0x4a: {  	[tilespmem:s4], [sflag:$0x1] =	stream.linear.gather [hbm4b:s0+s4], $0x40, $0x38;
	[tilespmem:$0x1E200] =	vst v63  }
0x4b: {  	s31 =	rddreg [dreg:$0x9];
	s2 =	simm.s32 $0x80  }
0x4c: {  	[tilespmem:s2], [sflag:$0x1] =	stream.linear.gather [hbm4b:s31+s4], $0x40, $0x38;
	[tilespmem:$0x1E200] =	vst v63  }
0x4d: {  	s3 =	simm.s32 $0x100;
	s2 =	rddreg [dreg:$0xa]  }
0x4e: {  	[tilespmem:s3], [sflag:$0x1] =	stream.linear.gather [hbm4b:s2+s4], $0x40, $0x38;
	[tilespmem:$0x1E200] =	vst v63  }
0x4f: {  	s5 =	rddreg [dreg:$0xb];
	s6 =	simm.s32 $0x180  }
0x50: {  	[tilespmem:s6], [sflag:$0x1] =	stream.linear.gather [hbm4b:s5+s4], $0x40, $0x38;
	[tilespmem:$0x1E200] =	vst v63  }
0x51: {  	s7 =	rddreg [dreg:$0xc];
	s8 =	simm.s32 $0x200;
	s9 =	simm.s32 $0x1  }
0x52: {  	[tilespmem:s8], [sflag:$0x2] =	stream.linear.gather [hbm4b:s7+s4], $0x6000, $0x38;
	[tilespmem:$0x1E200] =	vst v63  }
0x53: {  	_ =	swait.ge [sflag:s9], $0x40  }
0x54: {  	[sflag:s9] =	ssyncset.done $0x0  }
0x55: {  	[sflag:s9] =	ssyncadd.s32 $0xFFFFFFC0  }
0x56: {  	_ =	swait.ge [sflag:s9], $0x40  }
0x57: {  	[sflag:s9] =	ssyncset.done $0x0  }
0x58: {  	[sflag:s9] =	ssyncadd.s32 $0xFFFFFFC0  }
0x59: {  	_ =	swait.ge [sflag:s9], $0x40  }
0x5a: {  	[sflag:s9] =	ssyncset.done $0x0  }
0x5b: {  	[sflag:s9] =	ssyncadd.s32 $0xFFFFFFC0  }
0x5c: {  	_ =	swait.ge [sflag:s9], $0x40  }
0x5d: {  	[sflag:s9] =	ssyncset.done $0x0  }
0x5e: {  	[sflag:s9] =	ssyncadd.s32 $0xFFFFFFC0  }
0x5f: {  	v2 =	vld.msk [tilespmem:$0x0], $0xff;
	_ =	sdelay $0x4  }
0x60: {  	v3 =	vshrl.u32 v2, $0x3  }
0x61: {  	v3 =	vmul.u32 $0x30, v3  }
0x62: {  	v2 =	vand.u32 $0x7, v2  }
0x63: {  	v2 =	vor.u32 v2, v3  }
0x64: {  	v2 =	vperm.xlane v2, v0;
	_ =	sdelay $0x1  }
0x65: {  	v2 =	vadd.s32 v1, v2;
	_ =	sdelay $0x3  }
0x66: {  	s16 =	simm.s32 $0x6200  }
0x67: {  	[tilespmem:s16], [sflag:$0x3] =	stream.indirect_vreg.gather [hbm4b:s1+s4], $0x80, v2, vm0, $0xb8;
	[tilespmem:$0x1E200] =	vst v63  }
0x68: {  	s17 =	simm.s32 $0x6A00  }
0x69: {  	[tilespmem:s17], [sflag:$0x3] =	stream.indirect_vreg.gather [hbm4b:s10+s4], $0x80, v2, vm0, $0xb8;
	[tilespmem:$0x1E200] =	vst v63  }
0x6a: {  	s18 =	simm.s32 $0x7200  }
0x6b: {  	[tilespmem:s18], [sflag:$0x3] =	stream.indirect_vreg.gather [hbm4b:s11+s4], $0x80, v2, vm0, $0xb8;
	[tilespmem:$0x1E200] =	vst v63  }
0x6c: {  	v2 =	vld.msk [tilespmem:$0x80], $0xff;
	_ =	sdelay $0x4  }
0x6d: {  	v3 =	vshrl.u32 v2, $0x3  }
0x6e: {  	v3 =	vmul.u32 $0x30, v3  }
0x6f: {  	v2 =	vand.u32 $0x7, v2  }
0x70: {  	v2 =	vor.u32 v2, v3  }
0x71: {  	v2 =	vperm.xlane v2, v0;
	_ =	sdelay $0x1  }
0x72: {  	v2 =	vadd.s32 v1, v2;
	_ =	sdelay $0x3  }
0x73: {  	s19 =	simm.s32 $0x7A00  }
0x74: {  	[tilespmem:s19], [sflag:$0x3] =	stream.indirect_vreg.gather [hbm4b:s1+s4], $0x80, v2, vm0, $0xb8;
	[tilespmem:$0x1E200] =	vst v63  }
0x75: {  	s20 =	simm.s32 $0x8200  }
0x76: {  	[tilespmem:s20], [sflag:$0x3] =	stream.indirect_vreg.gather [hbm4b:s10+s4], $0x80, v2, vm0, $0xb8;
	[tilespmem:$0x1E200] =	vst v63  }
0x77: {  	s21 =	simm.s32 $0x8A00  }
0x78: {  	[tilespmem:s21], [sflag:$0x3] =	stream.indirect_vreg.gather [hbm4b:s11+s4], $0x80, v2, vm0, $0xb8;
	[tilespmem:$0x1E200] =	vst v63  }
0x79: {  	v2 =	vld.msk [tilespmem:$0x100], $0xff;
	_ =	sdelay $0x4  }
0x7a: {  	v3 =	vshrl.u32 v2, $0x3  }
0x7b: {  	v3 =	vmul.u32 $0x30, v3  }
0x7c: {  	v2 =	vand.u32 $0x7, v2  }
0x7d: {  	v2 =	vor.u32 v2, v3  }
0x7e: {  	v2 =	vperm.xlane v2, v0;
	_ =	sdelay $0x1  }
0x7f: {  	v2 =	vadd.s32 v1, v2;
	_ =	sdelay $0x3  }
0x80: {  	s22 =	simm.s32 $0x9200  }
0x81: {  	[tilespmem:s22], [sflag:$0x3] =	stream.indirect_vreg.gather [hbm4b:s1+s4], $0x80, v2, vm0, $0xb8;
	[tilespmem:$0x1E200] =	vst v63  }
0x82: {  	s23 =	simm.s32 $0x9A00  }
0x83: {  	[tilespmem:s23], [sflag:$0x3] =	stream.indirect_vreg.gather [hbm4b:s10+s4], $0x80, v2, vm0, $0xb8;
	[tilespmem:$0x1E200] =	vst v63  }
0x84: {  	s24 =	simm.s32 $0xA200  }
0x85: {  	[tilespmem:s24], [sflag:$0x3] =	stream.indirect_vreg.gather [hbm4b:s11+s4], $0x80, v2, vm0, $0xb8;
	[tilespmem:$0x1E200] =	vst v63  }
0x86: {  	v2 =	vld.msk [tilespmem:$0x180], $0xff;
	_ =	sdelay $0x4  }
0x87: {  	v3 =	vshrl.u32 v2, $0x3  }
0x88: {  	v3 =	vmul.u32 $0x30, v3  }
0x89: {  	v2 =	vand.u32 $0x7, v2  }
0x8a: {  	v2 =	vor.u32 v2, v3  }
0x8b: {  	v2 =	vperm.xlane v2, v0;
	_ =	sdelay $0x1  }
0x8c: {  	v2 =	vadd.s32 v1, v2;
	_ =	sdelay $0x3  }
0x8d: {  	s25 =	simm.s32 $0xAA00  }
0x8e: {  	[tilespmem:s25], [sflag:$0x3] =	stream.indirect_vreg.gather [hbm4b:s1+s4], $0x80, v2, vm0, $0xb8;
	[tilespmem:$0x1E200] =	vst v63  }
0x8f: {  	s26 =	simm.s32 $0xB200  }
0x90: {  	[tilespmem:s26], [sflag:$0x3] =	stream.indirect_vreg.gather [hbm4b:s10+s4], $0x80, v2, vm0, $0xb8;
	[tilespmem:$0x1E200] =	vst v63  }
0x91: {  	s28 =	simm.s32 $0xBA00  }
0x92: {  	[tilespmem:s28], [sflag:$0x3] =	stream.indirect_vreg.gather [hbm4b:s11+s4], $0x80, v2, vm0, $0xb8;
	[tilespmem:$0x1E200] =	vst v63  }
0x93: {  	v2 =	vld.msk [tilespmem:$0x8], $0xff;
	_ =	sdelay $0x4  }
0x94: {  	v3 =	vshrl.u32 v2, $0x3  }
0x95: {  	v3 =	vmul.u32 $0x30, v3  }
0x96: {  	v2 =	vand.u32 $0x7, v2  }
0x97: {  	v2 =	vor.u32 v2, v3  }
0x98: {  	v2 =	vperm.xlane v2, v0;
	_ =	sdelay $0x1  }
0x99: {  	v2 =	vadd.s32 v1, v2;
	_ =	sdelay $0x3  }
0x9a: {  	s29 =	simm.s32 $0xC200  }
0x9b: {  	[tilespmem:s29], [sflag:$0x4] =	stream.indirect_vreg.gather [hbm4b:s1+s4], $0x80, v2, vm0, $0xb8;
	[tilespmem:$0x1E200] =	vst v63  }
0x9c: {  	s30 =	simm.s32 $0xCA00  }
0x9d: {  	[tilespmem:s30], [sflag:$0x4] =	stream.indirect_vreg.gather [hbm4b:s10+s4], $0x80, v2, vm0, $0xb8;
	[tilespmem:$0x1E200] =	vst v63  }
0x9e: {  	s31 =	simm.s32 $0xD200  }
0x9f: {  	[tilespmem:s31], [sflag:$0x4] =	stream.indirect_vreg.gather [hbm4b:s11+s4], $0x80, v2, vm0, $0xb8;
	[tilespmem:$0x1E200] =	vst v63  }
0xa0: {  	v2 =	vld.msk [tilespmem:$0x88], $0xff;
	_ =	sdelay $0x4  }
0xa1: {  	v3 =	vshrl.u32 v2, $0x3  }
0xa2: {  	v3 =	vmul.u32 $0x30, v3  }
0xa3: {  	v2 =	vand.u32 $0x7, v2  }
0xa4: {  	v2 =	vor.u32 v2, v3  }
0xa5: {  	v2 =	vperm.xlane v2, v0;
	_ =	sdelay $0x1  }
0xa6: {  	v2 =	vadd.s32 v1, v2;
	_ =	sdelay $0x3  }
0xa7: {  	s2 =	simm.s32 $0xDA00  }
0xa8: {  	[tilespmem:s2], [sflag:$0x4] =	stream.indirect_vreg.gather [hbm4b:s1+s4], $0x80, v2, vm0, $0xb8;
	[tilespmem:$0x1E200] =	vst v63  }
0xa9: {  	s3 =	simm.s32 $0xE200  }
0xaa: {  	[tilespmem:s3], [sflag:$0x4] =	stream.indirect_vreg.gather [hbm4b:s10+s4], $0x80, v2, vm0, $0xb8;
	[tilespmem:$0x1E200] =	vst v63  }
0xab: {  	s5 =	simm.s32 $0xEA00  }
0xac: {  	[tilespmem:s5], [sflag:$0x4] =	stream.indirect_vreg.gather [hbm4b:s11+s4], $0x80, v2, vm0, $0xb8;
	[tilespmem:$0x1E200] =	vst v63  }
0xad: {  	v2 =	vld.msk [tilespmem:$0x108], $0xff;
	_ =	sdelay $0x4  }
0xae: {  	v3 =	vshrl.u32 v2, $0x3  }
0xaf: {  	v3 =	vmul.u32 $0x30, v3  }
0xb0: {  	v2 =	vand.u32 $0x7, v2  }
0xb1: {  	v2 =	vor.u32 v2, v3  }
0xb2: {  	v2 =	vperm.xlane v2, v0;
	_ =	sdelay $0x1  }
0xb3: {  	v2 =	vadd.s32 v1, v2;
	_ =	sdelay $0x3  }
0xb4: {  	s6 =	simm.s32 $0xF200  }
0xb5: {  	[tilespmem:s6], [sflag:$0x4] =	stream.indirect_vreg.gather [hbm4b:s1+s4], $0x80, v2, vm0, $0xb8;
	[tilespmem:$0x1E200] =	vst v63  }
0xb6: {  	s7 =	simm.s32 $0xFA00  }
0xb7: {  	[tilespmem:s7], [sflag:$0x4] =	stream.indirect_vreg.gather [hbm4b:s10+s4], $0x80, v2, vm0, $0xb8;
	[tilespmem:$0x1E200] =	vst v63  }
0xb8: {  	s8 =	simm.s32 $0x10200  }
0xb9: {  	[tilespmem:s8], [sflag:$0x4] =	stream.indirect_vreg.gather [hbm4b:s11+s4], $0x80, v2, vm0, $0xb8;
	[tilespmem:$0x1E200] =	vst v63  }
0xba: {  	v2 =	vld.msk [tilespmem:$0x188], $0xff;
	_ =	sdelay $0x4  }
0xbb: {  	v3 =	vshrl.u32 v2, $0x3  }
0xbc: {  	v3 =	vmul.u32 $0x30, v3  }
0xbd: {  	v2 =	vand.u32 $0x7, v2  }
0xbe: {  	v2 =	vor.u32 v2, v3  }
0xbf: {  	v2 =	vperm.xlane v2, v0;
	_ =	sdelay $0x1  }
0xc0: {  	v2 =	vadd.s32 v1, v2;
	_ =	sdelay $0x3  }
0xc1: {  	s9 =	simm.s32 $0x10A00  }
0xc2: {  	[tilespmem:s9], [sflag:$0x4] =	stream.indirect_vreg.gather [hbm4b:s1+s4], $0x80, v2, vm0, $0xb8;
	[tilespmem:$0x1E200] =	vst v63  }
0xc3: {  	s16 =	simm.s32 $0x11200  }
0xc4: {  	[tilespmem:s16], [sflag:$0x4] =	stream.indirect_vreg.gather [hbm4b:s10+s4], $0x80, v2, vm0, $0xb8;
	[tilespmem:$0x1E200] =	vst v63  }
0xc5: {  	s17 =	simm.s32 $0x11A00  }
0xc6: {  	[tilespmem:s17], [sflag:$0x4] =	stream.indirect_vreg.gather [hbm4b:s11+s4], $0x80, v2, vm0, $0xb8;
	[tilespmem:$0x1E200] =	vst v63  }
0xc7: {  	v2 =	vld.msk [tilespmem:$0x10], $0xff;
	_ =	sdelay $0x4  }
0xc8: {  	v3 =	vshrl.u32 v2, $0x3  }
0xc9: {  	v3 =	vmul.u32 $0x30, v3  }
0xca: {  	v2 =	vand.u32 $0x7, v2  }
0xcb: {  	v2 =	vor.u32 v2, v3  }
0xcc: {  	v2 =	vperm.xlane v2, v0;
	_ =	sdelay $0x1  }
0xcd: {  	v2 =	vadd.s32 v1, v2;
	_ =	sdelay $0x3  }
0xce: {  	s18 =	simm.s32 $0x12200  }
0xcf: {  	[tilespmem:s18], [sflag:$0x5] =	stream.indirect_vreg.gather [hbm4b:s1+s4], $0x80, v2, vm0, $0xb8;
	[tilespmem:$0x1E200] =	vst v63  }
0xd0: {  	s19 =	simm.s32 $0x12A00  }
0xd1: {  	[tilespmem:s19], [sflag:$0x5] =	stream.indirect_vreg.gather [hbm4b:s10+s4], $0x80, v2, vm0, $0xb8;
	[tilespmem:$0x1E200] =	vst v63  }
0xd2: {  	s20 =	simm.s32 $0x13200  }
0xd3: {  	[tilespmem:s20], [sflag:$0x5] =	stream.indirect_vreg.gather [hbm4b:s11+s4], $0x80, v2, vm0, $0xb8;
	[tilespmem:$0x1E200] =	vst v63  }
0xd4: {  	v2 =	vld.msk [tilespmem:$0x90], $0xff;
	_ =	sdelay $0x4  }
0xd5: {  	v3 =	vshrl.u32 v2, $0x3  }
0xd6: {  	v3 =	vmul.u32 $0x30, v3  }
0xd7: {  	v2 =	vand.u32 $0x7, v2  }
0xd8: {  	v2 =	vor.u32 v2, v3  }
0xd9: {  	v2 =	vperm.xlane v2, v0;
	_ =	sdelay $0x1  }
0xda: {  	v2 =	vadd.s32 v1, v2;
	_ =	sdelay $0x3  }
0xdb: {  	s21 =	simm.s32 $0x13A00  }
0xdc: {  	[tilespmem:s21], [sflag:$0x5] =	stream.indirect_vreg.gather [hbm4b:s1+s4], $0x80, v2, vm0, $0xb8;
	[tilespmem:$0x1E200] =	vst v63  }
0xdd: {  	s22 =	simm.s32 $0x14200  }
0xde: {  	[tilespmem:s22], [sflag:$0x5] =	stream.indirect_vreg.gather [hbm4b:s10+s4], $0x80, v2, vm0, $0xb8;
	[tilespmem:$0x1E200] =	vst v63  }
0xdf: {  	s23 =	simm.s32 $0x14A00  }
0xe0: {  	[tilespmem:s23], [sflag:$0x5] =	stream.indirect_vreg.gather [hbm4b:s11+s4], $0x80, v2, vm0, $0xb8;
	[tilespmem:$0x1E200] =	vst v63  }
0xe1: {  	v2 =	vld.msk [tilespmem:$0x110], $0xff;
	_ =	sdelay $0x4  }
0xe2: {  	v3 =	vshrl.u32 v2, $0x3  }
0xe3: {  	v3 =	vmul.u32 $0x30, v3  }
0xe4: {  	v2 =	vand.u32 $0x7, v2  }
0xe5: {  	v2 =	vor.u32 v2, v3  }
0xe6: {  	v2 =	vperm.xlane v2, v0;
	_ =	sdelay $0x1  }
0xe7: {  	v2 =	vadd.s32 v1, v2;
	_ =	sdelay $0x3  }
0xe8: {  	s24 =	simm.s32 $0x15200  }
0xe9: {  	[tilespmem:s24], [sflag:$0x5] =	stream.indirect_vreg.gather [hbm4b:s1+s4], $0x80, v2, vm0, $0xb8;
	[tilespmem:$0x1E200] =	vst v63  }
0xea: {  	s25 =	simm.s32 $0x15A00  }
0xeb: {  	[tilespmem:s25], [sflag:$0x5] =	stream.indirect_vreg.gather [hbm4b:s10+s4], $0x80, v2, vm0, $0xb8;
	[tilespmem:$0x1E200] =	vst v63  }
0xec: {  	s26 =	simm.s32 $0x16200  }
0xed: {  	[tilespmem:s26], [sflag:$0x5] =	stream.indirect_vreg.gather [hbm4b:s11+s4], $0x80, v2, vm0, $0xb8;
	[tilespmem:$0x1E200] =	vst v63  }
0xee: {  	v2 =	vld.msk [tilespmem:$0x190], $0xff;
	_ =	sdelay $0x4  }
0xef: {  	v3 =	vshrl.u32 v2, $0x3  }
0xf0: {  	v3 =	vmul.u32 $0x30, v3  }
0xf1: {  	v2 =	vand.u32 $0x7, v2  }
0xf2: {  	v2 =	vor.u32 v2, v3  }
0xf3: {  	v2 =	vperm.xlane v2, v0;
	_ =	sdelay $0x1  }
0xf4: {  	v2 =	vadd.s32 v1, v2;
	_ =	sdelay $0x3  }
0xf5: {  	s28 =	simm.s32 $0x16A00  }
0xf6: {  	[tilespmem:s28], [sflag:$0x5] =	stream.indirect_vreg.gather [hbm4b:s1+s4], $0x80, v2, vm0, $0xb8;
	[tilespmem:$0x1E200] =	vst v63  }
0xf7: {  	s29 =	simm.s32 $0x17200  }
0xf8: {  	[tilespmem:s29], [sflag:$0x5] =	stream.indirect_vreg.gather [hbm4b:s10+s4], $0x80, v2, vm0, $0xb8;
	[tilespmem:$0x1E200] =	vst v63  }
.Ltmp2:
0xf9: {  	s30 =	simm.s32 $0x17A00;
	s31 =	simm.s32 $0x2;
	(pc) =	sbr.rel .LBB2_2-.Ltmp2, $4  }
0xfa: {  	[tilespmem:s30], [sflag:$0x5] =	stream.indirect_vreg.gather [hbm4b:s11+s4], $0x80, v2, vm0, $0xb8;
	[tilespmem:$0x1E200] =	vst v63  }
0xfb: {  	_ =	swait.ge [sflag:s31], $0x6000  }
0xfc: {  	[sflag:s31] =	ssyncset.done $0x0  }
0xfd: {  	s18 =	simm.s32 $0x0;
	[sflag:s31] =	ssyncadd.s32 $0xFFFFA000  }
.LBB2_6:
0xfe: {  	s0 =	sadd.s32 s12, s18  }
0xff: {  	s0 =	smul.u32 $0x300, s0  }
0x100: {  	s3 =	rddreg [dreg:$0x3]  }
0x101: {  	s2 =	sadd.s32 $0x7, s19;
	s18 =	sadd.s32 $0x1, s18;
	s3 =	sadd.s32 s3, s0  }
0x102: {  	[hbm4b:s3+s4] =	stream.linear.scatter [tilespmem:s20], [sflag:s2], $0x1800, $0x38;
	[tilespmem:$0x1E200] =	vst v63  }
0x103: {  	p0 =	sne.s32 s18, $0x8;
	s30 =	sadd.s32 s0, s13  }
0x104: {  	[hbm4b:s30+s4] =	stream.linear.scatter [tilespmem:s22], [sflag:s2], $0x1800, $0x38;
	[tilespmem:$0x1E200] =	vst v63  }
.Ltmp3:
0x105: {  	_ = 	snop;
	(pc) =	sbr.rel @!p0 .LBB2_7-.Ltmp3, $4  }
0x106: {  	s31 =	sadd.s32 s0, s14  }
0x107: {  	[hbm4b:s31+s4] =	stream.linear.scatter [tilespmem:s23], [sflag:s2], $0x1800, $0x38;
	[tilespmem:$0x1E200] =	vst v63  }
0x108: {  	s0 =	sadd.s32 s0, s15  }
0x109: {  	[hbm4b:s0+s4] =	stream.linear.scatter [tilespmem:s24], [sflag:s2], $0x1800, $0x38;
	[tilespmem:$0x1E200] =	vst v63  }
.LBB2_2:
0x10a: {  	s19 =	sand.u32 $0x3, s18  }
0x10b: {  	s0 =	sadd.s32 $0x3, s19  }
0x10c: {  	_ =	swait.ge [sflag:s0], $0x1800  }
0x10d: {  	[sflag:s0] =	ssyncset.done $0x0  }
0x10e: {  	[sflag:s0] =	ssyncadd.s32 $0xFFFFE800  }
0x10f: {  	s2 =	smul.u32 $0x3000, s18;
	_ =	swait.ge [sflag:s0], $0x1800  }
0x110: {  	[sflag:s0] =	ssyncset.done $0x0  }
0x111: {  	s2 =	sshra.s32 s2, $0x2;
	[sflag:s0] =	ssyncadd.s32 $0xFFFFE800  }
0x112: {  	s2 =	sor.u32 $0x200, s2;
	_ =	swait.ge [sflag:s0], $0x1800  }
0x113: {  	v2 =	vmov s2;
	[sflag:s0] =	ssyncset.done $0x0  }
0x114: {  	s8 =	simm.s32 $0x0;
	[sflag:s0] =	ssyncadd.s32 $0xFFFFE800  }
0x115: {  	s2 =	smul.u32 $0x600, s8;
	_ =	swait.ge [sflag:s0], $0x1800  }
0x116: {  	[sflag:s0] =	ssyncset.done $0x0  }
0x117: {  	s25 =	sshra.s32 s2, $0x2;
	[sflag:s0] =	ssyncadd.s32 $0xFFFFE800  }
0x118: {  	v3 =	vld.idx.msk [tilespmem:v2+s25+$0x0 ss:$0x1], $0xffff  }
0x119: {  	s9 =	smul.u32 $0x18000, s19;
	_ =	sdelay $0x1  }
0x11a: {  	s8 =	sshrl.u32 s9, $0x2  }
0x11b: {  	s20 =	sadd.s32 $0x6200, s8  }
0x11c: {  	s26 =	sadd.s32 $0x0, s20;
	v4 =	vshll.u32 v3, $0x10  }
0x11d: {  	s22 =	sadd.s32 $0x7A00, s8;
	v3 =	vand.u32 $0xFFFF0000, v3;
	[tilespmem:s26+$0x0] =	vst.add.f32.msk $0xffff, v4  }
0x11e: {  	s16 =	sadd.s32 $0x0, s22;
	[tilespmem:s26+$0x10] =	vst.add.f32.msk $0xffff, v3  }
0x11f: {  	s23 =	sadd.s32 $0x9200, s8;
	[tilespmem:s16+$0x0] =	vst.add.f32.msk $0xffff, v4  }
0x120: {  	s17 =	sadd.s32 $0x0, s23;
	[tilespmem:s16+$0x10] =	vst.add.f32.msk $0xffff, v3  }
0x121: {  	s24 =	sadd.s32 $0xAA00, s8;
	[tilespmem:s17+$0x0] =	vst.add.f32.msk $0xffff, v4  }
0x122: {  	s3 =	sadd.s32 $0x0, s24;
	[tilespmem:s17+$0x10] =	vst.add.f32.msk $0xffff, v3  }
0x123: {  	[tilespmem:s3+$0x0] =	vst.add.f32.msk $0xffff, v4  }
0x124: {  	[tilespmem:s3+$0x10] =	vst.add.f32.msk $0xffff, v3  }
0x125: {  	v3 =	vld.idx.msk [tilespmem:v2+s25+$0x10 ss:$0x1], $0xffff;
	_ =	sdelay $0x4  }
0x126: {  	v4 =	vshll.u32 v3, $0x10  }
0x127: {  	v3 =	vand.u32 $0xFFFF0000, v3;
	[tilespmem:s26+$0x20] =	vst.add.f32.msk $0xffff, v4  }
0x128: {  	[tilespmem:s26+$0x30] =	vst.add.f32.msk $0xffff, v3  }
0x129: {  	[tilespmem:s16+$0x20] =	vst.add.f32.msk $0xffff, v4  }
0x12a: {  	[tilespmem:s16+$0x30] =	vst.add.f32.msk $0xffff, v3  }
0x12b: {  	[tilespmem:s17+$0x20] =	vst.add.f32.msk $0xffff, v4  }
0x12c: {  	[tilespmem:s17+$0x30] =	vst.add.f32.msk $0xffff, v3  }
0x12d: {  	[tilespmem:s3+$0x20] =	vst.add.f32.msk $0xffff, v4  }
0x12e: {  	[tilespmem:s3+$0x30] =	vst.add.f32.msk $0xffff, v3  }
0x12f: {  	v3 =	vld.idx.msk [tilespmem:v2+s25+$0x20 ss:$0x1], $0xffff;
	_ =	sdelay $0x4  }
0x130: {  	v4 =	vshll.u32 v3, $0x10  }
0x131: {  	v3 =	vand.u32 $0xFFFF0000, v3;
	[tilespmem:s26+$0x40] =	vst.add.f32.msk $0xffff, v4  }
0x132: {  	[tilespmem:s26+$0x50] =	vst.add.f32.msk $0xffff, v3  }
0x133: {  	[tilespmem:s16+$0x40] =	vst.add.f32.msk $0xffff, v4  }
0x134: {  	[tilespmem:s16+$0x50] =	vst.add.f32.msk $0xffff, v3  }
0x135: {  	[tilespmem:s17+$0x40] =	vst.add.f32.msk $0xffff, v4  }
0x136: {  	[tilespmem:s17+$0x50] =	vst.add.f32.msk $0xffff, v3  }
0x137: {  	[tilespmem:s3+$0x40] =	vst.add.f32.msk $0xffff, v4  }
0x138: {  	[tilespmem:s3+$0x50] =	vst.add.f32.msk $0xffff, v3  }
0x139: {  	v3 =	vld.idx.msk [tilespmem:v2+s25+$0x30 ss:$0x1], $0xffff;
	_ =	sdelay $0x4  }
0x13a: {  	v4 =	vshll.u32 v3, $0x10  }
0x13b: {  	v3 =	vand.u32 $0xFFFF0000, v3;
	[tilespmem:s26+$0x60] =	vst.add.f32.msk $0xffff, v4  }
0x13c: {  	[tilespmem:s26+$0x70] =	vst.add.f32.msk $0xffff, v3  }
0x13d: {  	[tilespmem:s16+$0x60] =	vst.add.f32.msk $0xffff, v4  }
0x13e: {  	[tilespmem:s16+$0x70] =	vst.add.f32.msk $0xffff, v3  }
0x13f: {  	[tilespmem:s17+$0x60] =	vst.add.f32.msk $0xffff, v4  }
0x140: {  	[tilespmem:s17+$0x70] =	vst.add.f32.msk $0xffff, v3  }
0x141: {  	[tilespmem:s3+$0x60] =	vst.add.f32.msk $0xffff, v4  }
0x142: {  	[tilespmem:s3+$0x70] =	vst.add.f32.msk $0xffff, v3  }
0x143: {  	v3 =	vld.idx.msk [tilespmem:v2+s25+$0x40 ss:$0x1], $0xffff;
	_ =	sdelay $0x4  }
0x144: {  	v4 =	vshll.u32 v3, $0x10  }
0x145: {  	v3 =	vand.u32 $0xFFFF0000, v3;
	[tilespmem:s26+$0x400] =	vst.add.f32.msk $0xffff, v4  }
0x146: {  	[tilespmem:s26+$0x410] =	vst.add.f32.msk $0xffff, v3  }
0x147: {  	[tilespmem:s16+$0x400] =	vst.add.f32.msk $0xffff, v4  }
0x148: {  	[tilespmem:s16+$0x410] =	vst.add.f32.msk $0xffff, v3  }
0x149: {  	[tilespmem:s17+$0x400] =	vst.add.f32.msk $0xffff, v4  }
0x14a: {  	[tilespmem:s17+$0x410] =	vst.add.f32.msk $0xffff, v3  }
0x14b: {  	[tilespmem:s3+$0x400] =	vst.add.f32.msk $0xffff, v4  }
0x14c: {  	[tilespmem:s3+$0x410] =	vst.add.f32.msk $0xffff, v3  }
0x14d: {  	v3 =	vld.idx.msk [tilespmem:v2+s25+$0x50 ss:$0x1], $0xffff;
	_ =	sdelay $0x4  }
0x14e: {  	v4 =	vshll.u32 v3, $0x10  }
0x14f: {  	v3 =	vand.u32 $0xFFFF0000, v3;
	[tilespmem:s26+$0x420] =	vst.add.f32.msk $0xffff, v4  }
0x150: {  	[tilespmem:s26+$0x430] =	vst.add.f32.msk $0xffff, v3  }
0x151: {  	[tilespmem:s16+$0x420] =	vst.add.f32.msk $0xffff, v4  }
0x152: {  	[tilespmem:s16+$0x430] =	vst.add.f32.msk $0xffff, v3  }
0x153: {  	[tilespmem:s17+$0x420] =	vst.add.f32.msk $0xffff, v4  }
0x154: {  	[tilespmem:s17+$0x430] =	vst.add.f32.msk $0xffff, v3  }
0x155: {  	[tilespmem:s3+$0x420] =	vst.add.f32.msk $0xffff, v4  }
0x156: {  	[tilespmem:s3+$0x430] =	vst.add.f32.msk $0xffff, v3  }
0x157: {  	v3 =	vld.idx.msk [tilespmem:v2+s25+$0x60 ss:$0x1], $0xffff;
	_ =	sdelay $0x4  }
0x158: {  	v4 =	vshll.u32 v3, $0x10  }
0x159: {  	v3 =	vand.u32 $0xFFFF0000, v3;
	[tilespmem:s26+$0x440] =	vst.add.f32.msk $0xffff, v4  }
0x15a: {  	[tilespmem:s26+$0x450] =	vst.add.f32.msk $0xffff, v3  }
0x15b: {  	[tilespmem:s16+$0x440] =	vst.add.f32.msk $0xffff, v4  }
0x15c: {  	[tilespmem:s16+$0x450] =	vst.add.f32.msk $0xffff, v3  }
0x15d: {  	[tilespmem:s17+$0x440] =	vst.add.f32.msk $0xffff, v4  }
0x15e: {  	[tilespmem:s17+$0x450] =	vst.add.f32.msk $0xffff, v3  }
0x15f: {  	[tilespmem:s3+$0x440] =	vst.add.f32.msk $0xffff, v4  }
0x160: {  	[tilespmem:s3+$0x450] =	vst.add.f32.msk $0xffff, v3  }
0x161: {  	v3 =	vld.idx.msk [tilespmem:v2+s25+$0x70 ss:$0x1], $0xffff;
	_ =	sdelay $0x4  }
0x162: {  	v4 =	vshll.u32 v3, $0x10  }
0x163: {  	v3 =	vand.u32 $0xFFFF0000, v3;
	[tilespmem:s26+$0x460] =	vst.add.f32.msk $0xffff, v4  }
0x164: {  	[tilespmem:s26+$0x470] =	vst.add.f32.msk $0xffff, v3  }
0x165: {  	[tilespmem:s16+$0x460] =	vst.add.f32.msk $0xffff, v4  }
0x166: {  	[tilespmem:s16+$0x470] =	vst.add.f32.msk $0xffff, v3  }
0x167: {  	[tilespmem:s17+$0x460] =	vst.add.f32.msk $0xffff, v4  }
0x168: {  	[tilespmem:s17+$0x470] =	vst.add.f32.msk $0xffff, v3  }
0x169: {  	[tilespmem:s3+$0x460] =	vst.add.f32.msk $0xffff, v4  }
0x16a: {  	[tilespmem:s3+$0x470] =	vst.add.f32.msk $0xffff, v3  }
0x16b: {  	v3 =	vld.idx.msk [tilespmem:v2+s25+$0x80 ss:$0x1], $0xffff;
	_ =	sdelay $0x3  }
0x16c: {  	s21 =	sadd.s32 $0x8200, s8  }
0x16d: {  	[dreg:$0x5] =	wrdreg s21;
	v4 =	vshll.u32 v3, $0x10  }
0x16e: {  	s2 =	sadd.s32 $0x9A00, s8;
	s3 =	rddreg [dreg:$0x5];
	v3 =	vand.u32 $0xFFFF0000, v3;
	[tilespmem:s26+$0x800] =	vst.add.f32.msk $0xffff, v4  }
0x16f: {  	[dreg:$0x6] =	wrdreg s2;
	s7 =	sadd.s32 $0x0, s3;
	[tilespmem:s26+$0x810] =	vst.add.f32.msk $0xffff, v3  }
0x170: {  	s5 =	sadd.s32 $0xB200, s8;
	s6 =	rddreg [dreg:$0x6];
	[tilespmem:s7+$0x0] =	vst.add.f32.msk $0xffff, v4  }
0x171: {  	[dreg:$0x7] =	wrdreg s5;
	s3 =	sadd.s32 $0x0, s6;
	[tilespmem:s7+$0x10] =	vst.add.f32.msk $0xffff, v3  }
0x172: {  	s9 =	rddreg [dreg:$0x7];
	[tilespmem:s3+$0x0] =	vst.add.f32.msk $0xffff, v4  }
0x173: {  	s2 =	sadd.s32 $0x0, s9;
	[tilespmem:s3+$0x10] =	vst.add.f32.msk $0xffff, v3  }
0x174: {  	[tilespmem:s2+$0x0] =	vst.add.f32.msk $0xffff, v4  }
0x175: {  	[tilespmem:s2+$0x10] =	vst.add.f32.msk $0xffff, v3  }
0x176: {  	v3 =	vld.idx.msk [tilespmem:v2+s25+$0x90 ss:$0x1], $0xffff;
	_ =	sdelay $0x4  }
0x177: {  	v4 =	vshll.u32 v3, $0x10  }
0x178: {  	v3 =	vand.u32 $0xFFFF0000, v3;
	[tilespmem:s26+$0x820] =	vst.add.f32.msk $0xffff, v4  }
0x179: {  	[tilespmem:s26+$0x830] =	vst.add.f32.msk $0xffff, v3  }
0x17a: {  	[tilespmem:s7+$0x20] =	vst.add.f32.msk $0xffff, v4  }
0x17b: {  	[tilespmem:s7+$0x30] =	vst.add.f32.msk $0xffff, v3  }
0x17c: {  	[tilespmem:s3+$0x20] =	vst.add.f32.msk $0xffff, v4  }
0x17d: {  	[tilespmem:s3+$0x30] =	vst.add.f32.msk $0xffff, v3  }
0x17e: {  	[tilespmem:s2+$0x20] =	vst.add.f32.msk $0xffff, v4  }
0x17f: {  	[tilespmem:s2+$0x30] =	vst.add.f32.msk $0xffff, v3  }
0x180: {  	v3 =	vld.idx.msk [tilespmem:v2+s25+$0xA0 ss:$0x1], $0xffff;
	_ =	sdelay $0x4  }
0x181: {  	v4 =	vshll.u32 v3, $0x10  }
0x182: {  	v3 =	vand.u32 $0xFFFF0000, v3;
	[tilespmem:s26+$0x840] =	vst.add.f32.msk $0xffff, v4  }
0x183: {  	[tilespmem:s26+$0x850] =	vst.add.f32.msk $0xffff, v3  }
0x184: {  	[tilespmem:s7+$0x40] =	vst.add.f32.msk $0xffff, v4  }
0x185: {  	[tilespmem:s7+$0x50] =	vst.add.f32.msk $0xffff, v3  }
0x186: {  	[tilespmem:s3+$0x40] =	vst.add.f32.msk $0xffff, v4  }
0x187: {  	[tilespmem:s3+$0x50] =	vst.add.f32.msk $0xffff, v3  }
0x188: {  	[tilespmem:s2+$0x40] =	vst.add.f32.msk $0xffff, v4  }
0x189: {  	[tilespmem:s2+$0x50] =	vst.add.f32.msk $0xffff, v3  }
0x18a: {  	v3 =	vld.idx.msk [tilespmem:v2+s25+$0xB0 ss:$0x1], $0xffff;
	_ =	sdelay $0x4  }
0x18b: {  	v4 =	vshll.u32 v3, $0x10  }
0x18c: {  	v3 =	vand.u32 $0xFFFF0000, v3;
	[tilespmem:s26+$0x860] =	vst.add.f32.msk $0xffff, v4  }
0x18d: {  	[tilespmem:s26+$0x870] =	vst.add.f32.msk $0xffff, v3  }
0x18e: {  	[tilespmem:s7+$0x60] =	vst.add.f32.msk $0xffff, v4  }
0x18f: {  	[tilespmem:s7+$0x70] =	vst.add.f32.msk $0xffff, v3  }
0x190: {  	[tilespmem:s3+$0x60] =	vst.add.f32.msk $0xffff, v4  }
0x191: {  	[tilespmem:s3+$0x70] =	vst.add.f32.msk $0xffff, v3  }
0x192: {  	[tilespmem:s2+$0x60] =	vst.add.f32.msk $0xffff, v4  }
0x193: {  	[tilespmem:s2+$0x70] =	vst.add.f32.msk $0xffff, v3  }
0x194: {  	v3 =	vld.idx.msk [tilespmem:v2+s25+$0xC0 ss:$0x1], $0xffff;
	_ =	sdelay $0x4  }
0x195: {  	v4 =	vshll.u32 v3, $0x10  }
0x196: {  	s28 =	sadd.s32 $0x8600, s8;
	v3 =	vand.u32 $0xFFFF0000, v3;
	[tilespmem:s26+$0xC00] =	vst.add.f32.msk $0xffff, v4  }
0x197: {  	s16 =	sadd.s32 $0x0, s28;
	[tilespmem:s26+$0xC10] =	vst.add.f32.msk $0xffff, v3  }
0x198: {  	s6 =	sadd.s32 $0x9E00, s8;
	[tilespmem:s16+$0x0] =	vst.add.f32.msk $0xffff, v4  }
0x199: {  	s17 =	sadd.s32 $0x0, s6;
	[tilespmem:s16+$0x10] =	vst.add.f32.msk $0xffff, v3  }
0x19a: {  	s7 =	sadd.s32 $0xB600, s8;
	[tilespmem:s17+$0x0] =	vst.add.f32.msk $0xffff, v4  }
0x19b: {  	s21 =	sadd.s32 $0x0, s7;
	[tilespmem:s17+$0x10] =	vst.add.f32.msk $0xffff, v3  }
0x19c: {  	[tilespmem:s21+$0x0] =	vst.add.f32.msk $0xffff, v4  }
0x19d: {  	[tilespmem:s21+$0x10] =	vst.add.f32.msk $0xffff, v3  }
0x19e: {  	v3 =	vld.idx.msk [tilespmem:v2+s25+$0xD0 ss:$0x1], $0xffff;
	_ =	sdelay $0x4  }
0x19f: {  	v4 =	vshll.u32 v3, $0x10  }
0x1a0: {  	v3 =	vand.u32 $0xFFFF0000, v3;
	[tilespmem:s26+$0xC20] =	vst.add.f32.msk $0xffff, v4  }
0x1a1: {  	[tilespmem:s26+$0xC30] =	vst.add.f32.msk $0xffff, v3  }
0x1a2: {  	[tilespmem:s16+$0x20] =	vst.add.f32.msk $0xffff, v4  }
0x1a3: {  	[tilespmem:s16+$0x30] =	vst.add.f32.msk $0xffff, v3  }
0x1a4: {  	[tilespmem:s17+$0x20] =	vst.add.f32.msk $0xffff, v4  }
0x1a5: {  	[tilespmem:s17+$0x30] =	vst.add.f32.msk $0xffff, v3  }
0x1a6: {  	[tilespmem:s21+$0x20] =	vst.add.f32.msk $0xffff, v4  }
0x1a7: {  	[tilespmem:s21+$0x30] =	vst.add.f32.msk $0xffff, v3  }
0x1a8: {  	v3 =	vld.idx.msk [tilespmem:v2+s25+$0xE0 ss:$0x1], $0xffff;
	_ =	sdelay $0x4  }
0x1a9: {  	v4 =	vshll.u32 v3, $0x10  }
0x1aa: {  	v3 =	vand.u32 $0xFFFF0000, v3;
	[tilespmem:s26+$0xC40] =	vst.add.f32.msk $0xffff, v4  }
0x1ab: {  	[tilespmem:s26+$0xC50] =	vst.add.f32.msk $0xffff, v3  }
0x1ac: {  	[tilespmem:s16+$0x40] =	vst.add.f32.msk $0xffff, v4  }
0x1ad: {  	[tilespmem:s16+$0x50] =	vst.add.f32.msk $0xffff, v3  }
0x1ae: {  	[tilespmem:s17+$0x40] =	vst.add.f32.msk $0xffff, v4  }
0x1af: {  	[tilespmem:s17+$0x50] =	vst.add.f32.msk $0xffff, v3  }
0x1b0: {  	[tilespmem:s21+$0x40] =	vst.add.f32.msk $0xffff, v4  }
0x1b1: {  	[tilespmem:s21+$0x50] =	vst.add.f32.msk $0xffff, v3  }
0x1b2: {  	v3 =	vld.idx.msk [tilespmem:v2+s25+$0xF0 ss:$0x1], $0xffff;
	_ =	sdelay $0x4  }
0x1b3: {  	v4 =	vshll.u32 v3, $0x10  }
0x1b4: {  	v3 =	vand.u32 $0xFFFF0000, v3;
	[tilespmem:s26+$0xC60] =	vst.add.f32.msk $0xffff, v4  }
0x1b5: {  	[tilespmem:s26+$0xC70] =	vst.add.f32.msk $0xffff, v3  }
0x1b6: {  	[tilespmem:s16+$0x60] =	vst.add.f32.msk $0xffff, v4  }
0x1b7: {  	[tilespmem:s16+$0x70] =	vst.add.f32.msk $0xffff, v3  }
0x1b8: {  	[tilespmem:s17+$0x60] =	vst.add.f32.msk $0xffff, v4  }
0x1b9: {  	[tilespmem:s17+$0x70] =	vst.add.f32.msk $0xffff, v3  }
0x1ba: {  	[tilespmem:s21+$0x60] =	vst.add.f32.msk $0xffff, v4  }
0x1bb: {  	[tilespmem:s21+$0x70] =	vst.add.f32.msk $0xffff, v3  }
0x1bc: {  	v3 =	vld.idx.msk [tilespmem:v2+s25+$0x100 ss:$0x1], $0xffff;
	_ =	sdelay $0x4  }
0x1bd: {  	v4 =	vshll.u32 v3, $0x10  }
0x1be: {  	s5 =	sadd.s32 $0x8A00, s8;
	v3 =	vand.u32 $0xFFFF0000, v3;
	[tilespmem:s26+$0x1000] =	vst.add.f32.msk $0xffff, v4  }
0x1bf: {  	s2 =	sadd.s32 $0x0, s5;
	[tilespmem:s26+$0x1010] =	vst.add.f32.msk $0xffff, v3  }
0x1c0: {  	s29 =	sadd.s32 $0xA200, s8;
	[tilespmem:s2+$0x0] =	vst.add.f32.msk $0xffff, v4  }
0x1c1: {  	s17 =	sadd.s32 $0x0, s29;
	[tilespmem:s2+$0x10] =	vst.add.f32.msk $0xffff, v3  }
0x1c2: {  	s21 =	sadd.s32 $0xBA00, s8;
	[tilespmem:s17+$0x0] =	vst.add.f32.msk $0xffff, v4  }
0x1c3: {  	s3 =	sadd.s32 $0x0, s21;
	[tilespmem:s17+$0x10] =	vst.add.f32.msk $0xffff, v3  }
0x1c4: {  	[tilespmem:s3+$0x0] =	vst.add.f32.msk $0xffff, v4  }
0x1c5: {  	[tilespmem:s3+$0x10] =	vst.add.f32.msk $0xffff, v3  }
0x1c6: {  	v4 =	vld.idx.msk [tilespmem:v2+s25+$0x110 ss:$0x1], $0xffff;
	_ =	sdelay $0x4  }
0x1c7: {  	s30 =	simm.s32 $0x1;
	s31 =	simm.s32 $0x0;
	v3 =	vshll.u32 v4, $0x10  }
0x1c8: {  	s9 =	sadd.s32 $0xA600, s8;
	s16 =	sadd.s32 $0x8E00, s8;
	s8 =	sadd.s32 $0xBE00, s8;
	v4 =	vand.u32 $0xFFFF0000, v4;
	[tilespmem:s26+$0x1020] =	vst.add.f32.msk $0xffff, v3  }
.LBB2_3:
0x1c9: {  	[tilespmem:s26+$0x1030] =	vst.add.f32.msk $0xffff, v4  }
0x1ca: {  	[tilespmem:s2+$0x20] =	vst.add.f32.msk $0xffff, v3  }
0x1cb: {  	[tilespmem:s2+$0x30] =	vst.add.f32.msk $0xffff, v4  }
0x1cc: {  	[tilespmem:s17+$0x20] =	vst.add.f32.msk $0xffff, v3  }
0x1cd: {  	[tilespmem:s17+$0x30] =	vst.add.f32.msk $0xffff, v4  }
0x1ce: {  	[tilespmem:s3+$0x20] =	vst.add.f32.msk $0xffff, v3  }
0x1cf: {  	[tilespmem:s3+$0x30] =	vst.add.f32.msk $0xffff, v4  }
0x1d0: {  	v3 =	vld.idx.msk [tilespmem:v2+s25+$0x120 ss:$0x1], $0xffff;
	_ =	sdelay $0x4  }
0x1d1: {  	v4 =	vshll.u32 v3, $0x10  }
0x1d2: {  	v3 =	vand.u32 $0xFFFF0000, v3;
	[tilespmem:s26+$0x1040] =	vst.add.f32.msk $0xffff, v4  }
0x1d3: {  	[tilespmem:s26+$0x1050] =	vst.add.f32.msk $0xffff, v3  }
0x1d4: {  	[tilespmem:s2+$0x40] =	vst.add.f32.msk $0xffff, v4  }
0x1d5: {  	[tilespmem:s2+$0x50] =	vst.add.f32.msk $0xffff, v3  }
0x1d6: {  	[tilespmem:s17+$0x40] =	vst.add.f32.msk $0xffff, v4  }
0x1d7: {  	[tilespmem:s17+$0x50] =	vst.add.f32.msk $0xffff, v3  }
0x1d8: {  	[tilespmem:s3+$0x40] =	vst.add.f32.msk $0xffff, v4  }
0x1d9: {  	[tilespmem:s3+$0x50] =	vst.add.f32.msk $0xffff, v3  }
0x1da: {  	v3 =	vld.idx.msk [tilespmem:v2+s25+$0x130 ss:$0x1], $0xffff;
	_ =	sdelay $0x4  }
0x1db: {  	v4 =	vshll.u32 v3, $0x10  }
0x1dc: {  	v3 =	vand.u32 $0xFFFF0000, v3;
	[tilespmem:s26+$0x1060] =	vst.add.f32.msk $0xffff, v4  }
0x1dd: {  	[tilespmem:s26+$0x1070] =	vst.add.f32.msk $0xffff, v3  }
0x1de: {  	[tilespmem:s2+$0x60] =	vst.add.f32.msk $0xffff, v4  }
0x1df: {  	[tilespmem:s2+$0x70] =	vst.add.f32.msk $0xffff, v3  }
0x1e0: {  	[tilespmem:s17+$0x60] =	vst.add.f32.msk $0xffff, v4  }
0x1e1: {  	[tilespmem:s17+$0x70] =	vst.add.f32.msk $0xffff, v3  }
0x1e2: {  	[tilespmem:s3+$0x60] =	vst.add.f32.msk $0xffff, v4  }
0x1e3: {  	[tilespmem:s3+$0x70] =	vst.add.f32.msk $0xffff, v3  }
0x1e4: {  	v3 =	vld.idx.msk [tilespmem:v2+s25+$0x140 ss:$0x1], $0xffff;
	_ =	sdelay $0x4  }
0x1e5: {  	v4 =	vshll.u32 v3, $0x10  }
0x1e6: {  	v3 =	vand.u32 $0xFFFF0000, v3;
	[tilespmem:s26+$0x1400] =	vst.add.f32.msk $0xffff, v4  }
0x1e7: {  	s2 =	sadd.s32 s31, s16;
	[tilespmem:s26+$0x1410] =	vst.add.f32.msk $0xffff, v3  }
0x1e8: {  	[tilespmem:s2+$0x0] =	vst.add.f32.msk $0xffff, v4  }
0x1e9: {  	s3 =	sadd.s32 s31, s9;
	[tilespmem:s2+$0x10] =	vst.add.f32.msk $0xffff, v3  }
0x1ea: {  	[tilespmem:s3+$0x0] =	vst.add.f32.msk $0xffff, v4  }
0x1eb: {  	s17 =	sadd.s32 s31, s8;
	[tilespmem:s3+$0x10] =	vst.add.f32.msk $0xffff, v3  }
0x1ec: {  	[tilespmem:s17+$0x0] =	vst.add.f32.msk $0xffff, v4  }
0x1ed: {  	[tilespmem:s17+$0x10] =	vst.add.f32.msk $0xffff, v3  }
0x1ee: {  	v3 =	vld.idx.msk [tilespmem:v2+s25+$0x150 ss:$0x1], $0xffff;
	_ =	sdelay $0x4  }
0x1ef: {  	v4 =	vshll.u32 v3, $0x10  }
0x1f0: {  	v3 =	vand.u32 $0xFFFF0000, v3;
	[tilespmem:s26+$0x1420] =	vst.add.f32.msk $0xffff, v4  }
0x1f1: {  	[tilespmem:s26+$0x1430] =	vst.add.f32.msk $0xffff, v3  }
0x1f2: {  	[tilespmem:s2+$0x20] =	vst.add.f32.msk $0xffff, v4  }
0x1f3: {  	[tilespmem:s2+$0x30] =	vst.add.f32.msk $0xffff, v3  }
0x1f4: {  	[tilespmem:s3+$0x20] =	vst.add.f32.msk $0xffff, v4  }
0x1f5: {  	[tilespmem:s3+$0x30] =	vst.add.f32.msk $0xffff, v3  }
0x1f6: {  	[tilespmem:s17+$0x20] =	vst.add.f32.msk $0xffff, v4  }
0x1f7: {  	[tilespmem:s17+$0x30] =	vst.add.f32.msk $0xffff, v3  }
0x1f8: {  	v3 =	vld.idx.msk [tilespmem:v2+s25+$0x160 ss:$0x1], $0xffff;
	_ =	sdelay $0x4  }
0x1f9: {  	v4 =	vshll.u32 v3, $0x10  }
0x1fa: {  	v3 =	vand.u32 $0xFFFF0000, v3;
	[tilespmem:s26+$0x1440] =	vst.add.f32.msk $0xffff, v4  }
0x1fb: {  	[tilespmem:s26+$0x1450] =	vst.add.f32.msk $0xffff, v3  }
0x1fc: {  	[tilespmem:s2+$0x40] =	vst.add.f32.msk $0xffff, v4  }
0x1fd: {  	[tilespmem:s2+$0x50] =	vst.add.f32.msk $0xffff, v3  }
0x1fe: {  	[tilespmem:s3+$0x40] =	vst.add.f32.msk $0xffff, v4  }
0x1ff: {  	[tilespmem:s3+$0x50] =	vst.add.f32.msk $0xffff, v3  }
0x200: {  	[tilespmem:s17+$0x40] =	vst.add.f32.msk $0xffff, v4  }
0x201: {  	[tilespmem:s17+$0x50] =	vst.add.f32.msk $0xffff, v3  }
0x202: {  	v3 =	vld.idx.msk [tilespmem:v2+s25+$0x170 ss:$0x1], $0xffff;
	_ =	sdelay $0x4  }
0x203: {  	v4 =	vshll.u32 v3, $0x10  }
0x204: {  	v3 =	vand.u32 $0xFFFF0000, v3;
	[tilespmem:s26+$0x1460] =	vst.add.f32.msk $0xffff, v4  }
0x205: {  	[tilespmem:s26+$0x1470] =	vst.add.f32.msk $0xffff, v3  }
0x206: {  	[tilespmem:s2+$0x60] =	vst.add.f32.msk $0xffff, v4  }
0x207: {  	[tilespmem:s2+$0x70] =	vst.add.f32.msk $0xffff, v3  }
0x208: {  	s0 =	smov.u32 s30;
	[tilespmem:s3+$0x60] =	vst.add.f32.msk $0xffff, v4  }
0x209: {  	s26 =	smul.u32 $0x600, s0;
	[tilespmem:s3+$0x70] =	vst.add.f32.msk $0xffff, v3  }
0x20a: {  	[tilespmem:s17+$0x60] =	vst.add.f32.msk $0xffff, v4  }
0x20b: {  	s25 =	sshra.s32 s26, $0x2;
	[tilespmem:s17+$0x70] =	vst.add.f32.msk $0xffff, v3  }
0x20c: {  	v3 =	vld.idx.msk [tilespmem:v2+s25+$0x0 ss:$0x1], $0xffff;
	_ =	sdelay $0x3  }
0x20d: {  	s31 =	sshll.u32 s0, $0x7  }
0x20e: {  	s26 =	sadd.s32 s31, s20;
	v4 =	vshll.u32 v3, $0x10  }
0x20f: {  	v3 =	vand.u32 $0xFFFF0000, v3;
	[tilespmem:s26+$0x0] =	vst.add.f32.msk $0xffff, v4  }
0x210: {  	s17 =	sadd.s32 s31, s22;
	[tilespmem:s26+$0x10] =	vst.add.f32.msk $0xffff, v3  }
0x211: {  	[tilespmem:s17+$0x0] =	vst.add.f32.msk $0xffff, v4  }
0x212: {  	s0 =	sadd.s32 s31, s23;
	[tilespmem:s17+$0x10] =	vst.add.f32.msk $0xffff, v3  }
0x213: {  	[tilespmem:s0+$0x0] =	vst.add.f32.msk $0xffff, v4  }
0x214: {  	s3 =	sadd.s32 s31, s24;
	[tilespmem:s0+$0x10] =	vst.add.f32.msk $0xffff, v3  }
0x215: {  	[tilespmem:s3+$0x0] =	vst.add.f32.msk $0xffff, v4  }
0x216: {  	[tilespmem:s3+$0x10] =	vst.add.f32.msk $0xffff, v3  }
0x217: {  	v3 =	vld.idx.msk [tilespmem:v2+s25+$0x10 ss:$0x1], $0xffff;
	_ =	sdelay $0x4  }
0x218: {  	v4 =	vshll.u32 v3, $0x10  }
0x219: {  	v3 =	vand.u32 $0xFFFF0000, v3;
	[tilespmem:s26+$0x20] =	vst.add.f32.msk $0xffff, v4  }
0x21a: {  	[tilespmem:s26+$0x30] =	vst.add.f32.msk $0xffff, v3  }
0x21b: {  	[tilespmem:s17+$0x20] =	vst.add.f32.msk $0xffff, v4  }
0x21c: {  	[tilespmem:s17+$0x30] =	vst.add.f32.msk $0xffff, v3  }
0x21d: {  	[tilespmem:s0+$0x20] =	vst.add.f32.msk $0xffff, v4  }
0x21e: {  	[tilespmem:s0+$0x30] =	vst.add.f32.msk $0xffff, v3  }
0x21f: {  	[tilespmem:s3+$0x20] =	vst.add.f32.msk $0xffff, v4  }
0x220: {  	[tilespmem:s3+$0x30] =	vst.add.f32.msk $0xffff, v3  }
0x221: {  	v3 =	vld.idx.msk [tilespmem:v2+s25+$0x20 ss:$0x1], $0xffff;
	_ =	sdelay $0x4  }
0x222: {  	v4 =	vshll.u32 v3, $0x10  }
0x223: {  	v3 =	vand.u32 $0xFFFF0000, v3;
	[tilespmem:s26+$0x40] =	vst.add.f32.msk $0xffff, v4  }
0x224: {  	[tilespmem:s26+$0x50] =	vst.add.f32.msk $0xffff, v3  }
0x225: {  	[tilespmem:s17+$0x40] =	vst.add.f32.msk $0xffff, v4  }
0x226: {  	[tilespmem:s17+$0x50] =	vst.add.f32.msk $0xffff, v3  }
0x227: {  	[tilespmem:s0+$0x40] =	vst.add.f32.msk $0xffff, v4  }
0x228: {  	[tilespmem:s0+$0x50] =	vst.add.f32.msk $0xffff, v3  }
0x229: {  	[tilespmem:s3+$0x40] =	vst.add.f32.msk $0xffff, v4  }
0x22a: {  	[tilespmem:s3+$0x50] =	vst.add.f32.msk $0xffff, v3  }
0x22b: {  	v3 =	vld.idx.msk [tilespmem:v2+s25+$0x30 ss:$0x1], $0xffff;
	_ =	sdelay $0x4  }
0x22c: {  	v4 =	vshll.u32 v3, $0x10  }
0x22d: {  	v3 =	vand.u32 $0xFFFF0000, v3;
	[tilespmem:s26+$0x60] =	vst.add.f32.msk $0xffff, v4  }
0x22e: {  	[tilespmem:s26+$0x70] =	vst.add.f32.msk $0xffff, v3  }
0x22f: {  	[tilespmem:s17+$0x60] =	vst.add.f32.msk $0xffff, v4  }
0x230: {  	[tilespmem:s17+$0x70] =	vst.add.f32.msk $0xffff, v3  }
0x231: {  	[tilespmem:s0+$0x60] =	vst.add.f32.msk $0xffff, v4  }
0x232: {  	[tilespmem:s0+$0x70] =	vst.add.f32.msk $0xffff, v3  }
0x233: {  	[tilespmem:s3+$0x60] =	vst.add.f32.msk $0xffff, v4  }
0x234: {  	[tilespmem:s3+$0x70] =	vst.add.f32.msk $0xffff, v3  }
0x235: {  	v3 =	vld.idx.msk [tilespmem:v2+s25+$0x40 ss:$0x1], $0xffff;
	_ =	sdelay $0x4  }
0x236: {  	v4 =	vshll.u32 v3, $0x10  }
0x237: {  	v3 =	vand.u32 $0xFFFF0000, v3;
	[tilespmem:s26+$0x400] =	vst.add.f32.msk $0xffff, v4  }
0x238: {  	[tilespmem:s26+$0x410] =	vst.add.f32.msk $0xffff, v3  }
0x239: {  	[tilespmem:s17+$0x400] =	vst.add.f32.msk $0xffff, v4  }
0x23a: {  	[tilespmem:s17+$0x410] =	vst.add.f32.msk $0xffff, v3  }
0x23b: {  	[tilespmem:s0+$0x400] =	vst.add.f32.msk $0xffff, v4  }
0x23c: {  	[tilespmem:s0+$0x410] =	vst.add.f32.msk $0xffff, v3  }
0x23d: {  	[tilespmem:s3+$0x400] =	vst.add.f32.msk $0xffff, v4  }
0x23e: {  	[tilespmem:s3+$0x410] =	vst.add.f32.msk $0xffff, v3  }
0x23f: {  	v3 =	vld.idx.msk [tilespmem:v2+s25+$0x50 ss:$0x1], $0xffff;
	_ =	sdelay $0x4  }
0x240: {  	v4 =	vshll.u32 v3, $0x10  }
0x241: {  	v3 =	vand.u32 $0xFFFF0000, v3;
	[tilespmem:s26+$0x420] =	vst.add.f32.msk $0xffff, v4  }
0x242: {  	[tilespmem:s26+$0x430] =	vst.add.f32.msk $0xffff, v3  }
0x243: {  	[tilespmem:s17+$0x420] =	vst.add.f32.msk $0xffff, v4  }
0x244: {  	[tilespmem:s17+$0x430] =	vst.add.f32.msk $0xffff, v3  }
0x245: {  	[tilespmem:s0+$0x420] =	vst.add.f32.msk $0xffff, v4  }
0x246: {  	[tilespmem:s0+$0x430] =	vst.add.f32.msk $0xffff, v3  }
0x247: {  	[tilespmem:s3+$0x420] =	vst.add.f32.msk $0xffff, v4  }
0x248: {  	[tilespmem:s3+$0x430] =	vst.add.f32.msk $0xffff, v3  }
0x249: {  	v3 =	vld.idx.msk [tilespmem:v2+s25+$0x60 ss:$0x1], $0xffff;
	_ =	sdelay $0x4  }
0x24a: {  	v4 =	vshll.u32 v3, $0x10  }
0x24b: {  	v3 =	vand.u32 $0xFFFF0000, v3;
	[tilespmem:s26+$0x440] =	vst.add.f32.msk $0xffff, v4  }
0x24c: {  	[tilespmem:s26+$0x450] =	vst.add.f32.msk $0xffff, v3  }
0x24d: {  	[tilespmem:s17+$0x440] =	vst.add.f32.msk $0xffff, v4  }
0x24e: {  	[tilespmem:s17+$0x450] =	vst.add.f32.msk $0xffff, v3  }
0x24f: {  	[tilespmem:s0+$0x440] =	vst.add.f32.msk $0xffff, v4  }
0x250: {  	[tilespmem:s0+$0x450] =	vst.add.f32.msk $0xffff, v3  }
0x251: {  	[tilespmem:s3+$0x440] =	vst.add.f32.msk $0xffff, v4  }
0x252: {  	[tilespmem:s3+$0x450] =	vst.add.f32.msk $0xffff, v3  }
0x253: {  	v3 =	vld.idx.msk [tilespmem:v2+s25+$0x70 ss:$0x1], $0xffff;
	_ =	sdelay $0x4  }
0x254: {  	v4 =	vshll.u32 v3, $0x10  }
0x255: {  	v3 =	vand.u32 $0xFFFF0000, v3;
	[tilespmem:s26+$0x460] =	vst.add.f32.msk $0xffff, v4  }
0x256: {  	[tilespmem:s26+$0x470] =	vst.add.f32.msk $0xffff, v3  }
0x257: {  	[tilespmem:s17+$0x460] =	vst.add.f32.msk $0xffff, v4  }
0x258: {  	[tilespmem:s17+$0x470] =	vst.add.f32.msk $0xffff, v3  }
0x259: {  	[tilespmem:s0+$0x460] =	vst.add.f32.msk $0xffff, v4  }
0x25a: {  	[tilespmem:s0+$0x470] =	vst.add.f32.msk $0xffff, v3  }
0x25b: {  	[tilespmem:s3+$0x460] =	vst.add.f32.msk $0xffff, v4  }
0x25c: {  	[tilespmem:s3+$0x470] =	vst.add.f32.msk $0xffff, v3  }
0x25d: {  	v3 =	vld.idx.msk [tilespmem:v2+s25+$0x80 ss:$0x1], $0xffff;
	_ =	sdelay $0x4  }
0x25e: {  	v4 =	vshll.u32 v3, $0x10  }
0x25f: {  	s2 =	rddreg [dreg:$0x5];
	v3 =	vand.u32 $0xFFFF0000, v3;
	[tilespmem:s26+$0x800] =	vst.add.f32.msk $0xffff, v4  }
0x260: {  	s0 =	sadd.s32 s31, s2;
	[tilespmem:s26+$0x810] =	vst.add.f32.msk $0xffff, v3  }
0x261: {  	s3 =	rddreg [dreg:$0x6];
	[tilespmem:s0+$0x0] =	vst.add.f32.msk $0xffff, v4  }
0x262: {  	s2 =	sadd.s32 s31, s3;
	[tilespmem:s0+$0x10] =	vst.add.f32.msk $0xffff, v3  }
0x263: {  	s17 =	rddreg [dreg:$0x7];
	[tilespmem:s2+$0x0] =	vst.add.f32.msk $0xffff, v4  }
0x264: {  	s3 =	sadd.s32 s31, s17;
	[tilespmem:s2+$0x10] =	vst.add.f32.msk $0xffff, v3  }
0x265: {  	[tilespmem:s3+$0x0] =	vst.add.f32.msk $0xffff, v4  }
0x266: {  	[tilespmem:s3+$0x10] =	vst.add.f32.msk $0xffff, v3  }
0x267: {  	v3 =	vld.idx.msk [tilespmem:v2+s25+$0x90 ss:$0x1], $0xffff;
	_ =	sdelay $0x4  }
0x268: {  	v4 =	vshll.u32 v3, $0x10  }
0x269: {  	v3 =	vand.u32 $0xFFFF0000, v3;
	[tilespmem:s26+$0x820] =	vst.add.f32.msk $0xffff, v4  }
0x26a: {  	[tilespmem:s26+$0x830] =	vst.add.f32.msk $0xffff, v3  }
0x26b: {  	[tilespmem:s0+$0x20] =	vst.add.f32.msk $0xffff, v4  }
0x26c: {  	[tilespmem:s0+$0x30] =	vst.add.f32.msk $0xffff, v3  }
0x26d: {  	[tilespmem:s2+$0x20] =	vst.add.f32.msk $0xffff, v4  }
0x26e: {  	[tilespmem:s2+$0x30] =	vst.add.f32.msk $0xffff, v3  }
0x26f: {  	[tilespmem:s3+$0x20] =	vst.add.f32.msk $0xffff, v4  }
0x270: {  	[tilespmem:s3+$0x30] =	vst.add.f32.msk $0xffff, v3  }
0x271: {  	v3 =	vld.idx.msk [tilespmem:v2+s25+$0xA0 ss:$0x1], $0xffff;
	_ =	sdelay $0x4  }
0x272: {  	v4 =	vshll.u32 v3, $0x10  }
0x273: {  	v3 =	vand.u32 $0xFFFF0000, v3;
	[tilespmem:s26+$0x840] =	vst.add.f32.msk $0xffff, v4  }
0x274: {  	[tilespmem:s26+$0x850] =	vst.add.f32.msk $0xffff, v3  }
0x275: {  	[tilespmem:s0+$0x40] =	vst.add.f32.msk $0xffff, v4  }
0x276: {  	[tilespmem:s0+$0x50] =	vst.add.f32.msk $0xffff, v3  }
0x277: {  	[tilespmem:s2+$0x40] =	vst.add.f32.msk $0xffff, v4  }
0x278: {  	[tilespmem:s2+$0x50] =	vst.add.f32.msk $0xffff, v3  }
0x279: {  	[tilespmem:s3+$0x40] =	vst.add.f32.msk $0xffff, v4  }
0x27a: {  	[tilespmem:s3+$0x50] =	vst.add.f32.msk $0xffff, v3  }
0x27b: {  	v3 =	vld.idx.msk [tilespmem:v2+s25+$0xB0 ss:$0x1], $0xffff;
	_ =	sdelay $0x4  }
0x27c: {  	v4 =	vshll.u32 v3, $0x10  }
0x27d: {  	v3 =	vand.u32 $0xFFFF0000, v3;
	[tilespmem:s26+$0x860] =	vst.add.f32.msk $0xffff, v4  }
0x27e: {  	[tilespmem:s26+$0x870] =	vst.add.f32.msk $0xffff, v3  }
0x27f: {  	[tilespmem:s0+$0x60] =	vst.add.f32.msk $0xffff, v4  }
0x280: {  	[tilespmem:s0+$0x70] =	vst.add.f32.msk $0xffff, v3  }
0x281: {  	[tilespmem:s2+$0x60] =	vst.add.f32.msk $0xffff, v4  }
0x282: {  	[tilespmem:s2+$0x70] =	vst.add.f32.msk $0xffff, v3  }
0x283: {  	[tilespmem:s3+$0x60] =	vst.add.f32.msk $0xffff, v4  }
0x284: {  	[tilespmem:s3+$0x70] =	vst.add.f32.msk $0xffff, v3  }
0x285: {  	v3 =	vld.idx.msk [tilespmem:v2+s25+$0xC0 ss:$0x1], $0xffff;
	_ =	sdelay $0x4  }
0x286: {  	v4 =	vshll.u32 v3, $0x10  }
0x287: {  	v3 =	vand.u32 $0xFFFF0000, v3;
	[tilespmem:s26+$0xC00] =	vst.add.f32.msk $0xffff, v4  }
0x288: {  	s2 =	sadd.s32 s31, s28;
	[tilespmem:s26+$0xC10] =	vst.add.f32.msk $0xffff, v3  }
0x289: {  	[tilespmem:s2+$0x0] =	vst.add.f32.msk $0xffff, v4  }
0x28a: {  	s3 =	sadd.s32 s31, s6;
	[tilespmem:s2+$0x10] =	vst.add.f32.msk $0xffff, v3  }
0x28b: {  	[tilespmem:s3+$0x0] =	vst.add.f32.msk $0xffff, v4  }
0x28c: {  	s17 =	sadd.s32 s31, s7;
	[tilespmem:s3+$0x10] =	vst.add.f32.msk $0xffff, v3  }
0x28d: {  	[tilespmem:s17+$0x0] =	vst.add.f32.msk $0xffff, v4  }
0x28e: {  	[tilespmem:s17+$0x10] =	vst.add.f32.msk $0xffff, v3  }
0x28f: {  	v3 =	vld.idx.msk [tilespmem:v2+s25+$0xD0 ss:$0x1], $0xffff;
	_ =	sdelay $0x4  }
0x290: {  	v4 =	vshll.u32 v3, $0x10  }
0x291: {  	v3 =	vand.u32 $0xFFFF0000, v3;
	[tilespmem:s26+$0xC20] =	vst.add.f32.msk $0xffff, v4  }
0x292: {  	[tilespmem:s26+$0xC30] =	vst.add.f32.msk $0xffff, v3  }
0x293: {  	[tilespmem:s2+$0x20] =	vst.add.f32.msk $0xffff, v4  }
0x294: {  	[tilespmem:s2+$0x30] =	vst.add.f32.msk $0xffff, v3  }
0x295: {  	[tilespmem:s3+$0x20] =	vst.add.f32.msk $0xffff, v4  }
0x296: {  	[tilespmem:s3+$0x30] =	vst.add.f32.msk $0xffff, v3  }
0x297: {  	[tilespmem:s17+$0x20] =	vst.add.f32.msk $0xffff, v4  }
0x298: {  	[tilespmem:s17+$0x30] =	vst.add.f32.msk $0xffff, v3  }
0x299: {  	v3 =	vld.idx.msk [tilespmem:v2+s25+$0xE0 ss:$0x1], $0xffff;
	_ =	sdelay $0x4  }
0x29a: {  	v4 =	vshll.u32 v3, $0x10  }
0x29b: {  	v3 =	vand.u32 $0xFFFF0000, v3;
	[tilespmem:s26+$0xC40] =	vst.add.f32.msk $0xffff, v4  }
0x29c: {  	[tilespmem:s26+$0xC50] =	vst.add.f32.msk $0xffff, v3  }
0x29d: {  	[tilespmem:s2+$0x40] =	vst.add.f32.msk $0xffff, v4  }
0x29e: {  	[tilespmem:s2+$0x50] =	vst.add.f32.msk $0xffff, v3  }
0x29f: {  	[tilespmem:s3+$0x40] =	vst.add.f32.msk $0xffff, v4  }
0x2a0: {  	[tilespmem:s3+$0x50] =	vst.add.f32.msk $0xffff, v3  }
0x2a1: {  	[tilespmem:s17+$0x40] =	vst.add.f32.msk $0xffff, v4  }
0x2a2: {  	[tilespmem:s17+$0x50] =	vst.add.f32.msk $0xffff, v3  }
0x2a3: {  	v3 =	vld.idx.msk [tilespmem:v2+s25+$0xF0 ss:$0x1], $0xffff;
	_ =	sdelay $0x4  }
0x2a4: {  	v4 =	vshll.u32 v3, $0x10  }
0x2a5: {  	v3 =	vand.u32 $0xFFFF0000, v3;
	[tilespmem:s26+$0xC60] =	vst.add.f32.msk $0xffff, v4  }
0x2a6: {  	[tilespmem:s26+$0xC70] =	vst.add.f32.msk $0xffff, v3  }
0x2a7: {  	[tilespmem:s2+$0x60] =	vst.add.f32.msk $0xffff, v4  }
0x2a8: {  	[tilespmem:s2+$0x70] =	vst.add.f32.msk $0xffff, v3  }
0x2a9: {  	[tilespmem:s3+$0x60] =	vst.add.f32.msk $0xffff, v4  }
0x2aa: {  	[tilespmem:s3+$0x70] =	vst.add.f32.msk $0xffff, v3  }
0x2ab: {  	[tilespmem:s17+$0x60] =	vst.add.f32.msk $0xffff, v4  }
0x2ac: {  	[tilespmem:s17+$0x70] =	vst.add.f32.msk $0xffff, v3  }
0x2ad: {  	v3 =	vld.idx.msk [tilespmem:v2+s25+$0x100 ss:$0x1], $0xffff;
	_ =	sdelay $0x4  }
0x2ae: {  	v4 =	vshll.u32 v3, $0x10  }
0x2af: {  	v3 =	vand.u32 $0xFFFF0000, v3;
	[tilespmem:s26+$0x1000] =	vst.add.f32.msk $0xffff, v4  }
0x2b0: {  	s2 =	sadd.s32 s31, s5;
	[tilespmem:s26+$0x1010] =	vst.add.f32.msk $0xffff, v3  }
0x2b1: {  	[tilespmem:s2+$0x0] =	vst.add.f32.msk $0xffff, v4  }
0x2b2: {  	s17 =	sadd.s32 s31, s29;
	[tilespmem:s2+$0x10] =	vst.add.f32.msk $0xffff, v3  }
0x2b3: {  	[tilespmem:s17+$0x0] =	vst.add.f32.msk $0xffff, v4  }
0x2b4: {  	s3 =	sadd.s32 s31, s21;
	[tilespmem:s17+$0x10] =	vst.add.f32.msk $0xffff, v3  }
0x2b5: {  	[tilespmem:s3+$0x0] =	vst.add.f32.msk $0xffff, v4  }
0x2b6: {  	[tilespmem:s3+$0x10] =	vst.add.f32.msk $0xffff, v3  }
0x2b7: {  	v4 =	vld.idx.msk [tilespmem:v2+s25+$0x110 ss:$0x1], $0xffff  }
0x2b8: {  	p0 =	sne.s32 s30, $0x7  }
.Ltmp4:
0x2b9: {  	_ = 	snop;
	(pc) =	sbr.rel @p0 .LBB2_3-.Ltmp4, $3  }
0x2ba: {  	_ =	sdelay $0x1  }
0x2bb: {  	v3 =	vshll.u32 v4, $0x10  }
0x2bc: {  	s30 =	sadd.s32 $0x1, s30;
	v4 =	vand.u32 $0xFFFF0000, v4;
	[tilespmem:s26+$0x1020] =	vst.add.f32.msk $0xffff, v3  }
0x2bd: {  	[tilespmem:s26+$0x1030] =	vst.add.f32.msk $0xffff, v4  }
0x2be: {  	[tilespmem:s2+$0x20] =	vst.add.f32.msk $0xffff, v3  }
0x2bf: {  	[tilespmem:s2+$0x30] =	vst.add.f32.msk $0xffff, v4  }
0x2c0: {  	[tilespmem:s17+$0x20] =	vst.add.f32.msk $0xffff, v3  }
0x2c1: {  	[tilespmem:s17+$0x30] =	vst.add.f32.msk $0xffff, v4  }
0x2c2: {  	[tilespmem:s3+$0x20] =	vst.add.f32.msk $0xffff, v3  }
0x2c3: {  	[tilespmem:s3+$0x30] =	vst.add.f32.msk $0xffff, v4  }
0x2c4: {  	v3 =	vld.idx.msk [tilespmem:v2+s25+$0x120 ss:$0x1], $0xffff;
	_ =	sdelay $0x4  }
0x2c5: {  	v59 =	vshll.u32 v3, $0x10  }
0x2c6: {  	v3 =	vand.u32 $0xFFFF0000, v3;
	[tilespmem:s26+$0x1040] =	vst.add.f32.msk $0xffff, v59  }
0x2c7: {  	[tilespmem:s26+$0x1050] =	vst.add.f32.msk $0xffff, v3  }
0x2c8: {  	[tilespmem:s2+$0x40] =	vst.add.f32.msk $0xffff, v59  }
0x2c9: {  	[tilespmem:s2+$0x50] =	vst.add.f32.msk $0xffff, v3  }
0x2ca: {  	[tilespmem:s17+$0x40] =	vst.add.f32.msk $0xffff, v59  }
0x2cb: {  	[tilespmem:s17+$0x50] =	vst.add.f32.msk $0xffff, v3  }
0x2cc: {  	[tilespmem:s3+$0x40] =	vst.add.f32.msk $0xffff, v59  }
0x2cd: {  	[tilespmem:s3+$0x50] =	vst.add.f32.msk $0xffff, v3  }
0x2ce: {  	v3 =	vld.idx.msk [tilespmem:v2+s25+$0x130 ss:$0x1], $0xffff;
	_ =	sdelay $0x4  }
0x2cf: {  	v60 =	vshll.u32 v3, $0x10  }
0x2d0: {  	v3 =	vand.u32 $0xFFFF0000, v3;
	[tilespmem:s26+$0x1060] =	vst.add.f32.msk $0xffff, v60  }
0x2d1: {  	[tilespmem:s26+$0x1070] =	vst.add.f32.msk $0xffff, v3  }
0x2d2: {  	[tilespmem:s2+$0x60] =	vst.add.f32.msk $0xffff, v60  }
0x2d3: {  	[tilespmem:s2+$0x70] =	vst.add.f32.msk $0xffff, v3  }
0x2d4: {  	[tilespmem:s17+$0x60] =	vst.add.f32.msk $0xffff, v60  }
0x2d5: {  	[tilespmem:s17+$0x70] =	vst.add.f32.msk $0xffff, v3  }
0x2d6: {  	[tilespmem:s3+$0x60] =	vst.add.f32.msk $0xffff, v60  }
0x2d7: {  	[tilespmem:s3+$0x70] =	vst.add.f32.msk $0xffff, v3  }
0x2d8: {  	v3 =	vld.idx.msk [tilespmem:v2+s25+$0x140 ss:$0x1], $0xffff;
	_ =	sdelay $0x4  }
0x2d9: {  	v61 =	vshll.u32 v3, $0x10  }
0x2da: {  	v3 =	vand.u32 $0xFFFF0000, v3;
	[tilespmem:s26+$0x1400] =	vst.add.f32.msk $0xffff, v61  }
0x2db: {  	s0 =	sadd.s32 s31, s16;
	[tilespmem:s26+$0x1410] =	vst.add.f32.msk $0xffff, v3  }
0x2dc: {  	[tilespmem:s0+$0x0] =	vst.add.f32.msk $0xffff, v61  }
0x2dd: {  	s30 =	sadd.s32 s31, s9;
	[tilespmem:s0+$0x10] =	vst.add.f32.msk $0xffff, v3  }
0x2de: {  	[tilespmem:s30+$0x0] =	vst.add.f32.msk $0xffff, v61  }
0x2df: {  	s31 =	sadd.s32 s31, s8;
	[tilespmem:s30+$0x10] =	vst.add.f32.msk $0xffff, v3  }
0x2e0: {  	[tilespmem:s31+$0x0] =	vst.add.f32.msk $0xffff, v61  }
0x2e1: {  	[tilespmem:s31+$0x10] =	vst.add.f32.msk $0xffff, v3  }
0x2e2: {  	v3 =	vld.idx.msk [tilespmem:v2+s25+$0x150 ss:$0x1], $0xffff;
	_ =	sdelay $0x4  }
0x2e3: {  	v62 =	vshll.u32 v3, $0x10  }
0x2e4: {  	v3 =	vand.u32 $0xFFFF0000, v3;
	[tilespmem:s26+$0x1420] =	vst.add.f32.msk $0xffff, v62  }
0x2e5: {  	[tilespmem:s26+$0x1430] =	vst.add.f32.msk $0xffff, v3  }
0x2e6: {  	[tilespmem:s0+$0x20] =	vst.add.f32.msk $0xffff, v62  }
0x2e7: {  	[tilespmem:s0+$0x30] =	vst.add.f32.msk $0xffff, v3  }
0x2e8: {  	[tilespmem:s30+$0x20] =	vst.add.f32.msk $0xffff, v62  }
0x2e9: {  	[tilespmem:s30+$0x30] =	vst.add.f32.msk $0xffff, v3  }
0x2ea: {  	[tilespmem:s31+$0x20] =	vst.add.f32.msk $0xffff, v62  }
0x2eb: {  	[tilespmem:s31+$0x30] =	vst.add.f32.msk $0xffff, v3  }
0x2ec: {  	v3 =	vld.idx.msk [tilespmem:v2+s25+$0x160 ss:$0x1], $0xffff;
	_ =	sdelay $0x4  }
0x2ed: {  	v63 =	vshll.u32 v3, $0x10  }
0x2ee: {  	v3 =	vand.u32 $0xFFFF0000, v3;
	[tilespmem:s26+$0x1440] =	vst.add.f32.msk $0xffff, v63  }
0x2ef: {  	[tilespmem:s26+$0x1450] =	vst.add.f32.msk $0xffff, v3  }
0x2f0: {  	[tilespmem:s0+$0x40] =	vst.add.f32.msk $0xffff, v63  }
0x2f1: {  	[tilespmem:s0+$0x50] =	vst.add.f32.msk $0xffff, v3  }
0x2f2: {  	[tilespmem:s30+$0x40] =	vst.add.f32.msk $0xffff, v63  }
0x2f3: {  	[tilespmem:s30+$0x50] =	vst.add.f32.msk $0xffff, v3  }
0x2f4: {  	[tilespmem:s31+$0x40] =	vst.add.f32.msk $0xffff, v63  }
0x2f5: {  	[tilespmem:s31+$0x50] =	vst.add.f32.msk $0xffff, v3  }
0x2f6: {  	v2 =	vld.idx.msk [tilespmem:v2+s25+$0x170 ss:$0x1], $0xffff;
	_ =	sdelay $0x4  }
0x2f7: {  	v3 =	vshll.u32 v2, $0x10  }
0x2f8: {  	v2 =	vand.u32 $0xFFFF0000, v2;
	[tilespmem:s26+$0x1460] =	vst.add.f32.msk $0xffff, v3  }
0x2f9: {  	[tilespmem:s26+$0x1470] =	vst.add.f32.msk $0xffff, v2  }
0x2fa: {  	p0 =	sgt.u32 s18, $0x4;
	[tilespmem:s0+$0x60] =	vst.add.f32.msk $0xffff, v3  }
.Ltmp5:
0x2fb: {  	[tilespmem:s0+$0x70] =	vst.add.f32.msk $0xffff, v2;
	(pc) =	sbr.rel @p0 .LBB2_6-.Ltmp5, $4  }
0x2fc: {  	[tilespmem:s30+$0x60] =	vst.add.f32.msk $0xffff, v3  }
0x2fd: {  	[tilespmem:s30+$0x70] =	vst.add.f32.msk $0xffff, v2  }
0x2fe: {  	[tilespmem:s31+$0x60] =	vst.add.f32.msk $0xffff, v3  }
0x2ff: {  	[tilespmem:s31+$0x70] =	vst.add.f32.msk $0xffff, v2  }
0x300: {  	s0 =	sadd.s32 $0x3, s18  }
0x301: {  	p0 =	seq.s32 s18, $0x0;
	s2 =	sand.u32 $0x3, s0  }
0x302: {  	s3 =	sadd.s32 @!p0 $0x7, s2  }
0x303: {  	_ =	swait.ge @!p0 [sflag:s3], $0x1800  }
0x304: {  	[sflag:s3] =	ssyncset.done @!p0 $0x0  }
0x305: {  	[sflag:s3] =	ssyncadd.s32 @!p0 $0xFFFFE800  }
0x306: {  	_ =	swait.ge @!p0 [sflag:s3], $0x1800  }
0x307: {  	[sflag:s3] =	ssyncset.done @!p0 $0x0  }
0x308: {  	[sflag:s3] =	ssyncadd.s32 @!p0 $0xFFFFE800  }
0x309: {  	_ =	swait.ge @!p0 [sflag:s3], $0x1800  }
0x30a: {  	[sflag:s3] =	ssyncset.done @!p0 $0x0  }
0x30b: {  	[sflag:s3] =	ssyncadd.s32 @!p0 $0xFFFFE800  }
0x30c: {  	_ =	swait.ge @!p0 [sflag:s3], $0x1800  }
0x30d: {  	[sflag:s3] =	ssyncset.done @!p0 $0x0  }
0x30e: {  	s0 =	sshll.u32 s0, $0x3;
	[sflag:s3] =	ssyncadd.s32 @!p0 $0xFFFFE800  }
0x30f: {  	v2 =	vld.msk [tilespmem:s0+$0x0], $0xff;
	_ =	sdelay $0x4  }
0x310: {  	v3 =	vshrl.u32 v2, $0x3  }
0x311: {  	v3 =	vmul.u32 $0x30, v3  }
0x312: {  	v2 =	vand.u32 $0x7, v2  }
0x313: {  	v2 =	vor.u32 v2, v3  }
0x314: {  	v2 =	vperm.xlane v2, v0;
	_ =	sdelay $0x1  }
0x315: {  	v2 =	vadd.s32 v1, v2  }
0x316: {  	s7 =	smul.u32 $0x18000, s2;
	_ =	sdelay $0x1  }
0x317: {  	s3 =	sshrl.u32 s7, $0x2  }
0x318: {  	s2 =	sadd.s32 $0x3, s2;
	s5 =	sadd.s32 $0x6200, s3  }
0x319: {  	[tilespmem:s5], [sflag:s2] =	stream.indirect_vreg.gather [hbm4b:s1+s4], $0x80, v2, vm0, $0xb8;
	[tilespmem:$0x1E200] =	vst v63  }
0x31a: {  	s8 =	sadd.s32 $0x6A00, s3  }
0x31b: {  	[tilespmem:s8], [sflag:s2] =	stream.indirect_vreg.gather [hbm4b:s10+s4], $0x80, v2, vm0, $0xb8;
	[tilespmem:$0x1E200] =	vst v63  }
0x31c: {  	s9 =	sadd.s32 $0x7200, s3  }
0x31d: {  	[tilespmem:s9], [sflag:s2] =	stream.indirect_vreg.gather [hbm4b:s11+s4], $0x80, v2, vm0, $0xb8;
	[tilespmem:$0x1E200] =	vst v63  }
0x31e: {  	v2 =	vld.msk [tilespmem:s0+$0x80], $0xff;
	_ =	sdelay $0x4  }
0x31f: {  	v3 =	vshrl.u32 v2, $0x3  }
0x320: {  	v3 =	vmul.u32 $0x30, v3  }
0x321: {  	v2 =	vand.u32 $0x7, v2  }
0x322: {  	v2 =	vor.u32 v2, v3  }
0x323: {  	v2 =	vperm.xlane v2, v0;
	_ =	sdelay $0x1  }
0x324: {  	v2 =	vadd.s32 v1, v2;
	_ =	sdelay $0x3  }
0x325: {  	s16 =	sadd.s32 $0x7A00, s3  }
0x326: {  	[tilespmem:s16], [sflag:s2] =	stream.indirect_vreg.gather [hbm4b:s1+s4], $0x80, v2, vm0, $0xb8;
	[tilespmem:$0x1E200] =	vst v63  }
0x327: {  	s17 =	sadd.s32 $0x8200, s3  }
0x328: {  	[tilespmem:s17], [sflag:s2] =	stream.indirect_vreg.gather [hbm4b:s10+s4], $0x80, v2, vm0, $0xb8;
	[tilespmem:$0x1E200] =	vst v63  }
0x329: {  	s21 =	sadd.s32 $0x8A00, s3  }
0x32a: {  	[tilespmem:s21], [sflag:s2] =	stream.indirect_vreg.gather [hbm4b:s11+s4], $0x80, v2, vm0, $0xb8;
	[tilespmem:$0x1E200] =	vst v63  }
0x32b: {  	v2 =	vld.msk [tilespmem:s0+$0x100], $0xff;
	_ =	sdelay $0x4  }
0x32c: {  	v3 =	vshrl.u32 v2, $0x3  }
0x32d: {  	v3 =	vmul.u32 $0x30, v3  }
0x32e: {  	v2 =	vand.u32 $0x7, v2  }
0x32f: {  	v2 =	vor.u32 v2, v3  }
0x330: {  	v2 =	vperm.xlane v2, v0;
	_ =	sdelay $0x1  }
0x331: {  	v2 =	vadd.s32 v1, v2;
	_ =	sdelay $0x3  }
0x332: {  	s25 =	sadd.s32 $0x9200, s3  }
0x333: {  	[tilespmem:s25], [sflag:s2] =	stream.indirect_vreg.gather [hbm4b:s1+s4], $0x80, v2, vm0, $0xb8;
	[tilespmem:$0x1E200] =	vst v63  }
0x334: {  	s26 =	sadd.s32 $0x9A00, s3  }
0x335: {  	[tilespmem:s26], [sflag:s2] =	stream.indirect_vreg.gather [hbm4b:s10+s4], $0x80, v2, vm0, $0xb8;
	[tilespmem:$0x1E200] =	vst v63  }
0x336: {  	s28 =	sadd.s32 $0xA200, s3  }
0x337: {  	[tilespmem:s28], [sflag:s2] =	stream.indirect_vreg.gather [hbm4b:s11+s4], $0x80, v2, vm0, $0xb8;
	[tilespmem:$0x1E200] =	vst v63  }
0x338: {  	v2 =	vld.msk [tilespmem:s0+$0x180], $0xff;
	_ =	sdelay $0x4  }
0x339: {  	v3 =	vshrl.u32 v2, $0x3  }
0x33a: {  	v3 =	vmul.u32 $0x30, v3  }
0x33b: {  	v2 =	vand.u32 $0x7, v2  }
0x33c: {  	v2 =	vor.u32 v2, v3  }
0x33d: {  	v2 =	vperm.xlane v2, v0;
	_ =	sdelay $0x1  }
0x33e: {  	v2 =	vadd.s32 v1, v2;
	_ =	sdelay $0x3  }
0x33f: {  	s29 =	sadd.s32 $0xAA00, s3  }
0x340: {  	[tilespmem:s29], [sflag:s2] =	stream.indirect_vreg.gather [hbm4b:s1+s4], $0x80, v2, vm0, $0xb8;
	[tilespmem:$0x1E200] =	vst v63  }
.Ltmp6:
0x341: {  	_ = 	snop;
	(pc) =	sbr.rel .LBB2_6-.Ltmp6, $4  }
0x342: {  	s30 =	sadd.s32 $0xB200, s3  }
0x343: {  	[tilespmem:s30], [sflag:s2] =	stream.indirect_vreg.gather [hbm4b:s10+s4], $0x80, v2, vm0, $0xb8;
	[tilespmem:$0x1E200] =	vst v63  }
0x344: {  	s31 =	sadd.s32 $0xBA00, s3  }
0x345: {  	[tilespmem:s31], [sflag:s2] =	stream.indirect_vreg.gather [hbm4b:s11+s4], $0x80, v2, vm0, $0xb8;
	[tilespmem:$0x1E200] =	vst v63  }
.LBB2_8:
0x346: {  	_ =	sfence.sel $0x180000  }
0x347: {  	[bflag:$0x0] =	sbarrier.arrive $0xFFFF  }
0x348: {  	_ =	strace $0x90000047  }
0x349: {  	s0 =	stileid.u32;
	[bflag:$0x2] =	sbarrier.arrive $0xFFFF  }
0x34a: {  	p0 =	sne.s32 s0, $0x0;
	s0 =	rddreg [dreg:$0x4]  }
0x34b: {  	s0 =	sadd.s32 @!p0 $0x100000, s0  }
0x34c: {  	[sflag:s0] =	ssyncadd.tile.s32 @!p0 $0x1;
	_ =	shalt  }
.Lfunc_end2:
_tile_overlayer_lowered:
.L_overlay_start_2:
0x34d: {  	(tag) =	ssettag $0x2  }
0x34e: {  	s0 =	rddreg [dreg:$0x0];
	s2 =	stileid.u32  }
0x34f: {  	s1 =	rddreg [dreg:$0x1];
	p0 =	sne.s32 s2, $0x0  }
0x350: {  	s3 =	rddreg [dreg:$0x2];
	[bflag:$0x3] =	sbarrier.arrive $0xFFFF;
	s2 =	simm.s32 @!p0 $0x1C0B  }
0x351: {  	[timem:s3], [sflag:s2] =	dma.local @!p0 [hbm:s0], s1  }
0x352: {  	s0 =	simm.s32 @!p0 $0xB  }
0x353: {  	_ =	swait.ge @!p0 [sflag:s0], s1  }
0x354: {  	s1 =	ssub.s32 @!p0 $0x0, s1;
	[sflag:s0] =	ssyncset.done @!p0 $0x0  }
0x355: {  	[sflag:s0] =	ssyncadd.s32 @!p0 s1  }
0x356: {  	[bflag:$0x3] =	sbarrier.arrive $0xFFFF  }
0x357: {  	_ =	shalt  }

</sc_bundles>
